<compile_context>
chip_gen: v7x
topology: tpu7x:2x2x1
jax: 0.10.2.dev20260603
libtpu: 0.0.44.dev20260713+nightly
codegen_flags: <defaults>
</compile_context>

<pallas_src>
import functools

import jax
import jax.numpy as jnp
from jax import lax
from jax.experimental import pallas as pl
from jax.experimental.pallas import tpu as pltpu
from jax.experimental.pallas import tpu_sc as plsc

N = 10000
E = 320000
F_IN = 128
H = 32
W3 = 40
NC = 2
NS = 16
NW = NC * NS
IW = 125
ROWS = E // IW
RPW = ROWS // NW
EPW = RPW * IW
NPS = N // NS


def _seg_kernel(w_table, nscale, k_chunk, upfront):
    mesh = plsc.VectorSubcoreMesh(core_axis_name="c", subcore_axis_name="s",
                                  num_cores=NC, num_subcores=NS)
    nch = RPW // k_chunk
    ce = k_chunk * IW
    if upfront:
        idx_scr = [
            pltpu.VMEM((RPW, IW), jnp.int32),
            pltpu.VMEM((RPW, IW), jnp.int32),
        ]
    else:
        idx_scr = [
            pltpu.VMEM((k_chunk, IW), jnp.int32),
            pltpu.VMEM((k_chunk, IW), jnp.int32),
        ]
    idx_scr.append(pltpu.VMEM((ce * 16,), jnp.float32))

    @functools.partial(
        pl.kernel,
        out_type=jax.ShapeDtypeStruct((NC, N, w_table), jnp.float32),
        mesh=mesh,
        compiler_params=pltpu.CompilerParams(use_tc_tiling_on_sc=False,
                                             needs_layout_passes=False),
        scratch_types=idx_scr + [
            pltpu.VMEM((ce, w_table), jnp.float32),
            pltpu.VMEM_SHARED((N, w_table), jnp.float32),
            pltpu.SemaphoreType.DMA,
        ],
    )
    def seg(y_hbm, src_hbm, dst_hbm, ew16_hbm, zero_hbm, out_hbm,
            src_v, dst_v, ew16_v, rows_v, acc, sem):
        c = lax.axis_index("c")
        s = lax.axis_index("s")
        w = c * NS + s

        pltpu.sync_copy(zero_hbm.at[pl.ds(s * NPS, NPS)],
                        acc.at[pl.ds(s * NPS, NPS)])

        if upfront:
            pltpu.sync_copy(src_hbm.at[pl.ds(w * RPW, RPW)], src_v)
            pltpu.sync_copy(dst_hbm.at[pl.ds(w * RPW, RPW)], dst_v)

        plsc.subcore_barrier()

        def scale_row(row_base):
            def edge_body(e, _):
                loc = row_base + e
                e16 = ew16_v[pl.ds(loc * 16, 16)]
                ridx = loc + jnp.zeros((16,), jnp.int32)
                for hw in range(nscale // 16):
                    cidx = hw * 16 + lax.iota(jnp.int32, 16)
                    vals = plsc.load_gather(rows_v, [ridx, cidx])
                    plsc.store_scatter(rows_v, [ridx, cidx], vals * e16)
                return 0
            lax.fori_loop(0, IW, edge_body, 0)

        def run_rows(src_ref, dst_ref, row0, n_static):
            cps = [
                pltpu.async_copy(
                    y_hbm.at[src_ref.at[row0 + kk]],
                    rows_v.at[pl.ds(kk * IW, IW)], sem)
                for kk in range(n_static)
            ]
            for cp in cps:
                cp.wait()
            for kk in range(n_static):
                scale_row(kk * IW)
            for kk in range(n_static):
                pltpu.sync_copy(rows_v.at[pl.ds(kk * IW, IW)],
                                acc.at[dst_ref.at[row0 + kk]], add=True)

        def chunk_body(ci, carry):
            e0 = w * EPW + ci * ce
            pltpu.sync_copy(ew16_hbm.at[pl.ds(e0 * 16, ce * 16)], ew16_v)
            if upfront:
                run_rows(src_v, dst_v, ci * k_chunk, k_chunk)
            else:
                r0 = w * RPW + ci * k_chunk
                pltpu.sync_copy(src_hbm.at[pl.ds(r0, k_chunk)], src_v)
                pltpu.sync_copy(dst_hbm.at[pl.ds(r0, k_chunk)], dst_v)
                run_rows(src_v, dst_v, 0, k_chunk)
            return carry
        lax.fori_loop(0, nch, chunk_body, 0)

        plsc.subcore_barrier()
        pltpu.sync_copy(acc.at[pl.ds(s * NPS, NPS)],
                        out_hbm.at[c, pl.ds(s * NPS, NPS)])

    return seg


@functools.lru_cache(maxsize=None)
def _seg1():
    return _seg_kernel(F_IN, F_IN, 2, False)


@functools.lru_cache(maxsize=None)
def _seg2():
    return _seg_kernel(H, H, 8, True)


@functools.lru_cache(maxsize=None)
def _seg3():
    return _seg_kernel(W3, H, 8, True)


_BLK = 2000


def _layer1(parts, x, w_rel, w_root, b_rel):
    def body(p_ref, x_ref, wr_ref, wo_ref, b_ref, h_ref):
        agg = p_ref[0] + p_ref[1]
        h_ref[...] = jnp.maximum(
            jnp.dot(agg, wr_ref[...], preferred_element_type=jnp.float32)
            + b_ref[...]
            + jnp.dot(x_ref[...], wo_ref[...],
                      preferred_element_type=jnp.float32), 0.0)
    return pl.pallas_call(
        body,
        grid=(N // _BLK,),
        in_specs=[
            pl.BlockSpec((NC, _BLK, F_IN), lambda i: (0, i, 0)),
            pl.BlockSpec((_BLK, F_IN), lambda i: (i, 0)),
            pl.BlockSpec((F_IN, H), lambda i: (0, 0)),
            pl.BlockSpec((F_IN, H), lambda i: (0, 0)),
            pl.BlockSpec((1, H), lambda i: (0, 0)),
        ],
        out_specs=pl.BlockSpec((_BLK, H), lambda i: (i, 0)),
        out_shape=jax.ShapeDtypeStruct((N, H), jnp.float32),
    )(parts, x, w_rel, w_root, b_rel.reshape(1, H))


def _layer2(parts, h1, w_rel, w_root, b_rel, cn):
    def body(cn_ref, p_ref, h_ref, wr_ref, wo_ref, b_ref, t_ref):
        i = pl.program_id(0)
        agg = p_ref[0] + p_ref[1]
        h2 = jnp.maximum(
            jnp.dot(agg, wr_ref[...], preferred_element_type=jnp.float32)
            + b_ref[...]
            + jnp.dot(h_ref[...], wo_ref[...],
                      preferred_element_type=jnp.float32), 0.0)
        row = lax.broadcasted_iota(jnp.int32, (_BLK, W3 - H), 0) + i * _BLK
        col = lax.broadcasted_iota(jnp.int32, (_BLK, W3 - H), 1)
        ind = jnp.where((row == cn_ref[0]) & (col == 0), 1.0, 0.0)
        t_ref[...] = jnp.concatenate([h2, ind], axis=1)
    return pl.pallas_call(
        body,
        grid=(N // _BLK,),
        in_specs=[
            pl.BlockSpec(memory_space=pltpu.SMEM),
            pl.BlockSpec((NC, _BLK, H), lambda i: (0, i, 0)),
            pl.BlockSpec((_BLK, H), lambda i: (i, 0)),
            pl.BlockSpec((H, H), lambda i: (0, 0)),
            pl.BlockSpec((H, H), lambda i: (0, 0)),
            pl.BlockSpec((1, H), lambda i: (0, 0)),
        ],
        out_specs=pl.BlockSpec((_BLK, W3), lambda i: (i, 0)),
        out_shape=jax.ShapeDtypeStruct((N, W3), jnp.float32),
    )(cn, parts, h1, w_rel, w_root, b_rel.reshape(1, H))


def _final(parts, tab, w_rel_p, w_root_p, b_p, w_rel_v, w_root_v, b_v):
    def body(p_ref, t_ref, wrp_ref, wop_ref, bp_ref, wrv_ref, wov_ref,
             bv_ref, pt_ref, vt_ref):
        ssum = p_ref[0] + p_ref[1]
        agg = ssum[:, :H]
        cnt = ssum[:, H:H + 1]
        h2 = t_ref[:, :H]
        p = (jnp.dot(agg, wrp_ref[...], preferred_element_type=jnp.float32)
             + bp_ref[0]
             + jnp.dot(h2, wop_ref[...], preferred_element_type=jnp.float32))
        v = (jnp.dot(agg, wrv_ref[...], preferred_element_type=jnp.float32)
             + bv_ref[0]
             + jnp.dot(h2, wov_ref[...], preferred_element_type=jnp.float32))
        mask = jnp.where(cnt > 0.0, 1.0, 0.0)
        pt = mask * p
        pt = jnp.where(pt == 0.0, -jnp.inf, pt)
        m = jnp.max(pt)
        ex = jnp.exp(pt - m)
        pt_ref[...] = ex / jnp.sum(ex)
        vt_ref[...] = mask * v
    return pl.pallas_call(
        body,
        in_specs=[
            pl.BlockSpec((NC, N, W3), lambda: (0, 0, 0)),
            pl.BlockSpec((N, W3), lambda: (0, 0)),
            pl.BlockSpec((H, 1), lambda: (0, 0)),
            pl.BlockSpec((H, 1), lambda: (0, 0)),
            pl.BlockSpec(memory_space=pltpu.SMEM),
            pl.BlockSpec((H, 1), lambda: (0, 0)),
            pl.BlockSpec((H, 1), lambda: (0, 0)),
            pl.BlockSpec(memory_space=pltpu.SMEM),
        ],
        out_specs=[
            pl.BlockSpec((N, 1), lambda: (0, 0)),
            pl.BlockSpec((N, 1), lambda: (0, 0)),
        ],
        out_shape=[jax.ShapeDtypeStruct((N, 1), jnp.float32)] * 2,
    )(parts, tab, w_rel_p, w_root_p, b_p, w_rel_v, w_root_v, b_v)


def kernel(x, edge_index, edge_attr, current_node,
           W_rel_in, b_rel_in, W_root_in,
           W_rel_h, b_rel_h, W_root_h,
           W_rel_p, b_rel_p, W_root_p,
           W_rel_v, b_rel_v, W_root_v):
    src2d = edge_index[0].reshape(ROWS, IW)
    dst2d = edge_index[1].reshape(ROWS, IW)
    ew16 = jnp.broadcast_to(edge_attr.reshape(E, 1), (E, 16)).reshape(E * 16)
    zeros_f = jnp.zeros((N, F_IN), jnp.float32)
    zeros_h = jnp.zeros((N, H), jnp.float32)
    zeros_w3 = jnp.zeros((N, W3), jnp.float32)
    cn = jnp.asarray(current_node, jnp.int32).reshape(1)

    parts1 = _seg1()(x, src2d, dst2d, ew16, zeros_f)
    h1 = _layer1(parts1, x, W_rel_in, W_root_in, b_rel_in)
    parts2 = _seg2()(h1, src2d, dst2d, ew16, zeros_h)
    tab3 = _layer2(parts2, h1, W_rel_h, W_root_h, b_rel_h, cn)
    parts3 = _seg3()(tab3, src2d, dst2d, ew16, zeros_w3)
    pt, vt = _final(parts3, tab3, W_rel_p, W_root_p, b_rel_p,
                    W_rel_v, W_root_v, b_rel_v)
    return pt.reshape(-1), vt.reshape(-1)

# --- scband reference (transcript-rebuilt; emitter-appended) ---
"""Pipeline reference for scband-gcn-14293651161340 (READ-ONLY COPY).

The authoritative reference and input builder live on the scoring server;
editing this copy changes nothing except your own understanding.
"""

import jax, jax.numpy as jnp
import numpy as np

N = 10000
E = 320000
F_IN = 128
H = 32
OUT = 1

def graph_conv(x, src, dst, ew, W_rel, b_rel, W_root):
    # PyG GraphConv: out = lin_rel(sum_{j in N(i)} e_ij * x_j) + lin_root(x_i)
    msg = x[src] * ew[:, None]
    agg = jax.ops.segment_sum(msg, dst, num_segments=x.shape[0])
    return agg @ W_rel + b_rel + x @ W_root

def setup_inputs(seed: int = 0):
    key = jax.random.key(seed)
    ks = jax.random.split(key, 16)
    inp = {}
    inp['x'] = jax.random.normal(ks[0], (N, F_IN), dtype=jnp.float32)
    inp['edge_index'] = jax.random.randint(ks[1], (2, E), 0, N, dtype=jnp.int32)
    inp['edge_attr'] = jax.random.uniform(ks[2], (E,), dtype=jnp.float32)
    inp['current_node'] = 123
    def lin(k, fi, fo):
        return jax.random.normal(k, (fi, fo), dtype=jnp.float32) * (1.0 / np.sqrt(fi))
    inp['W_rel_in'] = lin(ks[3], F_IN, H)
    inp['b_rel_in'] = jnp.zeros((H,), jnp.float32)
    inp['W_root_in'] = lin(ks[4], F_IN, H)
    inp['W_rel_h'] = lin(ks[5], H, H)
    inp['b_rel_h'] = jnp.zeros((H,), jnp.float32)
    inp['W_root_h'] = lin(ks[6], H, H)
    inp['W_rel_p'] = lin(ks[7], H, OUT)
    inp['b_rel_p'] = jnp.zeros((OUT,), jnp.float32)
    inp['W_root_p'] = lin(ks[8], H, OUT)
    inp['W_rel_v'] = lin(ks[9], H, OUT)
    inp['b_rel_v'] = jnp.zeros((OUT,), jnp.float32)
    inp['W_root_v'] = lin(ks[10], H, OUT)
    return inp

def reference(x, edge_index, edge_attr, current_node, W_rel_in, b_rel_in, W_root_in, W_rel_h, b_rel_h, W_root_h, W_rel_p, b_rel_p, W_root_p, W_rel_v, b_rel_v, W_root_v):
    src = edge_index[0]
    dst = edge_index[1]
    h = jax.nn.relu(graph_conv(x, src, dst, edge_attr, W_rel_in, b_rel_in, W_root_in))
    h = jax.nn.relu(graph_conv(h, src, dst, edge_attr, W_rel_h, b_rel_h, W_root_h))
    p = graph_conv(h, src, dst, edge_attr, W_rel_p, b_rel_p, W_root_p)
    v = graph_conv(h, src, dst, edge_attr, W_rel_v, b_rel_v, W_root_v)
    # illegal_moves_mask: 1 for nodes directly connected from current_node
    onehot = (src == current_node).astype(jnp.float32)
    mask = jnp.zeros((x.shape[0],), jnp.float32).at[dst].max(onehot)
    pt = mask * p.T
    pt = jnp.where(pt == 0, -jnp.inf, pt)
    pt = jax.nn.softmax(pt, axis=1)
    vt = mask * v.T
    return pt.reshape(-1), vt.reshape(-1)

if __name__ == "__main__":
    import jax
    _d = setup_inputs()
    print(jax.jit(kernel)(*tuple(_d.values())))

</pallas_src>

<mosaic_0001>
#map = affine_map<(d0, d1) -> (0, 0)>
#map1 = affine_map<(d0, d1) -> (0)>
#map2 = affine_map<(d0, d1) -> (0, 0, 0)>
module attributes {stable_mosaic.version = 14 : i64} {
  func.func @seg(%arg0: i32, %arg1: i32, %arg2: memref<10000x32xf32, #tpu.memory_space<hbm>>, %arg3: memref<2560x125xi32, #tpu.memory_space<hbm>>, %arg4: memref<2560x125xi32, #tpu.memory_space<hbm>>, %arg5: memref<5120000xf32, #tpu.memory_space<hbm>>, %arg6: memref<10000x32xf32, #tpu.memory_space<hbm>>, %arg7: memref<2x10000x32xf32, #tpu.memory_space<hbm>>, %arg8: memref<80x125xi32, #tpu.memory_space<vmem>>, %arg9: memref<80x125xi32, #tpu.memory_space<vmem>>, %arg10: memref<16000xf32, #tpu.memory_space<vmem>>, %arg11: memref<1000x32xf32, #tpu.memory_space<vmem>>, %arg12: memref<10000x32xf32, #tpu.memory_space<vmem_shared>>, %arg13: memref<!tpu.dma_semaphore, #tpu.memory_space<semaphore_mem>>) attributes {dimension_semantics = [#tpu.dimension_semantics<core_parallel>, #tpu.dimension_semantics<subcore_parallel>], iteration_bounds = array<i64: 2, 16>, scalar_prefetch = 0 : i64, scratch_operands = 6 : i64, tpu.core_type = #tpu.core_type<sc_vector_subcore>, window_params = [{transform_indices = #map}, {transform_indices = #map}, {transform_indices = #map}, {transform_indices = #map1}, {transform_indices = #map}, {transform_indices = #map2}]} {
    %mul3A = arith.constant 16 : i32
    %mul3A_0 = arith.muli %arg0, %mul3A : i32
    %add3A = arith.addi %mul3A_0, %arg1 : i32
    %mul3A_1 = arith.constant 625 : i32
    %mul3A_2 = arith.muli %arg1, %mul3A_1 : i32
    %mul3A_3 = arith.constant 625 : i32
    %mul3A_4 = arith.muli %arg1, %mul3A_3 : i32
    "tpu.region"() ({
      %run_scoped3A = tpu.sem_alloc : memref<!tpu.dma_semaphore, #tpu.memory_space<semaphore_mem>>
      %dma_start3A = arith.constant 0 : i32
      %dma_start3A_19 = tpu.memref_slice %arg12[%mul3A_4, %dma_start3A] : memref<10000x32xf32, #tpu.memory_space<vmem_shared>> -> memref<625x32xf32, #tpu.memory_space<vmem_shared>>
      %dma_start3A_20 = arith.constant 0 : i32
      %dma_start3A_21 = tpu.memref_slice %arg6[%mul3A_2, %dma_start3A_20] : memref<10000x32xf32, #tpu.memory_space<hbm>> -> memref<625x32xf32, #tpu.memory_space<hbm>>
      tpu.enqueue_dma source(%dma_start3A_21 : memref<625x32xf32, #tpu.memory_space<hbm>>) target(%dma_start3A_19 : memref<625x32xf32, #tpu.memory_space<vmem_shared>>) target_semaphore(%run_scoped3A : memref<!tpu.dma_semaphore, #tpu.memory_space<semaphore_mem>>)
      %dma_wait3A = arith.constant 0 : i32
      %dma_wait3A_22 = tpu.memref_slice %arg12[%mul3A_4, %dma_wait3A] : memref<10000x32xf32, #tpu.memory_space<vmem_shared>> -> memref<625x32xf32, #tpu.memory_space<vmem_shared>>
      %dma_wait3A_23 = arith.constant 0 : i32
      %dma_wait3A_24 = tpu.memref_slice %arg6[%mul3A_2, %dma_wait3A_23] : memref<10000x32xf32, #tpu.memory_space<hbm>> -> memref<625x32xf32, #tpu.memory_space<hbm>>
      tpu.wait_dma2 semaphore(%run_scoped3A : memref<!tpu.dma_semaphore, #tpu.memory_space<semaphore_mem>>) src(%dma_wait3A_24 : memref<625x32xf32, #tpu.memory_space<hbm>>) dst(%dma_wait3A_22 : memref<625x32xf32, #tpu.memory_space<vmem_shared>>)
      tpu.yield
    }) : () -> ()
    %mul3A_5 = arith.constant 80 : i32
    %mul3A_6 = arith.muli %add3A, %mul3A_5 : i32
    "tpu.region"() ({
      %run_scoped3A = tpu.sem_alloc : memref<!tpu.dma_semaphore, #tpu.memory_space<semaphore_mem>>
      %dma_start3A = arith.constant 0 : i32
      %dma_start3A_19 = tpu.memref_slice %arg3[%mul3A_6, %dma_start3A] : memref<2560x125xi32, #tpu.memory_space<hbm>> -> memref<80x125xi32, #tpu.memory_space<hbm>>
      %dma_start3A_20 = arith.constant 0 : i32
      %dma_start3A_21 = tpu.memref_slice %arg3[%mul3A_6, %dma_start3A_20] : memref<2560x125xi32, #tpu.memory_space<hbm>> -> memref<80x125xi32, #tpu.memory_space<hbm>>
      tpu.enqueue_dma source(%dma_start3A_21 : memref<80x125xi32, #tpu.memory_space<hbm>>) target(%arg8 : memref<80x125xi32, #tpu.memory_space<vmem>>) target_semaphore(%run_scoped3A : memref<!tpu.dma_semaphore, #tpu.memory_space<semaphore_mem>>)
      %dma_wait3A = arith.constant 0 : i32
      %dma_wait3A_22 = tpu.memref_slice %arg3[%mul3A_6, %dma_wait3A] : memref<2560x125xi32, #tpu.memory_space<hbm>> -> memref<80x125xi32, #tpu.memory_space<hbm>>
      %dma_wait3A_23 = arith.constant 0 : i32
      %dma_wait3A_24 = tpu.memref_slice %arg3[%mul3A_6, %dma_wait3A_23] : memref<2560x125xi32, #tpu.memory_space<hbm>> -> memref<80x125xi32, #tpu.memory_space<hbm>>
      tpu.wait_dma2 semaphore(%run_scoped3A : memref<!tpu.dma_semaphore, #tpu.memory_space<semaphore_mem>>) src(%dma_wait3A_24 : memref<80x125xi32, #tpu.memory_space<hbm>>) dst(%arg8 : memref<80x125xi32, #tpu.memory_space<vmem>>)
      tpu.yield
    }) : () -> ()
    %mul3A_7 = arith.constant 80 : i32
    %mul3A_8 = arith.muli %add3A, %mul3A_7 : i32
    "tpu.region"() ({
      %run_scoped3A = tpu.sem_alloc : memref<!tpu.dma_semaphore, #tpu.memory_space<semaphore_mem>>
      %dma_start3A = arith.constant 0 : i32
      %dma_start3A_19 = tpu.memref_slice %arg4[%mul3A_8, %dma_start3A] : memref<2560x125xi32, #tpu.memory_space<hbm>> -> memref<80x125xi32, #tpu.memory_space<hbm>>
      %dma_start3A_20 = arith.constant 0 : i32
      %dma_start3A_21 = tpu.memref_slice %arg4[%mul3A_8, %dma_start3A_20] : memref<2560x125xi32, #tpu.memory_space<hbm>> -> memref<80x125xi32, #tpu.memory_space<hbm>>
      tpu.enqueue_dma source(%dma_start3A_21 : memref<80x125xi32, #tpu.memory_space<hbm>>) target(%arg9 : memref<80x125xi32, #tpu.memory_space<vmem>>) target_semaphore(%run_scoped3A : memref<!tpu.dma_semaphore, #tpu.memory_space<semaphore_mem>>)
      %dma_wait3A = arith.constant 0 : i32
      %dma_wait3A_22 = tpu.memref_slice %arg4[%mul3A_8, %dma_wait3A] : memref<2560x125xi32, #tpu.memory_space<hbm>> -> memref<80x125xi32, #tpu.memory_space<hbm>>
      %dma_wait3A_23 = arith.constant 0 : i32
      %dma_wait3A_24 = tpu.memref_slice %arg4[%mul3A_8, %dma_wait3A_23] : memref<2560x125xi32, #tpu.memory_space<hbm>> -> memref<80x125xi32, #tpu.memory_space<hbm>>
      tpu.wait_dma2 semaphore(%run_scoped3A : memref<!tpu.dma_semaphore, #tpu.memory_space<semaphore_mem>>) src(%dma_wait3A_24 : memref<80x125xi32, #tpu.memory_space<hbm>>) dst(%arg9 : memref<80x125xi32, #tpu.memory_space<vmem>>)
      tpu.yield
    }) : () -> ()
    %barrier3A = arith.constant 0 : index
    tpu.barrier barrier_id(%barrier3A)
    %scan3A = arith.constant 0 : i32
    %scan3A_9 = arith.constant 0 : i32
    %scan3A_10 = arith.constant 10 : i32
    %scan3A_11 = arith.addi %scan3A_9, %scan3A_10 : i32
    %scan3A_12 = arith.constant 1 : i32
    scf.for %scan3A_19 = %scan3A_9 to %scan3A_11 step %scan3A_12  : i32 {
      %mul3A_20 = arith.constant 10000 : i32
      %mul3A_21 = arith.muli %add3A, %mul3A_20 : i32
      %mul3A_22 = arith.constant 1000 : i32
      %mul3A_23 = arith.muli %scan3A_19, %mul3A_22 : i32
      %add3A_24 = arith.addi %mul3A_21, %mul3A_23 : i32
      %mul3A_25 = arith.constant 16 : i32
      %mul3A_26 = arith.muli %add3A_24, %mul3A_25 : i32
      "tpu.region"() ({
        %run_scoped3A = tpu.sem_alloc : memref<!tpu.dma_semaphore, #tpu.memory_space<semaphore_mem>>
        %dma_start3A_259 = tpu.memref_slice %arg5[%mul3A_26] : memref<5120000xf32, #tpu.memory_space<hbm>> -> memref<16000xf32, #tpu.memory_space<hbm>>
        %dma_start3A_260 = tpu.memref_slice %arg5[%mul3A_26] : memref<5120000xf32, #tpu.memory_space<hbm>> -> memref<16000xf32, #tpu.memory_space<hbm>>
        tpu.enqueue_dma source(%dma_start3A_260 : memref<16000xf32, #tpu.memory_space<hbm>>) target(%arg10 : memref<16000xf32, #tpu.memory_space<vmem>>) target_semaphore(%run_scoped3A : memref<!tpu.dma_semaphore, #tpu.memory_space<semaphore_mem>>)
        %dma_wait3A_261 = tpu.memref_slice %arg5[%mul3A_26] : memref<5120000xf32, #tpu.memory_space<hbm>> -> memref<16000xf32, #tpu.memory_space<hbm>>
        %dma_wait3A_262 = tpu.memref_slice %arg5[%mul3A_26] : memref<5120000xf32, #tpu.memory_space<hbm>> -> memref<16000xf32, #tpu.memory_space<hbm>>
        tpu.wait_dma2 semaphore(%run_scoped3A : memref<!tpu.dma_semaphore, #tpu.memory_space<semaphore_mem>>) src(%dma_wait3A_262 : memref<16000xf32, #tpu.memory_space<hbm>>) dst(%arg10 : memref<16000xf32, #tpu.memory_space<vmem>>)
        tpu.yield
      }) : () -> ()
      %mul3A_27 = arith.constant 8 : i32
      %mul3A_28 = arith.muli %scan3A_19, %mul3A_27 : i32
      %add3A_29 = arith.constant 0 : i32
      %add3A_30 = arith.addi %mul3A_28, %add3A_29 : i32
      %dma_start3A = arith.constant 0 : i32
      %dma_start3A_31 = arith.constant 0 : i32
      %dma_start3A_32 = tpu.memref_slice %arg11[%dma_start3A, %dma_start3A_31] : memref<1000x32xf32, #tpu.memory_space<vmem>> -> memref<125x32xf32, #tpu.memory_space<vmem>>
      %dma_start3A_33 = arith.constant 0 : i32
      %dma_start3A_34 = tpu.memref_slice %arg8[%add3A_30, %dma_start3A_33] : memref<80x125xi32, #tpu.memory_space<vmem>> -> memref<1x125xi32, #tpu.memory_space<vmem>>
      %dma_start3A_35 = tpu.memref_squeeze %dma_start3A_34 : memref<1x125xi32, #tpu.memory_space<vmem>> -> memref<125xi32, #tpu.memory_space<vmem>>
      %dma_start3A_36 = arith.constant 0 : i32
      %dma_start3A_37 = arith.constant 0 : i32
      %dma_start3A_38 = tpu.memref_slice %arg2[%dma_start3A_36, %dma_start3A_37] : memref<10000x32xf32, #tpu.memory_space<hbm>> -> memref<10000x32xf32, #tpu.memory_space<hbm>>
      tpu.enqueue_indirect_dma source(%dma_start3A_38 : memref<10000x32xf32, #tpu.memory_space<hbm>>) target(%dma_start3A_32 : memref<125x32xf32, #tpu.memory_space<vmem>>) offsets(%dma_start3A_35 : memref<125xi32, #tpu.memory_space<vmem>>) semaphore(%arg13 : memref<!tpu.dma_semaphore, #tpu.memory_space<semaphore_mem>>)
      %add3A_39 = arith.constant 1 : i32
      %add3A_40 = arith.addi %mul3A_28, %add3A_39 : i32
      %dma_start3A_41 = arith.constant 125 : i32
      %dma_start3A_42 = arith.constant 0 : i32
      %dma_start3A_43 = tpu.memref_slice %arg11[%dma_start3A_41, %dma_start3A_42] : memref<1000x32xf32, #tpu.memory_space<vmem>> -> memref<125x32xf32, #tpu.memory_space<vmem>>
      %dma_start3A_44 = arith.constant 0 : i32
      %dma_start3A_45 = tpu.memref_slice %arg8[%add3A_40, %dma_start3A_44] : memref<80x125xi32, #tpu.memory_space<vmem>> -> memref<1x125xi32, #tpu.memory_space<vmem>>
      %dma_start3A_46 = tpu.memref_squeeze %dma_start3A_45 : memref<1x125xi32, #tpu.memory_space<vmem>> -> memref<125xi32, #tpu.memory_space<vmem>>
      %dma_start3A_47 = arith.constant 0 : i32
      %dma_start3A_48 = arith.constant 0 : i32
      %dma_start3A_49 = tpu.memref_slice %arg2[%dma_start3A_47, %dma_start3A_48] : memref<10000x32xf32, #tpu.memory_space<hbm>> -> memref<10000x32xf32, #tpu.memory_space<hbm>>
      tpu.enqueue_indirect_dma source(%dma_start3A_49 : memref<10000x32xf32, #tpu.memory_space<hbm>>) target(%dma_start3A_43 : memref<125x32xf32, #tpu.memory_space<vmem>>) offsets(%dma_start3A_46 : memref<125xi32, #tpu.memory_space<vmem>>) semaphore(%arg13 : memref<!tpu.dma_semaphore, #tpu.memory_space<semaphore_mem>>)
      %add3A_50 = arith.constant 2 : i32
      %add3A_51 = arith.addi %mul3A_28, %add3A_50 : i32
      %dma_start3A_52 = arith.constant 250 : i32
      %dma_start3A_53 = arith.constant 0 : i32
      %dma_start3A_54 = tpu.memref_slice %arg11[%dma_start3A_52, %dma_start3A_53] : memref<1000x32xf32, #tpu.memory_space<vmem>> -> memref<125x32xf32, #tpu.memory_space<vmem>>
      %dma_start3A_55 = arith.constant 0 : i32
      %dma_start3A_56 = tpu.memref_slice %arg8[%add3A_51, %dma_start3A_55] : memref<80x125xi32, #tpu.memory_space<vmem>> -> memref<1x125xi32, #tpu.memory_space<vmem>>
      %dma_start3A_57 = tpu.memref_squeeze %dma_start3A_56 : memref<1x125xi32, #tpu.memory_space<vmem>> -> memref<125xi32, #tpu.memory_space<vmem>>
      %dma_start3A_58 = arith.constant 0 : i32
      %dma_start3A_59 = arith.constant 0 : i32
      %dma_start3A_60 = tpu.memref_slice %arg2[%dma_start3A_58, %dma_start3A_59] : memref<10000x32xf32, #tpu.memory_space<hbm>> -> memref<10000x32xf32, #tpu.memory_space<hbm>>
      tpu.enqueue_indirect_dma source(%dma_start3A_60 : memref<10000x32xf32, #tpu.memory_space<hbm>>) target(%dma_start3A_54 : memref<125x32xf32, #tpu.memory_space<vmem>>) offsets(%dma_start3A_57 : memref<125xi32, #tpu.memory_space<vmem>>) semaphore(%arg13 : memref<!tpu.dma_semaphore, #tpu.memory_space<semaphore_mem>>)
      %add3A_61 = arith.constant 3 : i32
      %add3A_62 = arith.addi %mul3A_28, %add3A_61 : i32
      %dma_start3A_63 = arith.constant 375 : i32
      %dma_start3A_64 = arith.constant 0 : i32
      %dma_start3A_65 = tpu.memref_slice %arg11[%dma_start3A_63, %dma_start3A_64] : memref<1000x32xf32, #tpu.memory_space<vmem>> -> memref<125x32xf32, #tpu.memory_space<vmem>>
      %dma_start3A_66 = arith.constant 0 : i32
      %dma_start3A_67 = tpu.memref_slice %arg8[%add3A_62, %dma_start3A_66] : memref<80x125xi32, #tpu.memory_space<vmem>> -> memref<1x125xi32, #tpu.memory_space<vmem>>
      %dma_start3A_68 = tpu.memref_squeeze %dma_start3A_67 : memref<1x125xi32, #tpu.memory_space<vmem>> -> memref<125xi32, #tpu.memory_space<vmem>>
      %dma_start3A_69 = arith.constant 0 : i32
      %dma_start3A_70 = arith.constant 0 : i32
      %dma_start3A_71 = tpu.memref_slice %arg2[%dma_start3A_69, %dma_start3A_70] : memref<10000x32xf32, #tpu.memory_space<hbm>> -> memref<10000x32xf32, #tpu.memory_space<hbm>>
      tpu.enqueue_indirect_dma source(%dma_start3A_71 : memref<10000x32xf32, #tpu.memory_space<hbm>>) target(%dma_start3A_65 : memref<125x32xf32, #tpu.memory_space<vmem>>) offsets(%dma_start3A_68 : memref<125xi32, #tpu.memory_space<vmem>>) semaphore(%arg13 : memref<!tpu.dma_semaphore, #tpu.memory_space<semaphore_mem>>)
      %add3A_72 = arith.constant 4 : i32
      %add3A_73 = arith.addi %mul3A_28, %add3A_72 : i32
      %dma_start3A_74 = arith.constant 500 : i32
      %dma_start3A_75 = arith.constant 0 : i32
      %dma_start3A_76 = tpu.memref_slice %arg11[%dma_start3A_74, %dma_start3A_75] : memref<1000x32xf32, #tpu.memory_space<vmem>> -> memref<125x32xf32, #tpu.memory_space<vmem>>
      %dma_start3A_77 = arith.constant 0 : i32
      %dma_start3A_78 = tpu.memref_slice %arg8[%add3A_73, %dma_start3A_77] : memref<80x125xi32, #tpu.memory_space<vmem>> -> memref<1x125xi32, #tpu.memory_space<vmem>>
      %dma_start3A_79 = tpu.memref_squeeze %dma_start3A_78 : memref<1x125xi32, #tpu.memory_space<vmem>> -> memref<125xi32, #tpu.memory_space<vmem>>
      %dma_start3A_80 = arith.constant 0 : i32
      %dma_start3A_81 = arith.constant 0 : i32
      %dma_start3A_82 = tpu.memref_slice %arg2[%dma_start3A_80, %dma_start3A_81] : memref<10000x32xf32, #tpu.memory_space<hbm>> -> memref<10000x32xf32, #tpu.memory_space<hbm>>
      tpu.enqueue_indirect_dma source(%dma_start3A_82 : memref<10000x32xf32, #tpu.memory_space<hbm>>) target(%dma_start3A_76 : memref<125x32xf32, #tpu.memory_space<vmem>>) offsets(%dma_start3A_79 : memref<125xi32, #tpu.memory_space<vmem>>) semaphore(%arg13 : memref<!tpu.dma_semaphore, #tpu.memory_space<semaphore_mem>>)
      %add3A_83 = arith.constant 5 : i32
      %add3A_84 = arith.addi %mul3A_28, %add3A_83 : i32
      %dma_start3A_85 = arith.constant 625 : i32
      %dma_start3A_86 = arith.constant 0 : i32
      %dma_start3A_87 = tpu.memref_slice %arg11[%dma_start3A_85, %dma_start3A_86] : memref<1000x32xf32, #tpu.memory_space<vmem>> -> memref<125x32xf32, #tpu.memory_space<vmem>>
      %dma_start3A_88 = arith.constant 0 : i32
      %dma_start3A_89 = tpu.memref_slice %arg8[%add3A_84, %dma_start3A_88] : memref<80x125xi32, #tpu.memory_space<vmem>> -> memref<1x125xi32, #tpu.memory_space<vmem>>
      %dma_start3A_90 = tpu.memref_squeeze %dma_start3A_89 : memref<1x125xi32, #tpu.memory_space<vmem>> -> memref<125xi32, #tpu.memory_space<vmem>>
      %dma_start3A_91 = arith.constant 0 : i32
      %dma_start3A_92 = arith.constant 0 : i32
      %dma_start3A_93 = tpu.memref_slice %arg2[%dma_start3A_91, %dma_start3A_92] : memref<10000x32xf32, #tpu.memory_space<hbm>> -> memref<10000x32xf32, #tpu.memory_space<hbm>>
      tpu.enqueue_indirect_dma source(%dma_start3A_93 : memref<10000x32xf32, #tpu.memory_space<hbm>>) target(%dma_start3A_87 : memref<125x32xf32, #tpu.memory_space<vmem>>) offsets(%dma_start3A_90 : memref<125xi32, #tpu.memory_space<vmem>>) semaphore(%arg13 : memref<!tpu.dma_semaphore, #tpu.memory_space<semaphore_mem>>)
      %add3A_94 = arith.constant 6 : i32
      %add3A_95 = arith.addi %mul3A_28, %add3A_94 : i32
      %dma_start3A_96 = arith.constant 750 : i32
      %dma_start3A_97 = arith.constant 0 : i32
      %dma_start3A_98 = tpu.memref_slice %arg11[%dma_start3A_96, %dma_start3A_97] : memref<1000x32xf32, #tpu.memory_space<vmem>> -> memref<125x32xf32, #tpu.memory_space<vmem>>
      %dma_start3A_99 = arith.constant 0 : i32
      %dma_start3A_100 = tpu.memref_slice %arg8[%add3A_95, %dma_start3A_99] : memref<80x125xi32, #tpu.memory_space<vmem>> -> memref<1x125xi32, #tpu.memory_space<vmem>>
      %dma_start3A_101 = tpu.memref_squeeze %dma_start3A_100 : memref<1x125xi32, #tpu.memory_space<vmem>> -> memref<125xi32, #tpu.memory_space<vmem>>
      %dma_start3A_102 = arith.constant 0 : i32
      %dma_start3A_103 = arith.constant 0 : i32
      %dma_start3A_104 = tpu.memref_slice %arg2[%dma_start3A_102, %dma_start3A_103] : memref<10000x32xf32, #tpu.memory_space<hbm>> -> memref<10000x32xf32, #tpu.memory_space<hbm>>
      tpu.enqueue_indirect_dma source(%dma_start3A_104 : memref<10000x32xf32, #tpu.memory_space<hbm>>) target(%dma_start3A_98 : memref<125x32xf32, #tpu.memory_space<vmem>>) offsets(%dma_start3A_101 : memref<125xi32, #tpu.memory_space<vmem>>) semaphore(%arg13 : memref<!tpu.dma_semaphore, #tpu.memory_space<semaphore_mem>>)
      %add3A_105 = arith.constant 7 : i32
      %add3A_106 = arith.addi %mul3A_28, %add3A_105 : i32
      %dma_start3A_107 = arith.constant 875 : i32
      %dma_start3A_108 = arith.constant 0 : i32
      %dma_start3A_109 = tpu.memref_slice %arg11[%dma_start3A_107, %dma_start3A_108] : memref<1000x32xf32, #tpu.memory_space<vmem>> -> memref<125x32xf32, #tpu.memory_space<vmem>>
      %dma_start3A_110 = arith.constant 0 : i32
      %dma_start3A_111 = tpu.memref_slice %arg8[%add3A_106, %dma_start3A_110] : memref<80x125xi32, #tpu.memory_space<vmem>> -> memref<1x125xi32, #tpu.memory_space<vmem>>
      %dma_start3A_112 = tpu.memref_squeeze %dma_start3A_111 : memref<1x125xi32, #tpu.memory_space<vmem>> -> memref<125xi32, #tpu.memory_space<vmem>>
      %dma_start3A_113 = arith.constant 0 : i32
      %dma_start3A_114 = arith.constant 0 : i32
      %dma_start3A_115 = tpu.memref_slice %arg2[%dma_start3A_113, %dma_start3A_114] : memref<10000x32xf32, #tpu.memory_space<hbm>> -> memref<10000x32xf32, #tpu.memory_space<hbm>>
      tpu.enqueue_indirect_dma source(%dma_start3A_115 : memref<10000x32xf32, #tpu.memory_space<hbm>>) target(%dma_start3A_109 : memref<125x32xf32, #tpu.memory_space<vmem>>) offsets(%dma_start3A_112 : memref<125xi32, #tpu.memory_space<vmem>>) semaphore(%arg13 : memref<!tpu.dma_semaphore, #tpu.memory_space<semaphore_mem>>)
      %dma_wait3A = arith.constant 0 : i32
      %dma_wait3A_116 = arith.constant 0 : i32
      %dma_wait3A_117 = tpu.memref_slice %arg11[%dma_wait3A, %dma_wait3A_116] : memref<1000x32xf32, #tpu.memory_space<vmem>> -> memref<125x32xf32, #tpu.memory_space<vmem>>
      %dma_wait3A_118 = arith.constant 0 : i32
      %dma_wait3A_119 = tpu.memref_slice %arg8[%add3A_30, %dma_wait3A_118] : memref<80x125xi32, #tpu.memory_space<vmem>> -> memref<1x125xi32, #tpu.memory_space<vmem>>
      %dma_wait3A_120 = tpu.memref_squeeze %dma_wait3A_119 : memref<1x125xi32, #tpu.memory_space<vmem>> -> memref<125xi32, #tpu.memory_space<vmem>>
      %dma_wait3A_121 = arith.constant 0 : i32
      %dma_wait3A_122 = arith.constant 0 : i32
      %dma_wait3A_123 = tpu.memref_slice %arg2[%dma_wait3A_121, %dma_wait3A_122] : memref<10000x32xf32, #tpu.memory_space<hbm>> -> memref<10000x32xf32, #tpu.memory_space<hbm>>
      tpu.wait_indirect_dma semaphore(%arg13 : memref<!tpu.dma_semaphore, #tpu.memory_space<semaphore_mem>>) src(%dma_wait3A_123 : memref<10000x32xf32, #tpu.memory_space<hbm>>) dst(%dma_wait3A_117 : memref<125x32xf32, #tpu.memory_space<vmem>>)
      %dma_wait3A_124 = arith.constant 125 : i32
      %dma_wait3A_125 = arith.constant 0 : i32
      %dma_wait3A_126 = tpu.memref_slice %arg11[%dma_wait3A_124, %dma_wait3A_125] : memref<1000x32xf32, #tpu.memory_space<vmem>> -> memref<125x32xf32, #tpu.memory_space<vmem>>
      %dma_wait3A_127 = arith.constant 0 : i32
      %dma_wait3A_128 = tpu.memref_slice %arg8[%add3A_40, %dma_wait3A_127] : memref<80x125xi32, #tpu.memory_space<vmem>> -> memref<1x125xi32, #tpu.memory_space<vmem>>
      %dma_wait3A_129 = tpu.memref_squeeze %dma_wait3A_128 : memref<1x125xi32, #tpu.memory_space<vmem>> -> memref<125xi32, #tpu.memory_space<vmem>>
      %dma_wait3A_130 = arith.constant 0 : i32
      %dma_wait3A_131 = arith.constant 0 : i32
      %dma_wait3A_132 = tpu.memref_slice %arg2[%dma_wait3A_130, %dma_wait3A_131] : memref<10000x32xf32, #tpu.memory_space<hbm>> -> memref<10000x32xf32, #tpu.memory_space<hbm>>
      tpu.wait_indirect_dma semaphore(%arg13 : memref<!tpu.dma_semaphore, #tpu.memory_space<semaphore_mem>>) src(%dma_wait3A_132 : memref<10000x32xf32, #tpu.memory_space<hbm>>) dst(%dma_wait3A_126 : memref<125x32xf32, #tpu.memory_space<vmem>>)
      %dma_wait3A_133 = arith.constant 250 : i32
      %dma_wait3A_134 = arith.constant 0 : i32
      %dma_wait3A_135 = tpu.memref_slice %arg11[%dma_wait3A_133, %dma_wait3A_134] : memref<1000x32xf32, #tpu.memory_space<vmem>> -> memref<125x32xf32, #tpu.memory_space<vmem>>
      %dma_wait3A_136 = arith.constant 0 : i32
      %dma_wait3A_137 = tpu.memref_slice %arg8[%add3A_51, %dma_wait3A_136] : memref<80x125xi32, #tpu.memory_space<vmem>> -> memref<1x125xi32, #tpu.memory_space<vmem>>
      %dma_wait3A_138 = tpu.memref_squeeze %dma_wait3A_137 : memref<1x125xi32, #tpu.memory_space<vmem>> -> memref<125xi32, #tpu.memory_space<vmem>>
      %dma_wait3A_139 = arith.constant 0 : i32
      %dma_wait3A_140 = arith.constant 0 : i32
      %dma_wait3A_141 = tpu.memref_slice %arg2[%dma_wait3A_139, %dma_wait3A_140] : memref<10000x32xf32, #tpu.memory_space<hbm>> -> memref<10000x32xf32, #tpu.memory_space<hbm>>
      tpu.wait_indirect_dma semaphore(%arg13 : memref<!tpu.dma_semaphore, #tpu.memory_space<semaphore_mem>>) src(%dma_wait3A_141 : memref<10000x32xf32, #tpu.memory_space<hbm>>) dst(%dma_wait3A_135 : memref<125x32xf32, #tpu.memory_space<vmem>>)
      %dma_wait3A_142 = arith.constant 375 : i32
      %dma_wait3A_143 = arith.constant 0 : i32
      %dma_wait3A_144 = tpu.memref_slice %arg11[%dma_wait3A_142, %dma_wait3A_143] : memref<1000x32xf32, #tpu.memory_space<vmem>> -> memref<125x32xf32, #tpu.memory_space<vmem>>
      %dma_wait3A_145 = arith.constant 0 : i32
      %dma_wait3A_146 = tpu.memref_slice %arg8[%add3A_62, %dma_wait3A_145] : memref<80x125xi32, #tpu.memory_space<vmem>> -> memref<1x125xi32, #tpu.memory_space<vmem>>
      %dma_wait3A_147 = tpu.memref_squeeze %dma_wait3A_146 : memref<1x125xi32, #tpu.memory_space<vmem>> -> memref<125xi32, #tpu.memory_space<vmem>>
      %dma_wait3A_148 = arith.constant 0 : i32
      %dma_wait3A_149 = arith.constant 0 : i32
      %dma_wait3A_150 = tpu.memref_slice %arg2[%dma_wait3A_148, %dma_wait3A_149] : memref<10000x32xf32, #tpu.memory_space<hbm>> -> memref<10000x32xf32, #tpu.memory_space<hbm>>
      tpu.wait_indirect_dma semaphore(%arg13 : memref<!tpu.dma_semaphore, #tpu.memory_space<semaphore_mem>>) src(%dma_wait3A_150 : memref<10000x32xf32, #tpu.memory_space<hbm>>) dst(%dma_wait3A_144 : memref<125x32xf32, #tpu.memory_space<vmem>>)
      %dma_wait3A_151 = arith.constant 500 : i32
      %dma_wait3A_152 = arith.constant 0 : i32
      %dma_wait3A_153 = tpu.memref_slice %arg11[%dma_wait3A_151, %dma_wait3A_152] : memref<1000x32xf32, #tpu.memory_space<vmem>> -> memref<125x32xf32, #tpu.memory_space<vmem>>
      %dma_wait3A_154 = arith.constant 0 : i32
      %dma_wait3A_155 = tpu.memref_slice %arg8[%add3A_73, %dma_wait3A_154] : memref<80x125xi32, #tpu.memory_space<vmem>> -> memref<1x125xi32, #tpu.memory_space<vmem>>
      %dma_wait3A_156 = tpu.memref_squeeze %dma_wait3A_155 : memref<1x125xi32, #tpu.memory_space<vmem>> -> memref<125xi32, #tpu.memory_space<vmem>>
      %dma_wait3A_157 = arith.constant 0 : i32
      %dma_wait3A_158 = arith.constant 0 : i32
      %dma_wait3A_159 = tpu.memref_slice %arg2[%dma_wait3A_157, %dma_wait3A_158] : memref<10000x32xf32, #tpu.memory_space<hbm>> -> memref<10000x32xf32, #tpu.memory_space<hbm>>
      tpu.wait_indirect_dma semaphore(%arg13 : memref<!tpu.dma_semaphore, #tpu.memory_space<semaphore_mem>>) src(%dma_wait3A_159 : memref<10000x32xf32, #tpu.memory_space<hbm>>) dst(%dma_wait3A_153 : memref<125x32xf32, #tpu.memory_space<vmem>>)
      %dma_wait3A_160 = arith.constant 625 : i32
      %dma_wait3A_161 = arith.constant 0 : i32
      %dma_wait3A_162 = tpu.memref_slice %arg11[%dma_wait3A_160, %dma_wait3A_161] : memref<1000x32xf32, #tpu.memory_space<vmem>> -> memref<125x32xf32, #tpu.memory_space<vmem>>
      %dma_wait3A_163 = arith.constant 0 : i32
      %dma_wait3A_164 = tpu.memref_slice %arg8[%add3A_84, %dma_wait3A_163] : memref<80x125xi32, #tpu.memory_space<vmem>> -> memref<1x125xi32, #tpu.memory_space<vmem>>
      %dma_wait3A_165 = tpu.memref_squeeze %dma_wait3A_164 : memref<1x125xi32, #tpu.memory_space<vmem>> -> memref<125xi32, #tpu.memory_space<vmem>>
      %dma_wait3A_166 = arith.constant 0 : i32
      %dma_wait3A_167 = arith.constant 0 : i32
      %dma_wait3A_168 = tpu.memref_slice %arg2[%dma_wait3A_166, %dma_wait3A_167] : memref<10000x32xf32, #tpu.memory_space<hbm>> -> memref<10000x32xf32, #tpu.memory_space<hbm>>
      tpu.wait_indirect_dma semaphore(%arg13 : memref<!tpu.dma_semaphore, #tpu.memory_space<semaphore_mem>>) src(%dma_wait3A_168 : memref<10000x32xf32, #tpu.memory_space<hbm>>) dst(%dma_wait3A_162 : memref<125x32xf32, #tpu.memory_space<vmem>>)
      %dma_wait3A_169 = arith.constant 750 : i32
      %dma_wait3A_170 = arith.constant 0 : i32
      %dma_wait3A_171 = tpu.memref_slice %arg11[%dma_wait3A_169, %dma_wait3A_170] : memref<1000x32xf32, #tpu.memory_space<vmem>> -> memref<125x32xf32, #tpu.memory_space<vmem>>
      %dma_wait3A_172 = arith.constant 0 : i32
      %dma_wait3A_173 = tpu.memref_slice %arg8[%add3A_95, %dma_wait3A_172] : memref<80x125xi32, #tpu.memory_space<vmem>> -> memref<1x125xi32, #tpu.memory_space<vmem>>
      %dma_wait3A_174 = tpu.memref_squeeze %dma_wait3A_173 : memref<1x125xi32, #tpu.memory_space<vmem>> -> memref<125xi32, #tpu.memory_space<vmem>>
      %dma_wait3A_175 = arith.constant 0 : i32
      %dma_wait3A_176 = arith.constant 0 : i32
      %dma_wait3A_177 = tpu.memref_slice %arg2[%dma_wait3A_175, %dma_wait3A_176] : memref<10000x32xf32, #tpu.memory_space<hbm>> -> memref<10000x32xf32, #tpu.memory_space<hbm>>
      tpu.wait_indirect_dma semaphore(%arg13 : memref<!tpu.dma_semaphore, #tpu.memory_space<semaphore_mem>>) src(%dma_wait3A_177 : memref<10000x32xf32, #tpu.memory_space<hbm>>) dst(%dma_wait3A_171 : memref<125x32xf32, #tpu.memory_space<vmem>>)
      %dma_wait3A_178 = arith.constant 875 : i32
      %dma_wait3A_179 = arith.constant 0 : i32
      %dma_wait3A_180 = tpu.memref_slice %arg11[%dma_wait3A_178, %dma_wait3A_179] : memref<1000x32xf32, #tpu.memory_space<vmem>> -> memref<125x32xf32, #tpu.memory_space<vmem>>
      %dma_wait3A_181 = arith.constant 0 : i32
      %dma_wait3A_182 = tpu.memref_slice %arg8[%add3A_106, %dma_wait3A_181] : memref<80x125xi32, #tpu.memory_space<vmem>> -> memref<1x125xi32, #tpu.memory_space<vmem>>
      %dma_wait3A_183 = tpu.memref_squeeze %dma_wait3A_182 : memref<1x125xi32, #tpu.memory_space<vmem>> -> memref<125xi32, #tpu.memory_space<vmem>>
      %dma_wait3A_184 = arith.constant 0 : i32
      %dma_wait3A_185 = arith.constant 0 : i32
      %dma_wait3A_186 = tpu.memref_slice %arg2[%dma_wait3A_184, %dma_wait3A_185] : memref<10000x32xf32, #tpu.memory_space<hbm>> -> memref<10000x32xf32, #tpu.memory_space<hbm>>
      tpu.wait_indirect_dma semaphore(%arg13 : memref<!tpu.dma_semaphore, #tpu.memory_space<semaphore_mem>>) src(%dma_wait3A_186 : memref<10000x32xf32, #tpu.memory_space<hbm>>) dst(%dma_wait3A_180 : memref<125x32xf32, #tpu.memory_space<vmem>>)
      %scan3A_187 = arith.constant 0 : i32
      %scan3A_188 = arith.constant 0 : i32
      %scan3A_189 = arith.constant 125 : i32
      %scan3A_190 = arith.addi %scan3A_188, %scan3A_189 : i32
      %scan3A_191 = arith.constant 1 : i32
      %scan3A_192 = scf.for %scan3A_259 = %scan3A_188 to %scan3A_190 step %scan3A_191 iter_args(%scan3A_260 = %scan3A_187) -> (i32)  : i32 {
        %add3A_261 = arith.constant 0 : i32
        %add3A_262 = arith.addi %add3A_261, %scan3A_259 : i32
        %mul3A_263 = arith.constant 16 : i32
        %mul3A_264 = arith.muli %add3A_262, %mul3A_263 : i32
        %get3A = arith.index_cast %mul3A_264 : i32 to index
        %get3A_265 = tpu.vector_load %arg10[%get3A] {strides = array<i32>} : memref<16000xf32, #tpu.memory_space<vmem>>, vector<16xf32>,
        %broadcast_in_dim3A = arith.constant 0 : i32
        %broadcast_in_dim3A_266 = vector.broadcast %broadcast_in_dim3A : i32 to vector<16xi32>
        %add3A_267 = vector.broadcast %add3A_262 : i32 to vector<16xi32>
        %add3A_268 = arith.addi %add3A_267, %broadcast_in_dim3A_266 : vector<16xi32>
        %iota3A = tpu.iota {dimensions = array<i32: 0>} : vector<16xi32>
        %add3A_269 = arith.constant 0 : i32
        %add3A_270 = vector.broadcast %add3A_269 : i32 to vector<16xi32>
        %add3A_271 = arith.addi %add3A_270, %iota3A : vector<16xi32>
        %gather3A = tpu.vector_load_idx %arg11[%add3A_268, %add3A_271] : memref<1000x32xf32, #tpu.memory_space<vmem>>[vector<16xi32>, vector<16xi32>], vector<16xf32>,
        %mul3A_272 = arith.mulf %gather3A, %get3A_265 : vector<16xf32>
        tpu.vector_store_idx %arg11[%add3A_268, %add3A_271], %mul3A_272 : memref<1000x32xf32, #tpu.memory_space<vmem>>[vector<16xi32>, vector<16xi32>], vector<16xf32>,
        %iota3A_273 = tpu.iota {dimensions = array<i32: 0>} : vector<16xi32>
        %add3A_274 = arith.constant 16 : i32
        %add3A_275 = vector.broadcast %add3A_274 : i32 to vector<16xi32>
        %add3A_276 = arith.addi %add3A_275, %iota3A_273 : vector<16xi32>
        %gather3A_277 = tpu.vector_load_idx %arg11[%add3A_268, %add3A_276] : memref<1000x32xf32, #tpu.memory_space<vmem>>[vector<16xi32>, vector<16xi32>], vector<16xf32>,
        %mul3A_278 = arith.mulf %gather3A_277, %get3A_265 : vector<16xf32>
        tpu.vector_store_idx %arg11[%add3A_268, %add3A_276], %mul3A_278 : memref<1000x32xf32, #tpu.memory_space<vmem>>[vector<16xi32>, vector<16xi32>], vector<16xf32>,
        %scan3A_279 = arith.constant 0 : i32
        scf.yield %scan3A_279 : i32
      }
      %scan3A_193 = arith.constant 125 : i32
      %scan3A_194 = arith.constant 0 : i32
      %scan3A_195 = arith.constant 0 : i32
      %scan3A_196 = arith.constant 125 : i32
      %scan3A_197 = arith.addi %scan3A_195, %scan3A_196 : i32
      %scan3A_198 = arith.constant 1 : i32
      %scan3A_199 = scf.for %scan3A_259 = %scan3A_195 to %scan3A_197 step %scan3A_198 iter_args(%scan3A_260 = %scan3A_194) -> (i32)  : i32 {
        %add3A_261 = arith.constant 125 : i32
        %add3A_262 = arith.addi %add3A_261, %scan3A_259 : i32
        %mul3A_263 = arith.constant 16 : i32
        %mul3A_264 = arith.muli %add3A_262, %mul3A_263 : i32
        %get3A = arith.index_cast %mul3A_264 : i32 to index
        %get3A_265 = tpu.vector_load %arg10[%get3A] {strides = array<i32>} : memref<16000xf32, #tpu.memory_space<vmem>>, vector<16xf32>,
        %broadcast_in_dim3A = arith.constant 0 : i32
        %broadcast_in_dim3A_266 = vector.broadcast %broadcast_in_dim3A : i32 to vector<16xi32>
        %add3A_267 = vector.broadcast %add3A_262 : i32 to vector<16xi32>
        %add3A_268 = arith.addi %add3A_267, %broadcast_in_dim3A_266 : vector<16xi32>
        %iota3A = tpu.iota {dimensions = array<i32: 0>} : vector<16xi32>
        %add3A_269 = arith.constant 0 : i32
        %add3A_270 = vector.broadcast %add3A_269 : i32 to vector<16xi32>
        %add3A_271 = arith.addi %add3A_270, %iota3A : vector<16xi32>
        %gather3A = tpu.vector_load_idx %arg11[%add3A_268, %add3A_271] : memref<1000x32xf32, #tpu.memory_space<vmem>>[vector<16xi32>, vector<16xi32>], vector<16xf32>,
        %mul3A_272 = arith.mulf %gather3A, %get3A_265 : vector<16xf32>
        tpu.vector_store_idx %arg11[%add3A_268, %add3A_271], %mul3A_272 : memref<1000x32xf32, #tpu.memory_space<vmem>>[vector<16xi32>, vector<16xi32>], vector<16xf32>,
        %iota3A_273 = tpu.iota {dimensions = array<i32: 0>} : vector<16xi32>
        %add3A_274 = arith.constant 16 : i32
        %add3A_275 = vector.broadcast %add3A_274 : i32 to vector<16xi32>
        %add3A_276 = arith.addi %add3A_275, %iota3A_273 : vector<16xi32>
        %gather3A_277 = tpu.vector_load_idx %arg11[%add3A_268, %add3A_276] : memref<1000x32xf32, #tpu.memory_space<vmem>>[vector<16xi32>, vector<16xi32>], vector<16xf32>,
        %mul3A_278 = arith.mulf %gather3A_277, %get3A_265 : vector<16xf32>
        tpu.vector_store_idx %arg11[%add3A_268, %add3A_276], %mul3A_278 : memref<1000x32xf32, #tpu.memory_space<vmem>>[vector<16xi32>, vector<16xi32>], vector<16xf32>,
        %scan3A_279 = arith.constant 0 : i32
        scf.yield %scan3A_279 : i32
      }
      %scan3A_200 = arith.constant 125 : i32
      %scan3A_201 = arith.constant 0 : i32
      %scan3A_202 = arith.constant 0 : i32
      %scan3A_203 = arith.constant 125 : i32
      %scan3A_204 = arith.addi %scan3A_202, %scan3A_203 : i32
      %scan3A_205 = arith.constant 1 : i32
      %scan3A_206 = scf.for %scan3A_259 = %scan3A_202 to %scan3A_204 step %scan3A_205 iter_args(%scan3A_260 = %scan3A_201) -> (i32)  : i32 {
        %add3A_261 = arith.constant 250 : i32
        %add3A_262 = arith.addi %add3A_261, %scan3A_259 : i32
        %mul3A_263 = arith.constant 16 : i32
        %mul3A_264 = arith.muli %add3A_262, %mul3A_263 : i32
        %get3A = arith.index_cast %mul3A_264 : i32 to index
        %get3A_265 = tpu.vector_load %arg10[%get3A] {strides = array<i32>} : memref<16000xf32, #tpu.memory_space<vmem>>, vector<16xf32>,
        %broadcast_in_dim3A = arith.constant 0 : i32
        %broadcast_in_dim3A_266 = vector.broadcast %broadcast_in_dim3A : i32 to vector<16xi32>
        %add3A_267 = vector.broadcast %add3A_262 : i32 to vector<16xi32>
        %add3A_268 = arith.addi %add3A_267, %broadcast_in_dim3A_266 : vector<16xi32>
        %iota3A = tpu.iota {dimensions = array<i32: 0>} : vector<16xi32>
        %add3A_269 = arith.constant 0 : i32
        %add3A_270 = vector.broadcast %add3A_269 : i32 to vector<16xi32>
        %add3A_271 = arith.addi %add3A_270, %iota3A : vector<16xi32>
        %gather3A = tpu.vector_load_idx %arg11[%add3A_268, %add3A_271] : memref<1000x32xf32, #tpu.memory_space<vmem>>[vector<16xi32>, vector<16xi32>], vector<16xf32>,
        %mul3A_272 = arith.mulf %gather3A, %get3A_265 : vector<16xf32>
        tpu.vector_store_idx %arg11[%add3A_268, %add3A_271], %mul3A_272 : memref<1000x32xf32, #tpu.memory_space<vmem>>[vector<16xi32>, vector<16xi32>], vector<16xf32>,
        %iota3A_273 = tpu.iota {dimensions = array<i32: 0>} : vector<16xi32>
        %add3A_274 = arith.constant 16 : i32
        %add3A_275 = vector.broadcast %add3A_274 : i32 to vector<16xi32>
        %add3A_276 = arith.addi %add3A_275, %iota3A_273 : vector<16xi32>
        %gather3A_277 = tpu.vector_load_idx %arg11[%add3A_268, %add3A_276] : memref<1000x32xf32, #tpu.memory_space<vmem>>[vector<16xi32>, vector<16xi32>], vector<16xf32>,
        %mul3A_278 = arith.mulf %gather3A_277, %get3A_265 : vector<16xf32>
        tpu.vector_store_idx %arg11[%add3A_268, %add3A_276], %mul3A_278 : memref<1000x32xf32, #tpu.memory_space<vmem>>[vector<16xi32>, vector<16xi32>], vector<16xf32>,
        %scan3A_279 = arith.constant 0 : i32
        scf.yield %scan3A_279 : i32
      }
      %scan3A_207 = arith.constant 125 : i32
      %scan3A_208 = arith.constant 0 : i32
      %scan3A_209 = arith.constant 0 : i32
      %scan3A_210 = arith.constant 125 : i32
      %scan3A_211 = arith.addi %scan3A_209, %scan3A_210 : i32
      %scan3A_212 = arith.constant 1 : i32
      %scan3A_213 = scf.for %scan3A_259 = %scan3A_209 to %scan3A_211 step %scan3A_212 iter_args(%scan3A_260 = %scan3A_208) -> (i32)  : i32 {
        %add3A_261 = arith.constant 375 : i32
        %add3A_262 = arith.addi %add3A_261, %scan3A_259 : i32
        %mul3A_263 = arith.constant 16 : i32
        %mul3A_264 = arith.muli %add3A_262, %mul3A_263 : i32
        %get3A = arith.index_cast %mul3A_264 : i32 to index
        %get3A_265 = tpu.vector_load %arg10[%get3A] {strides = array<i32>} : memref<16000xf32, #tpu.memory_space<vmem>>, vector<16xf32>,
        %broadcast_in_dim3A = arith.constant 0 : i32
        %broadcast_in_dim3A_266 = vector.broadcast %broadcast_in_dim3A : i32 to vector<16xi32>
        %add3A_267 = vector.broadcast %add3A_262 : i32 to vector<16xi32>
        %add3A_268 = arith.addi %add3A_267, %broadcast_in_dim3A_266 : vector<16xi32>
        %iota3A = tpu.iota {dimensions = array<i32: 0>} : vector<16xi32>
        %add3A_269 = arith.constant 0 : i32
        %add3A_270 = vector.broadcast %add3A_269 : i32 to vector<16xi32>
        %add3A_271 = arith.addi %add3A_270, %iota3A : vector<16xi32>
        %gather3A = tpu.vector_load_idx %arg11[%add3A_268, %add3A_271] : memref<1000x32xf32, #tpu.memory_space<vmem>>[vector<16xi32>, vector<16xi32>], vector<16xf32>,
        %mul3A_272 = arith.mulf %gather3A, %get3A_265 : vector<16xf32>
        tpu.vector_store_idx %arg11[%add3A_268, %add3A_271], %mul3A_272 : memref<1000x32xf32, #tpu.memory_space<vmem>>[vector<16xi32>, vector<16xi32>], vector<16xf32>,
        %iota3A_273 = tpu.iota {dimensions = array<i32: 0>} : vector<16xi32>
        %add3A_274 = arith.constant 16 : i32
        %add3A_275 = vector.broadcast %add3A_274 : i32 to vector<16xi32>
        %add3A_276 = arith.addi %add3A_275, %iota3A_273 : vector<16xi32>
        %gather3A_277 = tpu.vector_load_idx %arg11[%add3A_268, %add3A_276] : memref<1000x32xf32, #tpu.memory_space<vmem>>[vector<16xi32>, vector<16xi32>], vector<16xf32>,
        %mul3A_278 = arith.mulf %gather3A_277, %get3A_265 : vector<16xf32>
        tpu.vector_store_idx %arg11[%add3A_268, %add3A_276], %mul3A_278 : memref<1000x32xf32, #tpu.memory_space<vmem>>[vector<16xi32>, vector<16xi32>], vector<16xf32>,
        %scan3A_279 = arith.constant 0 : i32
        scf.yield %scan3A_279 : i32
      }
      %scan3A_214 = arith.constant 125 : i32
      %scan3A_215 = arith.constant 0 : i32
      %scan3A_216 = arith.constant 0 : i32
      %scan3A_217 = arith.constant 125 : i32
      %scan3A_218 = arith.addi %scan3A_216, %scan3A_217 : i32
      %scan3A_219 = arith.constant 1 : i32
      %scan3A_220 = scf.for %scan3A_259 = %scan3A_216 to %scan3A_218 step %scan3A_219 iter_args(%scan3A_260 = %scan3A_215) -> (i32)  : i32 {
        %add3A_261 = arith.constant 500 : i32
        %add3A_262 = arith.addi %add3A_261, %scan3A_259 : i32
        %mul3A_263 = arith.constant 16 : i32
        %mul3A_264 = arith.muli %add3A_262, %mul3A_263 : i32
        %get3A = arith.index_cast %mul3A_264 : i32 to index
        %get3A_265 = tpu.vector_load %arg10[%get3A] {strides = array<i32>} : memref<16000xf32, #tpu.memory_space<vmem>>, vector<16xf32>,
        %broadcast_in_dim3A = arith.constant 0 : i32
        %broadcast_in_dim3A_266 = vector.broadcast %broadcast_in_dim3A : i32 to vector<16xi32>
        %add3A_267 = vector.broadcast %add3A_262 : i32 to vector<16xi32>
        %add3A_268 = arith.addi %add3A_267, %broadcast_in_dim3A_266 : vector<16xi32>
        %iota3A = tpu.iota {dimensions = array<i32: 0>} : vector<16xi32>
        %add3A_269 = arith.constant 0 : i32
        %add3A_270 = vector.broadcast %add3A_269 : i32 to vector<16xi32>
        %add3A_271 = arith.addi %add3A_270, %iota3A : vector<16xi32>
        %gather3A = tpu.vector_load_idx %arg11[%add3A_268, %add3A_271] : memref<1000x32xf32, #tpu.memory_space<vmem>>[vector<16xi32>, vector<16xi32>], vector<16xf32>,
        %mul3A_272 = arith.mulf %gather3A, %get3A_265 : vector<16xf32>
        tpu.vector_store_idx %arg11[%add3A_268, %add3A_271], %mul3A_272 : memref<1000x32xf32, #tpu.memory_space<vmem>>[vector<16xi32>, vector<16xi32>], vector<16xf32>,
        %iota3A_273 = tpu.iota {dimensions = array<i32: 0>} : vector<16xi32>
        %add3A_274 = arith.constant 16 : i32
        %add3A_275 = vector.broadcast %add3A_274 : i32 to vector<16xi32>
        %add3A_276 = arith.addi %add3A_275, %iota3A_273 : vector<16xi32>
        %gather3A_277 = tpu.vector_load_idx %arg11[%add3A_268, %add3A_276] : memref<1000x32xf32, #tpu.memory_space<vmem>>[vector<16xi32>, vector<16xi32>], vector<16xf32>,
        %mul3A_278 = arith.mulf %gather3A_277, %get3A_265 : vector<16xf32>
        tpu.vector_store_idx %arg11[%add3A_268, %add3A_276], %mul3A_278 : memref<1000x32xf32, #tpu.memory_space<vmem>>[vector<16xi32>, vector<16xi32>], vector<16xf32>,
        %scan3A_279 = arith.constant 0 : i32
        scf.yield %scan3A_279 : i32
      }
      %scan3A_221 = arith.constant 125 : i32
      %scan3A_222 = arith.constant 0 : i32
      %scan3A_223 = arith.constant 0 : i32
      %scan3A_224 = arith.constant 125 : i32
      %scan3A_225 = arith.addi %scan3A_223, %scan3A_224 : i32
      %scan3A_226 = arith.constant 1 : i32
      %scan3A_227 = scf.for %scan3A_259 = %scan3A_223 to %scan3A_225 step %scan3A_226 iter_args(%scan3A_260 = %scan3A_222) -> (i32)  : i32 {
        %add3A_261 = arith.constant 625 : i32
        %add3A_262 = arith.addi %add3A_261, %scan3A_259 : i32
        %mul3A_263 = arith.constant 16 : i32
        %mul3A_264 = arith.muli %add3A_262, %mul3A_263 : i32
        %get3A = arith.index_cast %mul3A_264 : i32 to index
        %get3A_265 = tpu.vector_load %arg10[%get3A] {strides = array<i32>} : memref<16000xf32, #tpu.memory_space<vmem>>, vector<16xf32>,
        %broadcast_in_dim3A = arith.constant 0 : i32
        %broadcast_in_dim3A_266 = vector.broadcast %broadcast_in_dim3A : i32 to vector<16xi32>
        %add3A_267 = vector.broadcast %add3A_262 : i32 to vector<16xi32>
        %add3A_268 = arith.addi %add3A_267, %broadcast_in_dim3A_266 : vector<16xi32>
        %iota3A = tpu.iota {dimensions = array<i32: 0>} : vector<16xi32>
        %add3A_269 = arith.constant 0 : i32
        %add3A_270 = vector.broadcast %add3A_269 : i32 to vector<16xi32>
        %add3A_271 = arith.addi %add3A_270, %iota3A : vector<16xi32>
        %gather3A = tpu.vector_load_idx %arg11[%add3A_268, %add3A_271] : memref<1000x32xf32, #tpu.memory_space<vmem>>[vector<16xi32>, vector<16xi32>], vector<16xf32>,
        %mul3A_272 = arith.mulf %gather3A, %get3A_265 : vector<16xf32>
        tpu.vector_store_idx %arg11[%add3A_268, %add3A_271], %mul3A_272 : memref<1000x32xf32, #tpu.memory_space<vmem>>[vector<16xi32>, vector<16xi32>], vector<16xf32>,
        %iota3A_273 = tpu.iota {dimensions = array<i32: 0>} : vector<16xi32>
        %add3A_274 = arith.constant 16 : i32
        %add3A_275 = vector.broadcast %add3A_274 : i32 to vector<16xi32>
        %add3A_276 = arith.addi %add3A_275, %iota3A_273 : vector<16xi32>
        %gather3A_277 = tpu.vector_load_idx %arg11[%add3A_268, %add3A_276] : memref<1000x32xf32, #tpu.memory_space<vmem>>[vector<16xi32>, vector<16xi32>], vector<16xf32>,
        %mul3A_278 = arith.mulf %gather3A_277, %get3A_265 : vector<16xf32>
        tpu.vector_store_idx %arg11[%add3A_268, %add3A_276], %mul3A_278 : memref<1000x32xf32, #tpu.memory_space<vmem>>[vector<16xi32>, vector<16xi32>], vector<16xf32>,
        %scan3A_279 = arith.constant 0 : i32
        scf.yield %scan3A_279 : i32
      }
      %scan3A_228 = arith.constant 125 : i32
      %scan3A_229 = arith.constant 0 : i32
      %scan3A_230 = arith.constant 0 : i32
      %scan3A_231 = arith.constant 125 : i32
      %scan3A_232 = arith.addi %scan3A_230, %scan3A_231 : i32
      %scan3A_233 = arith.constant 1 : i32
      %scan3A_234 = scf.for %scan3A_259 = %scan3A_230 to %scan3A_232 step %scan3A_233 iter_args(%scan3A_260 = %scan3A_229) -> (i32)  : i32 {
        %add3A_261 = arith.constant 750 : i32
        %add3A_262 = arith.addi %add3A_261, %scan3A_259 : i32
        %mul3A_263 = arith.constant 16 : i32
        %mul3A_264 = arith.muli %add3A_262, %mul3A_263 : i32
        %get3A = arith.index_cast %mul3A_264 : i32 to index
        %get3A_265 = tpu.vector_load %arg10[%get3A] {strides = array<i32>} : memref<16000xf32, #tpu.memory_space<vmem>>, vector<16xf32>,
        %broadcast_in_dim3A = arith.constant 0 : i32
        %broadcast_in_dim3A_266 = vector.broadcast %broadcast_in_dim3A : i32 to vector<16xi32>
        %add3A_267 = vector.broadcast %add3A_262 : i32 to vector<16xi32>
        %add3A_268 = arith.addi %add3A_267, %broadcast_in_dim3A_266 : vector<16xi32>
        %iota3A = tpu.iota {dimensions = array<i32: 0>} : vector<16xi32>
        %add3A_269 = arith.constant 0 : i32
        %add3A_270 = vector.broadcast %add3A_269 : i32 to vector<16xi32>
        %add3A_271 = arith.addi %add3A_270, %iota3A : vector<16xi32>
        %gather3A = tpu.vector_load_idx %arg11[%add3A_268, %add3A_271] : memref<1000x32xf32, #tpu.memory_space<vmem>>[vector<16xi32>, vector<16xi32>], vector<16xf32>,
        %mul3A_272 = arith.mulf %gather3A, %get3A_265 : vector<16xf32>
        tpu.vector_store_idx %arg11[%add3A_268, %add3A_271], %mul3A_272 : memref<1000x32xf32, #tpu.memory_space<vmem>>[vector<16xi32>, vector<16xi32>], vector<16xf32>,
        %iota3A_273 = tpu.iota {dimensions = array<i32: 0>} : vector<16xi32>
        %add3A_274 = arith.constant 16 : i32
        %add3A_275 = vector.broadcast %add3A_274 : i32 to vector<16xi32>
        %add3A_276 = arith.addi %add3A_275, %iota3A_273 : vector<16xi32>
        %gather3A_277 = tpu.vector_load_idx %arg11[%add3A_268, %add3A_276] : memref<1000x32xf32, #tpu.memory_space<vmem>>[vector<16xi32>, vector<16xi32>], vector<16xf32>,
        %mul3A_278 = arith.mulf %gather3A_277, %get3A_265 : vector<16xf32>
        tpu.vector_store_idx %arg11[%add3A_268, %add3A_276], %mul3A_278 : memref<1000x32xf32, #tpu.memory_space<vmem>>[vector<16xi32>, vector<16xi32>], vector<16xf32>,
        %scan3A_279 = arith.constant 0 : i32
        scf.yield %scan3A_279 : i32
      }
      %scan3A_235 = arith.constant 125 : i32
      %scan3A_236 = arith.constant 0 : i32
      %scan3A_237 = arith.constant 0 : i32
      %scan3A_238 = arith.constant 125 : i32
      %scan3A_239 = arith.addi %scan3A_237, %scan3A_238 : i32
      %scan3A_240 = arith.constant 1 : i32
      %scan3A_241 = scf.for %scan3A_259 = %scan3A_237 to %scan3A_239 step %scan3A_240 iter_args(%scan3A_260 = %scan3A_236) -> (i32)  : i32 {
        %add3A_261 = arith.constant 875 : i32
        %add3A_262 = arith.addi %add3A_261, %scan3A_259 : i32
        %mul3A_263 = arith.constant 16 : i32
        %mul3A_264 = arith.muli %add3A_262, %mul3A_263 : i32
        %get3A = arith.index_cast %mul3A_264 : i32 to index
        %get3A_265 = tpu.vector_load %arg10[%get3A] {strides = array<i32>} : memref<16000xf32, #tpu.memory_space<vmem>>, vector<16xf32>,
        %broadcast_in_dim3A = arith.constant 0 : i32
        %broadcast_in_dim3A_266 = vector.broadcast %broadcast_in_dim3A : i32 to vector<16xi32>
        %add3A_267 = vector.broadcast %add3A_262 : i32 to vector<16xi32>
        %add3A_268 = arith.addi %add3A_267, %broadcast_in_dim3A_266 : vector<16xi32>
        %iota3A = tpu.iota {dimensions = array<i32: 0>} : vector<16xi32>
        %add3A_269 = arith.constant 0 : i32
        %add3A_270 = vector.broadcast %add3A_269 : i32 to vector<16xi32>
        %add3A_271 = arith.addi %add3A_270, %iota3A : vector<16xi32>
        %gather3A = tpu.vector_load_idx %arg11[%add3A_268, %add3A_271] : memref<1000x32xf32, #tpu.memory_space<vmem>>[vector<16xi32>, vector<16xi32>], vector<16xf32>,
        %mul3A_272 = arith.mulf %gather3A, %get3A_265 : vector<16xf32>
        tpu.vector_store_idx %arg11[%add3A_268, %add3A_271], %mul3A_272 : memref<1000x32xf32, #tpu.memory_space<vmem>>[vector<16xi32>, vector<16xi32>], vector<16xf32>,
        %iota3A_273 = tpu.iota {dimensions = array<i32: 0>} : vector<16xi32>
        %add3A_274 = arith.constant 16 : i32
        %add3A_275 = vector.broadcast %add3A_274 : i32 to vector<16xi32>
        %add3A_276 = arith.addi %add3A_275, %iota3A_273 : vector<16xi32>
        %gather3A_277 = tpu.vector_load_idx %arg11[%add3A_268, %add3A_276] : memref<1000x32xf32, #tpu.memory_space<vmem>>[vector<16xi32>, vector<16xi32>], vector<16xf32>,
        %mul3A_278 = arith.mulf %gather3A_277, %get3A_265 : vector<16xf32>
        tpu.vector_store_idx %arg11[%add3A_268, %add3A_276], %mul3A_278 : memref<1000x32xf32, #tpu.memory_space<vmem>>[vector<16xi32>, vector<16xi32>], vector<16xf32>,
        %scan3A_279 = arith.constant 0 : i32
        scf.yield %scan3A_279 : i32
      }
      %scan3A_242 = arith.constant 125 : i32
      %add3A_243 = arith.constant 0 : i32
      %add3A_244 = arith.addi %mul3A_28, %add3A_243 : i32
      "tpu.region"() ({
        %run_scoped3A = tpu.sem_alloc : memref<!tpu.dma_semaphore, #tpu.memory_space<semaphore_mem>>
        %dma_start3A_259 = arith.constant 0 : i32
        %dma_start3A_260 = arith.constant 0 : i32
        %dma_start3A_261 = tpu.memref_slice %arg11[%dma_start3A_259, %dma_start3A_260] : memref<1000x32xf32, #tpu.memory_space<vmem>> -> memref<125x32xf32, #tpu.memory_space<vmem>>
        %dma_start3A_262 = arith.constant 0 : i32
        %dma_start3A_263 = tpu.memref_slice %arg9[%add3A_244, %dma_start3A_262] : memref<80x125xi32, #tpu.memory_space<vmem>> -> memref<1x125xi32, #tpu.memory_space<vmem>>
        %dma_start3A_264 = tpu.memref_squeeze %dma_start3A_263 : memref<1x125xi32, #tpu.memory_space<vmem>> -> memref<125xi32, #tpu.memory_space<vmem>>
        %dma_start3A_265 = arith.constant 0 : i32
        %dma_start3A_266 = arith.constant 0 : i32
        %dma_start3A_267 = tpu.memref_slice %arg12[%dma_start3A_265, %dma_start3A_266] : memref<10000x32xf32, #tpu.memory_space<vmem_shared>> -> memref<10000x32xf32, #tpu.memory_space<vmem_shared>>
        tpu.enqueue_indirect_dma source(%dma_start3A_261 : memref<125x32xf32, #tpu.memory_space<vmem>>) target(%dma_start3A_267 : memref<10000x32xf32, #tpu.memory_space<vmem_shared>>) offsets(%dma_start3A_264 : memref<125xi32, #tpu.memory_space<vmem>>) semaphore(%run_scoped3A : memref<!tpu.dma_semaphore, #tpu.memory_space<semaphore_mem>>) {add = true}
        %dma_wait3A_268 = arith.constant 0 : i32
        %dma_wait3A_269 = arith.constant 0 : i32
        %dma_wait3A_270 = tpu.memref_slice %arg11[%dma_wait3A_268, %dma_wait3A_269] : memref<1000x32xf32, #tpu.memory_space<vmem>> -> memref<125x32xf32, #tpu.memory_space<vmem>>
        %dma_wait3A_271 = arith.constant 0 : i32
        %dma_wait3A_272 = tpu.memref_slice %arg9[%add3A_244, %dma_wait3A_271] : memref<80x125xi32, #tpu.memory_space<vmem>> -> memref<1x125xi32, #tpu.memory_space<vmem>>
        %dma_wait3A_273 = tpu.memref_squeeze %dma_wait3A_272 : memref<1x125xi32, #tpu.memory_space<vmem>> -> memref<125xi32, #tpu.memory_space<vmem>>
        %dma_wait3A_274 = arith.constant 0 : i32
        %dma_wait3A_275 = arith.constant 0 : i32
        %dma_wait3A_276 = tpu.memref_slice %arg12[%dma_wait3A_274, %dma_wait3A_275] : memref<10000x32xf32, #tpu.memory_space<vmem_shared>> -> memref<10000x32xf32, #tpu.memory_space<vmem_shared>>
        tpu.wait_indirect_dma semaphore(%run_scoped3A : memref<!tpu.dma_semaphore, #tpu.memory_space<semaphore_mem>>) src(%dma_wait3A_270 : memref<125x32xf32, #tpu.memory_space<vmem>>) dst(%dma_wait3A_276 : memref<10000x32xf32, #tpu.memory_space<vmem_shared>>)
        tpu.yield
      }) : () -> ()
      %add3A_245 = arith.constant 1 : i32
      %add3A_246 = arith.addi %mul3A_28, %add3A_245 : i32
      "tpu.region"() ({
        %run_scoped3A = tpu.sem_alloc : memref<!tpu.dma_semaphore, #tpu.memory_space<semaphore_mem>>
        %dma_start3A_259 = arith.constant 125 : i32
        %dma_start3A_260 = arith.constant 0 : i32
        %dma_start3A_261 = tpu.memref_slice %arg11[%dma_start3A_259, %dma_start3A_260] : memref<1000x32xf32, #tpu.memory_space<vmem>> -> memref<125x32xf32, #tpu.memory_space<vmem>>
        %dma_start3A_262 = arith.constant 0 : i32
        %dma_start3A_263 = tpu.memref_slice %arg9[%add3A_246, %dma_start3A_262] : memref<80x125xi32, #tpu.memory_space<vmem>> -> memref<1x125xi32, #tpu.memory_space<vmem>>
        %dma_start3A_264 = tpu.memref_squeeze %dma_start3A_263 : memref<1x125xi32, #tpu.memory_space<vmem>> -> memref<125xi32, #tpu.memory_space<vmem>>
        %dma_start3A_265 = arith.constant 0 : i32
        %dma_start3A_266 = arith.constant 0 : i32
        %dma_start3A_267 = tpu.memref_slice %arg12[%dma_start3A_265, %dma_start3A_266] : memref<10000x32xf32, #tpu.memory_space<vmem_shared>> -> memref<10000x32xf32, #tpu.memory_space<vmem_shared>>
        tpu.enqueue_indirect_dma source(%dma_start3A_261 : memref<125x32xf32, #tpu.memory_space<vmem>>) target(%dma_start3A_267 : memref<10000x32xf32, #tpu.memory_space<vmem_shared>>) offsets(%dma_start3A_264 : memref<125xi32, #tpu.memory_space<vmem>>) semaphore(%run_scoped3A : memref<!tpu.dma_semaphore, #tpu.memory_space<semaphore_mem>>) {add = true}
        %dma_wait3A_268 = arith.constant 125 : i32
        %dma_wait3A_269 = arith.constant 0 : i32
        %dma_wait3A_270 = tpu.memref_slice %arg11[%dma_wait3A_268, %dma_wait3A_269] : memref<1000x32xf32, #tpu.memory_space<vmem>> -> memref<125x32xf32, #tpu.memory_space<vmem>>
        %dma_wait3A_271 = arith.constant 0 : i32
        %dma_wait3A_272 = tpu.memref_slice %arg9[%add3A_246, %dma_wait3A_271] : memref<80x125xi32, #tpu.memory_space<vmem>> -> memref<1x125xi32, #tpu.memory_space<vmem>>
        %dma_wait3A_273 = tpu.memref_squeeze %dma_wait3A_272 : memref<1x125xi32, #tpu.memory_space<vmem>> -> memref<125xi32, #tpu.memory_space<vmem>>
        %dma_wait3A_274 = arith.constant 0 : i32
        %dma_wait3A_275 = arith.constant 0 : i32
        %dma_wait3A_276 = tpu.memref_slice %arg12[%dma_wait3A_274, %dma_wait3A_275] : memref<10000x32xf32, #tpu.memory_space<vmem_shared>> -> memref<10000x32xf32, #tpu.memory_space<vmem_shared>>
        tpu.wait_indirect_dma semaphore(%run_scoped3A : memref<!tpu.dma_semaphore, #tpu.memory_space<semaphore_mem>>) src(%dma_wait3A_270 : memref<125x32xf32, #tpu.memory_space<vmem>>) dst(%dma_wait3A_276 : memref<10000x32xf32, #tpu.memory_space<vmem_shared>>)
        tpu.yield
      }) : () -> ()
      %add3A_247 = arith.constant 2 : i32
      %add3A_248 = arith.addi %mul3A_28, %add3A_247 : i32
      "tpu.region"() ({
        %run_scoped3A = tpu.sem_alloc : memref<!tpu.dma_semaphore, #tpu.memory_space<semaphore_mem>>
        %dma_start3A_259 = arith.constant 250 : i32
        %dma_start3A_260 = arith.constant 0 : i32
        %dma_start3A_261 = tpu.memref_slice %arg11[%dma_start3A_259, %dma_start3A_260] : memref<1000x32xf32, #tpu.memory_space<vmem>> -> memref<125x32xf32, #tpu.memory_space<vmem>>
        %dma_start3A_262 = arith.constant 0 : i32
        %dma_start3A_263 = tpu.memref_slice %arg9[%add3A_248, %dma_start3A_262] : memref<80x125xi32, #tpu.memory_space<vmem>> -> memref<1x125xi32, #tpu.memory_space<vmem>>
        %dma_start3A_264 = tpu.memref_squeeze %dma_start3A_263 : memref<1x125xi32, #tpu.memory_space<vmem>> -> memref<125xi32, #tpu.memory_space<vmem>>
        %dma_start3A_265 = arith.constant 0 : i32
        %dma_start3A_266 = arith.constant 0 : i32
        %dma_start3A_267 = tpu.memref_slice %arg12[%dma_start3A_265, %dma_start3A_266] : memref<10000x32xf32, #tpu.memory_space<vmem_shared>> -> memref<10000x32xf32, #tpu.memory_space<vmem_shared>>
        tpu.enqueue_indirect_dma source(%dma_start3A_261 : memref<125x32xf32, #tpu.memory_space<vmem>>) target(%dma_start3A_267 : memref<10000x32xf32, #tpu.memory_space<vmem_shared>>) offsets(%dma_start3A_264 : memref<125xi32, #tpu.memory_space<vmem>>) semaphore(%run_scoped3A : memref<!tpu.dma_semaphore, #tpu.memory_space<semaphore_mem>>) {add = true}
        %dma_wait3A_268 = arith.constant 250 : i32
        %dma_wait3A_269 = arith.constant 0 : i32
        %dma_wait3A_270 = tpu.memref_slice %arg11[%dma_wait3A_268, %dma_wait3A_269] : memref<1000x32xf32, #tpu.memory_space<vmem>> -> memref<125x32xf32, #tpu.memory_space<vmem>>
        %dma_wait3A_271 = arith.constant 0 : i32
        %dma_wait3A_272 = tpu.memref_slice %arg9[%add3A_248, %dma_wait3A_271] : memref<80x125xi32, #tpu.memory_space<vmem>> -> memref<1x125xi32, #tpu.memory_space<vmem>>
        %dma_wait3A_273 = tpu.memref_squeeze %dma_wait3A_272 : memref<1x125xi32, #tpu.memory_space<vmem>> -> memref<125xi32, #tpu.memory_space<vmem>>
        %dma_wait3A_274 = arith.constant 0 : i32
        %dma_wait3A_275 = arith.constant 0 : i32
        %dma_wait3A_276 = tpu.memref_slice %arg12[%dma_wait3A_274, %dma_wait3A_275] : memref<10000x32xf32, #tpu.memory_space<vmem_shared>> -> memref<10000x32xf32, #tpu.memory_space<vmem_shared>>
        tpu.wait_indirect_dma semaphore(%run_scoped3A : memref<!tpu.dma_semaphore, #tpu.memory_space<semaphore_mem>>) src(%dma_wait3A_270 : memref<125x32xf32, #tpu.memory_space<vmem>>) dst(%dma_wait3A_276 : memref<10000x32xf32, #tpu.memory_space<vmem_shared>>)
        tpu.yield
      }) : () -> ()
      %add3A_249 = arith.constant 3 : i32
      %add3A_250 = arith.addi %mul3A_28, %add3A_249 : i32
      "tpu.region"() ({
        %run_scoped3A = tpu.sem_alloc : memref<!tpu.dma_semaphore, #tpu.memory_space<semaphore_mem>>
        %dma_start3A_259 = arith.constant 375 : i32
        %dma_start3A_260 = arith.constant 0 : i32
        %dma_start3A_261 = tpu.memref_slice %arg11[%dma_start3A_259, %dma_start3A_260] : memref<1000x32xf32, #tpu.memory_space<vmem>> -> memref<125x32xf32, #tpu.memory_space<vmem>>
        %dma_start3A_262 = arith.constant 0 : i32
        %dma_start3A_263 = tpu.memref_slice %arg9[%add3A_250, %dma_start3A_262] : memref<80x125xi32, #tpu.memory_space<vmem>> -> memref<1x125xi32, #tpu.memory_space<vmem>>
        %dma_start3A_264 = tpu.memref_squeeze %dma_start3A_263 : memref<1x125xi32, #tpu.memory_space<vmem>> -> memref<125xi32, #tpu.memory_space<vmem>>
        %dma_start3A_265 = arith.constant 0 : i32
        %dma_start3A_266 = arith.constant 0 : i32
        %dma_start3A_267 = tpu.memref_slice %arg12[%dma_start3A_265, %dma_start3A_266] : memref<10000x32xf32, #tpu.memory_space<vmem_shared>> -> memref<10000x32xf32, #tpu.memory_space<vmem_shared>>
        tpu.enqueue_indirect_dma source(%dma_start3A_261 : memref<125x32xf32, #tpu.memory_space<vmem>>) target(%dma_start3A_267 : memref<10000x32xf32, #tpu.memory_space<vmem_shared>>) offsets(%dma_start3A_264 : memref<125xi32, #tpu.memory_space<vmem>>) semaphore(%run_scoped3A : memref<!tpu.dma_semaphore, #tpu.memory_space<semaphore_mem>>) {add = true}
        %dma_wait3A_268 = arith.constant 375 : i32
        %dma_wait3A_269 = arith.constant 0 : i32
        %dma_wait3A_270 = tpu.memref_slice %arg11[%dma_wait3A_268, %dma_wait3A_269] : memref<1000x32xf32, #tpu.memory_space<vmem>> -> memref<125x32xf32, #tpu.memory_space<vmem>>
        %dma_wait3A_271 = arith.constant 0 : i32
        %dma_wait3A_272 = tpu.memref_slice %arg9[%add3A_250, %dma_wait3A_271] : memref<80x125xi32, #tpu.memory_space<vmem>> -> memref<1x125xi32, #tpu.memory_space<vmem>>
        %dma_wait3A_273 = tpu.memref_squeeze %dma_wait3A_272 : memref<1x125xi32, #tpu.memory_space<vmem>> -> memref<125xi32, #tpu.memory_space<vmem>>
        %dma_wait3A_274 = arith.constant 0 : i32
        %dma_wait3A_275 = arith.constant 0 : i32
        %dma_wait3A_276 = tpu.memref_slice %arg12[%dma_wait3A_274, %dma_wait3A_275] : memref<10000x32xf32, #tpu.memory_space<vmem_shared>> -> memref<10000x32xf32, #tpu.memory_space<vmem_shared>>
        tpu.wait_indirect_dma semaphore(%run_scoped3A : memref<!tpu.dma_semaphore, #tpu.memory_space<semaphore_mem>>) src(%dma_wait3A_270 : memref<125x32xf32, #tpu.memory_space<vmem>>) dst(%dma_wait3A_276 : memref<10000x32xf32, #tpu.memory_space<vmem_shared>>)
        tpu.yield
      }) : () -> ()
      %add3A_251 = arith.constant 4 : i32
      %add3A_252 = arith.addi %mul3A_28, %add3A_251 : i32
      "tpu.region"() ({
        %run_scoped3A = tpu.sem_alloc : memref<!tpu.dma_semaphore, #tpu.memory_space<semaphore_mem>>
        %dma_start3A_259 = arith.constant 500 : i32
        %dma_start3A_260 = arith.constant 0 : i32
        %dma_start3A_261 = tpu.memref_slice %arg11[%dma_start3A_259, %dma_start3A_260] : memref<1000x32xf32, #tpu.memory_space<vmem>> -> memref<125x32xf32, #tpu.memory_space<vmem>>
        %dma_start3A_262 = arith.constant 0 : i32
        %dma_start3A_263 = tpu.memref_slice %arg9[%add3A_252, %dma_start3A_262] : memref<80x125xi32, #tpu.memory_space<vmem>> -> memref<1x125xi32, #tpu.memory_space<vmem>>
        %dma_start3A_264 = tpu.memref_squeeze %dma_start3A_263 : memref<1x125xi32, #tpu.memory_space<vmem>> -> memref<125xi32, #tpu.memory_space<vmem>>
        %dma_start3A_265 = arith.constant 0 : i32
        %dma_start3A_266 = arith.constant 0 : i32
        %dma_start3A_267 = tpu.memref_slice %arg12[%dma_start3A_265, %dma_start3A_266] : memref<10000x32xf32, #tpu.memory_space<vmem_shared>> -> memref<10000x32xf32, #tpu.memory_space<vmem_shared>>
        tpu.enqueue_indirect_dma source(%dma_start3A_261 : memref<125x32xf32, #tpu.memory_space<vmem>>) target(%dma_start3A_267 : memref<10000x32xf32, #tpu.memory_space<vmem_shared>>) offsets(%dma_start3A_264 : memref<125xi32, #tpu.memory_space<vmem>>) semaphore(%run_scoped3A : memref<!tpu.dma_semaphore, #tpu.memory_space<semaphore_mem>>) {add = true}
        %dma_wait3A_268 = arith.constant 500 : i32
        %dma_wait3A_269 = arith.constant 0 : i32
        %dma_wait3A_270 = tpu.memref_slice %arg11[%dma_wait3A_268, %dma_wait3A_269] : memref<1000x32xf32, #tpu.memory_space<vmem>> -> memref<125x32xf32, #tpu.memory_space<vmem>>
        %dma_wait3A_271 = arith.constant 0 : i32
        %dma_wait3A_272 = tpu.memref_slice %arg9[%add3A_252, %dma_wait3A_271] : memref<80x125xi32, #tpu.memory_space<vmem>> -> memref<1x125xi32, #tpu.memory_space<vmem>>
        %dma_wait3A_273 = tpu.memref_squeeze %dma_wait3A_272 : memref<1x125xi32, #tpu.memory_space<vmem>> -> memref<125xi32, #tpu.memory_space<vmem>>
        %dma_wait3A_274 = arith.constant 0 : i32
        %dma_wait3A_275 = arith.constant 0 : i32
        %dma_wait3A_276 = tpu.memref_slice %arg12[%dma_wait3A_274, %dma_wait3A_275] : memref<10000x32xf32, #tpu.memory_space<vmem_shared>> -> memref<10000x32xf32, #tpu.memory_space<vmem_shared>>
        tpu.wait_indirect_dma semaphore(%run_scoped3A : memref<!tpu.dma_semaphore, #tpu.memory_space<semaphore_mem>>) src(%dma_wait3A_270 : memref<125x32xf32, #tpu.memory_space<vmem>>) dst(%dma_wait3A_276 : memref<10000x32xf32, #tpu.memory_space<vmem_shared>>)
        tpu.yield
      }) : () -> ()
      %add3A_253 = arith.constant 5 : i32
      %add3A_254 = arith.addi %mul3A_28, %add3A_253 : i32
      "tpu.region"() ({
        %run_scoped3A = tpu.sem_alloc : memref<!tpu.dma_semaphore, #tpu.memory_space<semaphore_mem>>
        %dma_start3A_259 = arith.constant 625 : i32
        %dma_start3A_260 = arith.constant 0 : i32
        %dma_start3A_261 = tpu.memref_slice %arg11[%dma_start3A_259, %dma_start3A_260] : memref<1000x32xf32, #tpu.memory_space<vmem>> -> memref<125x32xf32, #tpu.memory_space<vmem>>
        %dma_start3A_262 = arith.constant 0 : i32
        %dma_start3A_263 = tpu.memref_slice %arg9[%add3A_254, %dma_start3A_262] : memref<80x125xi32, #tpu.memory_space<vmem>> -> memref<1x125xi32, #tpu.memory_space<vmem>>
        %dma_start3A_264 = tpu.memref_squeeze %dma_start3A_263 : memref<1x125xi32, #tpu.memory_space<vmem>> -> memref<125xi32, #tpu.memory_space<vmem>>
        %dma_start3A_265 = arith.constant 0 : i32
        %dma_start3A_266 = arith.constant 0 : i32
        %dma_start3A_267 = tpu.memref_slice %arg12[%dma_start3A_265, %dma_start3A_266] : memref<10000x32xf32, #tpu.memory_space<vmem_shared>> -> memref<10000x32xf32, #tpu.memory_space<vmem_shared>>
        tpu.enqueue_indirect_dma source(%dma_start3A_261 : memref<125x32xf32, #tpu.memory_space<vmem>>) target(%dma_start3A_267 : memref<10000x32xf32, #tpu.memory_space<vmem_shared>>) offsets(%dma_start3A_264 : memref<125xi32, #tpu.memory_space<vmem>>) semaphore(%run_scoped3A : memref<!tpu.dma_semaphore, #tpu.memory_space<semaphore_mem>>) {add = true}
        %dma_wait3A_268 = arith.constant 625 : i32
        %dma_wait3A_269 = arith.constant 0 : i32
        %dma_wait3A_270 = tpu.memref_slice %arg11[%dma_wait3A_268, %dma_wait3A_269] : memref<1000x32xf32, #tpu.memory_space<vmem>> -> memref<125x32xf32, #tpu.memory_space<vmem>>
        %dma_wait3A_271 = arith.constant 0 : i32
        %dma_wait3A_272 = tpu.memref_slice %arg9[%add3A_254, %dma_wait3A_271] : memref<80x125xi32, #tpu.memory_space<vmem>> -> memref<1x125xi32, #tpu.memory_space<vmem>>
        %dma_wait3A_273 = tpu.memref_squeeze %dma_wait3A_272 : memref<1x125xi32, #tpu.memory_space<vmem>> -> memref<125xi32, #tpu.memory_space<vmem>>
        %dma_wait3A_274 = arith.constant 0 : i32
        %dma_wait3A_275 = arith.constant 0 : i32
        %dma_wait3A_276 = tpu.memref_slice %arg12[%dma_wait3A_274, %dma_wait3A_275] : memref<10000x32xf32, #tpu.memory_space<vmem_shared>> -> memref<10000x32xf32, #tpu.memory_space<vmem_shared>>
        tpu.wait_indirect_dma semaphore(%run_scoped3A : memref<!tpu.dma_semaphore, #tpu.memory_space<semaphore_mem>>) src(%dma_wait3A_270 : memref<125x32xf32, #tpu.memory_space<vmem>>) dst(%dma_wait3A_276 : memref<10000x32xf32, #tpu.memory_space<vmem_shared>>)
        tpu.yield
      }) : () -> ()
      %add3A_255 = arith.constant 6 : i32
      %add3A_256 = arith.addi %mul3A_28, %add3A_255 : i32
      "tpu.region"() ({
        %run_scoped3A = tpu.sem_alloc : memref<!tpu.dma_semaphore, #tpu.memory_space<semaphore_mem>>
        %dma_start3A_259 = arith.constant 750 : i32
        %dma_start3A_260 = arith.constant 0 : i32
        %dma_start3A_261 = tpu.memref_slice %arg11[%dma_start3A_259, %dma_start3A_260] : memref<1000x32xf32, #tpu.memory_space<vmem>> -> memref<125x32xf32, #tpu.memory_space<vmem>>
        %dma_start3A_262 = arith.constant 0 : i32
        %dma_start3A_263 = tpu.memref_slice %arg9[%add3A_256, %dma_start3A_262] : memref<80x125xi32, #tpu.memory_space<vmem>> -> memref<1x125xi32, #tpu.memory_space<vmem>>
        %dma_start3A_264 = tpu.memref_squeeze %dma_start3A_263 : memref<1x125xi32, #tpu.memory_space<vmem>> -> memref<125xi32, #tpu.memory_space<vmem>>
        %dma_start3A_265 = arith.constant 0 : i32
        %dma_start3A_266 = arith.constant 0 : i32
        %dma_start3A_267 = tpu.memref_slice %arg12[%dma_start3A_265, %dma_start3A_266] : memref<10000x32xf32, #tpu.memory_space<vmem_shared>> -> memref<10000x32xf32, #tpu.memory_space<vmem_shared>>
        tpu.enqueue_indirect_dma source(%dma_start3A_261 : memref<125x32xf32, #tpu.memory_space<vmem>>) target(%dma_start3A_267 : memref<10000x32xf32, #tpu.memory_space<vmem_shared>>) offsets(%dma_start3A_264 : memref<125xi32, #tpu.memory_space<vmem>>) semaphore(%run_scoped3A : memref<!tpu.dma_semaphore, #tpu.memory_space<semaphore_mem>>) {add = true}
        %dma_wait3A_268 = arith.constant 750 : i32
        %dma_wait3A_269 = arith.constant 0 : i32
        %dma_wait3A_270 = tpu.memref_slice %arg11[%dma_wait3A_268, %dma_wait3A_269] : memref<1000x32xf32, #tpu.memory_space<vmem>> -> memref<125x32xf32, #tpu.memory_space<vmem>>
        %dma_wait3A_271 = arith.constant 0 : i32
        %dma_wait3A_272 = tpu.memref_slice %arg9[%add3A_256, %dma_wait3A_271] : memref<80x125xi32, #tpu.memory_space<vmem>> -> memref<1x125xi32, #tpu.memory_space<vmem>>
        %dma_wait3A_273 = tpu.memref_squeeze %dma_wait3A_272 : memref<1x125xi32, #tpu.memory_space<vmem>> -> memref<125xi32, #tpu.memory_space<vmem>>
        %dma_wait3A_274 = arith.constant 0 : i32
        %dma_wait3A_275 = arith.constant 0 : i32
        %dma_wait3A_276 = tpu.memref_slice %arg12[%dma_wait3A_274, %dma_wait3A_275] : memref<10000x32xf32, #tpu.memory_space<vmem_shared>> -> memref<10000x32xf32, #tpu.memory_space<vmem_shared>>
        tpu.wait_indirect_dma semaphore(%run_scoped3A : memref<!tpu.dma_semaphore, #tpu.memory_space<semaphore_mem>>) src(%dma_wait3A_270 : memref<125x32xf32, #tpu.memory_space<vmem>>) dst(%dma_wait3A_276 : memref<10000x32xf32, #tpu.memory_space<vmem_shared>>)
        tpu.yield
      }) : () -> ()
      %add3A_257 = arith.constant 7 : i32
      %add3A_258 = arith.addi %mul3A_28, %add3A_257 : i32
      "tpu.region"() ({
        %run_scoped3A = tpu.sem_alloc : memref<!tpu.dma_semaphore, #tpu.memory_space<semaphore_mem>>
        %dma_start3A_259 = arith.constant 875 : i32
        %dma_start3A_260 = arith.constant 0 : i32
        %dma_start3A_261 = tpu.memref_slice %arg11[%dma_start3A_259, %dma_start3A_260] : memref<1000x32xf32, #tpu.memory_space<vmem>> -> memref<125x32xf32, #tpu.memory_space<vmem>>
        %dma_start3A_262 = arith.constant 0 : i32
        %dma_start3A_263 = tpu.memref_slice %arg9[%add3A_258, %dma_start3A_262] : memref<80x125xi32, #tpu.memory_space<vmem>> -> memref<1x125xi32, #tpu.memory_space<vmem>>
        %dma_start3A_264 = tpu.memref_squeeze %dma_start3A_263 : memref<1x125xi32, #tpu.memory_space<vmem>> -> memref<125xi32, #tpu.memory_space<vmem>>
        %dma_start3A_265 = arith.constant 0 : i32
        %dma_start3A_266 = arith.constant 0 : i32
        %dma_start3A_267 = tpu.memref_slice %arg12[%dma_start3A_265, %dma_start3A_266] : memref<10000x32xf32, #tpu.memory_space<vmem_shared>> -> memref<10000x32xf32, #tpu.memory_space<vmem_shared>>
        tpu.enqueue_indirect_dma source(%dma_start3A_261 : memref<125x32xf32, #tpu.memory_space<vmem>>) target(%dma_start3A_267 : memref<10000x32xf32, #tpu.memory_space<vmem_shared>>) offsets(%dma_start3A_264 : memref<125xi32, #tpu.memory_space<vmem>>) semaphore(%run_scoped3A : memref<!tpu.dma_semaphore, #tpu.memory_space<semaphore_mem>>) {add = true}
        %dma_wait3A_268 = arith.constant 875 : i32
        %dma_wait3A_269 = arith.constant 0 : i32
        %dma_wait3A_270 = tpu.memref_slice %arg11[%dma_wait3A_268, %dma_wait3A_269] : memref<1000x32xf32, #tpu.memory_space<vmem>> -> memref<125x32xf32, #tpu.memory_space<vmem>>
        %dma_wait3A_271 = arith.constant 0 : i32
        %dma_wait3A_272 = tpu.memref_slice %arg9[%add3A_258, %dma_wait3A_271] : memref<80x125xi32, #tpu.memory_space<vmem>> -> memref<1x125xi32, #tpu.memory_space<vmem>>
        %dma_wait3A_273 = tpu.memref_squeeze %dma_wait3A_272 : memref<1x125xi32, #tpu.memory_space<vmem>> -> memref<125xi32, #tpu.memory_space<vmem>>
        %dma_wait3A_274 = arith.constant 0 : i32
        %dma_wait3A_275 = arith.constant 0 : i32
        %dma_wait3A_276 = tpu.memref_slice %arg12[%dma_wait3A_274, %dma_wait3A_275] : memref<10000x32xf32, #tpu.memory_space<vmem_shared>> -> memref<10000x32xf32, #tpu.memory_space<vmem_shared>>
        tpu.wait_indirect_dma semaphore(%run_scoped3A : memref<!tpu.dma_semaphore, #tpu.memory_space<semaphore_mem>>) src(%dma_wait3A_270 : memref<125x32xf32, #tpu.memory_space<vmem>>) dst(%dma_wait3A_276 : memref<10000x32xf32, #tpu.memory_space<vmem_shared>>)
        tpu.yield
      }) : () -> ()
    }
    %scan3A_13 = arith.constant 10 : i32
    %barrier3A_14 = arith.constant 0 : index
    tpu.barrier barrier_id(%barrier3A_14)
    %mul3A_15 = arith.constant 625 : i32
    %mul3A_16 = arith.muli %arg1, %mul3A_15 : i32
    %mul3A_17 = arith.constant 625 : i32
    %mul3A_18 = arith.muli %arg1, %mul3A_17 : i32
    "tpu.region"() ({
      %run_scoped3A = tpu.sem_alloc : memref<!tpu.dma_semaphore, #tpu.memory_space<semaphore_mem>>
      %dma_start3A = arith.constant 0 : i32
      %dma_start3A_19 = tpu.memref_slice %arg7[%arg0, %mul3A_18, %dma_start3A] : memref<2x10000x32xf32, #tpu.memory_space<hbm>> -> memref<1x625x32xf32, #tpu.memory_space<hbm>>
      %dma_start3A_20 = tpu.memref_squeeze %dma_start3A_19 : memref<1x625x32xf32, #tpu.memory_space<hbm>> -> memref<625x32xf32, #tpu.memory_space<hbm>>
      %dma_start3A_21 = arith.constant 0 : i32
      %dma_start3A_22 = tpu.memref_slice %arg12[%mul3A_16, %dma_start3A_21] : memref<10000x32xf32, #tpu.memory_space<vmem_shared>> -> memref<625x32xf32, #tpu.memory_space<vmem_shared>>
      tpu.enqueue_dma source(%dma_start3A_22 : memref<625x32xf32, #tpu.memory_space<vmem_shared>>) target(%dma_start3A_20 : memref<625x32xf32, #tpu.memory_space<hbm>>) target_semaphore(%run_scoped3A : memref<!tpu.dma_semaphore, #tpu.memory_space<semaphore_mem>>)
      %dma_wait3A = arith.constant 0 : i32
      %dma_wait3A_23 = tpu.memref_slice %arg7[%arg0, %mul3A_18, %dma_wait3A] : memref<2x10000x32xf32, #tpu.memory_space<hbm>> -> memref<1x625x32xf32, #tpu.memory_space<hbm>>
      %dma_wait3A_24 = tpu.memref_squeeze %dma_wait3A_23 : memref<1x625x32xf32, #tpu.memory_space<hbm>> -> memref<625x32xf32, #tpu.memory_space<hbm>>
      %dma_wait3A_25 = arith.constant 0 : i32
      %dma_wait3A_26 = tpu.memref_slice %arg12[%mul3A_16, %dma_wait3A_25] : memref<10000x32xf32, #tpu.memory_space<vmem_shared>> -> memref<625x32xf32, #tpu.memory_space<vmem_shared>>
      tpu.wait_dma2 semaphore(%run_scoped3A : memref<!tpu.dma_semaphore, #tpu.memory_space<semaphore_mem>>) src(%dma_wait3A_26 : memref<625x32xf32, #tpu.memory_space<vmem_shared>>) dst(%dma_wait3A_24 : memref<625x32xf32, #tpu.memory_space<hbm>>)
      tpu.yield
    }) : () -> ()
    return
  }
}

#map = affine_map<(d0, d1) -> (0, 0)>
#map1 = affine_map<(d0, d1) -> (0)>
#map2 = affine_map<(d0, d1) -> (0, 0, 0)>
module attributes {stable_mosaic.version = 14 : i64} {
  func.func @seg(%arg0: i32, %arg1: i32, %arg2: memref<10000x128xf32, #tpu.memory_space<hbm>>, %arg3: memref<2560x125xi32, #tpu.memory_space<hbm>>, %arg4: memref<2560x125xi32, #tpu.memory_space<hbm>>, %arg5: memref<5120000xf32, #tpu.memory_space<hbm>>, %arg6: memref<10000x128xf32, #tpu.memory_space<hbm>>, %arg7: memref<2x10000x128xf32, #tpu.memory_space<hbm>>, %arg8: memref<2x125xi32, #tpu.memory_space<vmem>>, %arg9: memref<2x125xi32, #tpu.memory_space<vmem>>, %arg10: memref<4000xf32, #tpu.memory_space<vmem>>, %arg11: memref<250x128xf32, #tpu.memory_space<vmem>>, %arg12: memref<10000x128xf32, #tpu.memory_space<vmem_shared>>, %arg13: memref<!tpu.dma_semaphore, #tpu.memory_space<semaphore_mem>>) attributes {dimension_semantics = [#tpu.dimension_semantics<core_parallel>, #tpu.dimension_semantics<subcore_parallel>], iteration_bounds = array<i64: 2, 16>, scalar_prefetch = 0 : i64, scratch_operands = 6 : i64, tpu.core_type = #tpu.core_type<sc_vector_subcore>, window_params = [{transform_indices = #map}, {transform_indices = #map}, {transform_indices = #map}, {transform_indices = #map1}, {transform_indices = #map}, {transform_indices = #map2}]} {
    %mul3A = arith.constant 16 : i32
    %mul3A_0 = arith.muli %arg0, %mul3A : i32
    %add3A = arith.addi %mul3A_0, %arg1 : i32
    %mul3A_1 = arith.constant 625 : i32
    %mul3A_2 = arith.muli %arg1, %mul3A_1 : i32
    %mul3A_3 = arith.constant 625 : i32
    %mul3A_4 = arith.muli %arg1, %mul3A_3 : i32
    "tpu.region"() ({
      %run_scoped3A = tpu.sem_alloc : memref<!tpu.dma_semaphore, #tpu.memory_space<semaphore_mem>>
      %dma_start3A = arith.constant 0 : i32
      %dma_start3A_15 = tpu.memref_slice %arg12[%mul3A_4, %dma_start3A] : memref<10000x128xf32, #tpu.memory_space<vmem_shared>> -> memref<625x128xf32, #tpu.memory_space<vmem_shared>>
      %dma_start3A_16 = arith.constant 0 : i32
      %dma_start3A_17 = tpu.memref_slice %arg6[%mul3A_2, %dma_start3A_16] : memref<10000x128xf32, #tpu.memory_space<hbm>> -> memref<625x128xf32, #tpu.memory_space<hbm>>
      tpu.enqueue_dma source(%dma_start3A_17 : memref<625x128xf32, #tpu.memory_space<hbm>>) target(%dma_start3A_15 : memref<625x128xf32, #tpu.memory_space<vmem_shared>>) target_semaphore(%run_scoped3A : memref<!tpu.dma_semaphore, #tpu.memory_space<semaphore_mem>>)
      %dma_wait3A = arith.constant 0 : i32
      %dma_wait3A_18 = tpu.memref_slice %arg12[%mul3A_4, %dma_wait3A] : memref<10000x128xf32, #tpu.memory_space<vmem_shared>> -> memref<625x128xf32, #tpu.memory_space<vmem_shared>>
      %dma_wait3A_19 = arith.constant 0 : i32
      %dma_wait3A_20 = tpu.memref_slice %arg6[%mul3A_2, %dma_wait3A_19] : memref<10000x128xf32, #tpu.memory_space<hbm>> -> memref<625x128xf32, #tpu.memory_space<hbm>>
      tpu.wait_dma2 semaphore(%run_scoped3A : memref<!tpu.dma_semaphore, #tpu.memory_space<semaphore_mem>>) src(%dma_wait3A_20 : memref<625x128xf32, #tpu.memory_space<hbm>>) dst(%dma_wait3A_18 : memref<625x128xf32, #tpu.memory_space<vmem_shared>>)
      tpu.yield
    }) : () -> ()
    %barrier3A = arith.constant 0 : index
    tpu.barrier barrier_id(%barrier3A)
    %scan3A = arith.constant 0 : i32
    %scan3A_5 = arith.constant 0 : i32
    %scan3A_6 = arith.constant 40 : i32
    %scan3A_7 = arith.addi %scan3A_5, %scan3A_6 : i32
    %scan3A_8 = arith.constant 1 : i32
    scf.for %scan3A_15 = %scan3A_5 to %scan3A_7 step %scan3A_8  : i32 {
      %mul3A_16 = arith.constant 10000 : i32
      %mul3A_17 = arith.muli %add3A, %mul3A_16 : i32
      %mul3A_18 = arith.constant 250 : i32
      %mul3A_19 = arith.muli %scan3A_15, %mul3A_18 : i32
      %add3A_20 = arith.addi %mul3A_17, %mul3A_19 : i32
      %mul3A_21 = arith.constant 16 : i32
      %mul3A_22 = arith.muli %add3A_20, %mul3A_21 : i32
      "tpu.region"() ({
        %run_scoped3A_81 = tpu.sem_alloc : memref<!tpu.dma_semaphore, #tpu.memory_space<semaphore_mem>>
        %dma_start3A_82 = tpu.memref_slice %arg5[%mul3A_22] : memref<5120000xf32, #tpu.memory_space<hbm>> -> memref<4000xf32, #tpu.memory_space<hbm>>
        %dma_start3A_83 = tpu.memref_slice %arg5[%mul3A_22] : memref<5120000xf32, #tpu.memory_space<hbm>> -> memref<4000xf32, #tpu.memory_space<hbm>>
        tpu.enqueue_dma source(%dma_start3A_83 : memref<4000xf32, #tpu.memory_space<hbm>>) target(%arg10 : memref<4000xf32, #tpu.memory_space<vmem>>) target_semaphore(%run_scoped3A_81 : memref<!tpu.dma_semaphore, #tpu.memory_space<semaphore_mem>>)
        %dma_wait3A_84 = tpu.memref_slice %arg5[%mul3A_22] : memref<5120000xf32, #tpu.memory_space<hbm>> -> memref<4000xf32, #tpu.memory_space<hbm>>
        %dma_wait3A_85 = tpu.memref_slice %arg5[%mul3A_22] : memref<5120000xf32, #tpu.memory_space<hbm>> -> memref<4000xf32, #tpu.memory_space<hbm>>
        tpu.wait_dma2 semaphore(%run_scoped3A_81 : memref<!tpu.dma_semaphore, #tpu.memory_space<semaphore_mem>>) src(%dma_wait3A_85 : memref<4000xf32, #tpu.memory_space<hbm>>) dst(%arg10 : memref<4000xf32, #tpu.memory_space<vmem>>)
        tpu.yield
      }) : () -> ()
      %mul3A_23 = arith.constant 80 : i32
      %mul3A_24 = arith.muli %add3A, %mul3A_23 : i32
      %mul3A_25 = arith.constant 2 : i32
      %mul3A_26 = arith.muli %scan3A_15, %mul3A_25 : i32
      %add3A_27 = arith.addi %mul3A_24, %mul3A_26 : i32
      "tpu.region"() ({
        %run_scoped3A_81 = tpu.sem_alloc : memref<!tpu.dma_semaphore, #tpu.memory_space<semaphore_mem>>
        %dma_start3A_82 = arith.constant 0 : i32
        %dma_start3A_83 = tpu.memref_slice %arg3[%add3A_27, %dma_start3A_82] : memref<2560x125xi32, #tpu.memory_space<hbm>> -> memref<2x125xi32, #tpu.memory_space<hbm>>
        %dma_start3A_84 = arith.constant 0 : i32
        %dma_start3A_85 = tpu.memref_slice %arg3[%add3A_27, %dma_start3A_84] : memref<2560x125xi32, #tpu.memory_space<hbm>> -> memref<2x125xi32, #tpu.memory_space<hbm>>
        tpu.enqueue_dma source(%dma_start3A_85 : memref<2x125xi32, #tpu.memory_space<hbm>>) target(%arg8 : memref<2x125xi32, #tpu.memory_space<vmem>>) target_semaphore(%run_scoped3A_81 : memref<!tpu.dma_semaphore, #tpu.memory_space<semaphore_mem>>)
        %dma_wait3A_86 = arith.constant 0 : i32
        %dma_wait3A_87 = tpu.memref_slice %arg3[%add3A_27, %dma_wait3A_86] : memref<2560x125xi32, #tpu.memory_space<hbm>> -> memref<2x125xi32, #tpu.memory_space<hbm>>
        %dma_wait3A_88 = arith.constant 0 : i32
        %dma_wait3A_89 = tpu.memref_slice %arg3[%add3A_27, %dma_wait3A_88] : memref<2560x125xi32, #tpu.memory_space<hbm>> -> memref<2x125xi32, #tpu.memory_space<hbm>>
        tpu.wait_dma2 semaphore(%run_scoped3A_81 : memref<!tpu.dma_semaphore, #tpu.memory_space<semaphore_mem>>) src(%dma_wait3A_89 : memref<2x125xi32, #tpu.memory_space<hbm>>) dst(%arg8 : memref<2x125xi32, #tpu.memory_space<vmem>>)
        tpu.yield
      }) : () -> ()
      "tpu.region"() ({
        %run_scoped3A_81 = tpu.sem_alloc : memref<!tpu.dma_semaphore, #tpu.memory_space<semaphore_mem>>
        %dma_start3A_82 = arith.constant 0 : i32
        %dma_start3A_83 = tpu.memref_slice %arg4[%add3A_27, %dma_start3A_82] : memref<2560x125xi32, #tpu.memory_space<hbm>> -> memref<2x125xi32, #tpu.memory_space<hbm>>
        %dma_start3A_84 = arith.constant 0 : i32
        %dma_start3A_85 = tpu.memref_slice %arg4[%add3A_27, %dma_start3A_84] : memref<2560x125xi32, #tpu.memory_space<hbm>> -> memref<2x125xi32, #tpu.memory_space<hbm>>
        tpu.enqueue_dma source(%dma_start3A_85 : memref<2x125xi32, #tpu.memory_space<hbm>>) target(%arg9 : memref<2x125xi32, #tpu.memory_space<vmem>>) target_semaphore(%run_scoped3A_81 : memref<!tpu.dma_semaphore, #tpu.memory_space<semaphore_mem>>)
        %dma_wait3A_86 = arith.constant 0 : i32
        %dma_wait3A_87 = tpu.memref_slice %arg4[%add3A_27, %dma_wait3A_86] : memref<2560x125xi32, #tpu.memory_space<hbm>> -> memref<2x125xi32, #tpu.memory_space<hbm>>
        %dma_wait3A_88 = arith.constant 0 : i32
        %dma_wait3A_89 = tpu.memref_slice %arg4[%add3A_27, %dma_wait3A_88] : memref<2560x125xi32, #tpu.memory_space<hbm>> -> memref<2x125xi32, #tpu.memory_space<hbm>>
        tpu.wait_dma2 semaphore(%run_scoped3A_81 : memref<!tpu.dma_semaphore, #tpu.memory_space<semaphore_mem>>) src(%dma_wait3A_89 : memref<2x125xi32, #tpu.memory_space<hbm>>) dst(%arg9 : memref<2x125xi32, #tpu.memory_space<vmem>>)
        tpu.yield
      }) : () -> ()
      %dma_start3A = arith.constant 0 : i32
      %dma_start3A_28 = arith.constant 0 : i32
      %dma_start3A_29 = arith.constant 0 : i32
      %dma_start3A_30 = tpu.memref_slice %arg11[%dma_start3A_28, %dma_start3A_29] : memref<250x128xf32, #tpu.memory_space<vmem>> -> memref<125x128xf32, #tpu.memory_space<vmem>>
      %dma_start3A_31 = arith.constant 0 : i32
      %dma_start3A_32 = tpu.memref_slice %arg8[%dma_start3A, %dma_start3A_31] : memref<2x125xi32, #tpu.memory_space<vmem>> -> memref<1x125xi32, #tpu.memory_space<vmem>>
      %dma_start3A_33 = tpu.memref_squeeze %dma_start3A_32 : memref<1x125xi32, #tpu.memory_space<vmem>> -> memref<125xi32, #tpu.memory_space<vmem>>
      %dma_start3A_34 = arith.constant 0 : i32
      %dma_start3A_35 = arith.constant 0 : i32
      %dma_start3A_36 = tpu.memref_slice %arg2[%dma_start3A_34, %dma_start3A_35] : memref<10000x128xf32, #tpu.memory_space<hbm>> -> memref<10000x128xf32, #tpu.memory_space<hbm>>
      tpu.enqueue_indirect_dma source(%dma_start3A_36 : memref<10000x128xf32, #tpu.memory_space<hbm>>) target(%dma_start3A_30 : memref<125x128xf32, #tpu.memory_space<vmem>>) offsets(%dma_start3A_33 : memref<125xi32, #tpu.memory_space<vmem>>) semaphore(%arg13 : memref<!tpu.dma_semaphore, #tpu.memory_space<semaphore_mem>>)
      %dma_start3A_37 = arith.constant 1 : i32
      %dma_start3A_38 = arith.constant 125 : i32
      %dma_start3A_39 = arith.constant 0 : i32
      %dma_start3A_40 = tpu.memref_slice %arg11[%dma_start3A_38, %dma_start3A_39] : memref<250x128xf32, #tpu.memory_space<vmem>> -> memref<125x128xf32, #tpu.memory_space<vmem>>
      %dma_start3A_41 = arith.constant 0 : i32
      %dma_start3A_42 = tpu.memref_slice %arg8[%dma_start3A_37, %dma_start3A_41] : memref<2x125xi32, #tpu.memory_space<vmem>> -> memref<1x125xi32, #tpu.memory_space<vmem>>
      %dma_start3A_43 = tpu.memref_squeeze %dma_start3A_42 : memref<1x125xi32, #tpu.memory_space<vmem>> -> memref<125xi32, #tpu.memory_space<vmem>>
      %dma_start3A_44 = arith.constant 0 : i32
      %dma_start3A_45 = arith.constant 0 : i32
      %dma_start3A_46 = tpu.memref_slice %arg2[%dma_start3A_44, %dma_start3A_45] : memref<10000x128xf32, #tpu.memory_space<hbm>> -> memref<10000x128xf32, #tpu.memory_space<hbm>>
      tpu.enqueue_indirect_dma source(%dma_start3A_46 : memref<10000x128xf32, #tpu.memory_space<hbm>>) target(%dma_start3A_40 : memref<125x128xf32, #tpu.memory_space<vmem>>) offsets(%dma_start3A_43 : memref<125xi32, #tpu.memory_space<vmem>>) semaphore(%arg13 : memref<!tpu.dma_semaphore, #tpu.memory_space<semaphore_mem>>)
      %dma_wait3A = arith.constant 0 : i32
      %dma_wait3A_47 = arith.constant 0 : i32
      %dma_wait3A_48 = arith.constant 0 : i32
      %dma_wait3A_49 = tpu.memref_slice %arg11[%dma_wait3A_47, %dma_wait3A_48] : memref<250x128xf32, #tpu.memory_space<vmem>> -> memref<125x128xf32, #tpu.memory_space<vmem>>
      %dma_wait3A_50 = arith.constant 0 : i32
      %dma_wait3A_51 = tpu.memref_slice %arg8[%dma_wait3A, %dma_wait3A_50] : memref<2x125xi32, #tpu.memory_space<vmem>> -> memref<1x125xi32, #tpu.memory_space<vmem>>
      %dma_wait3A_52 = tpu.memref_squeeze %dma_wait3A_51 : memref<1x125xi32, #tpu.memory_space<vmem>> -> memref<125xi32, #tpu.memory_space<vmem>>
      %dma_wait3A_53 = arith.constant 0 : i32
      %dma_wait3A_54 = arith.constant 0 : i32
      %dma_wait3A_55 = tpu.memref_slice %arg2[%dma_wait3A_53, %dma_wait3A_54] : memref<10000x128xf32, #tpu.memory_space<hbm>> -> memref<10000x128xf32, #tpu.memory_space<hbm>>
      tpu.wait_indirect_dma semaphore(%arg13 : memref<!tpu.dma_semaphore, #tpu.memory_space<semaphore_mem>>) src(%dma_wait3A_55 : memref<10000x128xf32, #tpu.memory_space<hbm>>) dst(%dma_wait3A_49 : memref<125x128xf32, #tpu.memory_space<vmem>>)
      %dma_wait3A_56 = arith.constant 1 : i32
      %dma_wait3A_57 = arith.constant 125 : i32
      %dma_wait3A_58 = arith.constant 0 : i32
      %dma_wait3A_59 = tpu.memref_slice %arg11[%dma_wait3A_57, %dma_wait3A_58] : memref<250x128xf32, #tpu.memory_space<vmem>> -> memref<125x128xf32, #tpu.memory_space<vmem>>
      %dma_wait3A_60 = arith.constant 0 : i32
      %dma_wait3A_61 = tpu.memref_slice %arg8[%dma_wait3A_56, %dma_wait3A_60] : memref<2x125xi32, #tpu.memory_space<vmem>> -> memref<1x125xi32, #tpu.memory_space<vmem>>
      %dma_wait3A_62 = tpu.memref_squeeze %dma_wait3A_61 : memref<1x125xi32, #tpu.memory_space<vmem>> -> memref<125xi32, #tpu.memory_space<vmem>>
      %dma_wait3A_63 = arith.constant 0 : i32
      %dma_wait3A_64 = arith.constant 0 : i32
      %dma_wait3A_65 = tpu.memref_slice %arg2[%dma_wait3A_63, %dma_wait3A_64] : memref<10000x128xf32, #tpu.memory_space<hbm>> -> memref<10000x128xf32, #tpu.memory_space<hbm>>
      tpu.wait_indirect_dma semaphore(%arg13 : memref<!tpu.dma_semaphore, #tpu.memory_space<semaphore_mem>>) src(%dma_wait3A_65 : memref<10000x128xf32, #tpu.memory_space<hbm>>) dst(%dma_wait3A_59 : memref<125x128xf32, #tpu.memory_space<vmem>>)
      %scan3A_66 = arith.constant 0 : i32
      %scan3A_67 = arith.constant 0 : i32
      %scan3A_68 = arith.constant 125 : i32
      %scan3A_69 = arith.addi %scan3A_67, %scan3A_68 : i32
      %scan3A_70 = arith.constant 1 : i32
      %scan3A_71 = scf.for %scan3A_81 = %scan3A_67 to %scan3A_69 step %scan3A_70 iter_args(%scan3A_82 = %scan3A_66) -> (i32)  : i32 {
        %add3A_83 = arith.constant 0 : i32
        %add3A_84 = arith.addi %add3A_83, %scan3A_81 : i32
        %mul3A_85 = arith.constant 16 : i32
        %mul3A_86 = arith.muli %add3A_84, %mul3A_85 : i32
        %get3A = arith.index_cast %mul3A_86 : i32 to index
        %get3A_87 = tpu.vector_load %arg10[%get3A] {strides = array<i32>} : memref<4000xf32, #tpu.memory_space<vmem>>, vector<16xf32>,
        %broadcast_in_dim3A = arith.constant 0 : i32
        %broadcast_in_dim3A_88 = vector.broadcast %broadcast_in_dim3A : i32 to vector<16xi32>
        %add3A_89 = vector.broadcast %add3A_84 : i32 to vector<16xi32>
        %add3A_90 = arith.addi %add3A_89, %broadcast_in_dim3A_88 : vector<16xi32>
        %iota3A = tpu.iota {dimensions = array<i32: 0>} : vector<16xi32>
        %add3A_91 = arith.constant 0 : i32
        %add3A_92 = vector.broadcast %add3A_91 : i32 to vector<16xi32>
        %add3A_93 = arith.addi %add3A_92, %iota3A : vector<16xi32>
        %gather3A = tpu.vector_load_idx %arg11[%add3A_90, %add3A_93] : memref<250x128xf32, #tpu.memory_space<vmem>>[vector<16xi32>, vector<16xi32>], vector<16xf32>,
        %mul3A_94 = arith.mulf %gather3A, %get3A_87 : vector<16xf32>
        tpu.vector_store_idx %arg11[%add3A_90, %add3A_93], %mul3A_94 : memref<250x128xf32, #tpu.memory_space<vmem>>[vector<16xi32>, vector<16xi32>], vector<16xf32>,
        %iota3A_95 = tpu.iota {dimensions = array<i32: 0>} : vector<16xi32>
        %add3A_96 = arith.constant 16 : i32
        %add3A_97 = vector.broadcast %add3A_96 : i32 to vector<16xi32>
        %add3A_98 = arith.addi %add3A_97, %iota3A_95 : vector<16xi32>
        %gather3A_99 = tpu.vector_load_idx %arg11[%add3A_90, %add3A_98] : memref<250x128xf32, #tpu.memory_space<vmem>>[vector<16xi32>, vector<16xi32>], vector<16xf32>,
        %mul3A_100 = arith.mulf %gather3A_99, %get3A_87 : vector<16xf32>
        tpu.vector_store_idx %arg11[%add3A_90, %add3A_98], %mul3A_100 : memref<250x128xf32, #tpu.memory_space<vmem>>[vector<16xi32>, vector<16xi32>], vector<16xf32>,
        %iota3A_101 = tpu.iota {dimensions = array<i32: 0>} : vector<16xi32>
        %add3A_102 = arith.constant 32 : i32
        %add3A_103 = vector.broadcast %add3A_102 : i32 to vector<16xi32>
        %add3A_104 = arith.addi %add3A_103, %iota3A_101 : vector<16xi32>
        %gather3A_105 = tpu.vector_load_idx %arg11[%add3A_90, %add3A_104] : memref<250x128xf32, #tpu.memory_space<vmem>>[vector<16xi32>, vector<16xi32>], vector<16xf32>,
        %mul3A_106 = arith.mulf %gather3A_105, %get3A_87 : vector<16xf32>
        tpu.vector_store_idx %arg11[%add3A_90, %add3A_104], %mul3A_106 : memref<250x128xf32, #tpu.memory_space<vmem>>[vector<16xi32>, vector<16xi32>], vector<16xf32>,
        %iota3A_107 = tpu.iota {dimensions = array<i32: 0>} : vector<16xi32>
        %add3A_108 = arith.constant 48 : i32
        %add3A_109 = vector.broadcast %add3A_108 : i32 to vector<16xi32>
        %add3A_110 = arith.addi %add3A_109, %iota3A_107 : vector<16xi32>
        %gather3A_111 = tpu.vector_load_idx %arg11[%add3A_90, %add3A_110] : memref<250x128xf32, #tpu.memory_space<vmem>>[vector<16xi32>, vector<16xi32>], vector<16xf32>,
        %mul3A_112 = arith.mulf %gather3A_111, %get3A_87 : vector<16xf32>
        tpu.vector_store_idx %arg11[%add3A_90, %add3A_110], %mul3A_112 : memref<250x128xf32, #tpu.memory_space<vmem>>[vector<16xi32>, vector<16xi32>], vector<16xf32>,
        %iota3A_113 = tpu.iota {dimensions = array<i32: 0>} : vector<16xi32>
        %add3A_114 = arith.constant 64 : i32
        %add3A_115 = vector.broadcast %add3A_114 : i32 to vector<16xi32>
        %add3A_116 = arith.addi %add3A_115, %iota3A_113 : vector<16xi32>
        %gather3A_117 = tpu.vector_load_idx %arg11[%add3A_90, %add3A_116] : memref<250x128xf32, #tpu.memory_space<vmem>>[vector<16xi32>, vector<16xi32>], vector<16xf32>,
        %mul3A_118 = arith.mulf %gather3A_117, %get3A_87 : vector<16xf32>
        tpu.vector_store_idx %arg11[%add3A_90, %add3A_116], %mul3A_118 : memref<250x128xf32, #tpu.memory_space<vmem>>[vector<16xi32>, vector<16xi32>], vector<16xf32>,
        %iota3A_119 = tpu.iota {dimensions = array<i32: 0>} : vector<16xi32>
        %add3A_120 = arith.constant 80 : i32
        %add3A_121 = vector.broadcast %add3A_120 : i32 to vector<16xi32>
        %add3A_122 = arith.addi %add3A_121, %iota3A_119 : vector<16xi32>
        %gather3A_123 = tpu.vector_load_idx %arg11[%add3A_90, %add3A_122] : memref<250x128xf32, #tpu.memory_space<vmem>>[vector<16xi32>, vector<16xi32>], vector<16xf32>,
        %mul3A_124 = arith.mulf %gather3A_123, %get3A_87 : vector<16xf32>
        tpu.vector_store_idx %arg11[%add3A_90, %add3A_122], %mul3A_124 : memref<250x128xf32, #tpu.memory_space<vmem>>[vector<16xi32>, vector<16xi32>], vector<16xf32>,
        %iota3A_125 = tpu.iota {dimensions = array<i32: 0>} : vector<16xi32>
        %add3A_126 = arith.constant 96 : i32
        %add3A_127 = vector.broadcast %add3A_126 : i32 to vector<16xi32>
        %add3A_128 = arith.addi %add3A_127, %iota3A_125 : vector<16xi32>
        %gather3A_129 = tpu.vector_load_idx %arg11[%add3A_90, %add3A_128] : memref<250x128xf32, #tpu.memory_space<vmem>>[vector<16xi32>, vector<16xi32>], vector<16xf32>,
        %mul3A_130 = arith.mulf %gather3A_129, %get3A_87 : vector<16xf32>
        tpu.vector_store_idx %arg11[%add3A_90, %add3A_128], %mul3A_130 : memref<250x128xf32, #tpu.memory_space<vmem>>[vector<16xi32>, vector<16xi32>], vector<16xf32>,
        %iota3A_131 = tpu.iota {dimensions = array<i32: 0>} : vector<16xi32>
        %add3A_132 = arith.constant 112 : i32
        %add3A_133 = vector.broadcast %add3A_132 : i32 to vector<16xi32>
        %add3A_134 = arith.addi %add3A_133, %iota3A_131 : vector<16xi32>
        %gather3A_135 = tpu.vector_load_idx %arg11[%add3A_90, %add3A_134] : memref<250x128xf32, #tpu.memory_space<vmem>>[vector<16xi32>, vector<16xi32>], vector<16xf32>,
        %mul3A_136 = arith.mulf %gather3A_135, %get3A_87 : vector<16xf32>
        tpu.vector_store_idx %arg11[%add3A_90, %add3A_134], %mul3A_136 : memref<250x128xf32, #tpu.memory_space<vmem>>[vector<16xi32>, vector<16xi32>], vector<16xf32>,
        %scan3A_137 = arith.constant 0 : i32
        scf.yield %scan3A_137 : i32
      }
      %scan3A_72 = arith.constant 125 : i32
      %scan3A_73 = arith.constant 0 : i32
      %scan3A_74 = arith.constant 0 : i32
      %scan3A_75 = arith.constant 125 : i32
      %scan3A_76 = arith.addi %scan3A_74, %scan3A_75 : i32
      %scan3A_77 = arith.constant 1 : i32
      %scan3A_78 = scf.for %scan3A_81 = %scan3A_74 to %scan3A_76 step %scan3A_77 iter_args(%scan3A_82 = %scan3A_73) -> (i32)  : i32 {
        %add3A_83 = arith.constant 125 : i32
        %add3A_84 = arith.addi %add3A_83, %scan3A_81 : i32
        %mul3A_85 = arith.constant 16 : i32
        %mul3A_86 = arith.muli %add3A_84, %mul3A_85 : i32
        %get3A = arith.index_cast %mul3A_86 : i32 to index
        %get3A_87 = tpu.vector_load %arg10[%get3A] {strides = array<i32>} : memref<4000xf32, #tpu.memory_space<vmem>>, vector<16xf32>,
        %broadcast_in_dim3A = arith.constant 0 : i32
        %broadcast_in_dim3A_88 = vector.broadcast %broadcast_in_dim3A : i32 to vector<16xi32>
        %add3A_89 = vector.broadcast %add3A_84 : i32 to vector<16xi32>
        %add3A_90 = arith.addi %add3A_89, %broadcast_in_dim3A_88 : vector<16xi32>
        %iota3A = tpu.iota {dimensions = array<i32: 0>} : vector<16xi32>
        %add3A_91 = arith.constant 0 : i32
        %add3A_92 = vector.broadcast %add3A_91 : i32 to vector<16xi32>
        %add3A_93 = arith.addi %add3A_92, %iota3A : vector<16xi32>
        %gather3A = tpu.vector_load_idx %arg11[%add3A_90, %add3A_93] : memref<250x128xf32, #tpu.memory_space<vmem>>[vector<16xi32>, vector<16xi32>], vector<16xf32>,
        %mul3A_94 = arith.mulf %gather3A, %get3A_87 : vector<16xf32>
        tpu.vector_store_idx %arg11[%add3A_90, %add3A_93], %mul3A_94 : memref<250x128xf32, #tpu.memory_space<vmem>>[vector<16xi32>, vector<16xi32>], vector<16xf32>,
        %iota3A_95 = tpu.iota {dimensions = array<i32: 0>} : vector<16xi32>
        %add3A_96 = arith.constant 16 : i32
        %add3A_97 = vector.broadcast %add3A_96 : i32 to vector<16xi32>
        %add3A_98 = arith.addi %add3A_97, %iota3A_95 : vector<16xi32>
        %gather3A_99 = tpu.vector_load_idx %arg11[%add3A_90, %add3A_98] : memref<250x128xf32, #tpu.memory_space<vmem>>[vector<16xi32>, vector<16xi32>], vector<16xf32>,
        %mul3A_100 = arith.mulf %gather3A_99, %get3A_87 : vector<16xf32>
        tpu.vector_store_idx %arg11[%add3A_90, %add3A_98], %mul3A_100 : memref<250x128xf32, #tpu.memory_space<vmem>>[vector<16xi32>, vector<16xi32>], vector<16xf32>,
        %iota3A_101 = tpu.iota {dimensions = array<i32: 0>} : vector<16xi32>
        %add3A_102 = arith.constant 32 : i32
        %add3A_103 = vector.broadcast %add3A_102 : i32 to vector<16xi32>
        %add3A_104 = arith.addi %add3A_103, %iota3A_101 : vector<16xi32>
        %gather3A_105 = tpu.vector_load_idx %arg11[%add3A_90, %add3A_104] : memref<250x128xf32, #tpu.memory_space<vmem>>[vector<16xi32>, vector<16xi32>], vector<16xf32>,
        %mul3A_106 = arith.mulf %gather3A_105, %get3A_87 : vector<16xf32>
        tpu.vector_store_idx %arg11[%add3A_90, %add3A_104], %mul3A_106 : memref<250x128xf32, #tpu.memory_space<vmem>>[vector<16xi32>, vector<16xi32>], vector<16xf32>,
        %iota3A_107 = tpu.iota {dimensions = array<i32: 0>} : vector<16xi32>
        %add3A_108 = arith.constant 48 : i32
        %add3A_109 = vector.broadcast %add3A_108 : i32 to vector<16xi32>
        %add3A_110 = arith.addi %add3A_109, %iota3A_107 : vector<16xi32>
        %gather3A_111 = tpu.vector_load_idx %arg11[%add3A_90, %add3A_110] : memref<250x128xf32, #tpu.memory_space<vmem>>[vector<16xi32>, vector<16xi32>], vector<16xf32>,
        %mul3A_112 = arith.mulf %gather3A_111, %get3A_87 : vector<16xf32>
        tpu.vector_store_idx %arg11[%add3A_90, %add3A_110], %mul3A_112 : memref<250x128xf32, #tpu.memory_space<vmem>>[vector<16xi32>, vector<16xi32>], vector<16xf32>,
        %iota3A_113 = tpu.iota {dimensions = array<i32: 0>} : vector<16xi32>
        %add3A_114 = arith.constant 64 : i32
        %add3A_115 = vector.broadcast %add3A_114 : i32 to vector<16xi32>
        %add3A_116 = arith.addi %add3A_115, %iota3A_113 : vector<16xi32>
        %gather3A_117 = tpu.vector_load_idx %arg11[%add3A_90, %add3A_116] : memref<250x128xf32, #tpu.memory_space<vmem>>[vector<16xi32>, vector<16xi32>], vector<16xf32>,
        %mul3A_118 = arith.mulf %gather3A_117, %get3A_87 : vector<16xf32>
        tpu.vector_store_idx %arg11[%add3A_90, %add3A_116], %mul3A_118 : memref<250x128xf32, #tpu.memory_space<vmem>>[vector<16xi32>, vector<16xi32>], vector<16xf32>,
        %iota3A_119 = tpu.iota {dimensions = array<i32: 0>} : vector<16xi32>
        %add3A_120 = arith.constant 80 : i32
        %add3A_121 = vector.broadcast %add3A_120 : i32 to vector<16xi32>
        %add3A_122 = arith.addi %add3A_121, %iota3A_119 : vector<16xi32>
        %gather3A_123 = tpu.vector_load_idx %arg11[%add3A_90, %add3A_122] : memref<250x128xf32, #tpu.memory_space<vmem>>[vector<16xi32>, vector<16xi32>], vector<16xf32>,
        %mul3A_124 = arith.mulf %gather3A_123, %get3A_87 : vector<16xf32>
        tpu.vector_store_idx %arg11[%add3A_90, %add3A_122], %mul3A_124 : memref<250x128xf32, #tpu.memory_space<vmem>>[vector<16xi32>, vector<16xi32>], vector<16xf32>,
        %iota3A_125 = tpu.iota {dimensions = array<i32: 0>} : vector<16xi32>
        %add3A_126 = arith.constant 96 : i32
        %add3A_127 = vector.broadcast %add3A_126 : i32 to vector<16xi32>
        %add3A_128 = arith.addi %add3A_127, %iota3A_125 : vector<16xi32>
        %gather3A_129 = tpu.vector_load_idx %arg11[%add3A_90, %add3A_128] : memref<250x128xf32, #tpu.memory_space<vmem>>[vector<16xi32>, vector<16xi32>], vector<16xf32>,
        %mul3A_130 = arith.mulf %gather3A_129, %get3A_87 : vector<16xf32>
        tpu.vector_store_idx %arg11[%add3A_90, %add3A_128], %mul3A_130 : memref<250x128xf32, #tpu.memory_space<vmem>>[vector<16xi32>, vector<16xi32>], vector<16xf32>,
        %iota3A_131 = tpu.iota {dimensions = array<i32: 0>} : vector<16xi32>
        %add3A_132 = arith.constant 112 : i32
        %add3A_133 = vector.broadcast %add3A_132 : i32 to vector<16xi32>
        %add3A_134 = arith.addi %add3A_133, %iota3A_131 : vector<16xi32>
        %gather3A_135 = tpu.vector_load_idx %arg11[%add3A_90, %add3A_134] : memref<250x128xf32, #tpu.memory_space<vmem>>[vector<16xi32>, vector<16xi32>], vector<16xf32>,
        %mul3A_136 = arith.mulf %gather3A_135, %get3A_87 : vector<16xf32>
        tpu.vector_store_idx %arg11[%add3A_90, %add3A_134], %mul3A_136 : memref<250x128xf32, #tpu.memory_space<vmem>>[vector<16xi32>, vector<16xi32>], vector<16xf32>,
        %scan3A_137 = arith.constant 0 : i32
        scf.yield %scan3A_137 : i32
      }
      %scan3A_79 = arith.constant 125 : i32
      %run_scoped3A = arith.constant 0 : i32
      "tpu.region"() ({
        %run_scoped3A_81 = tpu.sem_alloc : memref<!tpu.dma_semaphore, #tpu.memory_space<semaphore_mem>>
        %dma_start3A_82 = arith.constant 0 : i32
        %dma_start3A_83 = arith.constant 0 : i32
        %dma_start3A_84 = tpu.memref_slice %arg11[%dma_start3A_82, %dma_start3A_83] : memref<250x128xf32, #tpu.memory_space<vmem>> -> memref<125x128xf32, #tpu.memory_space<vmem>>
        %dma_start3A_85 = arith.constant 0 : i32
        %dma_start3A_86 = tpu.memref_slice %arg9[%run_scoped3A, %dma_start3A_85] : memref<2x125xi32, #tpu.memory_space<vmem>> -> memref<1x125xi32, #tpu.memory_space<vmem>>
        %dma_start3A_87 = tpu.memref_squeeze %dma_start3A_86 : memref<1x125xi32, #tpu.memory_space<vmem>> -> memref<125xi32, #tpu.memory_space<vmem>>
        %dma_start3A_88 = arith.constant 0 : i32
        %dma_start3A_89 = arith.constant 0 : i32
        %dma_start3A_90 = tpu.memref_slice %arg12[%dma_start3A_88, %dma_start3A_89] : memref<10000x128xf32, #tpu.memory_space<vmem_shared>> -> memref<10000x128xf32, #tpu.memory_space<vmem_shared>>
        tpu.enqueue_indirect_dma source(%dma_start3A_84 : memref<125x128xf32, #tpu.memory_space<vmem>>) target(%dma_start3A_90 : memref<10000x128xf32, #tpu.memory_space<vmem_shared>>) offsets(%dma_start3A_87 : memref<125xi32, #tpu.memory_space<vmem>>) semaphore(%run_scoped3A_81 : memref<!tpu.dma_semaphore, #tpu.memory_space<semaphore_mem>>) {add = true}
        %dma_wait3A_91 = arith.constant 0 : i32
        %dma_wait3A_92 = arith.constant 0 : i32
        %dma_wait3A_93 = tpu.memref_slice %arg11[%dma_wait3A_91, %dma_wait3A_92] : memref<250x128xf32, #tpu.memory_space<vmem>> -> memref<125x128xf32, #tpu.memory_space<vmem>>
        %dma_wait3A_94 = arith.constant 0 : i32
        %dma_wait3A_95 = tpu.memref_slice %arg9[%run_scoped3A, %dma_wait3A_94] : memref<2x125xi32, #tpu.memory_space<vmem>> -> memref<1x125xi32, #tpu.memory_space<vmem>>
        %dma_wait3A_96 = tpu.memref_squeeze %dma_wait3A_95 : memref<1x125xi32, #tpu.memory_space<vmem>> -> memref<125xi32, #tpu.memory_space<vmem>>
        %dma_wait3A_97 = arith.constant 0 : i32
        %dma_wait3A_98 = arith.constant 0 : i32
        %dma_wait3A_99 = tpu.memref_slice %arg12[%dma_wait3A_97, %dma_wait3A_98] : memref<10000x128xf32, #tpu.memory_space<vmem_shared>> -> memref<10000x128xf32, #tpu.memory_space<vmem_shared>>
        tpu.wait_indirect_dma semaphore(%run_scoped3A_81 : memref<!tpu.dma_semaphore, #tpu.memory_space<semaphore_mem>>) src(%dma_wait3A_93 : memref<125x128xf32, #tpu.memory_space<vmem>>) dst(%dma_wait3A_99 : memref<10000x128xf32, #tpu.memory_space<vmem_shared>>)
        tpu.yield
      }) : () -> ()
      %run_scoped3A_80 = arith.constant 1 : i32
      "tpu.region"() ({
        %run_scoped3A_81 = tpu.sem_alloc : memref<!tpu.dma_semaphore, #tpu.memory_space<semaphore_mem>>
        %dma_start3A_82 = arith.constant 125 : i32
        %dma_start3A_83 = arith.constant 0 : i32
        %dma_start3A_84 = tpu.memref_slice %arg11[%dma_start3A_82, %dma_start3A_83] : memref<250x128xf32, #tpu.memory_space<vmem>> -> memref<125x128xf32, #tpu.memory_space<vmem>>
        %dma_start3A_85 = arith.constant 0 : i32
        %dma_start3A_86 = tpu.memref_slice %arg9[%run_scoped3A_80, %dma_start3A_85] : memref<2x125xi32, #tpu.memory_space<vmem>> -> memref<1x125xi32, #tpu.memory_space<vmem>>
        %dma_start3A_87 = tpu.memref_squeeze %dma_start3A_86 : memref<1x125xi32, #tpu.memory_space<vmem>> -> memref<125xi32, #tpu.memory_space<vmem>>
        %dma_start3A_88 = arith.constant 0 : i32
        %dma_start3A_89 = arith.constant 0 : i32
        %dma_start3A_90 = tpu.memref_slice %arg12[%dma_start3A_88, %dma_start3A_89] : memref<10000x128xf32, #tpu.memory_space<vmem_shared>> -> memref<10000x128xf32, #tpu.memory_space<vmem_shared>>
        tpu.enqueue_indirect_dma source(%dma_start3A_84 : memref<125x128xf32, #tpu.memory_space<vmem>>) target(%dma_start3A_90 : memref<10000x128xf32, #tpu.memory_space<vmem_shared>>) offsets(%dma_start3A_87 : memref<125xi32, #tpu.memory_space<vmem>>) semaphore(%run_scoped3A_81 : memref<!tpu.dma_semaphore, #tpu.memory_space<semaphore_mem>>) {add = true}
        %dma_wait3A_91 = arith.constant 125 : i32
        %dma_wait3A_92 = arith.constant 0 : i32
        %dma_wait3A_93 = tpu.memref_slice %arg11[%dma_wait3A_91, %dma_wait3A_92] : memref<250x128xf32, #tpu.memory_space<vmem>> -> memref<125x128xf32, #tpu.memory_space<vmem>>
        %dma_wait3A_94 = arith.constant 0 : i32
        %dma_wait3A_95 = tpu.memref_slice %arg9[%run_scoped3A_80, %dma_wait3A_94] : memref<2x125xi32, #tpu.memory_space<vmem>> -> memref<1x125xi32, #tpu.memory_space<vmem>>
        %dma_wait3A_96 = tpu.memref_squeeze %dma_wait3A_95 : memref<1x125xi32, #tpu.memory_space<vmem>> -> memref<125xi32, #tpu.memory_space<vmem>>
        %dma_wait3A_97 = arith.constant 0 : i32
        %dma_wait3A_98 = arith.constant 0 : i32
        %dma_wait3A_99 = tpu.memref_slice %arg12[%dma_wait3A_97, %dma_wait3A_98] : memref<10000x128xf32, #tpu.memory_space<vmem_shared>> -> memref<10000x128xf32, #tpu.memory_space<vmem_shared>>
        tpu.wait_indirect_dma semaphore(%run_scoped3A_81 : memref<!tpu.dma_semaphore, #tpu.memory_space<semaphore_mem>>) src(%dma_wait3A_93 : memref<125x128xf32, #tpu.memory_space<vmem>>) dst(%dma_wait3A_99 : memref<10000x128xf32, #tpu.memory_space<vmem_shared>>)
        tpu.yield
      }) : () -> ()
    }
    %scan3A_9 = arith.constant 40 : i32
    %barrier3A_10 = arith.constant 0 : index
    tpu.barrier barrier_id(%barrier3A_10)
    %mul3A_11 = arith.constant 625 : i32
    %mul3A_12 = arith.muli %arg1, %mul3A_11 : i32
    %mul3A_13 = arith.constant 625 : i32
    %mul3A_14 = arith.muli %arg1, %mul3A_13 : i32
    "tpu.region"() ({
      %run_scoped3A = tpu.sem_alloc : memref<!tpu.dma_semaphore, #tpu.memory_space<semaphore_mem>>
      %dma_start3A = arith.constant 0 : i32
      %dma_start3A_15 = tpu.memref_slice %arg7[%arg0, %mul3A_14, %dma_start3A] : memref<2x10000x128xf32, #tpu.memory_space<hbm>> -> memref<1x625x128xf32, #tpu.memory_space<hbm>>
      %dma_start3A_16 = tpu.memref_squeeze %dma_start3A_15 : memref<1x625x128xf32, #tpu.memory_space<hbm>> -> memref<625x128xf32, #tpu.memory_space<hbm>>
      %dma_start3A_17 = arith.constant 0 : i32
      %dma_start3A_18 = tpu.memref_slice %arg12[%mul3A_12, %dma_start3A_17] : memref<10000x128xf32, #tpu.memory_space<vmem_shared>> -> memref<625x128xf32, #tpu.memory_space<vmem_shared>>
      tpu.enqueue_dma source(%dma_start3A_18 : memref<625x128xf32, #tpu.memory_space<vmem_shared>>) target(%dma_start3A_16 : memref<625x128xf32, #tpu.memory_space<hbm>>) target_semaphore(%run_scoped3A : memref<!tpu.dma_semaphore, #tpu.memory_space<semaphore_mem>>)
      %dma_wait3A = arith.constant 0 : i32
      %dma_wait3A_19 = tpu.memref_slice %arg7[%arg0, %mul3A_14, %dma_wait3A] : memref<2x10000x128xf32, #tpu.memory_space<hbm>> -> memref<1x625x128xf32, #tpu.memory_space<hbm>>
      %dma_wait3A_20 = tpu.memref_squeeze %dma_wait3A_19 : memref<1x625x128xf32, #tpu.memory_space<hbm>> -> memref<625x128xf32, #tpu.memory_space<hbm>>
      %dma_wait3A_21 = arith.constant 0 : i32
      %dma_wait3A_22 = tpu.memref_slice %arg12[%mul3A_12, %dma_wait3A_21] : memref<10000x128xf32, #tpu.memory_space<vmem_shared>> -> memref<625x128xf32, #tpu.memory_space<vmem_shared>>
      tpu.wait_dma2 semaphore(%run_scoped3A : memref<!tpu.dma_semaphore, #tpu.memory_space<semaphore_mem>>) src(%dma_wait3A_22 : memref<625x128xf32, #tpu.memory_space<vmem_shared>>) dst(%dma_wait3A_20 : memref<625x128xf32, #tpu.memory_space<hbm>>)
      tpu.yield
    }) : () -> ()
    return
  }
}

#map = affine_map<(d0, d1) -> (0, 0)>
#map1 = affine_map<(d0, d1) -> (0)>
#map2 = affine_map<(d0, d1) -> (0, 0, 0)>
module attributes {stable_mosaic.version = 14 : i64} {
  func.func @seg(%arg0: i32, %arg1: i32, %arg2: memref<10000x40xf32, #tpu.memory_space<hbm>>, %arg3: memref<2560x125xi32, #tpu.memory_space<hbm>>, %arg4: memref<2560x125xi32, #tpu.memory_space<hbm>>, %arg5: memref<5120000xf32, #tpu.memory_space<hbm>>, %arg6: memref<10000x40xf32, #tpu.memory_space<hbm>>, %arg7: memref<2x10000x40xf32, #tpu.memory_space<hbm>>, %arg8: memref<80x125xi32, #tpu.memory_space<vmem>>, %arg9: memref<80x125xi32, #tpu.memory_space<vmem>>, %arg10: memref<16000xf32, #tpu.memory_space<vmem>>, %arg11: memref<1000x40xf32, #tpu.memory_space<vmem>>, %arg12: memref<10000x40xf32, #tpu.memory_space<vmem_shared>>, %arg13: memref<!tpu.dma_semaphore, #tpu.memory_space<semaphore_mem>>) attributes {dimension_semantics = [#tpu.dimension_semantics<core_parallel>, #tpu.dimension_semantics<subcore_parallel>], iteration_bounds = array<i64: 2, 16>, scalar_prefetch = 0 : i64, scratch_operands = 6 : i64, tpu.core_type = #tpu.core_type<sc_vector_subcore>, window_params = [{transform_indices = #map}, {transform_indices = #map}, {transform_indices = #map}, {transform_indices = #map1}, {transform_indices = #map}, {transform_indices = #map2}]} {
    %mul3A = arith.constant 16 : i32
    %mul3A_0 = arith.muli %arg0, %mul3A : i32
    %add3A = arith.addi %mul3A_0, %arg1 : i32
    %mul3A_1 = arith.constant 625 : i32
    %mul3A_2 = arith.muli %arg1, %mul3A_1 : i32
    %mul3A_3 = arith.constant 625 : i32
    %mul3A_4 = arith.muli %arg1, %mul3A_3 : i32
    "tpu.region"() ({
      %run_scoped3A = tpu.sem_alloc : memref<!tpu.dma_semaphore, #tpu.memory_space<semaphore_mem>>
      %dma_start3A = arith.constant 0 : i32
      %dma_start3A_19 = tpu.memref_slice %arg12[%mul3A_4, %dma_start3A] : memref<10000x40xf32, #tpu.memory_space<vmem_shared>> -> memref<625x40xf32, #tpu.memory_space<vmem_shared>>
      %dma_start3A_20 = arith.constant 0 : i32
      %dma_start3A_21 = tpu.memref_slice %arg6[%mul3A_2, %dma_start3A_20] : memref<10000x40xf32, #tpu.memory_space<hbm>> -> memref<625x40xf32, #tpu.memory_space<hbm>>
      tpu.enqueue_dma source(%dma_start3A_21 : memref<625x40xf32, #tpu.memory_space<hbm>>) target(%dma_start3A_19 : memref<625x40xf32, #tpu.memory_space<vmem_shared>>) target_semaphore(%run_scoped3A : memref<!tpu.dma_semaphore, #tpu.memory_space<semaphore_mem>>)
      %dma_wait3A = arith.constant 0 : i32
      %dma_wait3A_22 = tpu.memref_slice %arg12[%mul3A_4, %dma_wait3A] : memref<10000x40xf32, #tpu.memory_space<vmem_shared>> -> memref<625x40xf32, #tpu.memory_space<vmem_shared>>
      %dma_wait3A_23 = arith.constant 0 : i32
      %dma_wait3A_24 = tpu.memref_slice %arg6[%mul3A_2, %dma_wait3A_23] : memref<10000x40xf32, #tpu.memory_space<hbm>> -> memref<625x40xf32, #tpu.memory_space<hbm>>
      tpu.wait_dma2 semaphore(%run_scoped3A : memref<!tpu.dma_semaphore, #tpu.memory_space<semaphore_mem>>) src(%dma_wait3A_24 : memref<625x40xf32, #tpu.memory_space<hbm>>) dst(%dma_wait3A_22 : memref<625x40xf32, #tpu.memory_space<vmem_shared>>)
      tpu.yield
    }) : () -> ()
    %mul3A_5 = arith.constant 80 : i32
    %mul3A_6 = arith.muli %add3A, %mul3A_5 : i32
    "tpu.region"() ({
      %run_scoped3A = tpu.sem_alloc : memref<!tpu.dma_semaphore, #tpu.memory_space<semaphore_mem>>
      %dma_start3A = arith.constant 0 : i32
      %dma_start3A_19 = tpu.memref_slice %arg3[%mul3A_6, %dma_start3A] : memref<2560x125xi32, #tpu.memory_space<hbm>> -> memref<80x125xi32, #tpu.memory_space<hbm>>
      %dma_start3A_20 = arith.constant 0 : i32
      %dma_start3A_21 = tpu.memref_slice %arg3[%mul3A_6, %dma_start3A_20] : memref<2560x125xi32, #tpu.memory_space<hbm>> -> memref<80x125xi32, #tpu.memory_space<hbm>>
      tpu.enqueue_dma source(%dma_start3A_21 : memref<80x125xi32, #tpu.memory_space<hbm>>) target(%arg8 : memref<80x125xi32, #tpu.memory_space<vmem>>) target_semaphore(%run_scoped3A : memref<!tpu.dma_semaphore, #tpu.memory_space<semaphore_mem>>)
      %dma_wait3A = arith.constant 0 : i32
      %dma_wait3A_22 = tpu.memref_slice %arg3[%mul3A_6, %dma_wait3A] : memref<2560x125xi32, #tpu.memory_space<hbm>> -> memref<80x125xi32, #tpu.memory_space<hbm>>
      %dma_wait3A_23 = arith.constant 0 : i32
      %dma_wait3A_24 = tpu.memref_slice %arg3[%mul3A_6, %dma_wait3A_23] : memref<2560x125xi32, #tpu.memory_space<hbm>> -> memref<80x125xi32, #tpu.memory_space<hbm>>
      tpu.wait_dma2 semaphore(%run_scoped3A : memref<!tpu.dma_semaphore, #tpu.memory_space<semaphore_mem>>) src(%dma_wait3A_24 : memref<80x125xi32, #tpu.memory_space<hbm>>) dst(%arg8 : memref<80x125xi32, #tpu.memory_space<vmem>>)
      tpu.yield
    }) : () -> ()
    %mul3A_7 = arith.constant 80 : i32
    %mul3A_8 = arith.muli %add3A, %mul3A_7 : i32
    "tpu.region"() ({
      %run_scoped3A = tpu.sem_alloc : memref<!tpu.dma_semaphore, #tpu.memory_space<semaphore_mem>>
      %dma_start3A = arith.constant 0 : i32
      %dma_start3A_19 = tpu.memref_slice %arg4[%mul3A_8, %dma_start3A] : memref<2560x125xi32, #tpu.memory_space<hbm>> -> memref<80x125xi32, #tpu.memory_space<hbm>>
      %dma_start3A_20 = arith.constant 0 : i32
      %dma_start3A_21 = tpu.memref_slice %arg4[%mul3A_8, %dma_start3A_20] : memref<2560x125xi32, #tpu.memory_space<hbm>> -> memref<80x125xi32, #tpu.memory_space<hbm>>
      tpu.enqueue_dma source(%dma_start3A_21 : memref<80x125xi32, #tpu.memory_space<hbm>>) target(%arg9 : memref<80x125xi32, #tpu.memory_space<vmem>>) target_semaphore(%run_scoped3A : memref<!tpu.dma_semaphore, #tpu.memory_space<semaphore_mem>>)
      %dma_wait3A = arith.constant 0 : i32
      %dma_wait3A_22 = tpu.memref_slice %arg4[%mul3A_8, %dma_wait3A] : memref<2560x125xi32, #tpu.memory_space<hbm>> -> memref<80x125xi32, #tpu.memory_space<hbm>>
      %dma_wait3A_23 = arith.constant 0 : i32
      %dma_wait3A_24 = tpu.memref_slice %arg4[%mul3A_8, %dma_wait3A_23] : memref<2560x125xi32, #tpu.memory_space<hbm>> -> memref<80x125xi32, #tpu.memory_space<hbm>>
      tpu.wait_dma2 semaphore(%run_scoped3A : memref<!tpu.dma_semaphore, #tpu.memory_space<semaphore_mem>>) src(%dma_wait3A_24 : memref<80x125xi32, #tpu.memory_space<hbm>>) dst(%arg9 : memref<80x125xi32, #tpu.memory_space<vmem>>)
      tpu.yield
    }) : () -> ()
    %barrier3A = arith.constant 0 : index
    tpu.barrier barrier_id(%barrier3A)
    %scan3A = arith.constant 0 : i32
    %scan3A_9 = arith.constant 0 : i32
    %scan3A_10 = arith.constant 10 : i32
    %scan3A_11 = arith.addi %scan3A_9, %scan3A_10 : i32
    %scan3A_12 = arith.constant 1 : i32
    scf.for %scan3A_19 = %scan3A_9 to %scan3A_11 step %scan3A_12  : i32 {
      %mul3A_20 = arith.constant 10000 : i32
      %mul3A_21 = arith.muli %add3A, %mul3A_20 : i32
      %mul3A_22 = arith.constant 1000 : i32
      %mul3A_23 = arith.muli %scan3A_19, %mul3A_22 : i32
      %add3A_24 = arith.addi %mul3A_21, %mul3A_23 : i32
      %mul3A_25 = arith.constant 16 : i32
      %mul3A_26 = arith.muli %add3A_24, %mul3A_25 : i32
      "tpu.region"() ({
        %run_scoped3A = tpu.sem_alloc : memref<!tpu.dma_semaphore, #tpu.memory_space<semaphore_mem>>
        %dma_start3A_259 = tpu.memref_slice %arg5[%mul3A_26] : memref<5120000xf32, #tpu.memory_space<hbm>> -> memref<16000xf32, #tpu.memory_space<hbm>>
        %dma_start3A_260 = tpu.memref_slice %arg5[%mul3A_26] : memref<5120000xf32, #tpu.memory_space<hbm>> -> memref<16000xf32, #tpu.memory_space<hbm>>
        tpu.enqueue_dma source(%dma_start3A_260 : memref<16000xf32, #tpu.memory_space<hbm>>) target(%arg10 : memref<16000xf32, #tpu.memory_space<vmem>>) target_semaphore(%run_scoped3A : memref<!tpu.dma_semaphore, #tpu.memory_space<semaphore_mem>>)
        %dma_wait3A_261 = tpu.memref_slice %arg5[%mul3A_26] : memref<5120000xf32, #tpu.memory_space<hbm>> -> memref<16000xf32, #tpu.memory_space<hbm>>
        %dma_wait3A_262 = tpu.memref_slice %arg5[%mul3A_26] : memref<5120000xf32, #tpu.memory_space<hbm>> -> memref<16000xf32, #tpu.memory_space<hbm>>
        tpu.wait_dma2 semaphore(%run_scoped3A : memref<!tpu.dma_semaphore, #tpu.memory_space<semaphore_mem>>) src(%dma_wait3A_262 : memref<16000xf32, #tpu.memory_space<hbm>>) dst(%arg10 : memref<16000xf32, #tpu.memory_space<vmem>>)
        tpu.yield
      }) : () -> ()
      %mul3A_27 = arith.constant 8 : i32
      %mul3A_28 = arith.muli %scan3A_19, %mul3A_27 : i32
      %add3A_29 = arith.constant 0 : i32
      %add3A_30 = arith.addi %mul3A_28, %add3A_29 : i32
      %dma_start3A = arith.constant 0 : i32
      %dma_start3A_31 = arith.constant 0 : i32
      %dma_start3A_32 = tpu.memref_slice %arg11[%dma_start3A, %dma_start3A_31] : memref<1000x40xf32, #tpu.memory_space<vmem>> -> memref<125x40xf32, #tpu.memory_space<vmem>>
      %dma_start3A_33 = arith.constant 0 : i32
      %dma_start3A_34 = tpu.memref_slice %arg8[%add3A_30, %dma_start3A_33] : memref<80x125xi32, #tpu.memory_space<vmem>> -> memref<1x125xi32, #tpu.memory_space<vmem>>
      %dma_start3A_35 = tpu.memref_squeeze %dma_start3A_34 : memref<1x125xi32, #tpu.memory_space<vmem>> -> memref<125xi32, #tpu.memory_space<vmem>>
      %dma_start3A_36 = arith.constant 0 : i32
      %dma_start3A_37 = arith.constant 0 : i32
      %dma_start3A_38 = tpu.memref_slice %arg2[%dma_start3A_36, %dma_start3A_37] : memref<10000x40xf32, #tpu.memory_space<hbm>> -> memref<10000x40xf32, #tpu.memory_space<hbm>>
      tpu.enqueue_indirect_dma source(%dma_start3A_38 : memref<10000x40xf32, #tpu.memory_space<hbm>>) target(%dma_start3A_32 : memref<125x40xf32, #tpu.memory_space<vmem>>) offsets(%dma_start3A_35 : memref<125xi32, #tpu.memory_space<vmem>>) semaphore(%arg13 : memref<!tpu.dma_semaphore, #tpu.memory_space<semaphore_mem>>)
      %add3A_39 = arith.constant 1 : i32
      %add3A_40 = arith.addi %mul3A_28, %add3A_39 : i32
      %dma_start3A_41 = arith.constant 125 : i32
      %dma_start3A_42 = arith.constant 0 : i32
      %dma_start3A_43 = tpu.memref_slice %arg11[%dma_start3A_41, %dma_start3A_42] : memref<1000x40xf32, #tpu.memory_space<vmem>> -> memref<125x40xf32, #tpu.memory_space<vmem>>
      %dma_start3A_44 = arith.constant 0 : i32
      %dma_start3A_45 = tpu.memref_slice %arg8[%add3A_40, %dma_start3A_44] : memref<80x125xi32, #tpu.memory_space<vmem>> -> memref<1x125xi32, #tpu.memory_space<vmem>>
      %dma_start3A_46 = tpu.memref_squeeze %dma_start3A_45 : memref<1x125xi32, #tpu.memory_space<vmem>> -> memref<125xi32, #tpu.memory_space<vmem>>
      %dma_start3A_47 = arith.constant 0 : i32
      %dma_start3A_48 = arith.constant 0 : i32
      %dma_start3A_49 = tpu.memref_slice %arg2[%dma_start3A_47, %dma_start3A_48] : memref<10000x40xf32, #tpu.memory_space<hbm>> -> memref<10000x40xf32, #tpu.memory_space<hbm>>
      tpu.enqueue_indirect_dma source(%dma_start3A_49 : memref<10000x40xf32, #tpu.memory_space<hbm>>) target(%dma_start3A_43 : memref<125x40xf32, #tpu.memory_space<vmem>>) offsets(%dma_start3A_46 : memref<125xi32, #tpu.memory_space<vmem>>) semaphore(%arg13 : memref<!tpu.dma_semaphore, #tpu.memory_space<semaphore_mem>>)
      %add3A_50 = arith.constant 2 : i32
      %add3A_51 = arith.addi %mul3A_28, %add3A_50 : i32
      %dma_start3A_52 = arith.constant 250 : i32
      %dma_start3A_53 = arith.constant 0 : i32
      %dma_start3A_54 = tpu.memref_slice %arg11[%dma_start3A_52, %dma_start3A_53] : memref<1000x40xf32, #tpu.memory_space<vmem>> -> memref<125x40xf32, #tpu.memory_space<vmem>>
      %dma_start3A_55 = arith.constant 0 : i32
      %dma_start3A_56 = tpu.memref_slice %arg8[%add3A_51, %dma_start3A_55] : memref<80x125xi32, #tpu.memory_space<vmem>> -> memref<1x125xi32, #tpu.memory_space<vmem>>
      %dma_start3A_57 = tpu.memref_squeeze %dma_start3A_56 : memref<1x125xi32, #tpu.memory_space<vmem>> -> memref<125xi32, #tpu.memory_space<vmem>>
      %dma_start3A_58 = arith.constant 0 : i32
      %dma_start3A_59 = arith.constant 0 : i32
      %dma_start3A_60 = tpu.memref_slice %arg2[%dma_start3A_58, %dma_start3A_59] : memref<10000x40xf32, #tpu.memory_space<hbm>> -> memref<10000x40xf32, #tpu.memory_space<hbm>>
      tpu.enqueue_indirect_dma source(%dma_start3A_60 : memref<10000x40xf32, #tpu.memory_space<hbm>>) target(%dma_start3A_54 : memref<125x40xf32, #tpu.memory_space<vmem>>) offsets(%dma_start3A_57 : memref<125xi32, #tpu.memory_space<vmem>>) semaphore(%arg13 : memref<!tpu.dma_semaphore, #tpu.memory_space<semaphore_mem>>)
      %add3A_61 = arith.constant 3 : i32
      %add3A_62 = arith.addi %mul3A_28, %add3A_61 : i32
      %dma_start3A_63 = arith.constant 375 : i32
      %dma_start3A_64 = arith.constant 0 : i32
      %dma_start3A_65 = tpu.memref_slice %arg11[%dma_start3A_63, %dma_start3A_64] : memref<1000x40xf32, #tpu.memory_space<vmem>> -> memref<125x40xf32, #tpu.memory_space<vmem>>
      %dma_start3A_66 = arith.constant 0 : i32
      %dma_start3A_67 = tpu.memref_slice %arg8[%add3A_62, %dma_start3A_66] : memref<80x125xi32, #tpu.memory_space<vmem>> -> memref<1x125xi32, #tpu.memory_space<vmem>>
      %dma_start3A_68 = tpu.memref_squeeze %dma_start3A_67 : memref<1x125xi32, #tpu.memory_space<vmem>> -> memref<125xi32, #tpu.memory_space<vmem>>
      %dma_start3A_69 = arith.constant 0 : i32
      %dma_start3A_70 = arith.constant 0 : i32
      %dma_start3A_71 = tpu.memref_slice %arg2[%dma_start3A_69, %dma_start3A_70] : memref<10000x40xf32, #tpu.memory_space<hbm>> -> memref<10000x40xf32, #tpu.memory_space<hbm>>
      tpu.enqueue_indirect_dma source(%dma_start3A_71 : memref<10000x40xf32, #tpu.memory_space<hbm>>) target(%dma_start3A_65 : memref<125x40xf32, #tpu.memory_space<vmem>>) offsets(%dma_start3A_68 : memref<125xi32, #tpu.memory_space<vmem>>) semaphore(%arg13 : memref<!tpu.dma_semaphore, #tpu.memory_space<semaphore_mem>>)
      %add3A_72 = arith.constant 4 : i32
      %add3A_73 = arith.addi %mul3A_28, %add3A_72 : i32
      %dma_start3A_74 = arith.constant 500 : i32
      %dma_start3A_75 = arith.constant 0 : i32
      %dma_start3A_76 = tpu.memref_slice %arg11[%dma_start3A_74, %dma_start3A_75] : memref<1000x40xf32, #tpu.memory_space<vmem>> -> memref<125x40xf32, #tpu.memory_space<vmem>>
      %dma_start3A_77 = arith.constant 0 : i32
      %dma_start3A_78 = tpu.memref_slice %arg8[%add3A_73, %dma_start3A_77] : memref<80x125xi32, #tpu.memory_space<vmem>> -> memref<1x125xi32, #tpu.memory_space<vmem>>
      %dma_start3A_79 = tpu.memref_squeeze %dma_start3A_78 : memref<1x125xi32, #tpu.memory_space<vmem>> -> memref<125xi32, #tpu.memory_space<vmem>>
      %dma_start3A_80 = arith.constant 0 : i32
      %dma_start3A_81 = arith.constant 0 : i32
      %dma_start3A_82 = tpu.memref_slice %arg2[%dma_start3A_80, %dma_start3A_81] : memref<10000x40xf32, #tpu.memory_space<hbm>> -> memref<10000x40xf32, #tpu.memory_space<hbm>>
      tpu.enqueue_indirect_dma source(%dma_start3A_82 : memref<10000x40xf32, #tpu.memory_space<hbm>>) target(%dma_start3A_76 : memref<125x40xf32, #tpu.memory_space<vmem>>) offsets(%dma_start3A_79 : memref<125xi32, #tpu.memory_space<vmem>>) semaphore(%arg13 : memref<!tpu.dma_semaphore, #tpu.memory_space<semaphore_mem>>)
      %add3A_83 = arith.constant 5 : i32
      %add3A_84 = arith.addi %mul3A_28, %add3A_83 : i32
      %dma_start3A_85 = arith.constant 625 : i32
      %dma_start3A_86 = arith.constant 0 : i32
      %dma_start3A_87 = tpu.memref_slice %arg11[%dma_start3A_85, %dma_start3A_86] : memref<1000x40xf32, #tpu.memory_space<vmem>> -> memref<125x40xf32, #tpu.memory_space<vmem>>
      %dma_start3A_88 = arith.constant 0 : i32
      %dma_start3A_89 = tpu.memref_slice %arg8[%add3A_84, %dma_start3A_88] : memref<80x125xi32, #tpu.memory_space<vmem>> -> memref<1x125xi32, #tpu.memory_space<vmem>>
      %dma_start3A_90 = tpu.memref_squeeze %dma_start3A_89 : memref<1x125xi32, #tpu.memory_space<vmem>> -> memref<125xi32, #tpu.memory_space<vmem>>
      %dma_start3A_91 = arith.constant 0 : i32
      %dma_start3A_92 = arith.constant 0 : i32
      %dma_start3A_93 = tpu.memref_slice %arg2[%dma_start3A_91, %dma_start3A_92] : memref<10000x40xf32, #tpu.memory_space<hbm>> -> memref<10000x40xf32, #tpu.memory_space<hbm>>
      tpu.enqueue_indirect_dma source(%dma_start3A_93 : memref<10000x40xf32, #tpu.memory_space<hbm>>) target(%dma_start3A_87 : memref<125x40xf32, #tpu.memory_space<vmem>>) offsets(%dma_start3A_90 : memref<125xi32, #tpu.memory_space<vmem>>) semaphore(%arg13 : memref<!tpu.dma_semaphore, #tpu.memory_space<semaphore_mem>>)
      %add3A_94 = arith.constant 6 : i32
      %add3A_95 = arith.addi %mul3A_28, %add3A_94 : i32
      %dma_start3A_96 = arith.constant 750 : i32
      %dma_start3A_97 = arith.constant 0 : i32
      %dma_start3A_98 = tpu.memref_slice %arg11[%dma_start3A_96, %dma_start3A_97] : memref<1000x40xf32, #tpu.memory_space<vmem>> -> memref<125x40xf32, #tpu.memory_space<vmem>>
      %dma_start3A_99 = arith.constant 0 : i32
      %dma_start3A_100 = tpu.memref_slice %arg8[%add3A_95, %dma_start3A_99] : memref<80x125xi32, #tpu.memory_space<vmem>> -> memref<1x125xi32, #tpu.memory_space<vmem>>
      %dma_start3A_101 = tpu.memref_squeeze %dma_start3A_100 : memref<1x125xi32, #tpu.memory_space<vmem>> -> memref<125xi32, #tpu.memory_space<vmem>>
      %dma_start3A_102 = arith.constant 0 : i32
      %dma_start3A_103 = arith.constant 0 : i32
      %dma_start3A_104 = tpu.memref_slice %arg2[%dma_start3A_102, %dma_start3A_103] : memref<10000x40xf32, #tpu.memory_space<hbm>> -> memref<10000x40xf32, #tpu.memory_space<hbm>>
      tpu.enqueue_indirect_dma source(%dma_start3A_104 : memref<10000x40xf32, #tpu.memory_space<hbm>>) target(%dma_start3A_98 : memref<125x40xf32, #tpu.memory_space<vmem>>) offsets(%dma_start3A_101 : memref<125xi32, #tpu.memory_space<vmem>>) semaphore(%arg13 : memref<!tpu.dma_semaphore, #tpu.memory_space<semaphore_mem>>)
      %add3A_105 = arith.constant 7 : i32
      %add3A_106 = arith.addi %mul3A_28, %add3A_105 : i32
      %dma_start3A_107 = arith.constant 875 : i32
      %dma_start3A_108 = arith.constant 0 : i32
      %dma_start3A_109 = tpu.memref_slice %arg11[%dma_start3A_107, %dma_start3A_108] : memref<1000x40xf32, #tpu.memory_space<vmem>> -> memref<125x40xf32, #tpu.memory_space<vmem>>
      %dma_start3A_110 = arith.constant 0 : i32
      %dma_start3A_111 = tpu.memref_slice %arg8[%add3A_106, %dma_start3A_110] : memref<80x125xi32, #tpu.memory_space<vmem>> -> memref<1x125xi32, #tpu.memory_space<vmem>>
      %dma_start3A_112 = tpu.memref_squeeze %dma_start3A_111 : memref<1x125xi32, #tpu.memory_space<vmem>> -> memref<125xi32, #tpu.memory_space<vmem>>
      %dma_start3A_113 = arith.constant 0 : i32
      %dma_start3A_114 = arith.constant 0 : i32
      %dma_start3A_115 = tpu.memref_slice %arg2[%dma_start3A_113, %dma_start3A_114] : memref<10000x40xf32, #tpu.memory_space<hbm>> -> memref<10000x40xf32, #tpu.memory_space<hbm>>
      tpu.enqueue_indirect_dma source(%dma_start3A_115 : memref<10000x40xf32, #tpu.memory_space<hbm>>) target(%dma_start3A_109 : memref<125x40xf32, #tpu.memory_space<vmem>>) offsets(%dma_start3A_112 : memref<125xi32, #tpu.memory_space<vmem>>) semaphore(%arg13 : memref<!tpu.dma_semaphore, #tpu.memory_space<semaphore_mem>>)
      %dma_wait3A = arith.constant 0 : i32
      %dma_wait3A_116 = arith.constant 0 : i32
      %dma_wait3A_117 = tpu.memref_slice %arg11[%dma_wait3A, %dma_wait3A_116] : memref<1000x40xf32, #tpu.memory_space<vmem>> -> memref<125x40xf32, #tpu.memory_space<vmem>>
      %dma_wait3A_118 = arith.constant 0 : i32
      %dma_wait3A_119 = tpu.memref_slice %arg8[%add3A_30, %dma_wait3A_118] : memref<80x125xi32, #tpu.memory_space<vmem>> -> memref<1x125xi32, #tpu.memory_space<vmem>>
      %dma_wait3A_120 = tpu.memref_squeeze %dma_wait3A_119 : memref<1x125xi32, #tpu.memory_space<vmem>> -> memref<125xi32, #tpu.memory_space<vmem>>
      %dma_wait3A_121 = arith.constant 0 : i32
      %dma_wait3A_122 = arith.constant 0 : i32
      %dma_wait3A_123 = tpu.memref_slice %arg2[%dma_wait3A_121, %dma_wait3A_122] : memref<10000x40xf32, #tpu.memory_space<hbm>> -> memref<10000x40xf32, #tpu.memory_space<hbm>>
      tpu.wait_indirect_dma semaphore(%arg13 : memref<!tpu.dma_semaphore, #tpu.memory_space<semaphore_mem>>) src(%dma_wait3A_123 : memref<10000x40xf32, #tpu.memory_space<hbm>>) dst(%dma_wait3A_117 : memref<125x40xf32, #tpu.memory_space<vmem>>)
      %dma_wait3A_124 = arith.constant 125 : i32
      %dma_wait3A_125 = arith.constant 0 : i32
      %dma_wait3A_126 = tpu.memref_slice %arg11[%dma_wait3A_124, %dma_wait3A_125] : memref<1000x40xf32, #tpu.memory_space<vmem>> -> memref<125x40xf32, #tpu.memory_space<vmem>>
      %dma_wait3A_127 = arith.constant 0 : i32
      %dma_wait3A_128 = tpu.memref_slice %arg8[%add3A_40, %dma_wait3A_127] : memref<80x125xi32, #tpu.memory_space<vmem>> -> memref<1x125xi32, #tpu.memory_space<vmem>>
      %dma_wait3A_129 = tpu.memref_squeeze %dma_wait3A_128 : memref<1x125xi32, #tpu.memory_space<vmem>> -> memref<125xi32, #tpu.memory_space<vmem>>
      %dma_wait3A_130 = arith.constant 0 : i32
      %dma_wait3A_131 = arith.constant 0 : i32
      %dma_wait3A_132 = tpu.memref_slice %arg2[%dma_wait3A_130, %dma_wait3A_131] : memref<10000x40xf32, #tpu.memory_space<hbm>> -> memref<10000x40xf32, #tpu.memory_space<hbm>>
      tpu.wait_indirect_dma semaphore(%arg13 : memref<!tpu.dma_semaphore, #tpu.memory_space<semaphore_mem>>) src(%dma_wait3A_132 : memref<10000x40xf32, #tpu.memory_space<hbm>>) dst(%dma_wait3A_126 : memref<125x40xf32, #tpu.memory_space<vmem>>)
      %dma_wait3A_133 = arith.constant 250 : i32
      %dma_wait3A_134 = arith.constant 0 : i32
      %dma_wait3A_135 = tpu.memref_slice %arg11[%dma_wait3A_133, %dma_wait3A_134] : memref<1000x40xf32, #tpu.memory_space<vmem>> -> memref<125x40xf32, #tpu.memory_space<vmem>>
      %dma_wait3A_136 = arith.constant 0 : i32
      %dma_wait3A_137 = tpu.memref_slice %arg8[%add3A_51, %dma_wait3A_136] : memref<80x125xi32, #tpu.memory_space<vmem>> -> memref<1x125xi32, #tpu.memory_space<vmem>>
      %dma_wait3A_138 = tpu.memref_squeeze %dma_wait3A_137 : memref<1x125xi32, #tpu.memory_space<vmem>> -> memref<125xi32, #tpu.memory_space<vmem>>
      %dma_wait3A_139 = arith.constant 0 : i32
      %dma_wait3A_140 = arith.constant 0 : i32
      %dma_wait3A_141 = tpu.memref_slice %arg2[%dma_wait3A_139, %dma_wait3A_140] : memref<10000x40xf32, #tpu.memory_space<hbm>> -> memref<10000x40xf32, #tpu.memory_space<hbm>>
      tpu.wait_indirect_dma semaphore(%arg13 : memref<!tpu.dma_semaphore, #tpu.memory_space<semaphore_mem>>) src(%dma_wait3A_141 : memref<10000x40xf32, #tpu.memory_space<hbm>>) dst(%dma_wait3A_135 : memref<125x40xf32, #tpu.memory_space<vmem>>)
      %dma_wait3A_142 = arith.constant 375 : i32
      %dma_wait3A_143 = arith.constant 0 : i32
      %dma_wait3A_144 = tpu.memref_slice %arg11[%dma_wait3A_142, %dma_wait3A_143] : memref<1000x40xf32, #tpu.memory_space<vmem>> -> memref<125x40xf32, #tpu.memory_space<vmem>>
      %dma_wait3A_145 = arith.constant 0 : i32
      %dma_wait3A_146 = tpu.memref_slice %arg8[%add3A_62, %dma_wait3A_145] : memref<80x125xi32, #tpu.memory_space<vmem>> -> memref<1x125xi32, #tpu.memory_space<vmem>>
      %dma_wait3A_147 = tpu.memref_squeeze %dma_wait3A_146 : memref<1x125xi32, #tpu.memory_space<vmem>> -> memref<125xi32, #tpu.memory_space<vmem>>
      %dma_wait3A_148 = arith.constant 0 : i32
      %dma_wait3A_149 = arith.constant 0 : i32
      %dma_wait3A_150 = tpu.memref_slice %arg2[%dma_wait3A_148, %dma_wait3A_149] : memref<10000x40xf32, #tpu.memory_space<hbm>> -> memref<10000x40xf32, #tpu.memory_space<hbm>>
      tpu.wait_indirect_dma semaphore(%arg13 : memref<!tpu.dma_semaphore, #tpu.memory_space<semaphore_mem>>) src(%dma_wait3A_150 : memref<10000x40xf32, #tpu.memory_space<hbm>>) dst(%dma_wait3A_144 : memref<125x40xf32, #tpu.memory_space<vmem>>)
      %dma_wait3A_151 = arith.constant 500 : i32
      %dma_wait3A_152 = arith.constant 0 : i32
      %dma_wait3A_153 = tpu.memref_slice %arg11[%dma_wait3A_151, %dma_wait3A_152] : memref<1000x40xf32, #tpu.memory_space<vmem>> -> memref<125x40xf32, #tpu.memory_space<vmem>>
      %dma_wait3A_154 = arith.constant 0 : i32
      %dma_wait3A_155 = tpu.memref_slice %arg8[%add3A_73, %dma_wait3A_154] : memref<80x125xi32, #tpu.memory_space<vmem>> -> memref<1x125xi32, #tpu.memory_space<vmem>>
      %dma_wait3A_156 = tpu.memref_squeeze %dma_wait3A_155 : memref<1x125xi32, #tpu.memory_space<vmem>> -> memref<125xi32, #tpu.memory_space<vmem>>
      %dma_wait3A_157 = arith.constant 0 : i32
      %dma_wait3A_158 = arith.constant 0 : i32
      %dma_wait3A_159 = tpu.memref_slice %arg2[%dma_wait3A_157, %dma_wait3A_158] : memref<10000x40xf32, #tpu.memory_space<hbm>> -> memref<10000x40xf32, #tpu.memory_space<hbm>>
      tpu.wait_indirect_dma semaphore(%arg13 : memref<!tpu.dma_semaphore, #tpu.memory_space<semaphore_mem>>) src(%dma_wait3A_159 : memref<10000x40xf32, #tpu.memory_space<hbm>>) dst(%dma_wait3A_153 : memref<125x40xf32, #tpu.memory_space<vmem>>)
      %dma_wait3A_160 = arith.constant 625 : i32
      %dma_wait3A_161 = arith.constant 0 : i32
      %dma_wait3A_162 = tpu.memref_slice %arg11[%dma_wait3A_160, %dma_wait3A_161] : memref<1000x40xf32, #tpu.memory_space<vmem>> -> memref<125x40xf32, #tpu.memory_space<vmem>>
      %dma_wait3A_163 = arith.constant 0 : i32
      %dma_wait3A_164 = tpu.memref_slice %arg8[%add3A_84, %dma_wait3A_163] : memref<80x125xi32, #tpu.memory_space<vmem>> -> memref<1x125xi32, #tpu.memory_space<vmem>>
      %dma_wait3A_165 = tpu.memref_squeeze %dma_wait3A_164 : memref<1x125xi32, #tpu.memory_space<vmem>> -> memref<125xi32, #tpu.memory_space<vmem>>
      %dma_wait3A_166 = arith.constant 0 : i32
      %dma_wait3A_167 = arith.constant 0 : i32
      %dma_wait3A_168 = tpu.memref_slice %arg2[%dma_wait3A_166, %dma_wait3A_167] : memref<10000x40xf32, #tpu.memory_space<hbm>> -> memref<10000x40xf32, #tpu.memory_space<hbm>>
      tpu.wait_indirect_dma semaphore(%arg13 : memref<!tpu.dma_semaphore, #tpu.memory_space<semaphore_mem>>) src(%dma_wait3A_168 : memref<10000x40xf32, #tpu.memory_space<hbm>>) dst(%dma_wait3A_162 : memref<125x40xf32, #tpu.memory_space<vmem>>)
      %dma_wait3A_169 = arith.constant 750 : i32
      %dma_wait3A_170 = arith.constant 0 : i32
      %dma_wait3A_171 = tpu.memref_slice %arg11[%dma_wait3A_169, %dma_wait3A_170] : memref<1000x40xf32, #tpu.memory_space<vmem>> -> memref<125x40xf32, #tpu.memory_space<vmem>>
      %dma_wait3A_172 = arith.constant 0 : i32
      %dma_wait3A_173 = tpu.memref_slice %arg8[%add3A_95, %dma_wait3A_172] : memref<80x125xi32, #tpu.memory_space<vmem>> -> memref<1x125xi32, #tpu.memory_space<vmem>>
      %dma_wait3A_174 = tpu.memref_squeeze %dma_wait3A_173 : memref<1x125xi32, #tpu.memory_space<vmem>> -> memref<125xi32, #tpu.memory_space<vmem>>
      %dma_wait3A_175 = arith.constant 0 : i32
      %dma_wait3A_176 = arith.constant 0 : i32
      %dma_wait3A_177 = tpu.memref_slice %arg2[%dma_wait3A_175, %dma_wait3A_176] : memref<10000x40xf32, #tpu.memory_space<hbm>> -> memref<10000x40xf32, #tpu.memory_space<hbm>>
      tpu.wait_indirect_dma semaphore(%arg13 : memref<!tpu.dma_semaphore, #tpu.memory_space<semaphore_mem>>) src(%dma_wait3A_177 : memref<10000x40xf32, #tpu.memory_space<hbm>>) dst(%dma_wait3A_171 : memref<125x40xf32, #tpu.memory_space<vmem>>)
      %dma_wait3A_178 = arith.constant 875 : i32
      %dma_wait3A_179 = arith.constant 0 : i32
      %dma_wait3A_180 = tpu.memref_slice %arg11[%dma_wait3A_178, %dma_wait3A_179] : memref<1000x40xf32, #tpu.memory_space<vmem>> -> memref<125x40xf32, #tpu.memory_space<vmem>>
      %dma_wait3A_181 = arith.constant 0 : i32
      %dma_wait3A_182 = tpu.memref_slice %arg8[%add3A_106, %dma_wait3A_181] : memref<80x125xi32, #tpu.memory_space<vmem>> -> memref<1x125xi32, #tpu.memory_space<vmem>>
      %dma_wait3A_183 = tpu.memref_squeeze %dma_wait3A_182 : memref<1x125xi32, #tpu.memory_space<vmem>> -> memref<125xi32, #tpu.memory_space<vmem>>
      %dma_wait3A_184 = arith.constant 0 : i32
      %dma_wait3A_185 = arith.constant 0 : i32
      %dma_wait3A_186 = tpu.memref_slice %arg2[%dma_wait3A_184, %dma_wait3A_185] : memref<10000x40xf32, #tpu.memory_space<hbm>> -> memref<10000x40xf32, #tpu.memory_space<hbm>>
      tpu.wait_indirect_dma semaphore(%arg13 : memref<!tpu.dma_semaphore, #tpu.memory_space<semaphore_mem>>) src(%dma_wait3A_186 : memref<10000x40xf32, #tpu.memory_space<hbm>>) dst(%dma_wait3A_180 : memref<125x40xf32, #tpu.memory_space<vmem>>)
      %scan3A_187 = arith.constant 0 : i32
      %scan3A_188 = arith.constant 0 : i32
      %scan3A_189 = arith.constant 125 : i32
      %scan3A_190 = arith.addi %scan3A_188, %scan3A_189 : i32
      %scan3A_191 = arith.constant 1 : i32
      %scan3A_192 = scf.for %scan3A_259 = %scan3A_188 to %scan3A_190 step %scan3A_191 iter_args(%scan3A_260 = %scan3A_187) -> (i32)  : i32 {
        %add3A_261 = arith.constant 0 : i32
        %add3A_262 = arith.addi %add3A_261, %scan3A_259 : i32
        %mul3A_263 = arith.constant 16 : i32
        %mul3A_264 = arith.muli %add3A_262, %mul3A_263 : i32
        %get3A = arith.index_cast %mul3A_264 : i32 to index
        %get3A_265 = tpu.vector_load %arg10[%get3A] {strides = array<i32>} : memref<16000xf32, #tpu.memory_space<vmem>>, vector<16xf32>,
        %broadcast_in_dim3A = arith.constant 0 : i32
        %broadcast_in_dim3A_266 = vector.broadcast %broadcast_in_dim3A : i32 to vector<16xi32>
        %add3A_267 = vector.broadcast %add3A_262 : i32 to vector<16xi32>
        %add3A_268 = arith.addi %add3A_267, %broadcast_in_dim3A_266 : vector<16xi32>
        %iota3A = tpu.iota {dimensions = array<i32: 0>} : vector<16xi32>
        %add3A_269 = arith.constant 0 : i32
        %add3A_270 = vector.broadcast %add3A_269 : i32 to vector<16xi32>
        %add3A_271 = arith.addi %add3A_270, %iota3A : vector<16xi32>
        %gather3A = tpu.vector_load_idx %arg11[%add3A_268, %add3A_271] : memref<1000x40xf32, #tpu.memory_space<vmem>>[vector<16xi32>, vector<16xi32>], vector<16xf32>,
        %mul3A_272 = arith.mulf %gather3A, %get3A_265 : vector<16xf32>
        tpu.vector_store_idx %arg11[%add3A_268, %add3A_271], %mul3A_272 : memref<1000x40xf32, #tpu.memory_space<vmem>>[vector<16xi32>, vector<16xi32>], vector<16xf32>,
        %iota3A_273 = tpu.iota {dimensions = array<i32: 0>} : vector<16xi32>
        %add3A_274 = arith.constant 16 : i32
        %add3A_275 = vector.broadcast %add3A_274 : i32 to vector<16xi32>
        %add3A_276 = arith.addi %add3A_275, %iota3A_273 : vector<16xi32>
        %gather3A_277 = tpu.vector_load_idx %arg11[%add3A_268, %add3A_276] : memref<1000x40xf32, #tpu.memory_space<vmem>>[vector<16xi32>, vector<16xi32>], vector<16xf32>,
        %mul3A_278 = arith.mulf %gather3A_277, %get3A_265 : vector<16xf32>
        tpu.vector_store_idx %arg11[%add3A_268, %add3A_276], %mul3A_278 : memref<1000x40xf32, #tpu.memory_space<vmem>>[vector<16xi32>, vector<16xi32>], vector<16xf32>,
        %scan3A_279 = arith.constant 0 : i32
        scf.yield %scan3A_279 : i32
      }
      %scan3A_193 = arith.constant 125 : i32
      %scan3A_194 = arith.constant 0 : i32
      %scan3A_195 = arith.constant 0 : i32
      %scan3A_196 = arith.constant 125 : i32
      %scan3A_197 = arith.addi %scan3A_195, %scan3A_196 : i32
      %scan3A_198 = arith.constant 1 : i32
      %scan3A_199 = scf.for %scan3A_259 = %scan3A_195 to %scan3A_197 step %scan3A_198 iter_args(%scan3A_260 = %scan3A_194) -> (i32)  : i32 {
        %add3A_261 = arith.constant 125 : i32
        %add3A_262 = arith.addi %add3A_261, %scan3A_259 : i32
        %mul3A_263 = arith.constant 16 : i32
        %mul3A_264 = arith.muli %add3A_262, %mul3A_263 : i32
        %get3A = arith.index_cast %mul3A_264 : i32 to index
        %get3A_265 = tpu.vector_load %arg10[%get3A] {strides = array<i32>} : memref<16000xf32, #tpu.memory_space<vmem>>, vector<16xf32>,
        %broadcast_in_dim3A = arith.constant 0 : i32
        %broadcast_in_dim3A_266 = vector.broadcast %broadcast_in_dim3A : i32 to vector<16xi32>
        %add3A_267 = vector.broadcast %add3A_262 : i32 to vector<16xi32>
        %add3A_268 = arith.addi %add3A_267, %broadcast_in_dim3A_266 : vector<16xi32>
        %iota3A = tpu.iota {dimensions = array<i32: 0>} : vector<16xi32>
        %add3A_269 = arith.constant 0 : i32
        %add3A_270 = vector.broadcast %add3A_269 : i32 to vector<16xi32>
        %add3A_271 = arith.addi %add3A_270, %iota3A : vector<16xi32>
        %gather3A = tpu.vector_load_idx %arg11[%add3A_268, %add3A_271] : memref<1000x40xf32, #tpu.memory_space<vmem>>[vector<16xi32>, vector<16xi32>], vector<16xf32>,
        %mul3A_272 = arith.mulf %gather3A, %get3A_265 : vector<16xf32>
        tpu.vector_store_idx %arg11[%add3A_268, %add3A_271], %mul3A_272 : memref<1000x40xf32, #tpu.memory_space<vmem>>[vector<16xi32>, vector<16xi32>], vector<16xf32>,
        %iota3A_273 = tpu.iota {dimensions = array<i32: 0>} : vector<16xi32>
        %add3A_274 = arith.constant 16 : i32
        %add3A_275 = vector.broadcast %add3A_274 : i32 to vector<16xi32>
        %add3A_276 = arith.addi %add3A_275, %iota3A_273 : vector<16xi32>
        %gather3A_277 = tpu.vector_load_idx %arg11[%add3A_268, %add3A_276] : memref<1000x40xf32, #tpu.memory_space<vmem>>[vector<16xi32>, vector<16xi32>], vector<16xf32>,
        %mul3A_278 = arith.mulf %gather3A_277, %get3A_265 : vector<16xf32>
        tpu.vector_store_idx %arg11[%add3A_268, %add3A_276], %mul3A_278 : memref<1000x40xf32, #tpu.memory_space<vmem>>[vector<16xi32>, vector<16xi32>], vector<16xf32>,
        %scan3A_279 = arith.constant 0 : i32
        scf.yield %scan3A_279 : i32
      }
      %scan3A_200 = arith.constant 125 : i32
      %scan3A_201 = arith.constant 0 : i32
      %scan3A_202 = arith.constant 0 : i32
      %scan3A_203 = arith.constant 125 : i32
      %scan3A_204 = arith.addi %scan3A_202, %scan3A_203 : i32
      %scan3A_205 = arith.constant 1 : i32
      %scan3A_206 = scf.for %scan3A_259 = %scan3A_202 to %scan3A_204 step %scan3A_205 iter_args(%scan3A_260 = %scan3A_201) -> (i32)  : i32 {
        %add3A_261 = arith.constant 250 : i32
        %add3A_262 = arith.addi %add3A_261, %scan3A_259 : i32
        %mul3A_263 = arith.constant 16 : i32
        %mul3A_264 = arith.muli %add3A_262, %mul3A_263 : i32
        %get3A = arith.index_cast %mul3A_264 : i32 to index
        %get3A_265 = tpu.vector_load %arg10[%get3A] {strides = array<i32>} : memref<16000xf32, #tpu.memory_space<vmem>>, vector<16xf32>,
        %broadcast_in_dim3A = arith.constant 0 : i32
        %broadcast_in_dim3A_266 = vector.broadcast %broadcast_in_dim3A : i32 to vector<16xi32>
        %add3A_267 = vector.broadcast %add3A_262 : i32 to vector<16xi32>
        %add3A_268 = arith.addi %add3A_267, %broadcast_in_dim3A_266 : vector<16xi32>
        %iota3A = tpu.iota {dimensions = array<i32: 0>} : vector<16xi32>
        %add3A_269 = arith.constant 0 : i32
        %add3A_270 = vector.broadcast %add3A_269 : i32 to vector<16xi32>
        %add3A_271 = arith.addi %add3A_270, %iota3A : vector<16xi32>
        %gather3A = tpu.vector_load_idx %arg11[%add3A_268, %add3A_271] : memref<1000x40xf32, #tpu.memory_space<vmem>>[vector<16xi32>, vector<16xi32>], vector<16xf32>,
        %mul3A_272 = arith.mulf %gather3A, %get3A_265 : vector<16xf32>
        tpu.vector_store_idx %arg11[%add3A_268, %add3A_271], %mul3A_272 : memref<1000x40xf32, #tpu.memory_space<vmem>>[vector<16xi32>, vector<16xi32>], vector<16xf32>,
        %iota3A_273 = tpu.iota {dimensions = array<i32: 0>} : vector<16xi32>
        %add3A_274 = arith.constant 16 : i32
        %add3A_275 = vector.broadcast %add3A_274 : i32 to vector<16xi32>
        %add3A_276 = arith.addi %add3A_275, %iota3A_273 : vector<16xi32>
        %gather3A_277 = tpu.vector_load_idx %arg11[%add3A_268, %add3A_276] : memref<1000x40xf32, #tpu.memory_space<vmem>>[vector<16xi32>, vector<16xi32>], vector<16xf32>,
        %mul3A_278 = arith.mulf %gather3A_277, %get3A_265 : vector<16xf32>
        tpu.vector_store_idx %arg11[%add3A_268, %add3A_276], %mul3A_278 : memref<1000x40xf32, #tpu.memory_space<vmem>>[vector<16xi32>, vector<16xi32>], vector<16xf32>,
        %scan3A_279 = arith.constant 0 : i32
        scf.yield %scan3A_279 : i32
      }
      %scan3A_207 = arith.constant 125 : i32
      %scan3A_208 = arith.constant 0 : i32
      %scan3A_209 = arith.constant 0 : i32
      %scan3A_210 = arith.constant 125 : i32
      %scan3A_211 = arith.addi %scan3A_209, %scan3A_210 : i32
      %scan3A_212 = arith.constant 1 : i32
      %scan3A_213 = scf.for %scan3A_259 = %scan3A_209 to %scan3A_211 step %scan3A_212 iter_args(%scan3A_260 = %scan3A_208) -> (i32)  : i32 {
        %add3A_261 = arith.constant 375 : i32
        %add3A_262 = arith.addi %add3A_261, %scan3A_259 : i32
        %mul3A_263 = arith.constant 16 : i32
        %mul3A_264 = arith.muli %add3A_262, %mul3A_263 : i32
        %get3A = arith.index_cast %mul3A_264 : i32 to index
        %get3A_265 = tpu.vector_load %arg10[%get3A] {strides = array<i32>} : memref<16000xf32, #tpu.memory_space<vmem>>, vector<16xf32>,
        %broadcast_in_dim3A = arith.constant 0 : i32
        %broadcast_in_dim3A_266 = vector.broadcast %broadcast_in_dim3A : i32 to vector<16xi32>
        %add3A_267 = vector.broadcast %add3A_262 : i32 to vector<16xi32>
        %add3A_268 = arith.addi %add3A_267, %broadcast_in_dim3A_266 : vector<16xi32>
        %iota3A = tpu.iota {dimensions = array<i32: 0>} : vector<16xi32>
        %add3A_269 = arith.constant 0 : i32
        %add3A_270 = vector.broadcast %add3A_269 : i32 to vector<16xi32>
        %add3A_271 = arith.addi %add3A_270, %iota3A : vector<16xi32>
        %gather3A = tpu.vector_load_idx %arg11[%add3A_268, %add3A_271] : memref<1000x40xf32, #tpu.memory_space<vmem>>[vector<16xi32>, vector<16xi32>], vector<16xf32>,
        %mul3A_272 = arith.mulf %gather3A, %get3A_265 : vector<16xf32>
        tpu.vector_store_idx %arg11[%add3A_268, %add3A_271], %mul3A_272 : memref<1000x40xf32, #tpu.memory_space<vmem>>[vector<16xi32>, vector<16xi32>], vector<16xf32>,
        %iota3A_273 = tpu.iota {dimensions = array<i32: 0>} : vector<16xi32>
        %add3A_274 = arith.constant 16 : i32
        %add3A_275 = vector.broadcast %add3A_274 : i32 to vector<16xi32>
        %add3A_276 = arith.addi %add3A_275, %iota3A_273 : vector<16xi32>
        %gather3A_277 = tpu.vector_load_idx %arg11[%add3A_268, %add3A_276] : memref<1000x40xf32, #tpu.memory_space<vmem>>[vector<16xi32>, vector<16xi32>], vector<16xf32>,
        %mul3A_278 = arith.mulf %gather3A_277, %get3A_265 : vector<16xf32>
        tpu.vector_store_idx %arg11[%add3A_268, %add3A_276], %mul3A_278 : memref<1000x40xf32, #tpu.memory_space<vmem>>[vector<16xi32>, vector<16xi32>], vector<16xf32>,
        %scan3A_279 = arith.constant 0 : i32
        scf.yield %scan3A_279 : i32
      }
      %scan3A_214 = arith.constant 125 : i32
      %scan3A_215 = arith.constant 0 : i32
      %scan3A_216 = arith.constant 0 : i32
      %scan3A_217 = arith.constant 125 : i32
      %scan3A_218 = arith.addi %scan3A_216, %scan3A_217 : i32
      %scan3A_219 = arith.constant 1 : i32
      %scan3A_220 = scf.for %scan3A_259 = %scan3A_216 to %scan3A_218 step %scan3A_219 iter_args(%scan3A_260 = %scan3A_215) -> (i32)  : i32 {
        %add3A_261 = arith.constant 500 : i32
        %add3A_262 = arith.addi %add3A_261, %scan3A_259 : i32
        %mul3A_263 = arith.constant 16 : i32
        %mul3A_264 = arith.muli %add3A_262, %mul3A_263 : i32
        %get3A = arith.index_cast %mul3A_264 : i32 to index
        %get3A_265 = tpu.vector_load %arg10[%get3A] {strides = array<i32>} : memref<16000xf32, #tpu.memory_space<vmem>>, vector<16xf32>,
        %broadcast_in_dim3A = arith.constant 0 : i32
        %broadcast_in_dim3A_266 = vector.broadcast %broadcast_in_dim3A : i32 to vector<16xi32>
        %add3A_267 = vector.broadcast %add3A_262 : i32 to vector<16xi32>
        %add3A_268 = arith.addi %add3A_267, %broadcast_in_dim3A_266 : vector<16xi32>
        %iota3A = tpu.iota {dimensions = array<i32: 0>} : vector<16xi32>
        %add3A_269 = arith.constant 0 : i32
        %add3A_270 = vector.broadcast %add3A_269 : i32 to vector<16xi32>
        %add3A_271 = arith.addi %add3A_270, %iota3A : vector<16xi32>
        %gather3A = tpu.vector_load_idx %arg11[%add3A_268, %add3A_271] : memref<1000x40xf32, #tpu.memory_space<vmem>>[vector<16xi32>, vector<16xi32>], vector<16xf32>,
        %mul3A_272 = arith.mulf %gather3A, %get3A_265 : vector<16xf32>
        tpu.vector_store_idx %arg11[%add3A_268, %add3A_271], %mul3A_272 : memref<1000x40xf32, #tpu.memory_space<vmem>>[vector<16xi32>, vector<16xi32>], vector<16xf32>,
        %iota3A_273 = tpu.iota {dimensions = array<i32: 0>} : vector<16xi32>
        %add3A_274 = arith.constant 16 : i32
        %add3A_275 = vector.broadcast %add3A_274 : i32 to vector<16xi32>
        %add3A_276 = arith.addi %add3A_275, %iota3A_273 : vector<16xi32>
        %gather3A_277 = tpu.vector_load_idx %arg11[%add3A_268, %add3A_276] : memref<1000x40xf32, #tpu.memory_space<vmem>>[vector<16xi32>, vector<16xi32>], vector<16xf32>,
        %mul3A_278 = arith.mulf %gather3A_277, %get3A_265 : vector<16xf32>
        tpu.vector_store_idx %arg11[%add3A_268, %add3A_276], %mul3A_278 : memref<1000x40xf32, #tpu.memory_space<vmem>>[vector<16xi32>, vector<16xi32>], vector<16xf32>,
        %scan3A_279 = arith.constant 0 : i32
        scf.yield %scan3A_279 : i32
      }
      %scan3A_221 = arith.constant 125 : i32
      %scan3A_222 = arith.constant 0 : i32
      %scan3A_223 = arith.constant 0 : i32
      %scan3A_224 = arith.constant 125 : i32
      %scan3A_225 = arith.addi %scan3A_223, %scan3A_224 : i32
      %scan3A_226 = arith.constant 1 : i32
      %scan3A_227 = scf.for %scan3A_259 = %scan3A_223 to %scan3A_225 step %scan3A_226 iter_args(%scan3A_260 = %scan3A_222) -> (i32)  : i32 {
        %add3A_261 = arith.constant 625 : i32
        %add3A_262 = arith.addi %add3A_261, %scan3A_259 : i32
        %mul3A_263 = arith.constant 16 : i32
        %mul3A_264 = arith.muli %add3A_262, %mul3A_263 : i32
        %get3A = arith.index_cast %mul3A_264 : i32 to index
        %get3A_265 = tpu.vector_load %arg10[%get3A] {strides = array<i32>} : memref<16000xf32, #tpu.memory_space<vmem>>, vector<16xf32>,
        %broadcast_in_dim3A = arith.constant 0 : i32
        %broadcast_in_dim3A_266 = vector.broadcast %broadcast_in_dim3A : i32 to vector<16xi32>
        %add3A_267 = vector.broadcast %add3A_262 : i32 to vector<16xi32>
        %add3A_268 = arith.addi %add3A_267, %broadcast_in_dim3A_266 : vector<16xi32>
        %iota3A = tpu.iota {dimensions = array<i32: 0>} : vector<16xi32>
        %add3A_269 = arith.constant 0 : i32
        %add3A_270 = vector.broadcast %add3A_269 : i32 to vector<16xi32>
        %add3A_271 = arith.addi %add3A_270, %iota3A : vector<16xi32>
        %gather3A = tpu.vector_load_idx %arg11[%add3A_268, %add3A_271] : memref<1000x40xf32, #tpu.memory_space<vmem>>[vector<16xi32>, vector<16xi32>], vector<16xf32>,
        %mul3A_272 = arith.mulf %gather3A, %get3A_265 : vector<16xf32>
        tpu.vector_store_idx %arg11[%add3A_268, %add3A_271], %mul3A_272 : memref<1000x40xf32, #tpu.memory_space<vmem>>[vector<16xi32>, vector<16xi32>], vector<16xf32>,
        %iota3A_273 = tpu.iota {dimensions = array<i32: 0>} : vector<16xi32>
        %add3A_274 = arith.constant 16 : i32
        %add3A_275 = vector.broadcast %add3A_274 : i32 to vector<16xi32>
        %add3A_276 = arith.addi %add3A_275, %iota3A_273 : vector<16xi32>
        %gather3A_277 = tpu.vector_load_idx %arg11[%add3A_268, %add3A_276] : memref<1000x40xf32, #tpu.memory_space<vmem>>[vector<16xi32>, vector<16xi32>], vector<16xf32>,
        %mul3A_278 = arith.mulf %gather3A_277, %get3A_265 : vector<16xf32>
        tpu.vector_store_idx %arg11[%add3A_268, %add3A_276], %mul3A_278 : memref<1000x40xf32, #tpu.memory_space<vmem>>[vector<16xi32>, vector<16xi32>], vector<16xf32>,
        %scan3A_279 = arith.constant 0 : i32
        scf.yield %scan3A_279 : i32
      }
      %scan3A_228 = arith.constant 125 : i32
      %scan3A_229 = arith.constant 0 : i32
      %scan3A_230 = arith.constant 0 : i32
      %scan3A_231 = arith.constant 125 : i32
      %scan3A_232 = arith.addi %scan3A_230, %scan3A_231 : i32
      %scan3A_233 = arith.constant 1 : i32
      %scan3A_234 = scf.for %scan3A_259 = %scan3A_230 to %scan3A_232 step %scan3A_233 iter_args(%scan3A_260 = %scan3A_229) -> (i32)  : i32 {
        %add3A_261 = arith.constant 750 : i32
        %add3A_262 = arith.addi %add3A_261, %scan3A_259 : i32
        %mul3A_263 = arith.constant 16 : i32
        %mul3A_264 = arith.muli %add3A_262, %mul3A_263 : i32
        %get3A = arith.index_cast %mul3A_264 : i32 to index
        %get3A_265 = tpu.vector_load %arg10[%get3A] {strides = array<i32>} : memref<16000xf32, #tpu.memory_space<vmem>>, vector<16xf32>,
        %broadcast_in_dim3A = arith.constant 0 : i32
        %broadcast_in_dim3A_266 = vector.broadcast %broadcast_in_dim3A : i32 to vector<16xi32>
        %add3A_267 = vector.broadcast %add3A_262 : i32 to vector<16xi32>
        %add3A_268 = arith.addi %add3A_267, %broadcast_in_dim3A_266 : vector<16xi32>
        %iota3A = tpu.iota {dimensions = array<i32: 0>} : vector<16xi32>
        %add3A_269 = arith.constant 0 : i32
        %add3A_270 = vector.broadcast %add3A_269 : i32 to vector<16xi32>
        %add3A_271 = arith.addi %add3A_270, %iota3A : vector<16xi32>
        %gather3A = tpu.vector_load_idx %arg11[%add3A_268, %add3A_271] : memref<1000x40xf32, #tpu.memory_space<vmem>>[vector<16xi32>, vector<16xi32>], vector<16xf32>,
        %mul3A_272 = arith.mulf %gather3A, %get3A_265 : vector<16xf32>
        tpu.vector_store_idx %arg11[%add3A_268, %add3A_271], %mul3A_272 : memref<1000x40xf32, #tpu.memory_space<vmem>>[vector<16xi32>, vector<16xi32>], vector<16xf32>,
        %iota3A_273 = tpu.iota {dimensions = array<i32: 0>} : vector<16xi32>
        %add3A_274 = arith.constant 16 : i32
        %add3A_275 = vector.broadcast %add3A_274 : i32 to vector<16xi32>
        %add3A_276 = arith.addi %add3A_275, %iota3A_273 : vector<16xi32>
        %gather3A_277 = tpu.vector_load_idx %arg11[%add3A_268, %add3A_276] : memref<1000x40xf32, #tpu.memory_space<vmem>>[vector<16xi32>, vector<16xi32>], vector<16xf32>,
        %mul3A_278 = arith.mulf %gather3A_277, %get3A_265 : vector<16xf32>
        tpu.vector_store_idx %arg11[%add3A_268, %add3A_276], %mul3A_278 : memref<1000x40xf32, #tpu.memory_space<vmem>>[vector<16xi32>, vector<16xi32>], vector<16xf32>,
        %scan3A_279 = arith.constant 0 : i32
        scf.yield %scan3A_279 : i32
      }
      %scan3A_235 = arith.constant 125 : i32
      %scan3A_236 = arith.constant 0 : i32
      %scan3A_237 = arith.constant 0 : i32
      %scan3A_238 = arith.constant 125 : i32
      %scan3A_239 = arith.addi %scan3A_237, %scan3A_238 : i32
      %scan3A_240 = arith.constant 1 : i32
      %scan3A_241 = scf.for %scan3A_259 = %scan3A_237 to %scan3A_239 step %scan3A_240 iter_args(%scan3A_260 = %scan3A_236) -> (i32)  : i32 {
        %add3A_261 = arith.constant 875 : i32
        %add3A_262 = arith.addi %add3A_261, %scan3A_259 : i32
        %mul3A_263 = arith.constant 16 : i32
        %mul3A_264 = arith.muli %add3A_262, %mul3A_263 : i32
        %get3A = arith.index_cast %mul3A_264 : i32 to index
        %get3A_265 = tpu.vector_load %arg10[%get3A] {strides = array<i32>} : memref<16000xf32, #tpu.memory_space<vmem>>, vector<16xf32>,
        %broadcast_in_dim3A = arith.constant 0 : i32
        %broadcast_in_dim3A_266 = vector.broadcast %broadcast_in_dim3A : i32 to vector<16xi32>
        %add3A_267 = vector.broadcast %add3A_262 : i32 to vector<16xi32>
        %add3A_268 = arith.addi %add3A_267, %broadcast_in_dim3A_266 : vector<16xi32>
        %iota3A = tpu.iota {dimensions = array<i32: 0>} : vector<16xi32>
        %add3A_269 = arith.constant 0 : i32
        %add3A_270 = vector.broadcast %add3A_269 : i32 to vector<16xi32>
        %add3A_271 = arith.addi %add3A_270, %iota3A : vector<16xi32>
        %gather3A = tpu.vector_load_idx %arg11[%add3A_268, %add3A_271] : memref<1000x40xf32, #tpu.memory_space<vmem>>[vector<16xi32>, vector<16xi32>], vector<16xf32>,
        %mul3A_272 = arith.mulf %gather3A, %get3A_265 : vector<16xf32>
        tpu.vector_store_idx %arg11[%add3A_268, %add3A_271], %mul3A_272 : memref<1000x40xf32, #tpu.memory_space<vmem>>[vector<16xi32>, vector<16xi32>], vector<16xf32>,
        %iota3A_273 = tpu.iota {dimensions = array<i32: 0>} : vector<16xi32>
        %add3A_274 = arith.constant 16 : i32
        %add3A_275 = vector.broadcast %add3A_274 : i32 to vector<16xi32>
        %add3A_276 = arith.addi %add3A_275, %iota3A_273 : vector<16xi32>
        %gather3A_277 = tpu.vector_load_idx %arg11[%add3A_268, %add3A_276] : memref<1000x40xf32, #tpu.memory_space<vmem>>[vector<16xi32>, vector<16xi32>], vector<16xf32>,
        %mul3A_278 = arith.mulf %gather3A_277, %get3A_265 : vector<16xf32>
        tpu.vector_store_idx %arg11[%add3A_268, %add3A_276], %mul3A_278 : memref<1000x40xf32, #tpu.memory_space<vmem>>[vector<16xi32>, vector<16xi32>], vector<16xf32>,
        %scan3A_279 = arith.constant 0 : i32
        scf.yield %scan3A_279 : i32
      }
      %scan3A_242 = arith.constant 125 : i32
      %add3A_243 = arith.constant 0 : i32
      %add3A_244 = arith.addi %mul3A_28, %add3A_243 : i32
      "tpu.region"() ({
        %run_scoped3A = tpu.sem_alloc : memref<!tpu.dma_semaphore, #tpu.memory_space<semaphore_mem>>
        %dma_start3A_259 = arith.constant 0 : i32
        %dma_start3A_260 = arith.constant 0 : i32
        %dma_start3A_261 = tpu.memref_slice %arg11[%dma_start3A_259, %dma_start3A_260] : memref<1000x40xf32, #tpu.memory_space<vmem>> -> memref<125x40xf32, #tpu.memory_space<vmem>>
        %dma_start3A_262 = arith.constant 0 : i32
        %dma_start3A_263 = tpu.memref_slice %arg9[%add3A_244, %dma_start3A_262] : memref<80x125xi32, #tpu.memory_space<vmem>> -> memref<1x125xi32, #tpu.memory_space<vmem>>
        %dma_start3A_264 = tpu.memref_squeeze %dma_start3A_263 : memref<1x125xi32, #tpu.memory_space<vmem>> -> memref<125xi32, #tpu.memory_space<vmem>>
        %dma_start3A_265 = arith.constant 0 : i32
        %dma_start3A_266 = arith.constant 0 : i32
        %dma_start3A_267 = tpu.memref_slice %arg12[%dma_start3A_265, %dma_start3A_266] : memref<10000x40xf32, #tpu.memory_space<vmem_shared>> -> memref<10000x40xf32, #tpu.memory_space<vmem_shared>>
        tpu.enqueue_indirect_dma source(%dma_start3A_261 : memref<125x40xf32, #tpu.memory_space<vmem>>) target(%dma_start3A_267 : memref<10000x40xf32, #tpu.memory_space<vmem_shared>>) offsets(%dma_start3A_264 : memref<125xi32, #tpu.memory_space<vmem>>) semaphore(%run_scoped3A : memref<!tpu.dma_semaphore, #tpu.memory_space<semaphore_mem>>) {add = true}
        %dma_wait3A_268 = arith.constant 0 : i32
        %dma_wait3A_269 = arith.constant 0 : i32
        %dma_wait3A_270 = tpu.memref_slice %arg11[%dma_wait3A_268, %dma_wait3A_269] : memref<1000x40xf32, #tpu.memory_space<vmem>> -> memref<125x40xf32, #tpu.memory_space<vmem>>
        %dma_wait3A_271 = arith.constant 0 : i32
        %dma_wait3A_272 = tpu.memref_slice %arg9[%add3A_244, %dma_wait3A_271] : memref<80x125xi32, #tpu.memory_space<vmem>> -> memref<1x125xi32, #tpu.memory_space<vmem>>
        %dma_wait3A_273 = tpu.memref_squeeze %dma_wait3A_272 : memref<1x125xi32, #tpu.memory_space<vmem>> -> memref<125xi32, #tpu.memory_space<vmem>>
        %dma_wait3A_274 = arith.constant 0 : i32
        %dma_wait3A_275 = arith.constant 0 : i32
        %dma_wait3A_276 = tpu.memref_slice %arg12[%dma_wait3A_274, %dma_wait3A_275] : memref<10000x40xf32, #tpu.memory_space<vmem_shared>> -> memref<10000x40xf32, #tpu.memory_space<vmem_shared>>
        tpu.wait_indirect_dma semaphore(%run_scoped3A : memref<!tpu.dma_semaphore, #tpu.memory_space<semaphore_mem>>) src(%dma_wait3A_270 : memref<125x40xf32, #tpu.memory_space<vmem>>) dst(%dma_wait3A_276 : memref<10000x40xf32, #tpu.memory_space<vmem_shared>>)
        tpu.yield
      }) : () -> ()
      %add3A_245 = arith.constant 1 : i32
      %add3A_246 = arith.addi %mul3A_28, %add3A_245 : i32
      "tpu.region"() ({
        %run_scoped3A = tpu.sem_alloc : memref<!tpu.dma_semaphore, #tpu.memory_space<semaphore_mem>>
        %dma_start3A_259 = arith.constant 125 : i32
        %dma_start3A_260 = arith.constant 0 : i32
        %dma_start3A_261 = tpu.memref_slice %arg11[%dma_start3A_259, %dma_start3A_260] : memref<1000x40xf32, #tpu.memory_space<vmem>> -> memref<125x40xf32, #tpu.memory_space<vmem>>
        %dma_start3A_262 = arith.constant 0 : i32
        %dma_start3A_263 = tpu.memref_slice %arg9[%add3A_246, %dma_start3A_262] : memref<80x125xi32, #tpu.memory_space<vmem>> -> memref<1x125xi32, #tpu.memory_space<vmem>>
        %dma_start3A_264 = tpu.memref_squeeze %dma_start3A_263 : memref<1x125xi32, #tpu.memory_space<vmem>> -> memref<125xi32, #tpu.memory_space<vmem>>
        %dma_start3A_265 = arith.constant 0 : i32
        %dma_start3A_266 = arith.constant 0 : i32
        %dma_start3A_267 = tpu.memref_slice %arg12[%dma_start3A_265, %dma_start3A_266] : memref<10000x40xf32, #tpu.memory_space<vmem_shared>> -> memref<10000x40xf32, #tpu.memory_space<vmem_shared>>
        tpu.enqueue_indirect_dma source(%dma_start3A_261 : memref<125x40xf32, #tpu.memory_space<vmem>>) target(%dma_start3A_267 : memref<10000x40xf32, #tpu.memory_space<vmem_shared>>) offsets(%dma_start3A_264 : memref<125xi32, #tpu.memory_space<vmem>>) semaphore(%run_scoped3A : memref<!tpu.dma_semaphore, #tpu.memory_space<semaphore_mem>>) {add = true}
        %dma_wait3A_268 = arith.constant 125 : i32
        %dma_wait3A_269 = arith.constant 0 : i32
        %dma_wait3A_270 = tpu.memref_slice %arg11[%dma_wait3A_268, %dma_wait3A_269] : memref<1000x40xf32, #tpu.memory_space<vmem>> -> memref<125x40xf32, #tpu.memory_space<vmem>>
        %dma_wait3A_271 = arith.constant 0 : i32
        %dma_wait3A_272 = tpu.memref_slice %arg9[%add3A_246, %dma_wait3A_271] : memref<80x125xi32, #tpu.memory_space<vmem>> -> memref<1x125xi32, #tpu.memory_space<vmem>>
        %dma_wait3A_273 = tpu.memref_squeeze %dma_wait3A_272 : memref<1x125xi32, #tpu.memory_space<vmem>> -> memref<125xi32, #tpu.memory_space<vmem>>
        %dma_wait3A_274 = arith.constant 0 : i32
        %dma_wait3A_275 = arith.constant 0 : i32
        %dma_wait3A_276 = tpu.memref_slice %arg12[%dma_wait3A_274, %dma_wait3A_275] : memref<10000x40xf32, #tpu.memory_space<vmem_shared>> -> memref<10000x40xf32, #tpu.memory_space<vmem_shared>>
        tpu.wait_indirect_dma semaphore(%run_scoped3A : memref<!tpu.dma_semaphore, #tpu.memory_space<semaphore_mem>>) src(%dma_wait3A_270 : memref<125x40xf32, #tpu.memory_space<vmem>>) dst(%dma_wait3A_276 : memref<10000x40xf32, #tpu.memory_space<vmem_shared>>)
        tpu.yield
      }) : () -> ()
      %add3A_247 = arith.constant 2 : i32
      %add3A_248 = arith.addi %mul3A_28, %add3A_247 : i32
      "tpu.region"() ({
        %run_scoped3A = tpu.sem_alloc : memref<!tpu.dma_semaphore, #tpu.memory_space<semaphore_mem>>
        %dma_start3A_259 = arith.constant 250 : i32
        %dma_start3A_260 = arith.constant 0 : i32
        %dma_start3A_261 = tpu.memref_slice %arg11[%dma_start3A_259, %dma_start3A_260] : memref<1000x40xf32, #tpu.memory_space<vmem>> -> memref<125x40xf32, #tpu.memory_space<vmem>>
        %dma_start3A_262 = arith.constant 0 : i32
        %dma_start3A_263 = tpu.memref_slice %arg9[%add3A_248, %dma_start3A_262] : memref<80x125xi32, #tpu.memory_space<vmem>> -> memref<1x125xi32, #tpu.memory_space<vmem>>
        %dma_start3A_264 = tpu.memref_squeeze %dma_start3A_263 : memref<1x125xi32, #tpu.memory_space<vmem>> -> memref<125xi32, #tpu.memory_space<vmem>>
        %dma_start3A_265 = arith.constant 0 : i32
        %dma_start3A_266 = arith.constant 0 : i32
        %dma_start3A_267 = tpu.memref_slice %arg12[%dma_start3A_265, %dma_start3A_266] : memref<10000x40xf32, #tpu.memory_space<vmem_shared>> -> memref<10000x40xf32, #tpu.memory_space<vmem_shared>>
        tpu.enqueue_indirect_dma source(%dma_start3A_261 : memref<125x40xf32, #tpu.memory_space<vmem>>) target(%dma_start3A_267 : memref<10000x40xf32, #tpu.memory_space<vmem_shared>>) offsets(%dma_start3A_264 : memref<125xi32, #tpu.memory_space<vmem>>) semaphore(%run_scoped3A : memref<!tpu.dma_semaphore, #tpu.memory_space<semaphore_mem>>) {add = true}
        %dma_wait3A_268 = arith.constant 250 : i32
        %dma_wait3A_269 = arith.constant 0 : i32
        %dma_wait3A_270 = tpu.memref_slice %arg11[%dma_wait3A_268, %dma_wait3A_269] : memref<1000x40xf32, #tpu.memory_space<vmem>> -> memref<125x40xf32, #tpu.memory_space<vmem>>
        %dma_wait3A_271 = arith.constant 0 : i32
        %dma_wait3A_272 = tpu.memref_slice %arg9[%add3A_248, %dma_wait3A_271] : memref<80x125xi32, #tpu.memory_space<vmem>> -> memref<1x125xi32, #tpu.memory_space<vmem>>
        %dma_wait3A_273 = tpu.memref_squeeze %dma_wait3A_272 : memref<1x125xi32, #tpu.memory_space<vmem>> -> memref<125xi32, #tpu.memory_space<vmem>>
        %dma_wait3A_274 = arith.constant 0 : i32
        %dma_wait3A_275 = arith.constant 0 : i32
        %dma_wait3A_276 = tpu.memref_slice %arg12[%dma_wait3A_274, %dma_wait3A_275] : memref<10000x40xf32, #tpu.memory_space<vmem_shared>> -> memref<10000x40xf32, #tpu.memory_space<vmem_shared>>
        tpu.wait_indirect_dma semaphore(%run_scoped3A : memref<!tpu.dma_semaphore, #tpu.memory_space<semaphore_mem>>) src(%dma_wait3A_270 : memref<125x40xf32, #tpu.memory_space<vmem>>) dst(%dma_wait3A_276 : memref<10000x40xf32, #tpu.memory_space<vmem_shared>>)
        tpu.yield
      }) : () -> ()
      %add3A_249 = arith.constant 3 : i32
      %add3A_250 = arith.addi %mul3A_28, %add3A_249 : i32
      "tpu.region"() ({
        %run_scoped3A = tpu.sem_alloc : memref<!tpu.dma_semaphore, #tpu.memory_space<semaphore_mem>>
        %dma_start3A_259 = arith.constant 375 : i32
        %dma_start3A_260 = arith.constant 0 : i32
        %dma_start3A_261 = tpu.memref_slice %arg11[%dma_start3A_259, %dma_start3A_260] : memref<1000x40xf32, #tpu.memory_space<vmem>> -> memref<125x40xf32, #tpu.memory_space<vmem>>
        %dma_start3A_262 = arith.constant 0 : i32
        %dma_start3A_263 = tpu.memref_slice %arg9[%add3A_250, %dma_start3A_262] : memref<80x125xi32, #tpu.memory_space<vmem>> -> memref<1x125xi32, #tpu.memory_space<vmem>>
        %dma_start3A_264 = tpu.memref_squeeze %dma_start3A_263 : memref<1x125xi32, #tpu.memory_space<vmem>> -> memref<125xi32, #tpu.memory_space<vmem>>
        %dma_start3A_265 = arith.constant 0 : i32
        %dma_start3A_266 = arith.constant 0 : i32
        %dma_start3A_267 = tpu.memref_slice %arg12[%dma_start3A_265, %dma_start3A_266] : memref<10000x40xf32, #tpu.memory_space<vmem_shared>> -> memref<10000x40xf32, #tpu.memory_space<vmem_shared>>
        tpu.enqueue_indirect_dma source(%dma_start3A_261 : memref<125x40xf32, #tpu.memory_space<vmem>>) target(%dma_start3A_267 : memref<10000x40xf32, #tpu.memory_space<vmem_shared>>) offsets(%dma_start3A_264 : memref<125xi32, #tpu.memory_space<vmem>>) semaphore(%run_scoped3A : memref<!tpu.dma_semaphore, #tpu.memory_space<semaphore_mem>>) {add = true}
        %dma_wait3A_268 = arith.constant 375 : i32
        %dma_wait3A_269 = arith.constant 0 : i32
        %dma_wait3A_270 = tpu.memref_slice %arg11[%dma_wait3A_268, %dma_wait3A_269] : memref<1000x40xf32, #tpu.memory_space<vmem>> -> memref<125x40xf32, #tpu.memory_space<vmem>>
        %dma_wait3A_271 = arith.constant 0 : i32
        %dma_wait3A_272 = tpu.memref_slice %arg9[%add3A_250, %dma_wait3A_271] : memref<80x125xi32, #tpu.memory_space<vmem>> -> memref<1x125xi32, #tpu.memory_space<vmem>>
        %dma_wait3A_273 = tpu.memref_squeeze %dma_wait3A_272 : memref<1x125xi32, #tpu.memory_space<vmem>> -> memref<125xi32, #tpu.memory_space<vmem>>
        %dma_wait3A_274 = arith.constant 0 : i32
        %dma_wait3A_275 = arith.constant 0 : i32
        %dma_wait3A_276 = tpu.memref_slice %arg12[%dma_wait3A_274, %dma_wait3A_275] : memref<10000x40xf32, #tpu.memory_space<vmem_shared>> -> memref<10000x40xf32, #tpu.memory_space<vmem_shared>>
        tpu.wait_indirect_dma semaphore(%run_scoped3A : memref<!tpu.dma_semaphore, #tpu.memory_space<semaphore_mem>>) src(%dma_wait3A_270 : memref<125x40xf32, #tpu.memory_space<vmem>>) dst(%dma_wait3A_276 : memref<10000x40xf32, #tpu.memory_space<vmem_shared>>)
        tpu.yield
      }) : () -> ()
      %add3A_251 = arith.constant 4 : i32
      %add3A_252 = arith.addi %mul3A_28, %add3A_251 : i32
      "tpu.region"() ({
        %run_scoped3A = tpu.sem_alloc : memref<!tpu.dma_semaphore, #tpu.memory_space<semaphore_mem>>
        %dma_start3A_259 = arith.constant 500 : i32
        %dma_start3A_260 = arith.constant 0 : i32
        %dma_start3A_261 = tpu.memref_slice %arg11[%dma_start3A_259, %dma_start3A_260] : memref<1000x40xf32, #tpu.memory_space<vmem>> -> memref<125x40xf32, #tpu.memory_space<vmem>>
        %dma_start3A_262 = arith.constant 0 : i32
        %dma_start3A_263 = tpu.memref_slice %arg9[%add3A_252, %dma_start3A_262] : memref<80x125xi32, #tpu.memory_space<vmem>> -> memref<1x125xi32, #tpu.memory_space<vmem>>
        %dma_start3A_264 = tpu.memref_squeeze %dma_start3A_263 : memref<1x125xi32, #tpu.memory_space<vmem>> -> memref<125xi32, #tpu.memory_space<vmem>>
        %dma_start3A_265 = arith.constant 0 : i32
        %dma_start3A_266 = arith.constant 0 : i32
        %dma_start3A_267 = tpu.memref_slice %arg12[%dma_start3A_265, %dma_start3A_266] : memref<10000x40xf32, #tpu.memory_space<vmem_shared>> -> memref<10000x40xf32, #tpu.memory_space<vmem_shared>>
        tpu.enqueue_indirect_dma source(%dma_start3A_261 : memref<125x40xf32, #tpu.memory_space<vmem>>) target(%dma_start3A_267 : memref<10000x40xf32, #tpu.memory_space<vmem_shared>>) offsets(%dma_start3A_264 : memref<125xi32, #tpu.memory_space<vmem>>) semaphore(%run_scoped3A : memref<!tpu.dma_semaphore, #tpu.memory_space<semaphore_mem>>) {add = true}
        %dma_wait3A_268 = arith.constant 500 : i32
        %dma_wait3A_269 = arith.constant 0 : i32
        %dma_wait3A_270 = tpu.memref_slice %arg11[%dma_wait3A_268, %dma_wait3A_269] : memref<1000x40xf32, #tpu.memory_space<vmem>> -> memref<125x40xf32, #tpu.memory_space<vmem>>
        %dma_wait3A_271 = arith.constant 0 : i32
        %dma_wait3A_272 = tpu.memref_slice %arg9[%add3A_252, %dma_wait3A_271] : memref<80x125xi32, #tpu.memory_space<vmem>> -> memref<1x125xi32, #tpu.memory_space<vmem>>
        %dma_wait3A_273 = tpu.memref_squeeze %dma_wait3A_272 : memref<1x125xi32, #tpu.memory_space<vmem>> -> memref<125xi32, #tpu.memory_space<vmem>>
        %dma_wait3A_274 = arith.constant 0 : i32
        %dma_wait3A_275 = arith.constant 0 : i32
        %dma_wait3A_276 = tpu.memref_slice %arg12[%dma_wait3A_274, %dma_wait3A_275] : memref<10000x40xf32, #tpu.memory_space<vmem_shared>> -> memref<10000x40xf32, #tpu.memory_space<vmem_shared>>
        tpu.wait_indirect_dma semaphore(%run_scoped3A : memref<!tpu.dma_semaphore, #tpu.memory_space<semaphore_mem>>) src(%dma_wait3A_270 : memref<125x40xf32, #tpu.memory_space<vmem>>) dst(%dma_wait3A_276 : memref<10000x40xf32, #tpu.memory_space<vmem_shared>>)
        tpu.yield
      }) : () -> ()
      %add3A_253 = arith.constant 5 : i32
      %add3A_254 = arith.addi %mul3A_28, %add3A_253 : i32
      "tpu.region"() ({
        %run_scoped3A = tpu.sem_alloc : memref<!tpu.dma_semaphore, #tpu.memory_space<semaphore_mem>>
        %dma_start3A_259 = arith.constant 625 : i32
        %dma_start3A_260 = arith.constant 0 : i32
        %dma_start3A_261 = tpu.memref_slice %arg11[%dma_start3A_259, %dma_start3A_260] : memref<1000x40xf32, #tpu.memory_space<vmem>> -> memref<125x40xf32, #tpu.memory_space<vmem>>
        %dma_start3A_262 = arith.constant 0 : i32
        %dma_start3A_263 = tpu.memref_slice %arg9[%add3A_254, %dma_start3A_262] : memref<80x125xi32, #tpu.memory_space<vmem>> -> memref<1x125xi32, #tpu.memory_space<vmem>>
        %dma_start3A_264 = tpu.memref_squeeze %dma_start3A_263 : memref<1x125xi32, #tpu.memory_space<vmem>> -> memref<125xi32, #tpu.memory_space<vmem>>
        %dma_start3A_265 = arith.constant 0 : i32
        %dma_start3A_266 = arith.constant 0 : i32
        %dma_start3A_267 = tpu.memref_slice %arg12[%dma_start3A_265, %dma_start3A_266] : memref<10000x40xf32, #tpu.memory_space<vmem_shared>> -> memref<10000x40xf32, #tpu.memory_space<vmem_shared>>
        tpu.enqueue_indirect_dma source(%dma_start3A_261 : memref<125x40xf32, #tpu.memory_space<vmem>>) target(%dma_start3A_267 : memref<10000x40xf32, #tpu.memory_space<vmem_shared>>) offsets(%dma_start3A_264 : memref<125xi32, #tpu.memory_space<vmem>>) semaphore(%run_scoped3A : memref<!tpu.dma_semaphore, #tpu.memory_space<semaphore_mem>>) {add = true}
        %dma_wait3A_268 = arith.constant 625 : i32
        %dma_wait3A_269 = arith.constant 0 : i32
        %dma_wait3A_270 = tpu.memref_slice %arg11[%dma_wait3A_268, %dma_wait3A_269] : memref<1000x40xf32, #tpu.memory_space<vmem>> -> memref<125x40xf32, #tpu.memory_space<vmem>>
        %dma_wait3A_271 = arith.constant 0 : i32
        %dma_wait3A_272 = tpu.memref_slice %arg9[%add3A_254, %dma_wait3A_271] : memref<80x125xi32, #tpu.memory_space<vmem>> -> memref<1x125xi32, #tpu.memory_space<vmem>>
        %dma_wait3A_273 = tpu.memref_squeeze %dma_wait3A_272 : memref<1x125xi32, #tpu.memory_space<vmem>> -> memref<125xi32, #tpu.memory_space<vmem>>
        %dma_wait3A_274 = arith.constant 0 : i32
        %dma_wait3A_275 = arith.constant 0 : i32
        %dma_wait3A_276 = tpu.memref_slice %arg12[%dma_wait3A_274, %dma_wait3A_275] : memref<10000x40xf32, #tpu.memory_space<vmem_shared>> -> memref<10000x40xf32, #tpu.memory_space<vmem_shared>>
        tpu.wait_indirect_dma semaphore(%run_scoped3A : memref<!tpu.dma_semaphore, #tpu.memory_space<semaphore_mem>>) src(%dma_wait3A_270 : memref<125x40xf32, #tpu.memory_space<vmem>>) dst(%dma_wait3A_276 : memref<10000x40xf32, #tpu.memory_space<vmem_shared>>)
        tpu.yield
      }) : () -> ()
      %add3A_255 = arith.constant 6 : i32
      %add3A_256 = arith.addi %mul3A_28, %add3A_255 : i32
      "tpu.region"() ({
        %run_scoped3A = tpu.sem_alloc : memref<!tpu.dma_semaphore, #tpu.memory_space<semaphore_mem>>
        %dma_start3A_259 = arith.constant 750 : i32
        %dma_start3A_260 = arith.constant 0 : i32
        %dma_start3A_261 = tpu.memref_slice %arg11[%dma_start3A_259, %dma_start3A_260] : memref<1000x40xf32, #tpu.memory_space<vmem>> -> memref<125x40xf32, #tpu.memory_space<vmem>>
        %dma_start3A_262 = arith.constant 0 : i32
        %dma_start3A_263 = tpu.memref_slice %arg9[%add3A_256, %dma_start3A_262] : memref<80x125xi32, #tpu.memory_space<vmem>> -> memref<1x125xi32, #tpu.memory_space<vmem>>
        %dma_start3A_264 = tpu.memref_squeeze %dma_start3A_263 : memref<1x125xi32, #tpu.memory_space<vmem>> -> memref<125xi32, #tpu.memory_space<vmem>>
        %dma_start3A_265 = arith.constant 0 : i32
        %dma_start3A_266 = arith.constant 0 : i32
        %dma_start3A_267 = tpu.memref_slice %arg12[%dma_start3A_265, %dma_start3A_266] : memref<10000x40xf32, #tpu.memory_space<vmem_shared>> -> memref<10000x40xf32, #tpu.memory_space<vmem_shared>>
        tpu.enqueue_indirect_dma source(%dma_start3A_261 : memref<125x40xf32, #tpu.memory_space<vmem>>) target(%dma_start3A_267 : memref<10000x40xf32, #tpu.memory_space<vmem_shared>>) offsets(%dma_start3A_264 : memref<125xi32, #tpu.memory_space<vmem>>) semaphore(%run_scoped3A : memref<!tpu.dma_semaphore, #tpu.memory_space<semaphore_mem>>) {add = true}
        %dma_wait3A_268 = arith.constant 750 : i32
        %dma_wait3A_269 = arith.constant 0 : i32
        %dma_wait3A_270 = tpu.memref_slice %arg11[%dma_wait3A_268, %dma_wait3A_269] : memref<1000x40xf32, #tpu.memory_space<vmem>> -> memref<125x40xf32, #tpu.memory_space<vmem>>
        %dma_wait3A_271 = arith.constant 0 : i32
        %dma_wait3A_272 = tpu.memref_slice %arg9[%add3A_256, %dma_wait3A_271] : memref<80x125xi32, #tpu.memory_space<vmem>> -> memref<1x125xi32, #tpu.memory_space<vmem>>
        %dma_wait3A_273 = tpu.memref_squeeze %dma_wait3A_272 : memref<1x125xi32, #tpu.memory_space<vmem>> -> memref<125xi32, #tpu.memory_space<vmem>>
        %dma_wait3A_274 = arith.constant 0 : i32
        %dma_wait3A_275 = arith.constant 0 : i32
        %dma_wait3A_276 = tpu.memref_slice %arg12[%dma_wait3A_274, %dma_wait3A_275] : memref<10000x40xf32, #tpu.memory_space<vmem_shared>> -> memref<10000x40xf32, #tpu.memory_space<vmem_shared>>
        tpu.wait_indirect_dma semaphore(%run_scoped3A : memref<!tpu.dma_semaphore, #tpu.memory_space<semaphore_mem>>) src(%dma_wait3A_270 : memref<125x40xf32, #tpu.memory_space<vmem>>) dst(%dma_wait3A_276 : memref<10000x40xf32, #tpu.memory_space<vmem_shared>>)
        tpu.yield
      }) : () -> ()
      %add3A_257 = arith.constant 7 : i32
      %add3A_258 = arith.addi %mul3A_28, %add3A_257 : i32
      "tpu.region"() ({
        %run_scoped3A = tpu.sem_alloc : memref<!tpu.dma_semaphore, #tpu.memory_space<semaphore_mem>>
        %dma_start3A_259 = arith.constant 875 : i32
        %dma_start3A_260 = arith.constant 0 : i32
        %dma_start3A_261 = tpu.memref_slice %arg11[%dma_start3A_259, %dma_start3A_260] : memref<1000x40xf32, #tpu.memory_space<vmem>> -> memref<125x40xf32, #tpu.memory_space<vmem>>
        %dma_start3A_262 = arith.constant 0 : i32
        %dma_start3A_263 = tpu.memref_slice %arg9[%add3A_258, %dma_start3A_262] : memref<80x125xi32, #tpu.memory_space<vmem>> -> memref<1x125xi32, #tpu.memory_space<vmem>>
        %dma_start3A_264 = tpu.memref_squeeze %dma_start3A_263 : memref<1x125xi32, #tpu.memory_space<vmem>> -> memref<125xi32, #tpu.memory_space<vmem>>
        %dma_start3A_265 = arith.constant 0 : i32
        %dma_start3A_266 = arith.constant 0 : i32
        %dma_start3A_267 = tpu.memref_slice %arg12[%dma_start3A_265, %dma_start3A_266] : memref<10000x40xf32, #tpu.memory_space<vmem_shared>> -> memref<10000x40xf32, #tpu.memory_space<vmem_shared>>
        tpu.enqueue_indirect_dma source(%dma_start3A_261 : memref<125x40xf32, #tpu.memory_space<vmem>>) target(%dma_start3A_267 : memref<10000x40xf32, #tpu.memory_space<vmem_shared>>) offsets(%dma_start3A_264 : memref<125xi32, #tpu.memory_space<vmem>>) semaphore(%run_scoped3A : memref<!tpu.dma_semaphore, #tpu.memory_space<semaphore_mem>>) {add = true}
        %dma_wait3A_268 = arith.constant 875 : i32
        %dma_wait3A_269 = arith.constant 0 : i32
        %dma_wait3A_270 = tpu.memref_slice %arg11[%dma_wait3A_268, %dma_wait3A_269] : memref<1000x40xf32, #tpu.memory_space<vmem>> -> memref<125x40xf32, #tpu.memory_space<vmem>>
        %dma_wait3A_271 = arith.constant 0 : i32
        %dma_wait3A_272 = tpu.memref_slice %arg9[%add3A_258, %dma_wait3A_271] : memref<80x125xi32, #tpu.memory_space<vmem>> -> memref<1x125xi32, #tpu.memory_space<vmem>>
        %dma_wait3A_273 = tpu.memref_squeeze %dma_wait3A_272 : memref<1x125xi32, #tpu.memory_space<vmem>> -> memref<125xi32, #tpu.memory_space<vmem>>
        %dma_wait3A_274 = arith.constant 0 : i32
        %dma_wait3A_275 = arith.constant 0 : i32
        %dma_wait3A_276 = tpu.memref_slice %arg12[%dma_wait3A_274, %dma_wait3A_275] : memref<10000x40xf32, #tpu.memory_space<vmem_shared>> -> memref<10000x40xf32, #tpu.memory_space<vmem_shared>>
        tpu.wait_indirect_dma semaphore(%run_scoped3A : memref<!tpu.dma_semaphore, #tpu.memory_space<semaphore_mem>>) src(%dma_wait3A_270 : memref<125x40xf32, #tpu.memory_space<vmem>>) dst(%dma_wait3A_276 : memref<10000x40xf32, #tpu.memory_space<vmem_shared>>)
        tpu.yield
      }) : () -> ()
    }
    %scan3A_13 = arith.constant 10 : i32
    %barrier3A_14 = arith.constant 0 : index
    tpu.barrier barrier_id(%barrier3A_14)
    %mul3A_15 = arith.constant 625 : i32
    %mul3A_16 = arith.muli %arg1, %mul3A_15 : i32
    %mul3A_17 = arith.constant 625 : i32
    %mul3A_18 = arith.muli %arg1, %mul3A_17 : i32
    "tpu.region"() ({
      %run_scoped3A = tpu.sem_alloc : memref<!tpu.dma_semaphore, #tpu.memory_space<semaphore_mem>>
      %dma_start3A = arith.constant 0 : i32
      %dma_start3A_19 = tpu.memref_slice %arg7[%arg0, %mul3A_18, %dma_start3A] : memref<2x10000x40xf32, #tpu.memory_space<hbm>> -> memref<1x625x40xf32, #tpu.memory_space<hbm>>
      %dma_start3A_20 = tpu.memref_squeeze %dma_start3A_19 : memref<1x625x40xf32, #tpu.memory_space<hbm>> -> memref<625x40xf32, #tpu.memory_space<hbm>>
      %dma_start3A_21 = arith.constant 0 : i32
      %dma_start3A_22 = tpu.memref_slice %arg12[%mul3A_16, %dma_start3A_21] : memref<10000x40xf32, #tpu.memory_space<vmem_shared>> -> memref<625x40xf32, #tpu.memory_space<vmem_shared>>
      tpu.enqueue_dma source(%dma_start3A_22 : memref<625x40xf32, #tpu.memory_space<vmem_shared>>) target(%dma_start3A_20 : memref<625x40xf32, #tpu.memory_space<hbm>>) target_semaphore(%run_scoped3A : memref<!tpu.dma_semaphore, #tpu.memory_space<semaphore_mem>>)
      %dma_wait3A = arith.constant 0 : i32
      %dma_wait3A_23 = tpu.memref_slice %arg7[%arg0, %mul3A_18, %dma_wait3A] : memref<2x10000x40xf32, #tpu.memory_space<hbm>> -> memref<1x625x40xf32, #tpu.memory_space<hbm>>
      %dma_wait3A_24 = tpu.memref_squeeze %dma_wait3A_23 : memref<1x625x40xf32, #tpu.memory_space<hbm>> -> memref<625x40xf32, #tpu.memory_space<hbm>>
      %dma_wait3A_25 = arith.constant 0 : i32
      %dma_wait3A_26 = tpu.memref_slice %arg12[%mul3A_16, %dma_wait3A_25] : memref<10000x40xf32, #tpu.memory_space<vmem_shared>> -> memref<625x40xf32, #tpu.memory_space<vmem_shared>>
      tpu.wait_dma2 semaphore(%run_scoped3A : memref<!tpu.dma_semaphore, #tpu.memory_space<semaphore_mem>>) src(%dma_wait3A_26 : memref<625x40xf32, #tpu.memory_space<vmem_shared>>) dst(%dma_wait3A_24 : memref<625x40xf32, #tpu.memory_space<hbm>>)
      tpu.yield
    }) : () -> ()
    return
  }
}

module attributes {stable_mosaic.version = 14 : i64} {
  func.func @body(%arg0: i32, %arg1: memref<2x2000x128xf32, #tpu.memory_space<vmem>>, %arg2: memref<2000x128xf32, #tpu.memory_space<vmem>>, %arg3: memref<128x32xf32, #tpu.memory_space<vmem>>, %arg4: memref<128x32xf32, #tpu.memory_space<vmem>>, %arg5: memref<1x32xf32, #tpu.memory_space<vmem>>, %arg6: memref<2000x32xf32, #tpu.memory_space<vmem>>) attributes {dimension_semantics = [#tpu.dimension_semantics<arbitrary>], iteration_bounds = array<i64: 5>, scalar_prefetch = 0 : i64, scratch_operands = 0 : i64, tpu.core_type = #tpu.core_type<tc>, window_params = [{transform_indices = @transform_0, window_bounds = array<i64: 2, 2000, 128>}, {transform_indices = @transform_1, window_bounds = array<i64: 2000, 128>}, {pipeline_mode = #tpu.pipeline_mode<synchronous>, transform_indices = @transform_2, window_bounds = array<i64: 128, 32>}, {pipeline_mode = #tpu.pipeline_mode<synchronous>, transform_indices = @transform_3, window_bounds = array<i64: 128, 32>}, {pipeline_mode = #tpu.pipeline_mode<synchronous>, transform_indices = @transform_4, window_bounds = array<i64: 1, 32>}, {transform_indices = @transform_5, window_bounds = array<i64: 2000, 32>}]} {
    %get3A = arith.constant 0 : index
    %get3A_0 = arith.constant 0 : index
    %get3A_1 = arith.constant 0 : index
    %get3A_2 = vector.load %arg1[%get3A, %get3A_0, %get3A_1] : memref<2x2000x128xf32, #tpu.memory_space<vmem>>, vector<1x2000x128xf32>
    %get3A_3 = vector.shape_cast %get3A_2 : vector<1x2000x128xf32> to vector<2000x128xf32>
    %get3A_4 = arith.constant 1 : index
    %get3A_5 = arith.constant 0 : index
    %get3A_6 = arith.constant 0 : index
    %get3A_7 = vector.load %arg1[%get3A_4, %get3A_5, %get3A_6] : memref<2x2000x128xf32, #tpu.memory_space<vmem>>, vector<1x2000x128xf32>
    %get3A_8 = vector.shape_cast %get3A_7 : vector<1x2000x128xf32> to vector<2000x128xf32>
    %add3A = arith.addf %get3A_3, %get3A_8 : vector<2000x128xf32>
    %get3A_9 = arith.constant 0 : index
    %get3A_10 = arith.constant 0 : index
    %get3A_11 = vector.load %arg3[%get3A_9, %get3A_10] : memref<128x32xf32, #tpu.memory_space<vmem>>, vector<128x32xf32>
    %dot_general3A = arith.constant dense<0.000000e+00> : vector<2000x32xf32>
    %dot_general3A_12 = tpu.matmul %add3A, %get3A_11, %dot_general3A {dimension_numbers = #tpu.dot_dimension_numbers<[1], [0], [0], [1], [0, 0, 1, 1], [], []>, transpose_lhs_hint = false} : vector<2000x128xf32>, vector<128x32xf32>, vector<2000x32xf32> -> vector<2000x32xf32>
    %get3A_13 = arith.constant 0 : index
    %get3A_14 = arith.constant 0 : index
    %get3A_15 = vector.load %arg5[%get3A_13, %get3A_14] : memref<1x32xf32, #tpu.memory_space<vmem>>, vector<1x32xf32>
    %add3A_16 = vector.broadcast %get3A_15 : vector<1x32xf32> to vector<2000x32xf32>
    %add3A_17 = arith.addf %dot_general3A_12, %add3A_16 : vector<2000x32xf32>
    %get3A_18 = arith.constant 0 : index
    %get3A_19 = arith.constant 0 : index
    %get3A_20 = vector.load %arg2[%get3A_18, %get3A_19] : memref<2000x128xf32, #tpu.memory_space<vmem>>, vector<2000x128xf32>
    %get3A_21 = arith.constant 0 : index
    %get3A_22 = arith.constant 0 : index
    %get3A_23 = vector.load %arg4[%get3A_21, %get3A_22] : memref<128x32xf32, #tpu.memory_space<vmem>>, vector<128x32xf32>
    %dot_general3A_24 = arith.constant dense<0.000000e+00> : vector<2000x32xf32>
    %dot_general3A_25 = tpu.matmul %get3A_20, %get3A_23, %dot_general3A_24 {dimension_numbers = #tpu.dot_dimension_numbers<[1], [0], [0], [1], [0, 0, 1, 1], [], []>, transpose_lhs_hint = false} : vector<2000x128xf32>, vector<128x32xf32>, vector<2000x32xf32> -> vector<2000x32xf32>
    %add3A_26 = arith.addf %add3A_17, %dot_general3A_25 : vector<2000x32xf32>
    %max3A = arith.constant 0.000000e+00 : f32
    %max3A_27 = vector.broadcast %max3A : f32 to vector<2000x32xf32>
    %max3A_28 = arith.maximumf %add3A_26, %max3A_27 : vector<2000x32xf32>
    %swap3A = arith.constant 0 : index
    %swap3A_29 = arith.constant 0 : index
    %swap3A_30 = vector.load %arg6[%swap3A, %swap3A_29] : memref<2000x32xf32, #tpu.memory_space<vmem>>, vector<2000x32xf32>
    tpu.vector_store %arg6[%swap3A, %swap3A_29], %max3A_28 {strides = array<i32>} : memref<2000x32xf32, #tpu.memory_space<vmem>>, vector<2000x32xf32>,
    return
  }
  func.func @transform_0(%arg0: i32) -> (i32, i32, i32) {
    %c0_i32 = arith.constant 0 : i32
    %c0_i32_0 = arith.constant 0 : i32
    %c0_i32_1 = arith.constant 0 : i32
    return %c0_i32, %arg0, %c0_i32_0 : i32, i32, i32
  }
  func.func @transform_1(%arg0: i32) -> (i32, i32) {
    %c0_i32 = arith.constant 0 : i32
    %c0_i32_0 = arith.constant 0 : i32
    return %arg0, %c0_i32 : i32, i32
  }
  func.func @transform_2(%arg0: i32) -> (i32, i32) {
    %c0_i32 = arith.constant 0 : i32
    %c0_i32_0 = arith.constant 0 : i32
    %c0_i32_1 = arith.constant 0 : i32
    return %c0_i32, %c0_i32_0 : i32, i32
  }
  func.func @transform_3(%arg0: i32) -> (i32, i32) {
    %c0_i32 = arith.constant 0 : i32
    %c0_i32_0 = arith.constant 0 : i32
    %c0_i32_1 = arith.constant 0 : i32
    return %c0_i32, %c0_i32_0 : i32, i32
  }
  func.func @transform_4(%arg0: i32) -> (i32, i32) {
    %c0_i32 = arith.constant 0 : i32
    %c0_i32_0 = arith.constant 0 : i32
    %c0_i32_1 = arith.constant 0 : i32
    return %c0_i32, %c0_i32_0 : i32, i32
  }
  func.func @transform_5(%arg0: i32) -> (i32, i32) {
    %c0_i32 = arith.constant 0 : i32
    %c0_i32_0 = arith.constant 0 : i32
    return %arg0, %c0_i32 : i32, i32
  }
}

module attributes {stable_mosaic.version = 14 : i64} {
  func.func @body(%arg0: i32, %arg1: memref<1xi32, #tpu.memory_space<smem>>, %arg2: memref<2x2000x32xf32, #tpu.memory_space<vmem>>, %arg3: memref<2000x32xf32, #tpu.memory_space<vmem>>, %arg4: memref<32x32xf32, #tpu.memory_space<vmem>>, %arg5: memref<32x32xf32, #tpu.memory_space<vmem>>, %arg6: memref<1x32xf32, #tpu.memory_space<vmem>>, %arg7: memref<2000x40xf32, #tpu.memory_space<vmem>>) attributes {dimension_semantics = [#tpu.dimension_semantics<arbitrary>], iteration_bounds = array<i64: 5>, scalar_prefetch = 0 : i64, scratch_operands = 0 : i64, tpu.core_type = #tpu.core_type<tc>, window_params = [{transform_indices = @transform_0, window_bounds = array<i64: 1>}, {transform_indices = @transform_1, window_bounds = array<i64: 2, 2000, 32>}, {transform_indices = @transform_2, window_bounds = array<i64: 2000, 32>}, {pipeline_mode = #tpu.pipeline_mode<synchronous>, transform_indices = @transform_3, window_bounds = array<i64: 32, 32>}, {pipeline_mode = #tpu.pipeline_mode<synchronous>, transform_indices = @transform_4, window_bounds = array<i64: 32, 32>}, {pipeline_mode = #tpu.pipeline_mode<synchronous>, transform_indices = @transform_5, window_bounds = array<i64: 1, 32>}, {transform_indices = @transform_6, window_bounds = array<i64: 2000, 40>}]} {
    %get3A = arith.constant 0 : index
    %get3A_0 = arith.constant 0 : index
    %get3A_1 = arith.constant 0 : index
    %get3A_2 = vector.load %arg2[%get3A, %get3A_0, %get3A_1] : memref<2x2000x32xf32, #tpu.memory_space<vmem>>, vector<1x2000x32xf32>
    %get3A_3 = vector.shape_cast %get3A_2 : vector<1x2000x32xf32> to vector<2000x32xf32>
    %get3A_4 = arith.constant 1 : index
    %get3A_5 = arith.constant 0 : index
    %get3A_6 = arith.constant 0 : index
    %get3A_7 = vector.load %arg2[%get3A_4, %get3A_5, %get3A_6] : memref<2x2000x32xf32, #tpu.memory_space<vmem>>, vector<1x2000x32xf32>
    %get3A_8 = vector.shape_cast %get3A_7 : vector<1x2000x32xf32> to vector<2000x32xf32>
    %add3A = arith.addf %get3A_3, %get3A_8 : vector<2000x32xf32>
    %get3A_9 = arith.constant 0 : index
    %get3A_10 = arith.constant 0 : index
    %get3A_11 = vector.load %arg4[%get3A_9, %get3A_10] : memref<32x32xf32, #tpu.memory_space<vmem>>, vector<32x32xf32>
    %dot_general3A = arith.constant dense<0.000000e+00> : vector<2000x32xf32>
    %dot_general3A_12 = tpu.matmul %add3A, %get3A_11, %dot_general3A {dimension_numbers = #tpu.dot_dimension_numbers<[1], [0], [0], [1], [0, 0, 1, 1], [], []>, transpose_lhs_hint = false} : vector<2000x32xf32>, vector<32x32xf32>, vector<2000x32xf32> -> vector<2000x32xf32>
    %get3A_13 = arith.constant 0 : index
    %get3A_14 = arith.constant 0 : index
    %get3A_15 = vector.load %arg6[%get3A_13, %get3A_14] : memref<1x32xf32, #tpu.memory_space<vmem>>, vector<1x32xf32>
    %add3A_16 = vector.broadcast %get3A_15 : vector<1x32xf32> to vector<2000x32xf32>
    %add3A_17 = arith.addf %dot_general3A_12, %add3A_16 : vector<2000x32xf32>
    %get3A_18 = arith.constant 0 : index
    %get3A_19 = arith.constant 0 : index
    %get3A_20 = vector.load %arg3[%get3A_18, %get3A_19] : memref<2000x32xf32, #tpu.memory_space<vmem>>, vector<2000x32xf32>
    %get3A_21 = arith.constant 0 : index
    %get3A_22 = arith.constant 0 : index
    %get3A_23 = vector.load %arg5[%get3A_21, %get3A_22] : memref<32x32xf32, #tpu.memory_space<vmem>>, vector<32x32xf32>
    %dot_general3A_24 = arith.constant dense<0.000000e+00> : vector<2000x32xf32>
    %dot_general3A_25 = tpu.matmul %get3A_20, %get3A_23, %dot_general3A_24 {dimension_numbers = #tpu.dot_dimension_numbers<[1], [0], [0], [1], [0, 0, 1, 1], [], []>, transpose_lhs_hint = false} : vector<2000x32xf32>, vector<32x32xf32>, vector<2000x32xf32> -> vector<2000x32xf32>
    %add3A_26 = arith.addf %add3A_17, %dot_general3A_25 : vector<2000x32xf32>
    %max3A = arith.constant 0.000000e+00 : f32
    %max3A_27 = vector.broadcast %max3A : f32 to vector<2000x32xf32>
    %max3A_28 = arith.maximumf %add3A_26, %max3A_27 : vector<2000x32xf32>
    %iota3A = tpu.iota {dimensions = array<i32: 0>} : vector<2000x8xi32>
    %mul3A = arith.constant 2000 : i32
    %mul3A_29 = arith.muli %arg0, %mul3A : i32
    %add3A_30 = vector.broadcast %mul3A_29 : i32 to vector<2000x8xi32>
    %add3A_31 = arith.addi %iota3A, %add3A_30 : vector<2000x8xi32>
    %iota3A_32 = tpu.iota {dimensions = array<i32: 1>} : vector<2000x8xi32>
    %get3A_33 = arith.constant 0 : index
    %get3A_34 = memref.load %arg1[%get3A_33] : memref<1xi32, #tpu.memory_space<smem>>
    %eq3A = vector.broadcast %get3A_34 : i32 to vector<2000x8xi32>
    %eq3A_35 = arith.cmpi eq, %add3A_31, %eq3A : vector<2000x8xi32>
    %eq3A_36 = arith.constant 0 : i32
    %eq3A_37 = vector.broadcast %eq3A_36 : i32 to vector<2000x8xi32>
    %eq3A_38 = arith.cmpi eq, %iota3A_32, %eq3A_37 : vector<2000x8xi32>
    %and3A = arith.andi %eq3A_35, %eq3A_38 : vector<2000x8xi1>
    %jit3A = arith.constant 1.000000e+00 : f32
    %jit3A_39 = arith.constant 0.000000e+00 : f32
    %broadcast_in_dim3A = vector.broadcast %jit3A : f32 to vector<2000x8xf32>
    %broadcast_in_dim3A_40 = vector.broadcast %jit3A_39 : f32 to vector<2000x8xf32>
    %select_n3A = arith.select %and3A, %broadcast_in_dim3A, %broadcast_in_dim3A_40 : vector<2000x8xi1>, vector<2000x8xf32>
    %concatenate3A = tpu.concatenate %max3A_28, %select_n3A in 1 : vector<2000x32xf32>, vector<2000x8xf32> -> vector<2000x40xf32>
    %swap3A = arith.constant 0 : index
    %swap3A_41 = arith.constant 0 : index
    %swap3A_42 = vector.load %arg7[%swap3A, %swap3A_41] : memref<2000x40xf32, #tpu.memory_space<vmem>>, vector<2000x40xf32>
    tpu.vector_store %arg7[%swap3A, %swap3A_41], %concatenate3A {strides = array<i32>} : memref<2000x40xf32, #tpu.memory_space<vmem>>, vector<2000x40xf32>,
    return
  }
  func.func @transform_0(%arg0: i32) -> i32 {
    %c0_i32 = arith.constant 0 : i32
    %c0_i32_0 = arith.constant 0 : i32
    return %c0_i32 : i32
  }
  func.func @transform_1(%arg0: i32) -> (i32, i32, i32) {
    %c0_i32 = arith.constant 0 : i32
    %c0_i32_0 = arith.constant 0 : i32
    %c0_i32_1 = arith.constant 0 : i32
    return %c0_i32, %arg0, %c0_i32_0 : i32, i32, i32
  }
  func.func @transform_2(%arg0: i32) -> (i32, i32) {
    %c0_i32 = arith.constant 0 : i32
    %c0_i32_0 = arith.constant 0 : i32
    return %arg0, %c0_i32 : i32, i32
  }
  func.func @transform_3(%arg0: i32) -> (i32, i32) {
    %c0_i32 = arith.constant 0 : i32
    %c0_i32_0 = arith.constant 0 : i32
    %c0_i32_1 = arith.constant 0 : i32
    return %c0_i32, %c0_i32_0 : i32, i32
  }
  func.func @transform_4(%arg0: i32) -> (i32, i32) {
    %c0_i32 = arith.constant 0 : i32
    %c0_i32_0 = arith.constant 0 : i32
    %c0_i32_1 = arith.constant 0 : i32
    return %c0_i32, %c0_i32_0 : i32, i32
  }
  func.func @transform_5(%arg0: i32) -> (i32, i32) {
    %c0_i32 = arith.constant 0 : i32
    %c0_i32_0 = arith.constant 0 : i32
    %c0_i32_1 = arith.constant 0 : i32
    return %c0_i32, %c0_i32_0 : i32, i32
  }
  func.func @transform_6(%arg0: i32) -> (i32, i32) {
    %c0_i32 = arith.constant 0 : i32
    %c0_i32_0 = arith.constant 0 : i32
    return %arg0, %c0_i32 : i32, i32
  }
}

module attributes {stable_mosaic.version = 14 : i64} {
  func.func @body(%arg0: memref<2x10000x40xf32, #tpu.memory_space<vmem>>, %arg1: memref<10000x40xf32, #tpu.memory_space<vmem>>, %arg2: memref<32x1xf32, #tpu.memory_space<vmem>>, %arg3: memref<32x1xf32, #tpu.memory_space<vmem>>, %arg4: memref<1xf32, #tpu.memory_space<smem>>, %arg5: memref<32x1xf32, #tpu.memory_space<vmem>>, %arg6: memref<32x1xf32, #tpu.memory_space<vmem>>, %arg7: memref<1xf32, #tpu.memory_space<smem>>, %arg8: memref<10000x1xf32, #tpu.memory_space<vmem>>, %arg9: memref<10000x1xf32, #tpu.memory_space<vmem>>) attributes {dimension_semantics = [], scalar_prefetch = 0 : i64, scratch_operands = 0 : i64, tpu.core_type = #tpu.core_type<tc>} {
    %get3A = arith.constant 0 : index
    %get3A_0 = arith.constant 0 : index
    %get3A_1 = arith.constant 0 : index
    %get3A_2 = vector.load %arg0[%get3A, %get3A_0, %get3A_1] : memref<2x10000x40xf32, #tpu.memory_space<vmem>>, vector<1x10000x40xf32>
    %get3A_3 = vector.shape_cast %get3A_2 : vector<1x10000x40xf32> to vector<10000x40xf32>
    %get3A_4 = arith.constant 1 : index
    %get3A_5 = arith.constant 0 : index
    %get3A_6 = arith.constant 0 : index
    %get3A_7 = vector.load %arg0[%get3A_4, %get3A_5, %get3A_6] : memref<2x10000x40xf32, #tpu.memory_space<vmem>>, vector<1x10000x40xf32>
    %get3A_8 = vector.shape_cast %get3A_7 : vector<1x10000x40xf32> to vector<10000x40xf32>
    %add3A = arith.addf %get3A_3, %get3A_8 : vector<10000x40xf32>
    %slice3A = vector.extract_strided_slice %add3A {offsets = [0, 0], sizes = [10000, 32], strides = [1, 1]} : vector<10000x40xf32> to vector<10000x32xf32>
    %slice3A_9 = vector.extract_strided_slice %add3A {offsets = [0, 32], sizes = [10000, 1], strides = [1, 1]} : vector<10000x40xf32> to vector<10000x1xf32>
    %get3A_10 = arith.constant 0 : index
    %get3A_11 = arith.constant 0 : index
    %get3A_12 = vector.load %arg1[%get3A_10, %get3A_11] : memref<10000x40xf32, #tpu.memory_space<vmem>>, vector<10000x32xf32>
    %get3A_13 = arith.constant 0 : index
    %get3A_14 = arith.constant 0 : index
    %get3A_15 = vector.load %arg2[%get3A_13, %get3A_14] : memref<32x1xf32, #tpu.memory_space<vmem>>, vector<32x1xf32>
    %dot_general3A = arith.constant dense<0.000000e+00> : vector<10000x1xf32>
    %dot_general3A_16 = tpu.matmul %slice3A, %get3A_15, %dot_general3A {dimension_numbers = #tpu.dot_dimension_numbers<[1], [0], [0], [1], [0, 0, 1, 1], [], []>, transpose_lhs_hint = false} : vector<10000x32xf32>, vector<32x1xf32>, vector<10000x1xf32> -> vector<10000x1xf32>
    %get3A_17 = arith.constant 0 : index
    %get3A_18 = memref.load %arg4[%get3A_17] : memref<1xf32, #tpu.memory_space<smem>>
    %add3A_19 = vector.broadcast %get3A_18 : f32 to vector<10000x1xf32>
    %add3A_20 = arith.addf %dot_general3A_16, %add3A_19 : vector<10000x1xf32>
    %get3A_21 = arith.constant 0 : index
    %get3A_22 = arith.constant 0 : index
    %get3A_23 = vector.load %arg3[%get3A_21, %get3A_22] : memref<32x1xf32, #tpu.memory_space<vmem>>, vector<32x1xf32>
    %dot_general3A_24 = arith.constant dense<0.000000e+00> : vector<10000x1xf32>
    %dot_general3A_25 = tpu.matmul %get3A_12, %get3A_23, %dot_general3A_24 {dimension_numbers = #tpu.dot_dimension_numbers<[1], [0], [0], [1], [0, 0, 1, 1], [], []>, transpose_lhs_hint = false} : vector<10000x32xf32>, vector<32x1xf32>, vector<10000x1xf32> -> vector<10000x1xf32>
    %add3A_26 = arith.addf %add3A_20, %dot_general3A_25 : vector<10000x1xf32>
    %get3A_27 = arith.constant 0 : index
    %get3A_28 = arith.constant 0 : index
    %get3A_29 = vector.load %arg5[%get3A_27, %get3A_28] : memref<32x1xf32, #tpu.memory_space<vmem>>, vector<32x1xf32>
    %dot_general3A_30 = arith.constant dense<0.000000e+00> : vector<10000x1xf32>
    %dot_general3A_31 = tpu.matmul %slice3A, %get3A_29, %dot_general3A_30 {dimension_numbers = #tpu.dot_dimension_numbers<[1], [0], [0], [1], [0, 0, 1, 1], [], []>, transpose_lhs_hint = false} : vector<10000x32xf32>, vector<32x1xf32>, vector<10000x1xf32> -> vector<10000x1xf32>
    %get3A_32 = arith.constant 0 : index
    %get3A_33 = memref.load %arg7[%get3A_32] : memref<1xf32, #tpu.memory_space<smem>>
    %add3A_34 = vector.broadcast %get3A_33 : f32 to vector<10000x1xf32>
    %add3A_35 = arith.addf %dot_general3A_31, %add3A_34 : vector<10000x1xf32>
    %get3A_36 = arith.constant 0 : index
    %get3A_37 = arith.constant 0 : index
    %get3A_38 = vector.load %arg6[%get3A_36, %get3A_37] : memref<32x1xf32, #tpu.memory_space<vmem>>, vector<32x1xf32>
    %dot_general3A_39 = arith.constant dense<0.000000e+00> : vector<10000x1xf32>
    %dot_general3A_40 = tpu.matmul %get3A_12, %get3A_38, %dot_general3A_39 {dimension_numbers = #tpu.dot_dimension_numbers<[1], [0], [0], [1], [0, 0, 1, 1], [], []>, transpose_lhs_hint = false} : vector<10000x32xf32>, vector<32x1xf32>, vector<10000x1xf32> -> vector<10000x1xf32>
    %add3A_41 = arith.addf %add3A_35, %dot_general3A_40 : vector<10000x1xf32>
    %gt3A = arith.constant 0.000000e+00 : f32
    %gt3A_42 = vector.broadcast %gt3A : f32 to vector<10000x1xf32>
    %gt3A_43 = arith.cmpf ogt, %slice3A_9, %gt3A_42 : vector<10000x1xf32>
    %jit3A = arith.constant 1.000000e+00 : f32
    %jit3A_44 = arith.constant 0.000000e+00 : f32
    %broadcast_in_dim3A = vector.broadcast %jit3A : f32 to vector<10000x1xf32>
    %broadcast_in_dim3A_45 = vector.broadcast %jit3A_44 : f32 to vector<10000x1xf32>
    %select_n3A = arith.select %gt3A_43, %broadcast_in_dim3A, %broadcast_in_dim3A_45 : vector<10000x1xi1>, vector<10000x1xf32>
    %mul3A = arith.mulf %select_n3A, %add3A_26 : vector<10000x1xf32>
    %eq3A = arith.constant 0.000000e+00 : f32
    %eq3A_46 = vector.broadcast %eq3A : f32 to vector<10000x1xf32>
    %eq3A_47 = arith.cmpf oeq, %mul3A, %eq3A_46 : vector<10000x1xf32>
    %jit3A_48 = arith.constant 0xFF800000 : f32
    %broadcast_in_dim3A_49 = vector.broadcast %jit3A_48 : f32 to vector<10000x1xf32>
    %select_n3A_50 = arith.select %eq3A_47, %broadcast_in_dim3A_49, %mul3A : vector<10000x1xi1>, vector<10000x1xf32>
    %reduce_max3A = vector.shape_cast %select_n3A_50 : vector<10000x1xf32> to vector<1x10000x1xf32>
    %reduce_max3A_51 = arith.constant dense<0xFF800000> : vector<1xf32>
    %reduce_max3A_52 = vector.multi_reduction <maximumf>, %reduce_max3A, %reduce_max3A_51 [1, 2] : vector<1x10000x1xf32> to vector<1xf32>
    %reduce_max3A_53 = vector.shape_cast %reduce_max3A_52 : vector<1xf32> to vector<1x1x1xf32>
    %reduce_max3A_54 = vector.extract %reduce_max3A_53[0, 0, 0] : f32 from vector<1x1x1xf32>
    %sub3A = vector.broadcast %reduce_max3A_54 : f32 to vector<10000x1xf32>
    %sub3A_55 = arith.subf %select_n3A_50, %sub3A : vector<10000x1xf32>
    %exp3A = math.exp %sub3A_55 : vector<10000x1xf32>
    %reduce_sum3A = vector.shape_cast %exp3A : vector<10000x1xf32> to vector<1x10000x1xf32>
    %reduce_sum3A_56 = arith.constant dense<0.000000e+00> : vector<1xf32>
    %reduce_sum3A_57 = vector.multi_reduction <add>, %reduce_sum3A, %reduce_sum3A_56 [1, 2] : vector<1x10000x1xf32> to vector<1xf32>
    %reduce_sum3A_58 = vector.shape_cast %reduce_sum3A_57 : vector<1xf32> to vector<1x1x1xf32>
    %reduce_sum3A_59 = vector.extract %reduce_sum3A_58[0, 0, 0] : f32 from vector<1x1x1xf32>
    %div3A = vector.broadcast %reduce_sum3A_59 : f32 to vector<10000x1xf32>
    %div3A_60 = arith.divf %exp3A, %div3A : vector<10000x1xf32>
    %swap3A = arith.constant 0 : index
    %swap3A_61 = arith.constant 0 : index
    %swap3A_62 = vector.load %arg8[%swap3A, %swap3A_61] : memref<10000x1xf32, #tpu.memory_space<vmem>>, vector<10000x1xf32>
    tpu.vector_store %arg8[%swap3A, %swap3A_61], %div3A_60 {strides = array<i32>} : memref<10000x1xf32, #tpu.memory_space<vmem>>, vector<10000x1xf32>,
    %mul3A_63 = arith.mulf %select_n3A, %add3A_41 : vector<10000x1xf32>
    %swap3A_64 = arith.constant 0 : index
    %swap3A_65 = arith.constant 0 : index
    %swap3A_66 = vector.load %arg9[%swap3A_64, %swap3A_65] : memref<10000x1xf32, #tpu.memory_space<vmem>>, vector<10000x1xf32>
    tpu.vector_store %arg9[%swap3A_64, %swap3A_65], %mul3A_63 {strides = array<i32>} : memref<10000x1xf32, #tpu.memory_space<vmem>>, vector<10000x1xf32>,
    return
  }
}

</mosaic_0001>

<sc_bundles>
// kernel: kernel.11.cloned.1.call-start
scs
__scs_entry_jumppad:
0x0: {  	(pc) =	sbr.rel $0x88, $3  }
0x1: {  	(tag) =	ssettag $0x0;
	lr =	simm.s32 $0x1  }
0x2: {  	[smem:$0x3F91] =	sst lr;
	_ =	strace $0xD0000000  }
0x3: {  	_ = 	snop  }
0x4: {  	_ = 	snop  }
0x5: {  	_ = 	snop  }
0x6: {  	_ = 	snop  }
0x7: {  	_ = 	snop  }
__scs_overlays_trampoline_lowered:
0x8: {  	[smem:$0x3FA0] =	sst s0  }
0x9: {  	[smem:$0x3FA1] =	sst s1  }
0xa: {  	[smem:$0x3FA2] =	sst s2  }
0xb: {  	[smem:$0x3FA3] =	sst s3  }
0xc: {  	[smem:$0x3FA4] =	sst s4  }
0xd: {  	[smem:$0x3FA5] =	sst s5  }
0xe: {  	[smem:$0x3FA6] =	sst s6  }
0xf: {  	[smem:$0x3FA7] =	sst s7  }
0x10: {  	[smem:$0x3FA8] =	sst s8  }
0x11: {  	[smem:$0x3FA9] =	sst s9;
	s0 =	simm.s32 @!p0 $0x0  }
0x12: {  	s1 =	sld [smem:$0x3F8F];
	s0 =	simm.s32 @p0 $0x1  }
0x13: {  	[smem:$0x3FAA] =	sst s0;
	s0 =	simm.s32 @!p1 $0x0  }
0x14: {  	s2 =	sld [smem:$0x3F8E];
	s0 =	simm.s32 @p1 $0x1  }
0x15: {  	[smem:$0x3FAB] =	sst s0;
	s0 =	simm.s32 @!p2 $0x0  }
0x16: {  	s3 =	sld [smem:$0x3FDB];
	s0 =	simm.s32 @p2 $0x1  }
0x17: {  	s4 =	simm.s32 $0x1BF5;
	[smem:$0x3FAD] =	sst s0  }
0x18: {  	s0 =	sld [smem:$0x3F90];
	_ =	swait.ge [sflag:s4], $0x0  }
0x19: {  	s7 =	sld [smem:$0x3F91]  }
0x1a: {  	s8 =	sadd.s32 $0xFFFFE003, lr  }
0x1b: {  	s9 =	sadd.s32 $0xFFFFFEF7, lr;
	s5 =	simm.s32 $0xFFFFFFFF;
	p2 =	slt.u32 s8, $0xFFFFF086  }
0x1c: {  	p1 =	slt.u32 s9, $0xF7A;
	s5 =	simm.s32 @!p2 $0x0  }
0x1d: {  	s5 =	simm.s32 @p1 $0x1;
	p0 =	seq.s32 s7, s2  }
0x1e: {  	s7 =	smul.u32 @!p0 $0xF7A, s2;
	p2 =	seq.s32 @!p0 s5, $0x0  }
0x1f: {  	s9 =	smul.u32 $0xF7A, s1;
	s8 =	simm.s32 @!p0 $0x1BF5;
	p2 =	por !p2, p0  }
0x20: {  	[sflag:s8] =	ssyncset.s32 @!p0 $0xFFFFF086;
	s6 =	sadd.s32 @!p0 s3, s7;
	s7 =	simm.s32 @!p0 $0x108  }
0x21: {  	s3 =	sadd.s32 s3, s9;
	s6 =	sadd.s32 @!p0 $0x88, s6;
	s7 =	simm.s32 @p2 $0x1082  }
0x22: {  	[simem:s7], [sflag:s8] =	dma.local @!p0 [hbm:s6], $0xF7A  }
0x23: {  	s9 =	sor.u32 $0xD0000000, s2;
	s6 =	simm.s32 $0x108;
	_ =	swait.ge @!p0 [sflag:s8], $0x0  }
0x24: {  	s3 =	sadd.s32 $0x88, s3;
	s6 =	simm.s32 @!p1 $0x1082;
	[sflag:s4] =	ssyncset.s32 $0xFFFFF086  }
0x25: {  	[simem:s6], [sflag:s4] =	dma.local [hbm:s3], $0xF7A  }
0x26: {  	[smem:$0x3F91] =	sst s1;
	(tag) =	ssettag s2;
	_ =	strace s9  }
0x27: {  	s1 =	sld [smem:$0x3FA1]  }
0x28: {  	s2 =	sld [smem:$0x3FA2]  }
0x29: {  	s4 =	sld [smem:$0x3FA4]  }
0x2a: {  	p0 =	seq.s32 s5, $0x0;
	s5 =	sld [smem:$0x3FA5]  }
0x2b: {  	s6 =	sld [smem:$0x3FA6]  }
0x2c: {  	s7 =	sld [smem:$0x3FA7]  }
0x2d: {  	s3 =	simm.s32 $0x108;
	s8 =	sld [smem:$0x3FA8]  }
0x2e: {  	s3 =	simm.s32 @!p0 $0x1082;
	s9 =	sld [smem:$0x3FA9]  }
0x2f: {  	lr =	sadd.s32 s0, s3;
	s0 =	sld [smem:$0x3FA0]  }
0x30: {  	s3 =	sld [smem:$0x3FA3]  }
0x31: {  	[smem:$0x3FAC] =	sst s10  }
0x32: {  	s10 =	sld [smem:$0x3FAA];
	_ =	sdelay $0x3  }
0x33: {  	p0 =	seq.s32 s10, $0x1;
	s10 =	sld [smem:$0x3FAC];
	_ =	sdelay $0x3  }
0x34: {  	[smem:$0x3FAC] =	sst s10  }
0x35: {  	s10 =	sld [smem:$0x3FAB];
	_ =	sdelay $0x3  }
0x36: {  	p1 =	seq.s32 s10, $0x1;
	s10 =	sld [smem:$0x3FAC];
	_ =	sdelay $0x3  }
0x37: {  	[smem:$0x3FAC] =	sst s10  }
0x38: {  	s10 =	sld [smem:$0x3FAD]  }
0x39: {  	_ = 	snop;
	(pc) =	sbr.ind lr, $3  }
0x3a: {  	_ = 	snop  }
0x3b: {  	_ = 	snop  }
0x3c: {  	p2 =	seq.s32 s10, $0x1;
	s10 =	sld [smem:$0x3FAC]  }
0x3d: {  	_ =	shalt  }
0x3e: {  	_ =	shalt  }
0x3f: {  	_ =	shalt  }
0x40: {  	_ =	shalt  }
0x41: {  	_ =	shalt  }
0x42: {  	_ =	shalt  }
0x43: {  	_ =	shalt  }
0x44: {  	_ =	shalt  }
0x45: {  	_ =	shalt  }
0x46: {  	_ =	shalt  }
0x47: {  	_ =	shalt  }
0x48: {  	_ =	shalt  }
0x49: {  	_ =	shalt  }
0x4a: {  	_ =	shalt  }
0x4b: {  	_ =	shalt  }
0x4c: {  	_ =	shalt  }
0x4d: {  	_ =	shalt  }
0x4e: {  	_ =	shalt  }
0x4f: {  	_ =	shalt  }
0x50: {  	_ =	shalt  }
0x51: {  	_ =	shalt  }
0x52: {  	_ =	shalt  }
0x53: {  	_ =	shalt  }
0x54: {  	_ =	shalt  }
0x55: {  	_ =	shalt  }
0x56: {  	_ =	shalt  }
0x57: {  	_ =	shalt  }
0x58: {  	_ =	shalt  }
0x59: {  	_ =	shalt  }
0x5a: {  	_ =	shalt  }
0x5b: {  	_ =	shalt  }
0x5c: {  	_ =	shalt  }
0x5d: {  	_ =	shalt  }
0x5e: {  	_ =	shalt  }
0x5f: {  	_ =	shalt  }
0x60: {  	_ =	shalt  }
0x61: {  	_ =	shalt  }
0x62: {  	_ =	shalt  }
0x63: {  	_ =	shalt  }
0x64: {  	_ =	shalt  }
0x65: {  	_ =	shalt  }
0x66: {  	_ =	shalt  }
0x67: {  	_ =	shalt  }
0x68: {  	_ =	shalt  }
0x69: {  	_ =	shalt  }
0x6a: {  	_ =	shalt  }
0x6b: {  	_ =	shalt  }
0x6c: {  	_ =	shalt  }
0x6d: {  	_ =	shalt  }
0x6e: {  	_ =	shalt  }
0x6f: {  	_ =	shalt  }
0x70: {  	_ =	shalt  }
0x71: {  	_ =	shalt  }
0x72: {  	_ =	shalt  }
0x73: {  	_ =	shalt  }
0x74: {  	_ =	shalt  }
0x75: {  	_ =	shalt  }
0x76: {  	_ =	shalt  }
0x77: {  	_ =	shalt  }
0x78: {  	_ =	shalt  }
0x79: {  	_ =	shalt  }
0x7a: {  	_ =	shalt  }
0x7b: {  	_ =	shalt  }
0x7c: {  	_ =	shalt  }
0x7d: {  	_ =	shalt  }
0x7e: {  	_ =	shalt  }
0x7f: {  	_ =	shalt  }
0x80: {  	_ =	shalt  }
0x81: {  	_ =	shalt  }
0x82: {  	_ =	shalt  }
0x83: {  	_ =	shalt  }
0x84: {  	_ =	shalt  }
0x85: {  	_ =	shalt  }
0x86: {  	_ =	shalt  }
0x87: {  	_ =	shalt  }
.Lfunc_end0:
.L_simem_size_0:
called_computation.1_lowered:
.L_overlay_start_0:
0x88: {  	s2 =	sld [smem:$0x3FD9]  }
0x89: {  	s3 =	sld [smem:$0x3FFE];
	_ =	sdelay $0x1  }
0x8a: {  	s1 =	srdreg.scid  }
0x8b: {  	s0 =	sand.u32 $0x1, s1  }
0x8c: {  	s16 =	sshll.u32 s0, $0xA;
	s2 =	sadd.s32 s3, s2  }
0x8d: {  	s2 =	sadd.s32 s2, s16  }
0x8e: {  	[smem:$0x3FB8] =	sst s2  }
0x8f: {  	_ = 	snop  }
0x90: {  	(tm) =	ssettm $0x1  }
0x91: {  	s17 =	sld [smem:$0x3FFB];
	_ =	sdelay $0x3  }
0x92: {  	_ =	strace s17  }
0x93: {  	s2 =	sld [smem:$0x3FFC];
	_ =	sdelay $0x3  }
0x94: {  	_ =	strace s2  }
0x95: {  	s2 =	sld [smem:$0x3FFD];
	_ =	sdelay $0x3  }
0x96: {  	_ =	strace s2  }
0x97: {  	_ =	strace $0x8FFFFFFF  }
0x98: {  	s18 =	sld [smem:$0x3FDB];
	_ =	sdelay $0x1  }
0x99: {  	s19 =	simm.s32 $_scs_section_size  }
0x9a: {  	s4 =	simm.s32 $_size__tile_overlayer_lowered;
	s5 =	simm.s32 $_tile_overlayer_lowered  }
0x9b: {  	s22 =	simm.s32 $0x1BFF;
	s21 =	sshll.u32 s5, $0x1;
	s2 =	sadd.s32 s19, s18  }
0x9c: {  	s6 =	simm.s32 $0x0;
	s20 =	sshll.u32 s4, $0x1;
	s4 =	sadd.s32 s21, s2  }
0x9d: {  	[timem:s6], [sflag:s22] =	dma.local [hbm:s4], s20  }
0x9e: {  	_ =	swait.ge [sflag:s22], s20  }
0x9f: {  	s3 =	ssub.s32 $0x0, s20;
	[sflag:s22] =	ssyncset.done $0x0  }
0xa0: {  	[sflag:s22] =	ssyncadd.s32 s3;
	_ =	sdelay $0x1  }
0xa1: {  	s23 =	simm.s32 $0x1B8B  }
0xa2: {  	_ =	swait.ge [sflag:s23], $0x1  }
0xa3: {  	[sflag:s23] =	ssyncset.done $0x0  }
0xa4: {  	s25 =	simm.s32 $0x1B8E;
	s24 =	sld [smem:$0x3FFE];
	[sflag:s23] =	ssyncadd.s32 $0xFFFFFFFF  }
0xa5: {  	s26 =	simm.s32 $execute0_lowered;
	[smem:$0x3FD2] =	sst s25  }
0xa6: {  	s4 =	sshll.u32 s26, $0x1;
	_ =	strace $0x80000049;
	[dreg:$0x1] =	wrdreg $0xFFFFFFFF  }
0xa7: {  	s28 =	simm.s32 $_size_execute0_lowered;
	s2 =	sadd.s32 s2, s4;
	[dreg:$0x0] =	wrdreg $0x0  }
0xa8: {  	s4 =	sshll.u32 s28, $0x1;
	[dreg:$0x2] =	wrdreg s2  }
0xa9: {  	[dreg:$0x3] =	wrdreg s4  }
0xaa: {  	[dreg:$0x4] =	wrdreg $0xC0  }
0xab: {  	_ =	task [dreg:s6], $0x5FFFF  }
0xac: {  	[dreg:$0x1] =	wrdreg $0xFFFFFFFF  }
0xad: {  	[dreg:$0x0] =	wrdreg $0x60  }
0xae: {  	[dreg:$0x2] =	wrdreg s24  }
0xaf: {  	[dreg:$0x3] =	wrdreg $0x10B800  }
0xb0: {  	[dreg:$0x4] =	wrdreg $0x9  }
0xb1: {  	_ =	task.clear_ibuf [dreg:s6], $0x5FFFF;
	_ =	strace $0x90000049  }
0xb2: {  	s29 =	simm.s32 $0x9;
	_ =	strace $0x8000004B  }
0xb3: {  	_ =	swait.ge [sflag:s29], $0x1  }
0xb4: {  	[sflag:s29] =	ssyncadd.s32 $0xFFFFFFFF  }
0xb5: {  	_ =	strace $0x9000004B  }
0xb6: {  	_ =	sfence  }
0xb7: {  	s30 =	sld [smem:$0x0];
	_ =	sdelay $0x2  }
0xb8: {  	s31 =	sshll.u32 s1, $0xD;
	s1 =	sshrl.u32 s1, $0x2  }
0xb9: {  	s3 =	sand.u32 $0x4000, s31;
	s1 =	sadd.s32 s1, s30  }
0xba: {  	s0 =	sor.u32 s3, s0;
	s1 =	sshll.u32 s1, $0x11  }
0xbb: {  	s0 =	sor.u32 s1, s0  }
0xbc: {  	s0 =	sadd.s32 $0x8F2B, s0  }
0xbd: {  	[sflag:s0] =	ssyncadd.remote.s32 $0x1  }
0xbe: {  	_ =	sfence.sel $0xFFFF  }
0xbf: {  	[dreg:$0x0] =	wrdreg $0xFFFFFFFF;
	(pc) =	sbr.abs _section_cstart, $3  }
0xc0: {  	[dreg:$0x1] =	wrdreg $0xFFFFFFFF  }
0xc1: {  	_ =	task.clear_ibuf [dreg:s6], $0x2FFFF;
	_ =	strace $0x9FFFFFFF  }
0xc2: {  	(tm) =	ssettm $0x7FFFFFFF  }
0xc3: {  	_ =	shalt  }
tec
execute0_lowered:
.L_overlay_start_1:
0x0: {  	(tag) =	ssettag $0x1  }
0x1: {  	s0 =	srdreg.scid  }
0x2: {  	s10 =	stileid.u32;
	s3 =	rddreg [dreg:$0x0]  }
0x3: {  	s2 =	rddreg [dreg:$0x1];
	s4 =	simm.s32 $0x0;
	s14 =	simm.s32 $0x2  }
0x4: {  	s16 =	simm.s32 $0x7D;
	s17 =	simm.s32 $0x8E80;
	s18 =	simm.s32 $0x9E20  }
0x5: {  	s19 =	simm.s32 $0xADC0;
	s20 =	simm.s32 $0xBD60;
	s21 =	simm.s32 $0xCD00  }
0x6: {  	s22 =	simm.s32 $0xDCA0;
	s23 =	simm.s32 $0xEC40;
	s24 =	simm.s32 $0xFBE0  }
0x7: {  	s25 =	simm.s32 $0x1;
	s26 =	simm.s32 $0x0;
	s0 =	sand.u32 $0x1, s0  }
0x8: {  	s6 =	smul.u32 $0x4E20, s10;
	[smem:$0x7FF] =	sst s4;
	s4 =	sadd.s32 $0x15A00, s3  }
0x9: {  	s29 =	sshll.u32 s10, $0x6;
	s1 =	sshll.u32 s0, $0x4;
	s7 =	smul.u32 $0x4E200, s0  }
0xa: {  	_ =	strace $0x8000004A;
	s0 =	ssub.s32 $0x2, s0;
	s1 =	sor.u32 s10, s1  }
0xb: {  	s9 =	sshrl.u32 s6, $0x3;
	s28 =	sshrl.u32 s0, $0x1;
	s5 =	smul.u32 $0x500, s1  }
0xc: {  	s7 =	sadd.s32 s6, s7;
	s9 =	sadd.s32 s9, s3;
	s0 =	ssub.s32 s0, s28  }
0xd: {  	s6 =	sadd.s32 s6, s2;
	s7 =	sshrl.u32 s7, $0x3;
	s9 =	sadd.s32 $0x1F800, s9  }
0xe: {  	s0 =	smax.u32 s0, $0x1;
	s8 =	sadd.s32 s5, s3;
	[dreg:$0x3] =	wrdreg s9  }
0xf: {  	s5 =	sadd.s32 $0x4F7A00, s3;
	[dreg:$0x7] =	wrdreg s0;
	s30 =	sadd.s32 $0xBA00, s8  }
0x10: {  	s3 =	sadd.s32 s7, s3;
	s8 =	sadd.s32 $0x1A00, s8;
	[dreg:$0x4] =	wrdreg s30  }
0x11: {  	v0 =	vlaneseq.u32;
	s10 =	smul.u32 $0x2710, s1;
	s31 =	sadd.s32 $0x29600, s3;
	[dreg:$0x5] =	wrdreg s8  }
0x12: {  	v1 =	vor.u32 $0x10, v0;
	s13 =	sshrl.u32 s6, $0x3;
	s7 =	sor.u32 $0x1C02, s29;
	[dreg:$0x6] =	wrdreg s31  }
.LBB2_1:
0x13: {  	s0 =	rddreg [dreg:$0x3]  }
0x14: {  	[spmem:s13], [sflag:s7] =	dma.local [hbm:s0], $0x9C4  }
0x15: {  	_ =	swait.ge [sflag:s14], $0x9C4  }
0x16: {  	[sflag:s14] =	ssyncset.done $0x0  }
0x17: {  	s30 =	simm.s32 $0x0;
	s1 =	rddreg [dreg:$0x4];
	[sflag:s14] =	ssyncadd.s32 $0xFFFFF63C  }
0x18: {  	[tilespmem:s30], [sflag:$0x2] =	stream.linear.gather [hbm4b:s1+s30], $0x2800, $0x38;
	[tilespmem:$0x159A0] =	vst v63  }
0x19: {  	_ =	swait.ge [sflag:s14], $0x2800  }
0x1a: {  	[sflag:s14] =	ssyncset.done $0x0  }
0x1b: {  	s3 =	simm.s32 $0x2800;
	s31 =	rddreg [dreg:$0x5];
	[sflag:s14] =	ssyncadd.s32 $0xFFFFD800  }
0x1c: {  	[tilespmem:s3], [sflag:$0x2] =	stream.linear.gather [hbm4b:s31+s30], $0x2800, $0x38;
	[tilespmem:$0x159A0] =	vst v63  }
0x1d: {  	_ =	swait.ge [sflag:s14], $0x2800  }
0x1e: {  	[sflag:s14] =	ssyncset.done $0x0  }
0x1f: {  	[sflag:s14] =	ssyncadd.s32 $0xFFFFD800  }
0x20: {  	s28 =	simm.s32 $0x0;
	[bflag:$0x0] =	sbarrier.arrive $0xFFFF  }
.LBB2_2:
0x21: {  	s0 =	smul.u32 $0x3E8, s28;
	_ =	sdelay $0x1  }
0x22: {  	s0 =	sadd.s32 s10, s0  }
0x23: {  	s0 =	sshll.u32 s0, $0x1  }
0x24: {  	s1 =	simm.s32 $0x0;
	s8 =	simm.s32 $0x5000;
	s0 =	sadd.s32 s5, s0  }
0x25: {  	[tilespmem:s8], [sflag:$0x2] =	stream.linear.gather [hbm4b:s0+s1], $0x3E80, $0x38;
	[tilespmem:$0x159A0] =	vst v63  }
0x26: {  	_ =	swait.ge [sflag:s14], $0x3E80  }
0x27: {  	[sflag:s14] =	ssyncset.done $0x0  }
0x28: {  	s6 =	sshll.u32 s28, $0xA;
	[sflag:s14] =	ssyncadd.s32 $0xFFFFC180  }
0x29: {  	[tilespmem:s17], [sflag:$0x1] =	stream.indirect.gather [hbm4b:s4+s16], $0x20, s6, s16, $0xb8;
	[tilespmem:$0x159A0] =	vst v63  }
0x2a: {  	s3 =	sor.u32 $0x80, s6  }
0x2b: {  	[tilespmem:s18], [sflag:$0x1] =	stream.indirect.gather [hbm4b:s4+s16], $0x20, s3, s16, $0xb8;
	[tilespmem:$0x159A0] =	vst v63  }
0x2c: {  	s15 =	sor.u32 $0x100, s6  }
0x2d: {  	[tilespmem:s19], [sflag:$0x1] =	stream.indirect.gather [hbm4b:s4+s16], $0x20, s15, s16, $0xb8;
	[tilespmem:$0x159A0] =	vst v63  }
0x2e: {  	s0 =	sor.u32 $0x180, s6  }
0x2f: {  	[tilespmem:s20], [sflag:$0x1] =	stream.indirect.gather [hbm4b:s4+s16], $0x20, s0, s16, $0xb8;
	[tilespmem:$0x159A0] =	vst v63  }
0x30: {  	s1 =	sor.u32 $0x200, s6  }
0x31: {  	[tilespmem:s21], [sflag:$0x1] =	stream.indirect.gather [hbm4b:s4+s16], $0x20, s1, s16, $0xb8;
	[tilespmem:$0x159A0] =	vst v63  }
0x32: {  	s31 =	sor.u32 $0x280, s6  }
0x33: {  	[tilespmem:s22], [sflag:$0x1] =	stream.indirect.gather [hbm4b:s4+s16], $0x20, s31, s16, $0xb8;
	[tilespmem:$0x159A0] =	vst v63  }
0x34: {  	s30 =	sor.u32 $0x300, s6  }
0x35: {  	[tilespmem:s23], [sflag:$0x1] =	stream.indirect.gather [hbm4b:s4+s16], $0x20, s30, s16, $0xb8;
	[tilespmem:$0x159A0] =	vst v63  }
0x36: {  	s29 =	sor.u32 $0x380, s6  }
0x37: {  	[tilespmem:s24], [sflag:$0x1] =	stream.indirect.gather [hbm4b:s4+s16], $0x20, s29, s16, $0xb8;
	[tilespmem:$0x159A0] =	vst v63  }
0x38: {  	_ =	swait.ge [sflag:s25], $0xFA0  }
0x39: {  	[sflag:s25] =	ssyncset.done $0x0  }
0x3a: {  	[sflag:s25] =	ssyncadd.s32 $0xFFFFF060  }
0x3b: {  	_ =	swait.ge [sflag:s25], $0xFA0  }
0x3c: {  	[sflag:s25] =	ssyncset.done $0x0  }
0x3d: {  	[sflag:s25] =	ssyncadd.s32 $0xFFFFF060  }
0x3e: {  	_ =	swait.ge [sflag:s25], $0xFA0  }
0x3f: {  	[sflag:s25] =	ssyncset.done $0x0  }
0x40: {  	[sflag:s25] =	ssyncadd.s32 $0xFFFFF060  }
0x41: {  	_ =	swait.ge [sflag:s25], $0xFA0  }
0x42: {  	[sflag:s25] =	ssyncset.done $0x0  }
0x43: {  	[sflag:s25] =	ssyncadd.s32 $0xFFFFF060  }
0x44: {  	_ =	swait.ge [sflag:s25], $0xFA0  }
0x45: {  	[sflag:s25] =	ssyncset.done $0x0  }
0x46: {  	[sflag:s25] =	ssyncadd.s32 $0xFFFFF060  }
0x47: {  	_ =	swait.ge [sflag:s25], $0xFA0  }
0x48: {  	[sflag:s25] =	ssyncset.done $0x0  }
0x49: {  	[sflag:s25] =	ssyncadd.s32 $0xFFFFF060  }
0x4a: {  	s9 =	simm.s32 $0x0;
	_ =	swait.ge [sflag:s25], $0xFA0  }
0x4b: {  	v2 =	vor.u32 s9, v0;
	[sflag:s25] =	ssyncset.done $0x0  }
0x4c: {  	[sflag:s25] =	ssyncadd.s32 $0xFFFFF060  }
0x4d: {  	_ =	swait.ge [sflag:s25], $0xFA0  }
0x4e: {  	[sflag:s25] =	ssyncset.done $0x0  }
0x4f: {  	[sflag:s25] =	ssyncadd.s32 $0xFFFFF060  }
0x50: {  	v4 =	vld.idx.msk [tilespmem:v2+s17+$0x0], $0xffff  }
0x51: {  	v5 =	vld [tilespmem:s8+$0x0];
	_ =	sdelay $0x2  }
0x52: {  	v3 =	vor.u32 s9, v1;
	_ =	sdelay $0x1  }
0x53: {  	v4 =	vmul.f32 v4, v5;
	_ =	sdelay $0x1  }
0x54: {  	[tilespmem:v2+s17+$0x0] =	vst.idx.msk $0xffff, v4  }
0x55: {  	v4 =	vld.idx.msk [tilespmem:v3+s17+$0x0], $0xffff;
	_ =	sdelay $0x1  }
0x56: {  	s11 =	simm.s32 $0x20  }
0x57: {  	v2 =	vor.u32 s11, v0;
	_ =	sdelay $0x1  }
0x58: {  	s9 =	simm.s32 $0x2;
	v4 =	vmul.f32 v4, v5  }
.LBB2_3:
0x59: {  	p0 =	sne.s32 s9, $0x7C  }
0x5a: {  	s8 =	sadd.s32 $0x10, s8;
	s12 =	smov.u32 s9;
	s9 =	sadd.s32 $0x1, s9;
	[tilespmem:v3+s17+$0x0] =	vst.idx.msk $0xffff, v4  }
0x5b: {  	v4 =	vld.idx.msk [tilespmem:v2+s17+$0x0], $0xffff  }
0x5c: {  	v5 =	vld [tilespmem:s8+$0x0];
	_ =	sdelay $0x2  }
0x5d: {  	v3 =	vor.u32 s11, v1;
	_ =	sdelay $0x1  }
0x5e: {  	v4 =	vmul.f32 v4, v5;
	_ =	sdelay $0x1  }
0x5f: {  	[tilespmem:v2+s17+$0x0] =	vst.idx.msk $0xffff, v4  }
0x60: {  	v4 =	vld.idx.msk [tilespmem:v3+s17+$0x0], $0xffff;
	_ =	sdelay $0x1  }
.Ltmp0:
0x61: {  	(pc) =	sbr.rel @p0 .LBB2_3-.Ltmp0, $3  }
0x62: {  	s11 =	sshll.u32 s12, $0x5  }
0x63: {  	v2 =	vor.u32 s11, v0;
	_ =	sdelay $0x1  }
0x64: {  	v4 =	vmul.f32 v4, v5  }
0x65: {  	_ =	sdelay $0x3  }
0x66: {  	[tilespmem:v3+s17+$0x0] =	vst.idx.msk $0xffff, v4  }
0x67: {  	s8 =	sadd.s32 $0x10, s8;
	v3 =	vld.idx.msk [tilespmem:v2+s17+$0x0], $0xffff  }
0x68: {  	v4 =	vld [tilespmem:s8+$0x0];
	_ =	sdelay $0x2  }
0x69: {  	v5 =	vor.u32 s11, v1;
	_ =	sdelay $0x1  }
0x6a: {  	v3 =	vmul.f32 v3, v4;
	_ =	sdelay $0x1  }
0x6b: {  	[tilespmem:v2+s17+$0x0] =	vst.idx.msk $0xffff, v3  }
0x6c: {  	v2 =	vld.idx.msk [tilespmem:v5+s17+$0x0], $0xffff;
	_ =	sdelay $0x1  }
0x6d: {  	s9 =	simm.s32 $0xFA0  }
0x6e: {  	v6 =	vor.u32 s9, v0;
	_ =	sdelay $0x1  }
0x6f: {  	v2 =	vmul.f32 v2, v4;
	_ =	sdelay $0x1  }
0x70: {  	[tilespmem:v5+s17+$0x0] =	vst.idx.msk $0xffff, v2  }
0x71: {  	s8 =	simm.s32 $0x57D0;
	v2 =	vld.idx.msk [tilespmem:v6+s17+$0x0], $0xffff  }
0x72: {  	v4 =	vld [tilespmem:s8+$0x0];
	_ =	sdelay $0x2  }
0x73: {  	v3 =	vor.u32 s9, v1;
	_ =	sdelay $0x1  }
0x74: {  	v2 =	vmul.f32 v2, v4;
	_ =	sdelay $0x1  }
0x75: {  	[tilespmem:v6+s17+$0x0] =	vst.idx.msk $0xffff, v2  }
0x76: {  	v5 =	vld.idx.msk [tilespmem:v3+s17+$0x0], $0xffff;
	_ =	sdelay $0x1  }
0x77: {  	s11 =	simm.s32 $0xFC0  }
0x78: {  	v2 =	vor.u32 s11, v0;
	_ =	sdelay $0x1  }
0x79: {  	s9 =	simm.s32 $0x7F;
	v4 =	vmul.f32 v5, v4  }
.LBB2_5:
0x7a: {  	p0 =	sne.s32 s9, $0xF9  }
0x7b: {  	s8 =	sadd.s32 $0x10, s8;
	s12 =	smov.u32 s9;
	s9 =	sadd.s32 $0x1, s9;
	[tilespmem:v3+s17+$0x0] =	vst.idx.msk $0xffff, v4  }
0x7c: {  	v4 =	vld.idx.msk [tilespmem:v2+s17+$0x0], $0xffff  }
0x7d: {  	v5 =	vld [tilespmem:s8+$0x0];
	_ =	sdelay $0x2  }
0x7e: {  	v3 =	vor.u32 s11, v1;
	_ =	sdelay $0x1  }
0x7f: {  	v4 =	vmul.f32 v4, v5;
	_ =	sdelay $0x1  }
0x80: {  	[tilespmem:v2+s17+$0x0] =	vst.idx.msk $0xffff, v4  }
0x81: {  	v4 =	vld.idx.msk [tilespmem:v3+s17+$0x0], $0xffff;
	_ =	sdelay $0x1  }
.Ltmp1:
0x82: {  	(pc) =	sbr.rel @p0 .LBB2_5-.Ltmp1, $3  }
0x83: {  	s11 =	sshll.u32 s12, $0x5  }
0x84: {  	v2 =	vor.u32 s11, v0;
	_ =	sdelay $0x1  }
0x85: {  	v4 =	vmul.f32 v4, v5  }
0x86: {  	_ =	sdelay $0x3  }
0x87: {  	[tilespmem:v3+s17+$0x0] =	vst.idx.msk $0xffff, v4  }
0x88: {  	s8 =	sadd.s32 $0x10, s8;
	v3 =	vld.idx.msk [tilespmem:v2+s17+$0x0], $0xffff  }
0x89: {  	v4 =	vld [tilespmem:s8+$0x0];
	_ =	sdelay $0x2  }
0x8a: {  	v5 =	vor.u32 s11, v1;
	_ =	sdelay $0x1  }
0x8b: {  	v3 =	vmul.f32 v3, v4;
	_ =	sdelay $0x1  }
0x8c: {  	[tilespmem:v2+s17+$0x0] =	vst.idx.msk $0xffff, v3  }
0x8d: {  	v2 =	vld.idx.msk [tilespmem:v5+s17+$0x0], $0xffff;
	_ =	sdelay $0x1  }
0x8e: {  	s9 =	simm.s32 $0x1F40  }
0x8f: {  	v6 =	vor.u32 s9, v0;
	_ =	sdelay $0x1  }
0x90: {  	v2 =	vmul.f32 v2, v4;
	_ =	sdelay $0x1  }
0x91: {  	[tilespmem:v5+s17+$0x0] =	vst.idx.msk $0xffff, v2  }
0x92: {  	s8 =	simm.s32 $0x5FA0;
	v2 =	vld.idx.msk [tilespmem:v6+s17+$0x0], $0xffff  }
0x93: {  	v4 =	vld [tilespmem:s8+$0x0];
	_ =	sdelay $0x2  }
0x94: {  	v3 =	vor.u32 s9, v1;
	_ =	sdelay $0x1  }
0x95: {  	v2 =	vmul.f32 v2, v4;
	_ =	sdelay $0x1  }
0x96: {  	[tilespmem:v6+s17+$0x0] =	vst.idx.msk $0xffff, v2  }
0x97: {  	v5 =	vld.idx.msk [tilespmem:v3+s17+$0x0], $0xffff;
	_ =	sdelay $0x1  }
0x98: {  	s11 =	simm.s32 $0x1F60  }
0x99: {  	v2 =	vor.u32 s11, v0;
	_ =	sdelay $0x1  }
0x9a: {  	s9 =	simm.s32 $0xFC;
	v4 =	vmul.f32 v5, v4  }
.LBB2_7:
0x9b: {  	p0 =	sne.s32 s9, $0x176  }
0x9c: {  	s8 =	sadd.s32 $0x10, s8;
	s12 =	smov.u32 s9;
	s9 =	sadd.s32 $0x1, s9;
	[tilespmem:v3+s17+$0x0] =	vst.idx.msk $0xffff, v4  }
0x9d: {  	v4 =	vld.idx.msk [tilespmem:v2+s17+$0x0], $0xffff  }
0x9e: {  	v5 =	vld [tilespmem:s8+$0x0];
	_ =	sdelay $0x2  }
0x9f: {  	v3 =	vor.u32 s11, v1;
	_ =	sdelay $0x1  }
0xa0: {  	v4 =	vmul.f32 v4, v5;
	_ =	sdelay $0x1  }
0xa1: {  	[tilespmem:v2+s17+$0x0] =	vst.idx.msk $0xffff, v4  }
0xa2: {  	v4 =	vld.idx.msk [tilespmem:v3+s17+$0x0], $0xffff;
	_ =	sdelay $0x1  }
.Ltmp2:
0xa3: {  	(pc) =	sbr.rel @p0 .LBB2_7-.Ltmp2, $3  }
0xa4: {  	s11 =	sshll.u32 s12, $0x5  }
0xa5: {  	v2 =	vor.u32 s11, v0;
	_ =	sdelay $0x1  }
0xa6: {  	v4 =	vmul.f32 v4, v5  }
0xa7: {  	_ =	sdelay $0x3  }
0xa8: {  	[tilespmem:v3+s17+$0x0] =	vst.idx.msk $0xffff, v4  }
0xa9: {  	s8 =	sadd.s32 $0x10, s8;
	v3 =	vld.idx.msk [tilespmem:v2+s17+$0x0], $0xffff  }
0xaa: {  	v4 =	vld [tilespmem:s8+$0x0];
	_ =	sdelay $0x2  }
0xab: {  	v5 =	vor.u32 s11, v1;
	_ =	sdelay $0x1  }
0xac: {  	v3 =	vmul.f32 v3, v4;
	_ =	sdelay $0x1  }
0xad: {  	[tilespmem:v2+s17+$0x0] =	vst.idx.msk $0xffff, v3  }
0xae: {  	v2 =	vld.idx.msk [tilespmem:v5+s17+$0x0], $0xffff;
	_ =	sdelay $0x1  }
0xaf: {  	s9 =	simm.s32 $0x2EE0  }
0xb0: {  	v6 =	vor.u32 s9, v0;
	_ =	sdelay $0x1  }
0xb1: {  	v2 =	vmul.f32 v2, v4;
	_ =	sdelay $0x1  }
0xb2: {  	[tilespmem:v5+s17+$0x0] =	vst.idx.msk $0xffff, v2  }
0xb3: {  	s8 =	simm.s32 $0x6770;
	v2 =	vld.idx.msk [tilespmem:v6+s17+$0x0], $0xffff  }
0xb4: {  	v4 =	vld [tilespmem:s8+$0x0];
	_ =	sdelay $0x2  }
0xb5: {  	v3 =	vor.u32 s9, v1;
	_ =	sdelay $0x1  }
0xb6: {  	v2 =	vmul.f32 v2, v4;
	_ =	sdelay $0x1  }
0xb7: {  	[tilespmem:v6+s17+$0x0] =	vst.idx.msk $0xffff, v2  }
0xb8: {  	v5 =	vld.idx.msk [tilespmem:v3+s17+$0x0], $0xffff;
	_ =	sdelay $0x1  }
0xb9: {  	s11 =	simm.s32 $0x2F00  }
0xba: {  	v2 =	vor.u32 s11, v0;
	_ =	sdelay $0x1  }
0xbb: {  	s9 =	simm.s32 $0x179;
	v4 =	vmul.f32 v5, v4  }
.LBB2_9:
0xbc: {  	p0 =	sne.s32 s9, $0x1F3  }
0xbd: {  	s8 =	sadd.s32 $0x10, s8;
	s12 =	smov.u32 s9;
	s9 =	sadd.s32 $0x1, s9;
	[tilespmem:v3+s17+$0x0] =	vst.idx.msk $0xffff, v4  }
0xbe: {  	v4 =	vld.idx.msk [tilespmem:v2+s17+$0x0], $0xffff  }
0xbf: {  	v5 =	vld [tilespmem:s8+$0x0];
	_ =	sdelay $0x2  }
0xc0: {  	v3 =	vor.u32 s11, v1;
	_ =	sdelay $0x1  }
0xc1: {  	v4 =	vmul.f32 v4, v5;
	_ =	sdelay $0x1  }
0xc2: {  	[tilespmem:v2+s17+$0x0] =	vst.idx.msk $0xffff, v4  }
0xc3: {  	v4 =	vld.idx.msk [tilespmem:v3+s17+$0x0], $0xffff;
	_ =	sdelay $0x1  }
.Ltmp3:
0xc4: {  	(pc) =	sbr.rel @p0 .LBB2_9-.Ltmp3, $3  }
0xc5: {  	s11 =	sshll.u32 s12, $0x5  }
0xc6: {  	v2 =	vor.u32 s11, v0;
	_ =	sdelay $0x1  }
0xc7: {  	v4 =	vmul.f32 v4, v5  }
0xc8: {  	_ =	sdelay $0x3  }
0xc9: {  	[tilespmem:v3+s17+$0x0] =	vst.idx.msk $0xffff, v4  }
0xca: {  	s8 =	sadd.s32 $0x10, s8;
	v3 =	vld.idx.msk [tilespmem:v2+s17+$0x0], $0xffff  }
0xcb: {  	v4 =	vld [tilespmem:s8+$0x0];
	_ =	sdelay $0x2  }
0xcc: {  	v5 =	vor.u32 s11, v1;
	_ =	sdelay $0x1  }
0xcd: {  	v3 =	vmul.f32 v3, v4;
	_ =	sdelay $0x1  }
0xce: {  	[tilespmem:v2+s17+$0x0] =	vst.idx.msk $0xffff, v3  }
0xcf: {  	v2 =	vld.idx.msk [tilespmem:v5+s17+$0x0], $0xffff;
	_ =	sdelay $0x1  }
0xd0: {  	s9 =	simm.s32 $0x3E80  }
0xd1: {  	v6 =	vor.u32 s9, v0;
	_ =	sdelay $0x1  }
0xd2: {  	v2 =	vmul.f32 v2, v4;
	_ =	sdelay $0x1  }
0xd3: {  	[tilespmem:v5+s17+$0x0] =	vst.idx.msk $0xffff, v2  }
0xd4: {  	s8 =	simm.s32 $0x6F40;
	v2 =	vld.idx.msk [tilespmem:v6+s17+$0x0], $0xffff  }
0xd5: {  	v4 =	vld [tilespmem:s8+$0x0];
	_ =	sdelay $0x2  }
0xd6: {  	v3 =	vor.u32 s9, v1;
	_ =	sdelay $0x1  }
0xd7: {  	v2 =	vmul.f32 v2, v4;
	_ =	sdelay $0x1  }
0xd8: {  	[tilespmem:v6+s17+$0x0] =	vst.idx.msk $0xffff, v2  }
0xd9: {  	v5 =	vld.idx.msk [tilespmem:v3+s17+$0x0], $0xffff;
	_ =	sdelay $0x1  }
0xda: {  	s11 =	simm.s32 $0x3EA0  }
0xdb: {  	v2 =	vor.u32 s11, v0;
	_ =	sdelay $0x1  }
0xdc: {  	s9 =	simm.s32 $0x1F6;
	v4 =	vmul.f32 v5, v4  }
.LBB2_11:
0xdd: {  	p0 =	sne.s32 s9, $0x270  }
0xde: {  	s8 =	sadd.s32 $0x10, s8;
	s12 =	smov.u32 s9;
	s9 =	sadd.s32 $0x1, s9;
	[tilespmem:v3+s17+$0x0] =	vst.idx.msk $0xffff, v4  }
0xdf: {  	v4 =	vld.idx.msk [tilespmem:v2+s17+$0x0], $0xffff  }
0xe0: {  	v5 =	vld [tilespmem:s8+$0x0];
	_ =	sdelay $0x2  }
0xe1: {  	v3 =	vor.u32 s11, v1;
	_ =	sdelay $0x1  }
0xe2: {  	v4 =	vmul.f32 v4, v5;
	_ =	sdelay $0x1  }
0xe3: {  	[tilespmem:v2+s17+$0x0] =	vst.idx.msk $0xffff, v4  }
0xe4: {  	v4 =	vld.idx.msk [tilespmem:v3+s17+$0x0], $0xffff;
	_ =	sdelay $0x1  }
.Ltmp4:
0xe5: {  	(pc) =	sbr.rel @p0 .LBB2_11-.Ltmp4, $3  }
0xe6: {  	s11 =	sshll.u32 s12, $0x5  }
0xe7: {  	v2 =	vor.u32 s11, v0;
	_ =	sdelay $0x1  }
0xe8: {  	v4 =	vmul.f32 v4, v5  }
0xe9: {  	_ =	sdelay $0x3  }
0xea: {  	[tilespmem:v3+s17+$0x0] =	vst.idx.msk $0xffff, v4  }
0xeb: {  	s8 =	sadd.s32 $0x10, s8;
	v3 =	vld.idx.msk [tilespmem:v2+s17+$0x0], $0xffff  }
0xec: {  	v4 =	vld [tilespmem:s8+$0x0];
	_ =	sdelay $0x2  }
0xed: {  	v5 =	vor.u32 s11, v1;
	_ =	sdelay $0x1  }
0xee: {  	v3 =	vmul.f32 v3, v4;
	_ =	sdelay $0x1  }
0xef: {  	[tilespmem:v2+s17+$0x0] =	vst.idx.msk $0xffff, v3  }
0xf0: {  	v2 =	vld.idx.msk [tilespmem:v5+s17+$0x0], $0xffff;
	_ =	sdelay $0x1  }
0xf1: {  	s9 =	simm.s32 $0x4E20  }
0xf2: {  	v6 =	vor.u32 s9, v0;
	_ =	sdelay $0x1  }
0xf3: {  	v2 =	vmul.f32 v2, v4;
	_ =	sdelay $0x1  }
0xf4: {  	[tilespmem:v5+s17+$0x0] =	vst.idx.msk $0xffff, v2  }
0xf5: {  	s8 =	simm.s32 $0x7710;
	v2 =	vld.idx.msk [tilespmem:v6+s17+$0x0], $0xffff  }
0xf6: {  	v4 =	vld [tilespmem:s8+$0x0];
	_ =	sdelay $0x2  }
0xf7: {  	v3 =	vor.u32 s9, v1;
	_ =	sdelay $0x1  }
0xf8: {  	v2 =	vmul.f32 v2, v4;
	_ =	sdelay $0x1  }
0xf9: {  	[tilespmem:v6+s17+$0x0] =	vst.idx.msk $0xffff, v2  }
0xfa: {  	v5 =	vld.idx.msk [tilespmem:v3+s17+$0x0], $0xffff;
	_ =	sdelay $0x1  }
0xfb: {  	s11 =	simm.s32 $0x4E40  }
0xfc: {  	v2 =	vor.u32 s11, v0;
	_ =	sdelay $0x1  }
0xfd: {  	s9 =	simm.s32 $0x273;
	v4 =	vmul.f32 v5, v4  }
.LBB2_13:
0xfe: {  	p0 =	sne.s32 s9, $0x2ED  }
0xff: {  	s8 =	sadd.s32 $0x10, s8;
	s12 =	smov.u32 s9;
	s9 =	sadd.s32 $0x1, s9;
	[tilespmem:v3+s17+$0x0] =	vst.idx.msk $0xffff, v4  }
0x100: {  	v4 =	vld.idx.msk [tilespmem:v2+s17+$0x0], $0xffff  }
0x101: {  	v5 =	vld [tilespmem:s8+$0x0];
	_ =	sdelay $0x2  }
0x102: {  	v3 =	vor.u32 s11, v1;
	_ =	sdelay $0x1  }
0x103: {  	v4 =	vmul.f32 v4, v5;
	_ =	sdelay $0x1  }
0x104: {  	[tilespmem:v2+s17+$0x0] =	vst.idx.msk $0xffff, v4  }
0x105: {  	v4 =	vld.idx.msk [tilespmem:v3+s17+$0x0], $0xffff;
	_ =	sdelay $0x1  }
.Ltmp5:
0x106: {  	(pc) =	sbr.rel @p0 .LBB2_13-.Ltmp5, $3  }
0x107: {  	s11 =	sshll.u32 s12, $0x5  }
0x108: {  	v2 =	vor.u32 s11, v0;
	_ =	sdelay $0x1  }
0x109: {  	v4 =	vmul.f32 v4, v5  }
0x10a: {  	_ =	sdelay $0x3  }
0x10b: {  	[tilespmem:v3+s17+$0x0] =	vst.idx.msk $0xffff, v4  }
0x10c: {  	s8 =	sadd.s32 $0x10, s8;
	v3 =	vld.idx.msk [tilespmem:v2+s17+$0x0], $0xffff  }
0x10d: {  	v4 =	vld [tilespmem:s8+$0x0];
	_ =	sdelay $0x2  }
0x10e: {  	v5 =	vor.u32 s11, v1;
	_ =	sdelay $0x1  }
0x10f: {  	v3 =	vmul.f32 v3, v4;
	_ =	sdelay $0x1  }
0x110: {  	[tilespmem:v2+s17+$0x0] =	vst.idx.msk $0xffff, v3  }
0x111: {  	v2 =	vld.idx.msk [tilespmem:v5+s17+$0x0], $0xffff;
	_ =	sdelay $0x1  }
0x112: {  	s9 =	simm.s32 $0x5DC0  }
0x113: {  	v6 =	vor.u32 s9, v0;
	_ =	sdelay $0x1  }
0x114: {  	v2 =	vmul.f32 v2, v4;
	_ =	sdelay $0x1  }
0x115: {  	[tilespmem:v5+s17+$0x0] =	vst.idx.msk $0xffff, v2  }
0x116: {  	s8 =	simm.s32 $0x7EE0;
	v2 =	vld.idx.msk [tilespmem:v6+s17+$0x0], $0xffff  }
0x117: {  	v4 =	vld [tilespmem:s8+$0x0];
	_ =	sdelay $0x2  }
0x118: {  	v3 =	vor.u32 s9, v1;
	_ =	sdelay $0x1  }
0x119: {  	v2 =	vmul.f32 v2, v4;
	_ =	sdelay $0x1  }
0x11a: {  	[tilespmem:v6+s17+$0x0] =	vst.idx.msk $0xffff, v2  }
0x11b: {  	v5 =	vld.idx.msk [tilespmem:v3+s17+$0x0], $0xffff;
	_ =	sdelay $0x1  }
0x11c: {  	s11 =	simm.s32 $0x5DE0  }
0x11d: {  	v2 =	vor.u32 s11, v0;
	_ =	sdelay $0x1  }
0x11e: {  	s9 =	simm.s32 $0x2F0;
	v4 =	vmul.f32 v5, v4  }
.LBB2_15:
0x11f: {  	p0 =	sne.s32 s9, $0x36A  }
0x120: {  	s8 =	sadd.s32 $0x10, s8;
	s12 =	smov.u32 s9;
	s9 =	sadd.s32 $0x1, s9;
	[tilespmem:v3+s17+$0x0] =	vst.idx.msk $0xffff, v4  }
0x121: {  	v4 =	vld.idx.msk [tilespmem:v2+s17+$0x0], $0xffff  }
0x122: {  	v5 =	vld [tilespmem:s8+$0x0];
	_ =	sdelay $0x2  }
0x123: {  	v3 =	vor.u32 s11, v1;
	_ =	sdelay $0x1  }
0x124: {  	v4 =	vmul.f32 v4, v5;
	_ =	sdelay $0x1  }
0x125: {  	[tilespmem:v2+s17+$0x0] =	vst.idx.msk $0xffff, v4  }
0x126: {  	v4 =	vld.idx.msk [tilespmem:v3+s17+$0x0], $0xffff;
	_ =	sdelay $0x1  }
.Ltmp6:
0x127: {  	(pc) =	sbr.rel @p0 .LBB2_15-.Ltmp6, $3  }
0x128: {  	s11 =	sshll.u32 s12, $0x5  }
0x129: {  	v2 =	vor.u32 s11, v0;
	_ =	sdelay $0x1  }
0x12a: {  	v4 =	vmul.f32 v4, v5  }
0x12b: {  	_ =	sdelay $0x3  }
0x12c: {  	[tilespmem:v3+s17+$0x0] =	vst.idx.msk $0xffff, v4  }
0x12d: {  	s8 =	sadd.s32 $0x10, s8;
	v3 =	vld.idx.msk [tilespmem:v2+s17+$0x0], $0xffff  }
0x12e: {  	v4 =	vld [tilespmem:s8+$0x0];
	_ =	sdelay $0x2  }
0x12f: {  	v5 =	vor.u32 s11, v1;
	_ =	sdelay $0x1  }
0x130: {  	v3 =	vmul.f32 v3, v4;
	_ =	sdelay $0x1  }
0x131: {  	[tilespmem:v2+s17+$0x0] =	vst.idx.msk $0xffff, v3  }
0x132: {  	v2 =	vld.idx.msk [tilespmem:v5+s17+$0x0], $0xffff;
	_ =	sdelay $0x1  }
0x133: {  	s9 =	simm.s32 $0x6D60  }
0x134: {  	v6 =	vor.u32 s9, v0;
	_ =	sdelay $0x1  }
0x135: {  	v2 =	vmul.f32 v2, v4;
	_ =	sdelay $0x1  }
0x136: {  	[tilespmem:v5+s17+$0x0] =	vst.idx.msk $0xffff, v2  }
0x137: {  	s8 =	simm.s32 $0x86B0;
	v2 =	vld.idx.msk [tilespmem:v6+s17+$0x0], $0xffff  }
0x138: {  	v4 =	vld [tilespmem:s8+$0x0];
	_ =	sdelay $0x2  }
0x139: {  	v3 =	vor.u32 s9, v1;
	_ =	sdelay $0x1  }
0x13a: {  	v2 =	vmul.f32 v2, v4;
	_ =	sdelay $0x1  }
0x13b: {  	[tilespmem:v6+s17+$0x0] =	vst.idx.msk $0xffff, v2  }
0x13c: {  	v5 =	vld.idx.msk [tilespmem:v3+s17+$0x0], $0xffff;
	_ =	sdelay $0x1  }
0x13d: {  	s11 =	simm.s32 $0x6D80  }
0x13e: {  	v2 =	vor.u32 s11, v0;
	_ =	sdelay $0x1  }
0x13f: {  	s9 =	simm.s32 $0x36D;
	v4 =	vmul.f32 v5, v4  }
.LBB2_17:
0x140: {  	p0 =	sne.s32 s9, $0x3E7  }
0x141: {  	s8 =	sadd.s32 $0x10, s8;
	s12 =	smov.u32 s9;
	s9 =	sadd.s32 $0x1, s9;
	[tilespmem:v3+s17+$0x0] =	vst.idx.msk $0xffff, v4  }
0x142: {  	v4 =	vld.idx.msk [tilespmem:v2+s17+$0x0], $0xffff  }
0x143: {  	v5 =	vld [tilespmem:s8+$0x0];
	_ =	sdelay $0x2  }
0x144: {  	v3 =	vor.u32 s11, v1;
	_ =	sdelay $0x1  }
0x145: {  	v4 =	vmul.f32 v4, v5;
	_ =	sdelay $0x1  }
0x146: {  	[tilespmem:v2+s17+$0x0] =	vst.idx.msk $0xffff, v4  }
0x147: {  	v4 =	vld.idx.msk [tilespmem:v3+s17+$0x0], $0xffff;
	_ =	sdelay $0x1  }
.Ltmp7:
0x148: {  	(pc) =	sbr.rel @p0 .LBB2_17-.Ltmp7, $3  }
0x149: {  	s11 =	sshll.u32 s12, $0x5  }
0x14a: {  	v2 =	vor.u32 s11, v0;
	_ =	sdelay $0x1  }
0x14b: {  	v4 =	vmul.f32 v4, v5  }
0x14c: {  	_ =	sdelay $0x3  }
0x14d: {  	[tilespmem:v3+s17+$0x0] =	vst.idx.msk $0xffff, v4  }
0x14e: {  	s8 =	sadd.s32 $0x10, s8;
	v3 =	vld.idx.msk [tilespmem:v2+s17+$0x0], $0xffff  }
0x14f: {  	v4 =	vld [tilespmem:s8+$0x0];
	_ =	sdelay $0x2  }
0x150: {  	v5 =	vor.u32 s11, v1;
	_ =	sdelay $0x1  }
0x151: {  	v3 =	vmul.f32 v3, v4;
	_ =	sdelay $0x1  }
0x152: {  	[tilespmem:v2+s17+$0x0] =	vst.idx.msk $0xffff, v3  }
0x153: {  	v2 =	vld.idx.msk [tilespmem:v5+s17+$0x0], $0xffff;
	_ =	sdelay $0x4  }
0x154: {  	v2 =	vmul.f32 v2, v4;
	_ =	sdelay $0x1  }
0x155: {  	s6 =	sadd.s32 $0x2800, s6;
	[tilespmem:v5+s17+$0x0] =	vst.idx.msk $0xffff, v2  }
0x156: {  	[spmem:s2] =	stream.indirect.scatter.add.f32 [tilespmem:s17], [sflag:$0x2], $0x20, s6, s16, $0xb8;
	[tilespmem:$0x159A0] =	vst v63  }
0x157: {  	_ =	swait.ge [sflag:s14], $0xFA0  }
0x158: {  	[sflag:s14] =	ssyncset.done $0x0  }
0x159: {  	s3 =	sadd.s32 $0x2800, s3;
	[sflag:s14] =	ssyncadd.s32 $0xFFFFF060  }
0x15a: {  	[spmem:s2] =	stream.indirect.scatter.add.f32 [tilespmem:s18], [sflag:$0x2], $0x20, s3, s16, $0xb8;
	[tilespmem:$0x159A0] =	vst v63  }
0x15b: {  	_ =	swait.ge [sflag:s14], $0xFA0  }
0x15c: {  	[sflag:s14] =	ssyncset.done $0x0  }
0x15d: {  	s11 =	sadd.s32 $0x2800, s15;
	[sflag:s14] =	ssyncadd.s32 $0xFFFFF060  }
0x15e: {  	[spmem:s2] =	stream.indirect.scatter.add.f32 [tilespmem:s19], [sflag:$0x2], $0x20, s11, s16, $0xb8;
	[tilespmem:$0x159A0] =	vst v63  }
0x15f: {  	_ =	swait.ge [sflag:s14], $0xFA0  }
0x160: {  	[sflag:s14] =	ssyncset.done $0x0  }
0x161: {  	s0 =	sadd.s32 $0x2800, s0;
	[sflag:s14] =	ssyncadd.s32 $0xFFFFF060  }
0x162: {  	[spmem:s2] =	stream.indirect.scatter.add.f32 [tilespmem:s20], [sflag:$0x2], $0x20, s0, s16, $0xb8;
	[tilespmem:$0x159A0] =	vst v63  }
0x163: {  	_ =	swait.ge [sflag:s14], $0xFA0  }
0x164: {  	[sflag:s14] =	ssyncset.done $0x0  }
0x165: {  	s12 =	sadd.s32 $0x2800, s1;
	[sflag:s14] =	ssyncadd.s32 $0xFFFFF060  }
0x166: {  	[spmem:s2] =	stream.indirect.scatter.add.f32 [tilespmem:s21], [sflag:$0x2], $0x20, s12, s16, $0xb8;
	[tilespmem:$0x159A0] =	vst v63  }
0x167: {  	_ =	swait.ge [sflag:s14], $0xFA0  }
0x168: {  	[sflag:s14] =	ssyncset.done $0x0  }
0x169: {  	s15 =	sadd.s32 $0x2800, s31;
	[sflag:s14] =	ssyncadd.s32 $0xFFFFF060  }
0x16a: {  	[spmem:s2] =	stream.indirect.scatter.add.f32 [tilespmem:s22], [sflag:$0x2], $0x20, s15, s16, $0xb8;
	[tilespmem:$0x159A0] =	vst v63  }
0x16b: {  	_ =	swait.ge [sflag:s14], $0xFA0  }
0x16c: {  	[sflag:s14] =	ssyncset.done $0x0  }
0x16d: {  	s30 =	sadd.s32 $0x2800, s30;
	[sflag:s14] =	ssyncadd.s32 $0xFFFFF060  }
0x16e: {  	[spmem:s2] =	stream.indirect.scatter.add.f32 [tilespmem:s23], [sflag:$0x2], $0x20, s30, s16, $0xb8;
	[tilespmem:$0x159A0] =	vst v63  }
0x16f: {  	s28 =	sadd.s32 $0x1, s28;
	_ =	swait.ge [sflag:s14], $0xFA0  }
0x170: {  	p0 =	sne.s32 s28, $0xA;
	[sflag:s14] =	ssyncset.done $0x0  }
.Ltmp8:
0x171: {  	s31 =	sadd.s32 $0x2800, s29;
	[sflag:s14] =	ssyncadd.s32 $0xFFFFF060;
	(pc) =	sbr.rel @p0 .LBB2_2-.Ltmp8, $4  }
0x172: {  	[spmem:s2] =	stream.indirect.scatter.add.f32 [tilespmem:s24], [sflag:$0x2], $0x20, s31, s16, $0xb8;
	[tilespmem:$0x159A0] =	vst v63  }
0x173: {  	_ =	swait.ge [sflag:s14], $0xFA0  }
0x174: {  	[sflag:s14] =	ssyncset.done $0x0  }
0x175: {  	[sflag:s14] =	ssyncadd.s32 $0xFFFFF060  }
0x176: {  	[bflag:$0x0] =	sbarrier.arrive $0xFFFF  }
0x177: {  	s0 =	rddreg [dreg:$0x6]  }
0x178: {  	[hbm:s0], [sflag:s7] =	dma.local [spmem:s13], $0x9C4  }
0x179: {  	_ =	swait.ge [sflag:s14], $0x9C4  }
0x17a: {  	s26 =	sadd.s32 $0x1, s26;
	s31 =	rddreg [dreg:$0x7]  }
0x17b: {  	p0 =	sne.s32 s26, s31  }
.Ltmp9:
0x17c: {  	_ = 	snop;
	(pc) =	sbr.rel @p0 .LBB2_1-.Ltmp9, $3  }
0x17d: {  	_ =	sdelay $0x1  }
0x17e: {  	[sflag:s14] =	ssyncset.done $0x0  }
0x17f: {  	[sflag:s14] =	ssyncadd.s32 $0xFFFFF63C  }
0x180: {  	_ =	sfence.sel $0x180000  }
0x181: {  	[bflag:$0x0] =	sbarrier.arrive $0xFFFF  }
0x182: {  	_ =	strace $0x9000004A  }
0x183: {  	s0 =	stileid.u32;
	[bflag:$0x2] =	sbarrier.arrive $0xFFFF  }
0x184: {  	p0 =	sne.s32 s0, $0x0;
	s0 =	rddreg [dreg:$0x2]  }
0x185: {  	s0 =	sadd.s32 @!p0 $0x100000, s0  }
0x186: {  	[sflag:s0] =	ssyncadd.tile.s32 @!p0 $0x1;
	_ =	shalt  }
.Lfunc_end2:
_tile_overlayer_lowered:
.L_overlay_start_2:
0x187: {  	(tag) =	ssettag $0x2  }
0x188: {  	s0 =	rddreg [dreg:$0x0];
	s2 =	stileid.u32  }
0x189: {  	s1 =	rddreg [dreg:$0x1];
	p0 =	sne.s32 s2, $0x0  }
0x18a: {  	s3 =	rddreg [dreg:$0x2];
	[bflag:$0x3] =	sbarrier.arrive $0xFFFF;
	s2 =	simm.s32 @!p0 $0x1C02  }
0x18b: {  	[timem:s3], [sflag:s2] =	dma.local @!p0 [hbm:s0], s1  }
0x18c: {  	s0 =	simm.s32 @!p0 $0x2  }
0x18d: {  	_ =	swait.ge @!p0 [sflag:s0], s1  }
0x18e: {  	s1 =	ssub.s32 @!p0 $0x0, s1;
	[sflag:s0] =	ssyncset.done @!p0 $0x0  }
0x18f: {  	[sflag:s0] =	ssyncadd.s32 @!p0 s1  }
0x190: {  	[bflag:$0x3] =	sbarrier.arrive $0xFFFF  }
0x191: {  	_ =	shalt  }

// kernel: kernel.14.cloned.1.call-start
scs
__scs_entry_jumppad:
0x0: {  	(pc) =	sbr.rel $0x88, $3  }
0x1: {  	(tag) =	ssettag $0x0;
	lr =	simm.s32 $0x1  }
0x2: {  	[smem:$0x3F91] =	sst lr;
	_ =	strace $0xD0000000  }
0x3: {  	_ = 	snop  }
0x4: {  	_ = 	snop  }
0x5: {  	_ = 	snop  }
0x6: {  	_ = 	snop  }
0x7: {  	_ = 	snop  }
__scs_overlays_trampoline_lowered:
0x8: {  	[smem:$0x3FA0] =	sst s0  }
0x9: {  	[smem:$0x3FA1] =	sst s1  }
0xa: {  	[smem:$0x3FA2] =	sst s2  }
0xb: {  	[smem:$0x3FA3] =	sst s3  }
0xc: {  	[smem:$0x3FA4] =	sst s4  }
0xd: {  	[smem:$0x3FA5] =	sst s5  }
0xe: {  	[smem:$0x3FA6] =	sst s6  }
0xf: {  	[smem:$0x3FA7] =	sst s7  }
0x10: {  	[smem:$0x3FA8] =	sst s8  }
0x11: {  	[smem:$0x3FA9] =	sst s9;
	s0 =	simm.s32 @!p0 $0x0  }
0x12: {  	s1 =	sld [smem:$0x3F8F];
	s0 =	simm.s32 @p0 $0x1  }
0x13: {  	[smem:$0x3FAA] =	sst s0;
	s0 =	simm.s32 @!p1 $0x0  }
0x14: {  	s2 =	sld [smem:$0x3F8E];
	s0 =	simm.s32 @p1 $0x1  }
0x15: {  	[smem:$0x3FAB] =	sst s0;
	s0 =	simm.s32 @!p2 $0x0  }
0x16: {  	s3 =	sld [smem:$0x3FDB];
	s0 =	simm.s32 @p2 $0x1  }
0x17: {  	s4 =	simm.s32 $0x1BF5;
	[smem:$0x3FAD] =	sst s0  }
0x18: {  	s0 =	sld [smem:$0x3F90];
	_ =	swait.ge [sflag:s4], $0x0  }
0x19: {  	s7 =	sld [smem:$0x3F91]  }
0x1a: {  	s8 =	sadd.s32 $0xFFFFE003, lr  }
0x1b: {  	s9 =	sadd.s32 $0xFFFFFEF7, lr;
	s5 =	simm.s32 $0xFFFFFFFF;
	p2 =	slt.u32 s8, $0xFFFFF086  }
0x1c: {  	p1 =	slt.u32 s9, $0xF7A;
	s5 =	simm.s32 @!p2 $0x0  }
0x1d: {  	s5 =	simm.s32 @p1 $0x1;
	p0 =	seq.s32 s7, s2  }
0x1e: {  	s7 =	smul.u32 @!p0 $0xF7A, s2;
	p2 =	seq.s32 @!p0 s5, $0x0  }
0x1f: {  	s9 =	smul.u32 $0xF7A, s1;
	s8 =	simm.s32 @!p0 $0x1BF5;
	p2 =	por !p2, p0  }
0x20: {  	[sflag:s8] =	ssyncset.s32 @!p0 $0xFFFFF086;
	s6 =	sadd.s32 @!p0 s3, s7;
	s7 =	simm.s32 @!p0 $0x108  }
0x21: {  	s3 =	sadd.s32 s3, s9;
	s6 =	sadd.s32 @!p0 $0x88, s6;
	s7 =	simm.s32 @p2 $0x1082  }
0x22: {  	[simem:s7], [sflag:s8] =	dma.local @!p0 [hbm:s6], $0xF7A  }
0x23: {  	s9 =	sor.u32 $0xD0000000, s2;
	s6 =	simm.s32 $0x108;
	_ =	swait.ge @!p0 [sflag:s8], $0x0  }
0x24: {  	s3 =	sadd.s32 $0x88, s3;
	s6 =	simm.s32 @!p1 $0x1082;
	[sflag:s4] =	ssyncset.s32 $0xFFFFF086  }
0x25: {  	[simem:s6], [sflag:s4] =	dma.local [hbm:s3], $0xF7A  }
0x26: {  	[smem:$0x3F91] =	sst s1;
	(tag) =	ssettag s2;
	_ =	strace s9  }
0x27: {  	s1 =	sld [smem:$0x3FA1]  }
0x28: {  	s2 =	sld [smem:$0x3FA2]  }
0x29: {  	s4 =	sld [smem:$0x3FA4]  }
0x2a: {  	p0 =	seq.s32 s5, $0x0;
	s5 =	sld [smem:$0x3FA5]  }
0x2b: {  	s6 =	sld [smem:$0x3FA6]  }
0x2c: {  	s7 =	sld [smem:$0x3FA7]  }
0x2d: {  	s3 =	simm.s32 $0x108;
	s8 =	sld [smem:$0x3FA8]  }
0x2e: {  	s3 =	simm.s32 @!p0 $0x1082;
	s9 =	sld [smem:$0x3FA9]  }
0x2f: {  	lr =	sadd.s32 s0, s3;
	s0 =	sld [smem:$0x3FA0]  }
0x30: {  	s3 =	sld [smem:$0x3FA3]  }
0x31: {  	[smem:$0x3FAC] =	sst s10  }
0x32: {  	s10 =	sld [smem:$0x3FAA];
	_ =	sdelay $0x3  }
0x33: {  	p0 =	seq.s32 s10, $0x1;
	s10 =	sld [smem:$0x3FAC];
	_ =	sdelay $0x3  }
0x34: {  	[smem:$0x3FAC] =	sst s10  }
0x35: {  	s10 =	sld [smem:$0x3FAB];
	_ =	sdelay $0x3  }
0x36: {  	p1 =	seq.s32 s10, $0x1;
	s10 =	sld [smem:$0x3FAC];
	_ =	sdelay $0x3  }
0x37: {  	[smem:$0x3FAC] =	sst s10  }
0x38: {  	s10 =	sld [smem:$0x3FAD]  }
0x39: {  	_ = 	snop;
	(pc) =	sbr.ind lr, $3  }
0x3a: {  	_ = 	snop  }
0x3b: {  	_ = 	snop  }
0x3c: {  	p2 =	seq.s32 s10, $0x1;
	s10 =	sld [smem:$0x3FAC]  }
0x3d: {  	_ =	shalt  }
0x3e: {  	_ =	shalt  }
0x3f: {  	_ =	shalt  }
0x40: {  	_ =	shalt  }
0x41: {  	_ =	shalt  }
0x42: {  	_ =	shalt  }
0x43: {  	_ =	shalt  }
0x44: {  	_ =	shalt  }
0x45: {  	_ =	shalt  }
0x46: {  	_ =	shalt  }
0x47: {  	_ =	shalt  }
0x48: {  	_ =	shalt  }
0x49: {  	_ =	shalt  }
0x4a: {  	_ =	shalt  }
0x4b: {  	_ =	shalt  }
0x4c: {  	_ =	shalt  }
0x4d: {  	_ =	shalt  }
0x4e: {  	_ =	shalt  }
0x4f: {  	_ =	shalt  }
0x50: {  	_ =	shalt  }
0x51: {  	_ =	shalt  }
0x52: {  	_ =	shalt  }
0x53: {  	_ =	shalt  }
0x54: {  	_ =	shalt  }
0x55: {  	_ =	shalt  }
0x56: {  	_ =	shalt  }
0x57: {  	_ =	shalt  }
0x58: {  	_ =	shalt  }
0x59: {  	_ =	shalt  }
0x5a: {  	_ =	shalt  }
0x5b: {  	_ =	shalt  }
0x5c: {  	_ =	shalt  }
0x5d: {  	_ =	shalt  }
0x5e: {  	_ =	shalt  }
0x5f: {  	_ =	shalt  }
0x60: {  	_ =	shalt  }
0x61: {  	_ =	shalt  }
0x62: {  	_ =	shalt  }
0x63: {  	_ =	shalt  }
0x64: {  	_ =	shalt  }
0x65: {  	_ =	shalt  }
0x66: {  	_ =	shalt  }
0x67: {  	_ =	shalt  }
0x68: {  	_ =	shalt  }
0x69: {  	_ =	shalt  }
0x6a: {  	_ =	shalt  }
0x6b: {  	_ =	shalt  }
0x6c: {  	_ =	shalt  }
0x6d: {  	_ =	shalt  }
0x6e: {  	_ =	shalt  }
0x6f: {  	_ =	shalt  }
0x70: {  	_ =	shalt  }
0x71: {  	_ =	shalt  }
0x72: {  	_ =	shalt  }
0x73: {  	_ =	shalt  }
0x74: {  	_ =	shalt  }
0x75: {  	_ =	shalt  }
0x76: {  	_ =	shalt  }
0x77: {  	_ =	shalt  }
0x78: {  	_ =	shalt  }
0x79: {  	_ =	shalt  }
0x7a: {  	_ =	shalt  }
0x7b: {  	_ =	shalt  }
0x7c: {  	_ =	shalt  }
0x7d: {  	_ =	shalt  }
0x7e: {  	_ =	shalt  }
0x7f: {  	_ =	shalt  }
0x80: {  	_ =	shalt  }
0x81: {  	_ =	shalt  }
0x82: {  	_ =	shalt  }
0x83: {  	_ =	shalt  }
0x84: {  	_ =	shalt  }
0x85: {  	_ =	shalt  }
0x86: {  	_ =	shalt  }
0x87: {  	_ =	shalt  }
.Lfunc_end0:
.L_simem_size_0:
called_computation.2_lowered:
.L_overlay_start_0:
0x88: {  	s2 =	sld [smem:$0x3FD9]  }
0x89: {  	s3 =	sld [smem:$0x3FFE];
	_ =	sdelay $0x1  }
0x8a: {  	s1 =	srdreg.scid  }
0x8b: {  	s0 =	sand.u32 $0x1, s1  }
0x8c: {  	s16 =	sshll.u32 s0, $0xA;
	s2 =	sadd.s32 s3, s2  }
0x8d: {  	s2 =	sadd.s32 s2, s16  }
0x8e: {  	[smem:$0x3FB8] =	sst s2  }
0x8f: {  	_ = 	snop  }
0x90: {  	(tm) =	ssettm $0x1  }
0x91: {  	s17 =	sld [smem:$0x3FFB];
	_ =	sdelay $0x3  }
0x92: {  	_ =	strace s17  }
0x93: {  	s2 =	sld [smem:$0x3FFC];
	_ =	sdelay $0x3  }
0x94: {  	_ =	strace s2  }
0x95: {  	s2 =	sld [smem:$0x3FFD];
	_ =	sdelay $0x3  }
0x96: {  	_ =	strace s2  }
0x97: {  	_ =	strace $0x8FFFFFFF  }
0x98: {  	s18 =	sld [smem:$0x3FDB];
	_ =	sdelay $0x1  }
0x99: {  	s19 =	simm.s32 $_scs_section_size  }
0x9a: {  	s4 =	simm.s32 $_size__tile_overlayer_lowered;
	s5 =	simm.s32 $_tile_overlayer_lowered  }
0x9b: {  	s22 =	simm.s32 $0x1BFF;
	s21 =	sshll.u32 s5, $0x1;
	s2 =	sadd.s32 s19, s18  }
0x9c: {  	s6 =	simm.s32 $0x0;
	s20 =	sshll.u32 s4, $0x1;
	s4 =	sadd.s32 s21, s2  }
0x9d: {  	[timem:s6], [sflag:s22] =	dma.local [hbm:s4], s20  }
0x9e: {  	_ =	swait.ge [sflag:s22], s20  }
0x9f: {  	s3 =	ssub.s32 $0x0, s20;
	[sflag:s22] =	ssyncset.done $0x0  }
0xa0: {  	[sflag:s22] =	ssyncadd.s32 s3;
	_ =	sdelay $0x1  }
0xa1: {  	s23 =	simm.s32 $0x1B8B  }
0xa2: {  	_ =	swait.ge [sflag:s23], $0x1  }
0xa3: {  	[sflag:s23] =	ssyncset.done $0x0  }
0xa4: {  	s25 =	simm.s32 $0x1B8E;
	s24 =	sld [smem:$0x3FFE];
	[sflag:s23] =	ssyncadd.s32 $0xFFFFFFFF  }
0xa5: {  	s26 =	simm.s32 $execute0_lowered;
	[smem:$0x3FD2] =	sst s25  }
0xa6: {  	s4 =	sshll.u32 s26, $0x1;
	_ =	strace $0x8000004C;
	[dreg:$0x1] =	wrdreg $0xFFFFFFFF  }
0xa7: {  	s28 =	simm.s32 $_size_execute0_lowered;
	s2 =	sadd.s32 s2, s4;
	[dreg:$0x0] =	wrdreg $0x0  }
0xa8: {  	s4 =	sshll.u32 s28, $0x1;
	[dreg:$0x2] =	wrdreg s2  }
0xa9: {  	[dreg:$0x3] =	wrdreg s4  }
0xaa: {  	[dreg:$0x4] =	wrdreg $0xC0  }
0xab: {  	_ =	task [dreg:s6], $0x5FFFF  }
0xac: {  	[dreg:$0x1] =	wrdreg $0xFFFFFFFF  }
0xad: {  	[dreg:$0x0] =	wrdreg $0x60  }
0xae: {  	[dreg:$0x2] =	wrdreg s24  }
0xaf: {  	[dreg:$0x3] =	wrdreg $0x12AC00  }
0xb0: {  	[dreg:$0x4] =	wrdreg $0x9  }
0xb1: {  	_ =	task.clear_ibuf [dreg:s6], $0x5FFFF;
	_ =	strace $0x9000004C  }
0xb2: {  	s29 =	simm.s32 $0x9;
	_ =	strace $0x8000004E  }
0xb3: {  	_ =	swait.ge [sflag:s29], $0x1  }
0xb4: {  	[sflag:s29] =	ssyncadd.s32 $0xFFFFFFFF  }
0xb5: {  	_ =	strace $0x9000004E  }
0xb6: {  	_ =	sfence  }
0xb7: {  	s30 =	sld [smem:$0x0];
	_ =	sdelay $0x2  }
0xb8: {  	s31 =	sshll.u32 s1, $0xD;
	s1 =	sshrl.u32 s1, $0x2  }
0xb9: {  	s3 =	sand.u32 $0x4000, s31;
	s1 =	sadd.s32 s1, s30  }
0xba: {  	s0 =	sor.u32 s3, s0;
	s1 =	sshll.u32 s1, $0x11  }
0xbb: {  	s0 =	sor.u32 s1, s0  }
0xbc: {  	s0 =	sadd.s32 $0x8F2B, s0  }
0xbd: {  	[sflag:s0] =	ssyncadd.remote.s32 $0x1  }
0xbe: {  	_ =	sfence.sel $0xFFFF  }
0xbf: {  	[dreg:$0x0] =	wrdreg $0xFFFFFFFF;
	(pc) =	sbr.abs _section_cstart, $3  }
0xc0: {  	[dreg:$0x1] =	wrdreg $0xFFFFFFFF  }
0xc1: {  	_ =	task.clear_ibuf [dreg:s6], $0x2FFFF;
	_ =	strace $0x9FFFFFFF  }
0xc2: {  	(tm) =	ssettm $0x7FFFFFFF  }
0xc3: {  	_ =	shalt  }
tec
execute0_lowered:
.L_overlay_start_1:
0x0: {  	(tag) =	ssettag $0x1  }
0x1: {  	s0 =	srdreg.scid;
	s3 =	rddreg [dreg:$0x0]  }
0x2: {  	s10 =	stileid.u32;
	s2 =	rddreg [dreg:$0x1];
	s4 =	simm.s32 $0x0  }
0x3: {  	s14 =	simm.s32 $0x2;
	s16 =	simm.s32 $0x7D;
	s17 =	simm.s32 $0x8E80  }
0x4: {  	s18 =	simm.s32 $0xA208;
	s19 =	simm.s32 $0xB590;
	s20 =	simm.s32 $0xC918  }
0x5: {  	s21 =	simm.s32 $0xDCA0;
	s22 =	simm.s32 $0xF028;
	s23 =	simm.s32 $0x103B0  }
0x6: {  	s24 =	simm.s32 $0x11738;
	s25 =	simm.s32 $0x1;
	s26 =	simm.s32 $0x0  }
0x7: {  	s0 =	sand.u32 $0x1, s0;
	s6 =	smul.u32 $0x61A8, s10;
	[smem:$0x7FF] =	sst s4  }
0x8: {  	s4 =	sadd.s32 $0x15A00, s3;
	s29 =	sshll.u32 s10, $0x6;
	s1 =	sshll.u32 s0, $0x4  }
0x9: {  	s7 =	smul.u32 $0x61A80, s0;
	_ =	strace $0x8000004D;
	s0 =	ssub.s32 $0x2, s0  }
0xa: {  	s1 =	sor.u32 s10, s1;
	s9 =	sshrl.u32 s6, $0x3;
	s28 =	sshrl.u32 s0, $0x1  }
0xb: {  	s5 =	smul.u32 $0x500, s1;
	s7 =	sadd.s32 s6, s7;
	s9 =	sadd.s32 s9, s3  }
0xc: {  	s0 =	ssub.s32 s0, s28;
	s6 =	sadd.s32 s6, s2;
	s10 =	smul.u32 $0x2710, s1  }
0xd: {  	s7 =	sshrl.u32 s7, $0x3;
	s9 =	sadd.s32 $0x21E00, s9;
	s8 =	sadd.s32 s5, s3  }
0xe: {  	s5 =	sadd.s32 $0x4F7A00, s3;
	[dreg:$0x3] =	wrdreg s9;
	s30 =	sadd.s32 $0xBA00, s8  }
0xf: {  	s3 =	sadd.s32 s7, s3;
	s8 =	sadd.s32 $0x1A00, s8;
	[dreg:$0x4] =	wrdreg s30  }
0x10: {  	v0 =	vlaneseq.u32;
	s12 =	smax.u32 s0, $0x1;
	s31 =	sadd.s32 $0x2E200, s3;
	[dreg:$0x5] =	wrdreg s8  }
0x11: {  	v1 =	vor.u32 $0x10, v0;
	s13 =	sshrl.u32 s6, $0x3;
	s7 =	sor.u32 $0x1C02, s29;
	[dreg:$0x6] =	wrdreg s31  }
.LBB2_1:
0x12: {  	s0 =	rddreg [dreg:$0x3]  }
0x13: {  	[spmem:s13], [sflag:s7] =	dma.local [hbm:s0], $0xC35  }
0x14: {  	_ =	swait.ge [sflag:s14], $0xC35  }
0x15: {  	[sflag:s14] =	ssyncset.done $0x0  }
0x16: {  	s30 =	simm.s32 $0x0;
	s1 =	rddreg [dreg:$0x4];
	[sflag:s14] =	ssyncadd.s32 $0xFFFFF3CB  }
0x17: {  	[tilespmem:s30], [sflag:$0x2] =	stream.linear.gather [hbm4b:s1+s30], $0x2800, $0x38;
	[tilespmem:$0x18C68] =	vst v63  }
0x18: {  	_ =	swait.ge [sflag:s14], $0x2800  }
0x19: {  	[sflag:s14] =	ssyncset.done $0x0  }
0x1a: {  	s3 =	simm.s32 $0x2800;
	s31 =	rddreg [dreg:$0x5];
	[sflag:s14] =	ssyncadd.s32 $0xFFFFD800  }
0x1b: {  	[tilespmem:s3], [sflag:$0x2] =	stream.linear.gather [hbm4b:s31+s30], $0x2800, $0x38;
	[tilespmem:$0x18C68] =	vst v63  }
0x1c: {  	_ =	swait.ge [sflag:s14], $0x2800  }
0x1d: {  	[sflag:s14] =	ssyncset.done $0x0  }
0x1e: {  	[sflag:s14] =	ssyncadd.s32 $0xFFFFD800  }
0x1f: {  	s28 =	simm.s32 $0x0;
	[bflag:$0x0] =	sbarrier.arrive $0xFFFF  }
.LBB2_2:
0x20: {  	s0 =	smul.u32 $0x3E8, s28;
	_ =	sdelay $0x1  }
0x21: {  	s0 =	sadd.s32 s10, s0  }
0x22: {  	s0 =	sshll.u32 s0, $0x1  }
0x23: {  	s9 =	simm.s32 $0x0;
	s8 =	simm.s32 $0x5000;
	s0 =	sadd.s32 s5, s0  }
0x24: {  	[tilespmem:s8], [sflag:$0x2] =	stream.linear.gather [hbm4b:s0+s9], $0x3E80, $0x38;
	[tilespmem:$0x18C68] =	vst v63  }
0x25: {  	_ =	swait.ge [sflag:s14], $0x3E80  }
0x26: {  	[sflag:s14] =	ssyncset.done $0x0  }
0x27: {  	s6 =	sshll.u32 s28, $0xA;
	[sflag:s14] =	ssyncadd.s32 $0xFFFFC180  }
0x28: {  	[tilespmem:s17], [sflag:$0x1] =	stream.indirect.gather [hbm4b:s4+s16], $0x28, s6, s16, $0xb8;
	[tilespmem:$0x18C68] =	vst v63  }
0x29: {  	s3 =	sor.u32 $0x80, s6  }
0x2a: {  	[tilespmem:s18], [sflag:$0x1] =	stream.indirect.gather [hbm4b:s4+s16], $0x28, s3, s16, $0xb8;
	[tilespmem:$0x18C68] =	vst v63  }
0x2b: {  	s15 =	sor.u32 $0x100, s6  }
0x2c: {  	[tilespmem:s19], [sflag:$0x1] =	stream.indirect.gather [hbm4b:s4+s16], $0x28, s15, s16, $0xb8;
	[tilespmem:$0x18C68] =	vst v63  }
0x2d: {  	s0 =	sor.u32 $0x180, s6  }
0x2e: {  	[tilespmem:s20], [sflag:$0x1] =	stream.indirect.gather [hbm4b:s4+s16], $0x28, s0, s16, $0xb8;
	[tilespmem:$0x18C68] =	vst v63  }
0x2f: {  	s1 =	sor.u32 $0x200, s6  }
0x30: {  	[tilespmem:s21], [sflag:$0x1] =	stream.indirect.gather [hbm4b:s4+s16], $0x28, s1, s16, $0xb8;
	[tilespmem:$0x18C68] =	vst v63  }
0x31: {  	s31 =	sor.u32 $0x280, s6  }
0x32: {  	[tilespmem:s22], [sflag:$0x1] =	stream.indirect.gather [hbm4b:s4+s16], $0x28, s31, s16, $0xb8;
	[tilespmem:$0x18C68] =	vst v63  }
0x33: {  	s30 =	sor.u32 $0x300, s6  }
0x34: {  	[tilespmem:s23], [sflag:$0x1] =	stream.indirect.gather [hbm4b:s4+s16], $0x28, s30, s16, $0xb8;
	[tilespmem:$0x18C68] =	vst v63  }
0x35: {  	s29 =	sor.u32 $0x380, s6  }
0x36: {  	[tilespmem:s24], [sflag:$0x1] =	stream.indirect.gather [hbm4b:s4+s16], $0x28, s29, s16, $0xb8;
	[tilespmem:$0x18C68] =	vst v63  }
0x37: {  	_ =	swait.ge [sflag:s25], $0x1388  }
0x38: {  	[sflag:s25] =	ssyncset.done $0x0  }
0x39: {  	[sflag:s25] =	ssyncadd.s32 $0xFFFFEC78  }
0x3a: {  	_ =	swait.ge [sflag:s25], $0x1388  }
0x3b: {  	[sflag:s25] =	ssyncset.done $0x0  }
0x3c: {  	[sflag:s25] =	ssyncadd.s32 $0xFFFFEC78  }
0x3d: {  	_ =	swait.ge [sflag:s25], $0x1388  }
0x3e: {  	[sflag:s25] =	ssyncset.done $0x0  }
0x3f: {  	[sflag:s25] =	ssyncadd.s32 $0xFFFFEC78  }
0x40: {  	_ =	swait.ge [sflag:s25], $0x1388  }
0x41: {  	[sflag:s25] =	ssyncset.done $0x0  }
0x42: {  	[sflag:s25] =	ssyncadd.s32 $0xFFFFEC78  }
0x43: {  	_ =	swait.ge [sflag:s25], $0x1388  }
0x44: {  	[sflag:s25] =	ssyncset.done $0x0  }
0x45: {  	v2 =	vmov s9;
	[sflag:s25] =	ssyncadd.s32 $0xFFFFEC78  }
0x46: {  	v2 =	vmul.u32 $0x28, v2;
	_ =	swait.ge [sflag:s25], $0x1388  }
0x47: {  	[sflag:s25] =	ssyncset.done $0x0  }
0x48: {  	v2 =	vbroadcast v2, $0x0;
	[sflag:s25] =	ssyncadd.s32 $0xFFFFEC78  }
0x49: {  	_ =	swait.ge [sflag:s25], $0x1388  }
0x4a: {  	v4 =	vadd.s32 v0, v2;
	[sflag:s25] =	ssyncset.done $0x0  }
0x4b: {  	[sflag:s25] =	ssyncadd.s32 $0xFFFFEC78  }
0x4c: {  	_ =	swait.ge [sflag:s25], $0x1388  }
0x4d: {  	[sflag:s25] =	ssyncset.done $0x0  }
0x4e: {  	[sflag:s25] =	ssyncadd.s32 $0xFFFFEC78  }
0x4f: {  	v5 =	vld.idx.msk [tilespmem:v4+s17+$0x0], $0xffff  }
0x50: {  	v6 =	vld [tilespmem:s8+$0x0];
	_ =	sdelay $0x3  }
0x51: {  	v3 =	vadd.s32 v1, v2  }
0x52: {  	v2 =	vmul.f32 v5, v6  }
0x53: {  	s11 =	simm.s32 $0x1  }
0x54: {  	[tilespmem:v4+s17+$0x0] =	vst.idx.msk $0xffff, v2;
	v2 =	vmov s11  }
0x55: {  	v2 =	vmul.u32 $0x28, v2  }
0x56: {  	v5 =	vld.idx.msk [tilespmem:v3+s17+$0x0], $0xffff  }
0x57: {  	v4 =	vbroadcast v2, $0x0;
	_ =	sdelay $0x1  }
0x58: {  	v2 =	vadd.s32 v0, v4;
	_ =	sdelay $0x1  }
0x59: {  	s9 =	simm.s32 $0x2;
	v5 =	vmul.f32 v5, v6  }
.LBB2_3:
0x5a: {  	p0 =	sne.s32 s9, $0x7C  }
0x5b: {  	s8 =	sadd.s32 $0x10, s8;
	s11 =	smov.u32 s9;
	s9 =	sadd.s32 $0x1, s9;
	[tilespmem:v3+s17+$0x0] =	vst.idx.msk $0xffff, v5  }
0x5c: {  	v5 =	vld.idx.msk [tilespmem:v2+s17+$0x0], $0xffff  }
0x5d: {  	v6 =	vld [tilespmem:s8+$0x0];
	_ =	sdelay $0x2  }
0x5e: {  	v3 =	vadd.s32 v1, v4;
	_ =	sdelay $0x1  }
0x5f: {  	v4 =	vmul.f32 v5, v6;
	_ =	sdelay $0x1  }
0x60: {  	v5 =	vmov s11;
	[tilespmem:v2+s17+$0x0] =	vst.idx.msk $0xffff, v4  }
0x61: {  	v2 =	vmul.u32 $0x28, v5;
	v5 =	vld.idx.msk [tilespmem:v3+s17+$0x0], $0xffff;
	_ =	sdelay $0x1  }
.Ltmp0:
0x62: {  	v4 =	vbroadcast v2, $0x0;
	(pc) =	sbr.rel @p0 .LBB2_3-.Ltmp0, $3  }
0x63: {  	_ = 	snop  }
0x64: {  	v2 =	vadd.s32 v0, v4;
	_ =	sdelay $0x1  }
0x65: {  	v5 =	vmul.f32 v5, v6  }
0x66: {  	_ =	sdelay $0x3  }
0x67: {  	[tilespmem:v3+s17+$0x0] =	vst.idx.msk $0xffff, v5  }
0x68: {  	s8 =	sadd.s32 $0x10, s8;
	v3 =	vld.idx.msk [tilespmem:v2+s17+$0x0], $0xffff  }
0x69: {  	v5 =	vld [tilespmem:s8+$0x0];
	_ =	sdelay $0x2  }
0x6a: {  	v4 =	vadd.s32 v1, v4;
	_ =	sdelay $0x1  }
0x6b: {  	s11 =	simm.s32 $0x7D;
	v3 =	vmul.f32 v3, v5  }
0x6c: {  	v6 =	vmov s11  }
0x6d: {  	[tilespmem:v2+s17+$0x0] =	vst.idx.msk $0xffff, v3;
	v2 =	vmul.u32 $0x28, v6  }
0x6e: {  	v3 =	vld.idx.msk [tilespmem:v4+s17+$0x0], $0xffff  }
0x6f: {  	v2 =	vbroadcast v2, $0x0;
	_ =	sdelay $0x1  }
0x70: {  	v6 =	vadd.s32 v0, v2;
	_ =	sdelay $0x1  }
0x71: {  	v3 =	vmul.f32 v3, v5;
	_ =	sdelay $0x1  }
0x72: {  	[tilespmem:v4+s17+$0x0] =	vst.idx.msk $0xffff, v3  }
0x73: {  	s8 =	simm.s32 $0x57D0;
	v4 =	vld.idx.msk [tilespmem:v6+s17+$0x0], $0xffff  }
0x74: {  	v5 =	vld [tilespmem:s8+$0x0];
	_ =	sdelay $0x3  }
0x75: {  	v3 =	vadd.s32 v1, v2  }
0x76: {  	v2 =	vmul.f32 v4, v5  }
0x77: {  	s9 =	simm.s32 $0x7E  }
0x78: {  	[tilespmem:v6+s17+$0x0] =	vst.idx.msk $0xffff, v2;
	v2 =	vmov s9  }
0x79: {  	v2 =	vmul.u32 $0x28, v2  }
0x7a: {  	v6 =	vld.idx.msk [tilespmem:v3+s17+$0x0], $0xffff  }
0x7b: {  	v4 =	vbroadcast v2, $0x0;
	_ =	sdelay $0x1  }
0x7c: {  	v2 =	vadd.s32 v0, v4;
	_ =	sdelay $0x1  }
0x7d: {  	s9 =	simm.s32 $0x7F;
	v5 =	vmul.f32 v6, v5  }
.LBB2_5:
0x7e: {  	p0 =	sne.s32 s9, $0xF9  }
0x7f: {  	s8 =	sadd.s32 $0x10, s8;
	s11 =	smov.u32 s9;
	s9 =	sadd.s32 $0x1, s9;
	[tilespmem:v3+s17+$0x0] =	vst.idx.msk $0xffff, v5  }
0x80: {  	v5 =	vld.idx.msk [tilespmem:v2+s17+$0x0], $0xffff  }
0x81: {  	v6 =	vld [tilespmem:s8+$0x0];
	_ =	sdelay $0x2  }
0x82: {  	v3 =	vadd.s32 v1, v4;
	_ =	sdelay $0x1  }
0x83: {  	v4 =	vmul.f32 v5, v6;
	_ =	sdelay $0x1  }
0x84: {  	v5 =	vmov s11;
	[tilespmem:v2+s17+$0x0] =	vst.idx.msk $0xffff, v4  }
0x85: {  	v2 =	vmul.u32 $0x28, v5;
	v5 =	vld.idx.msk [tilespmem:v3+s17+$0x0], $0xffff;
	_ =	sdelay $0x1  }
.Ltmp1:
0x86: {  	v4 =	vbroadcast v2, $0x0;
	(pc) =	sbr.rel @p0 .LBB2_5-.Ltmp1, $3  }
0x87: {  	_ = 	snop  }
0x88: {  	v2 =	vadd.s32 v0, v4;
	_ =	sdelay $0x1  }
0x89: {  	v5 =	vmul.f32 v5, v6  }
0x8a: {  	_ =	sdelay $0x3  }
0x8b: {  	[tilespmem:v3+s17+$0x0] =	vst.idx.msk $0xffff, v5  }
0x8c: {  	s8 =	sadd.s32 $0x10, s8;
	v3 =	vld.idx.msk [tilespmem:v2+s17+$0x0], $0xffff  }
0x8d: {  	v5 =	vld [tilespmem:s8+$0x0];
	_ =	sdelay $0x2  }
0x8e: {  	v4 =	vadd.s32 v1, v4;
	_ =	sdelay $0x1  }
0x8f: {  	s11 =	simm.s32 $0xFA;
	v3 =	vmul.f32 v3, v5  }
0x90: {  	v6 =	vmov s11  }
0x91: {  	[tilespmem:v2+s17+$0x0] =	vst.idx.msk $0xffff, v3;
	v2 =	vmul.u32 $0x28, v6  }
0x92: {  	v3 =	vld.idx.msk [tilespmem:v4+s17+$0x0], $0xffff  }
0x93: {  	v2 =	vbroadcast v2, $0x0;
	_ =	sdelay $0x1  }
0x94: {  	v6 =	vadd.s32 v0, v2;
	_ =	sdelay $0x1  }
0x95: {  	v3 =	vmul.f32 v3, v5;
	_ =	sdelay $0x1  }
0x96: {  	[tilespmem:v4+s17+$0x0] =	vst.idx.msk $0xffff, v3  }
0x97: {  	s8 =	simm.s32 $0x5FA0;
	v4 =	vld.idx.msk [tilespmem:v6+s17+$0x0], $0xffff  }
0x98: {  	v5 =	vld [tilespmem:s8+$0x0];
	_ =	sdelay $0x3  }
0x99: {  	v3 =	vadd.s32 v1, v2  }
0x9a: {  	v2 =	vmul.f32 v4, v5  }
0x9b: {  	s9 =	simm.s32 $0xFB  }
0x9c: {  	[tilespmem:v6+s17+$0x0] =	vst.idx.msk $0xffff, v2;
	v2 =	vmov s9  }
0x9d: {  	v2 =	vmul.u32 $0x28, v2  }
0x9e: {  	v6 =	vld.idx.msk [tilespmem:v3+s17+$0x0], $0xffff  }
0x9f: {  	v4 =	vbroadcast v2, $0x0;
	_ =	sdelay $0x1  }
0xa0: {  	v2 =	vadd.s32 v0, v4;
	_ =	sdelay $0x1  }
0xa1: {  	s9 =	simm.s32 $0xFC;
	v5 =	vmul.f32 v6, v5  }
.LBB2_7:
0xa2: {  	p0 =	sne.s32 s9, $0x176  }
0xa3: {  	s8 =	sadd.s32 $0x10, s8;
	s11 =	smov.u32 s9;
	s9 =	sadd.s32 $0x1, s9;
	[tilespmem:v3+s17+$0x0] =	vst.idx.msk $0xffff, v5  }
0xa4: {  	v5 =	vld.idx.msk [tilespmem:v2+s17+$0x0], $0xffff  }
0xa5: {  	v6 =	vld [tilespmem:s8+$0x0];
	_ =	sdelay $0x2  }
0xa6: {  	v3 =	vadd.s32 v1, v4;
	_ =	sdelay $0x1  }
0xa7: {  	v4 =	vmul.f32 v5, v6;
	_ =	sdelay $0x1  }
0xa8: {  	v5 =	vmov s11;
	[tilespmem:v2+s17+$0x0] =	vst.idx.msk $0xffff, v4  }
0xa9: {  	v2 =	vmul.u32 $0x28, v5;
	v5 =	vld.idx.msk [tilespmem:v3+s17+$0x0], $0xffff;
	_ =	sdelay $0x1  }
.Ltmp2:
0xaa: {  	v4 =	vbroadcast v2, $0x0;
	(pc) =	sbr.rel @p0 .LBB2_7-.Ltmp2, $3  }
0xab: {  	_ = 	snop  }
0xac: {  	v2 =	vadd.s32 v0, v4;
	_ =	sdelay $0x1  }
0xad: {  	v5 =	vmul.f32 v5, v6  }
0xae: {  	_ =	sdelay $0x3  }
0xaf: {  	[tilespmem:v3+s17+$0x0] =	vst.idx.msk $0xffff, v5  }
0xb0: {  	s8 =	sadd.s32 $0x10, s8;
	v3 =	vld.idx.msk [tilespmem:v2+s17+$0x0], $0xffff  }
0xb1: {  	v5 =	vld [tilespmem:s8+$0x0];
	_ =	sdelay $0x2  }
0xb2: {  	v4 =	vadd.s32 v1, v4;
	_ =	sdelay $0x1  }
0xb3: {  	s11 =	simm.s32 $0x177;
	v3 =	vmul.f32 v3, v5  }
0xb4: {  	v6 =	vmov s11  }
0xb5: {  	[tilespmem:v2+s17+$0x0] =	vst.idx.msk $0xffff, v3;
	v2 =	vmul.u32 $0x28, v6  }
0xb6: {  	v3 =	vld.idx.msk [tilespmem:v4+s17+$0x0], $0xffff  }
0xb7: {  	v2 =	vbroadcast v2, $0x0;
	_ =	sdelay $0x1  }
0xb8: {  	v6 =	vadd.s32 v0, v2;
	_ =	sdelay $0x1  }
0xb9: {  	v3 =	vmul.f32 v3, v5;
	_ =	sdelay $0x1  }
0xba: {  	[tilespmem:v4+s17+$0x0] =	vst.idx.msk $0xffff, v3  }
0xbb: {  	s8 =	simm.s32 $0x6770;
	v4 =	vld.idx.msk [tilespmem:v6+s17+$0x0], $0xffff  }
0xbc: {  	v5 =	vld [tilespmem:s8+$0x0];
	_ =	sdelay $0x3  }
0xbd: {  	v3 =	vadd.s32 v1, v2  }
0xbe: {  	v2 =	vmul.f32 v4, v5  }
0xbf: {  	s9 =	simm.s32 $0x178  }
0xc0: {  	[tilespmem:v6+s17+$0x0] =	vst.idx.msk $0xffff, v2;
	v2 =	vmov s9  }
0xc1: {  	v2 =	vmul.u32 $0x28, v2  }
0xc2: {  	v6 =	vld.idx.msk [tilespmem:v3+s17+$0x0], $0xffff  }
0xc3: {  	v4 =	vbroadcast v2, $0x0;
	_ =	sdelay $0x1  }
0xc4: {  	v2 =	vadd.s32 v0, v4;
	_ =	sdelay $0x1  }
0xc5: {  	s9 =	simm.s32 $0x179;
	v5 =	vmul.f32 v6, v5  }
.LBB2_9:
0xc6: {  	p0 =	sne.s32 s9, $0x1F3  }
0xc7: {  	s8 =	sadd.s32 $0x10, s8;
	s11 =	smov.u32 s9;
	s9 =	sadd.s32 $0x1, s9;
	[tilespmem:v3+s17+$0x0] =	vst.idx.msk $0xffff, v5  }
0xc8: {  	v5 =	vld.idx.msk [tilespmem:v2+s17+$0x0], $0xffff  }
0xc9: {  	v6 =	vld [tilespmem:s8+$0x0];
	_ =	sdelay $0x2  }
0xca: {  	v3 =	vadd.s32 v1, v4;
	_ =	sdelay $0x1  }
0xcb: {  	v4 =	vmul.f32 v5, v6;
	_ =	sdelay $0x1  }
0xcc: {  	v5 =	vmov s11;
	[tilespmem:v2+s17+$0x0] =	vst.idx.msk $0xffff, v4  }
0xcd: {  	v2 =	vmul.u32 $0x28, v5;
	v5 =	vld.idx.msk [tilespmem:v3+s17+$0x0], $0xffff;
	_ =	sdelay $0x1  }
.Ltmp3:
0xce: {  	v4 =	vbroadcast v2, $0x0;
	(pc) =	sbr.rel @p0 .LBB2_9-.Ltmp3, $3  }
0xcf: {  	_ = 	snop  }
0xd0: {  	v2 =	vadd.s32 v0, v4;
	_ =	sdelay $0x1  }
0xd1: {  	v5 =	vmul.f32 v5, v6  }
0xd2: {  	_ =	sdelay $0x3  }
0xd3: {  	[tilespmem:v3+s17+$0x0] =	vst.idx.msk $0xffff, v5  }
0xd4: {  	s8 =	sadd.s32 $0x10, s8;
	v3 =	vld.idx.msk [tilespmem:v2+s17+$0x0], $0xffff  }
0xd5: {  	v5 =	vld [tilespmem:s8+$0x0];
	_ =	sdelay $0x2  }
0xd6: {  	v4 =	vadd.s32 v1, v4;
	_ =	sdelay $0x1  }
0xd7: {  	s11 =	simm.s32 $0x1F4;
	v3 =	vmul.f32 v3, v5  }
0xd8: {  	v6 =	vmov s11  }
0xd9: {  	[tilespmem:v2+s17+$0x0] =	vst.idx.msk $0xffff, v3;
	v2 =	vmul.u32 $0x28, v6  }
0xda: {  	v3 =	vld.idx.msk [tilespmem:v4+s17+$0x0], $0xffff  }
0xdb: {  	v2 =	vbroadcast v2, $0x0;
	_ =	sdelay $0x1  }
0xdc: {  	v6 =	vadd.s32 v0, v2;
	_ =	sdelay $0x1  }
0xdd: {  	v3 =	vmul.f32 v3, v5;
	_ =	sdelay $0x1  }
0xde: {  	[tilespmem:v4+s17+$0x0] =	vst.idx.msk $0xffff, v3  }
0xdf: {  	s8 =	simm.s32 $0x6F40;
	v4 =	vld.idx.msk [tilespmem:v6+s17+$0x0], $0xffff  }
0xe0: {  	v5 =	vld [tilespmem:s8+$0x0];
	_ =	sdelay $0x3  }
0xe1: {  	v3 =	vadd.s32 v1, v2  }
0xe2: {  	v2 =	vmul.f32 v4, v5  }
0xe3: {  	s9 =	simm.s32 $0x1F5  }
0xe4: {  	[tilespmem:v6+s17+$0x0] =	vst.idx.msk $0xffff, v2;
	v2 =	vmov s9  }
0xe5: {  	v2 =	vmul.u32 $0x28, v2  }
0xe6: {  	v6 =	vld.idx.msk [tilespmem:v3+s17+$0x0], $0xffff  }
0xe7: {  	v4 =	vbroadcast v2, $0x0;
	_ =	sdelay $0x1  }
0xe8: {  	v2 =	vadd.s32 v0, v4;
	_ =	sdelay $0x1  }
0xe9: {  	s9 =	simm.s32 $0x1F6;
	v5 =	vmul.f32 v6, v5  }
.LBB2_11:
0xea: {  	p0 =	sne.s32 s9, $0x270  }
0xeb: {  	s8 =	sadd.s32 $0x10, s8;
	s11 =	smov.u32 s9;
	s9 =	sadd.s32 $0x1, s9;
	[tilespmem:v3+s17+$0x0] =	vst.idx.msk $0xffff, v5  }
0xec: {  	v5 =	vld.idx.msk [tilespmem:v2+s17+$0x0], $0xffff  }
0xed: {  	v6 =	vld [tilespmem:s8+$0x0];
	_ =	sdelay $0x2  }
0xee: {  	v3 =	vadd.s32 v1, v4;
	_ =	sdelay $0x1  }
0xef: {  	v4 =	vmul.f32 v5, v6;
	_ =	sdelay $0x1  }
0xf0: {  	v5 =	vmov s11;
	[tilespmem:v2+s17+$0x0] =	vst.idx.msk $0xffff, v4  }
0xf1: {  	v2 =	vmul.u32 $0x28, v5;
	v5 =	vld.idx.msk [tilespmem:v3+s17+$0x0], $0xffff;
	_ =	sdelay $0x1  }
.Ltmp4:
0xf2: {  	v4 =	vbroadcast v2, $0x0;
	(pc) =	sbr.rel @p0 .LBB2_11-.Ltmp4, $3  }
0xf3: {  	_ = 	snop  }
0xf4: {  	v2 =	vadd.s32 v0, v4;
	_ =	sdelay $0x1  }
0xf5: {  	v5 =	vmul.f32 v5, v6  }
0xf6: {  	_ =	sdelay $0x3  }
0xf7: {  	[tilespmem:v3+s17+$0x0] =	vst.idx.msk $0xffff, v5  }
0xf8: {  	s8 =	sadd.s32 $0x10, s8;
	v3 =	vld.idx.msk [tilespmem:v2+s17+$0x0], $0xffff  }
0xf9: {  	v5 =	vld [tilespmem:s8+$0x0];
	_ =	sdelay $0x2  }
0xfa: {  	v4 =	vadd.s32 v1, v4;
	_ =	sdelay $0x1  }
0xfb: {  	s11 =	simm.s32 $0x271;
	v3 =	vmul.f32 v3, v5  }
0xfc: {  	v6 =	vmov s11  }
0xfd: {  	[tilespmem:v2+s17+$0x0] =	vst.idx.msk $0xffff, v3;
	v2 =	vmul.u32 $0x28, v6  }
0xfe: {  	v3 =	vld.idx.msk [tilespmem:v4+s17+$0x0], $0xffff  }
0xff: {  	v2 =	vbroadcast v2, $0x0;
	_ =	sdelay $0x1  }
0x100: {  	v6 =	vadd.s32 v0, v2;
	_ =	sdelay $0x1  }
0x101: {  	v3 =	vmul.f32 v3, v5;
	_ =	sdelay $0x1  }
0x102: {  	[tilespmem:v4+s17+$0x0] =	vst.idx.msk $0xffff, v3  }
0x103: {  	s8 =	simm.s32 $0x7710;
	v4 =	vld.idx.msk [tilespmem:v6+s17+$0x0], $0xffff  }
0x104: {  	v5 =	vld [tilespmem:s8+$0x0];
	_ =	sdelay $0x3  }
0x105: {  	v3 =	vadd.s32 v1, v2  }
0x106: {  	v2 =	vmul.f32 v4, v5  }
0x107: {  	s9 =	simm.s32 $0x272  }
0x108: {  	[tilespmem:v6+s17+$0x0] =	vst.idx.msk $0xffff, v2;
	v2 =	vmov s9  }
0x109: {  	v2 =	vmul.u32 $0x28, v2  }
0x10a: {  	v6 =	vld.idx.msk [tilespmem:v3+s17+$0x0], $0xffff  }
0x10b: {  	v4 =	vbroadcast v2, $0x0;
	_ =	sdelay $0x1  }
0x10c: {  	v2 =	vadd.s32 v0, v4;
	_ =	sdelay $0x1  }
0x10d: {  	s9 =	simm.s32 $0x273;
	v5 =	vmul.f32 v6, v5  }
.LBB2_13:
0x10e: {  	p0 =	sne.s32 s9, $0x2ED  }
0x10f: {  	s8 =	sadd.s32 $0x10, s8;
	s11 =	smov.u32 s9;
	s9 =	sadd.s32 $0x1, s9;
	[tilespmem:v3+s17+$0x0] =	vst.idx.msk $0xffff, v5  }
0x110: {  	v5 =	vld.idx.msk [tilespmem:v2+s17+$0x0], $0xffff  }
0x111: {  	v6 =	vld [tilespmem:s8+$0x0];
	_ =	sdelay $0x2  }
0x112: {  	v3 =	vadd.s32 v1, v4;
	_ =	sdelay $0x1  }
0x113: {  	v4 =	vmul.f32 v5, v6;
	_ =	sdelay $0x1  }
0x114: {  	v5 =	vmov s11;
	[tilespmem:v2+s17+$0x0] =	vst.idx.msk $0xffff, v4  }
0x115: {  	v2 =	vmul.u32 $0x28, v5;
	v5 =	vld.idx.msk [tilespmem:v3+s17+$0x0], $0xffff;
	_ =	sdelay $0x1  }
.Ltmp5:
0x116: {  	v4 =	vbroadcast v2, $0x0;
	(pc) =	sbr.rel @p0 .LBB2_13-.Ltmp5, $3  }
0x117: {  	_ = 	snop  }
0x118: {  	v2 =	vadd.s32 v0, v4;
	_ =	sdelay $0x1  }
0x119: {  	v5 =	vmul.f32 v5, v6  }
0x11a: {  	_ =	sdelay $0x3  }
0x11b: {  	[tilespmem:v3+s17+$0x0] =	vst.idx.msk $0xffff, v5  }
0x11c: {  	s8 =	sadd.s32 $0x10, s8;
	v3 =	vld.idx.msk [tilespmem:v2+s17+$0x0], $0xffff  }
0x11d: {  	v5 =	vld [tilespmem:s8+$0x0];
	_ =	sdelay $0x2  }
0x11e: {  	v4 =	vadd.s32 v1, v4;
	_ =	sdelay $0x1  }
0x11f: {  	s11 =	simm.s32 $0x2EE;
	v3 =	vmul.f32 v3, v5  }
0x120: {  	v6 =	vmov s11  }
0x121: {  	[tilespmem:v2+s17+$0x0] =	vst.idx.msk $0xffff, v3;
	v2 =	vmul.u32 $0x28, v6  }
0x122: {  	v3 =	vld.idx.msk [tilespmem:v4+s17+$0x0], $0xffff  }
0x123: {  	v2 =	vbroadcast v2, $0x0;
	_ =	sdelay $0x1  }
0x124: {  	v6 =	vadd.s32 v0, v2;
	_ =	sdelay $0x1  }
0x125: {  	v3 =	vmul.f32 v3, v5;
	_ =	sdelay $0x1  }
0x126: {  	[tilespmem:v4+s17+$0x0] =	vst.idx.msk $0xffff, v3  }
0x127: {  	s8 =	simm.s32 $0x7EE0;
	v4 =	vld.idx.msk [tilespmem:v6+s17+$0x0], $0xffff  }
0x128: {  	v5 =	vld [tilespmem:s8+$0x0];
	_ =	sdelay $0x3  }
0x129: {  	v3 =	vadd.s32 v1, v2  }
0x12a: {  	v2 =	vmul.f32 v4, v5  }
0x12b: {  	s9 =	simm.s32 $0x2EF  }
0x12c: {  	[tilespmem:v6+s17+$0x0] =	vst.idx.msk $0xffff, v2;
	v2 =	vmov s9  }
0x12d: {  	v2 =	vmul.u32 $0x28, v2  }
0x12e: {  	v6 =	vld.idx.msk [tilespmem:v3+s17+$0x0], $0xffff  }
0x12f: {  	v4 =	vbroadcast v2, $0x0;
	_ =	sdelay $0x1  }
0x130: {  	v2 =	vadd.s32 v0, v4;
	_ =	sdelay $0x1  }
0x131: {  	s9 =	simm.s32 $0x2F0;
	v5 =	vmul.f32 v6, v5  }
.LBB2_15:
0x132: {  	p0 =	sne.s32 s9, $0x36A  }
0x133: {  	s8 =	sadd.s32 $0x10, s8;
	s11 =	smov.u32 s9;
	s9 =	sadd.s32 $0x1, s9;
	[tilespmem:v3+s17+$0x0] =	vst.idx.msk $0xffff, v5  }
0x134: {  	v5 =	vld.idx.msk [tilespmem:v2+s17+$0x0], $0xffff  }
0x135: {  	v6 =	vld [tilespmem:s8+$0x0];
	_ =	sdelay $0x2  }
0x136: {  	v3 =	vadd.s32 v1, v4;
	_ =	sdelay $0x1  }
0x137: {  	v4 =	vmul.f32 v5, v6;
	_ =	sdelay $0x1  }
0x138: {  	v5 =	vmov s11;
	[tilespmem:v2+s17+$0x0] =	vst.idx.msk $0xffff, v4  }
0x139: {  	v2 =	vmul.u32 $0x28, v5;
	v5 =	vld.idx.msk [tilespmem:v3+s17+$0x0], $0xffff;
	_ =	sdelay $0x1  }
.Ltmp6:
0x13a: {  	v4 =	vbroadcast v2, $0x0;
	(pc) =	sbr.rel @p0 .LBB2_15-.Ltmp6, $3  }
0x13b: {  	_ = 	snop  }
0x13c: {  	v2 =	vadd.s32 v0, v4;
	_ =	sdelay $0x1  }
0x13d: {  	v5 =	vmul.f32 v5, v6  }
0x13e: {  	_ =	sdelay $0x3  }
0x13f: {  	[tilespmem:v3+s17+$0x0] =	vst.idx.msk $0xffff, v5  }
0x140: {  	s8 =	sadd.s32 $0x10, s8;
	v3 =	vld.idx.msk [tilespmem:v2+s17+$0x0], $0xffff  }
0x141: {  	v5 =	vld [tilespmem:s8+$0x0];
	_ =	sdelay $0x2  }
0x142: {  	v4 =	vadd.s32 v1, v4;
	_ =	sdelay $0x1  }
0x143: {  	s11 =	simm.s32 $0x36B;
	v3 =	vmul.f32 v3, v5  }
0x144: {  	v6 =	vmov s11  }
0x145: {  	[tilespmem:v2+s17+$0x0] =	vst.idx.msk $0xffff, v3;
	v2 =	vmul.u32 $0x28, v6  }
0x146: {  	v3 =	vld.idx.msk [tilespmem:v4+s17+$0x0], $0xffff  }
0x147: {  	v2 =	vbroadcast v2, $0x0;
	_ =	sdelay $0x1  }
0x148: {  	v6 =	vadd.s32 v0, v2;
	_ =	sdelay $0x1  }
0x149: {  	v3 =	vmul.f32 v3, v5;
	_ =	sdelay $0x1  }
0x14a: {  	[tilespmem:v4+s17+$0x0] =	vst.idx.msk $0xffff, v3  }
0x14b: {  	s8 =	simm.s32 $0x86B0;
	v3 =	vld.idx.msk [tilespmem:v6+s17+$0x0], $0xffff  }
0x14c: {  	v5 =	vld [tilespmem:s8+$0x0];
	_ =	sdelay $0x3  }
0x14d: {  	v2 =	vadd.s32 v1, v2  }
0x14e: {  	v3 =	vmul.f32 v3, v5  }
0x14f: {  	s9 =	simm.s32 $0x36C  }
0x150: {  	[tilespmem:v6+s17+$0x0] =	vst.idx.msk $0xffff, v3;
	v3 =	vmov s9  }
0x151: {  	v3 =	vmul.u32 $0x28, v3  }
0x152: {  	v6 =	vld.idx.msk [tilespmem:v2+s17+$0x0], $0xffff  }
0x153: {  	v4 =	vbroadcast v3, $0x0;
	_ =	sdelay $0x1  }
0x154: {  	v3 =	vadd.s32 v0, v4;
	_ =	sdelay $0x1  }
0x155: {  	s9 =	simm.s32 $0x36D;
	v5 =	vmul.f32 v6, v5  }
.LBB2_17:
0x156: {  	p0 =	sne.s32 s9, $0x3E7  }
0x157: {  	s8 =	sadd.s32 $0x10, s8;
	s11 =	smov.u32 s9;
	s9 =	sadd.s32 $0x1, s9;
	[tilespmem:v2+s17+$0x0] =	vst.idx.msk $0xffff, v5  }
0x158: {  	v5 =	vld.idx.msk [tilespmem:v3+s17+$0x0], $0xffff  }
0x159: {  	v6 =	vld [tilespmem:s8+$0x0];
	_ =	sdelay $0x2  }
0x15a: {  	v2 =	vadd.s32 v1, v4;
	_ =	sdelay $0x1  }
0x15b: {  	v4 =	vmul.f32 v5, v6;
	_ =	sdelay $0x1  }
0x15c: {  	v5 =	vmov s11;
	[tilespmem:v3+s17+$0x0] =	vst.idx.msk $0xffff, v4  }
0x15d: {  	v3 =	vmul.u32 $0x28, v5;
	v5 =	vld.idx.msk [tilespmem:v2+s17+$0x0], $0xffff;
	_ =	sdelay $0x1  }
.Ltmp7:
0x15e: {  	v4 =	vbroadcast v3, $0x0;
	(pc) =	sbr.rel @p0 .LBB2_17-.Ltmp7, $3  }
0x15f: {  	_ = 	snop  }
0x160: {  	v3 =	vadd.s32 v0, v4;
	_ =	sdelay $0x1  }
0x161: {  	v5 =	vmul.f32 v5, v6  }
0x162: {  	_ =	sdelay $0x3  }
0x163: {  	[tilespmem:v2+s17+$0x0] =	vst.idx.msk $0xffff, v5  }
0x164: {  	s8 =	sadd.s32 $0x10, s8;
	v2 =	vld.idx.msk [tilespmem:v3+s17+$0x0], $0xffff  }
0x165: {  	v5 =	vld [tilespmem:s8+$0x0];
	_ =	sdelay $0x2  }
0x166: {  	v4 =	vadd.s32 v1, v4;
	_ =	sdelay $0x1  }
0x167: {  	v2 =	vmul.f32 v2, v5;
	_ =	sdelay $0x1  }
0x168: {  	[tilespmem:v3+s17+$0x0] =	vst.idx.msk $0xffff, v2  }
0x169: {  	v2 =	vld.idx.msk [tilespmem:v4+s17+$0x0], $0xffff;
	_ =	sdelay $0x4  }
0x16a: {  	v2 =	vmul.f32 v2, v5;
	_ =	sdelay $0x1  }
0x16b: {  	s6 =	sadd.s32 $0x2800, s6;
	[tilespmem:v4+s17+$0x0] =	vst.idx.msk $0xffff, v2  }
0x16c: {  	[spmem:s2] =	stream.indirect.scatter.add.f32 [tilespmem:s17], [sflag:$0x2], $0x28, s6, s16, $0xb8;
	[tilespmem:$0x18C68] =	vst v63  }
0x16d: {  	_ =	swait.ge [sflag:s14], $0x1388  }
0x16e: {  	[sflag:s14] =	ssyncset.done $0x0  }
0x16f: {  	s3 =	sadd.s32 $0x2800, s3;
	[sflag:s14] =	ssyncadd.s32 $0xFFFFEC78  }
0x170: {  	[spmem:s2] =	stream.indirect.scatter.add.f32 [tilespmem:s18], [sflag:$0x2], $0x28, s3, s16, $0xb8;
	[tilespmem:$0x18C68] =	vst v63  }
0x171: {  	_ =	swait.ge [sflag:s14], $0x1388  }
0x172: {  	[sflag:s14] =	ssyncset.done $0x0  }
0x173: {  	s9 =	sadd.s32 $0x2800, s15;
	[sflag:s14] =	ssyncadd.s32 $0xFFFFEC78  }
0x174: {  	[spmem:s2] =	stream.indirect.scatter.add.f32 [tilespmem:s19], [sflag:$0x2], $0x28, s9, s16, $0xb8;
	[tilespmem:$0x18C68] =	vst v63  }
0x175: {  	_ =	swait.ge [sflag:s14], $0x1388  }
0x176: {  	[sflag:s14] =	ssyncset.done $0x0  }
0x177: {  	s0 =	sadd.s32 $0x2800, s0;
	[sflag:s14] =	ssyncadd.s32 $0xFFFFEC78  }
0x178: {  	[spmem:s2] =	stream.indirect.scatter.add.f32 [tilespmem:s20], [sflag:$0x2], $0x28, s0, s16, $0xb8;
	[tilespmem:$0x18C68] =	vst v63  }
0x179: {  	_ =	swait.ge [sflag:s14], $0x1388  }
0x17a: {  	[sflag:s14] =	ssyncset.done $0x0  }
0x17b: {  	s11 =	sadd.s32 $0x2800, s1;
	[sflag:s14] =	ssyncadd.s32 $0xFFFFEC78  }
0x17c: {  	[spmem:s2] =	stream.indirect.scatter.add.f32 [tilespmem:s21], [sflag:$0x2], $0x28, s11, s16, $0xb8;
	[tilespmem:$0x18C68] =	vst v63  }
0x17d: {  	_ =	swait.ge [sflag:s14], $0x1388  }
0x17e: {  	[sflag:s14] =	ssyncset.done $0x0  }
0x17f: {  	s15 =	sadd.s32 $0x2800, s31;
	[sflag:s14] =	ssyncadd.s32 $0xFFFFEC78  }
0x180: {  	[spmem:s2] =	stream.indirect.scatter.add.f32 [tilespmem:s22], [sflag:$0x2], $0x28, s15, s16, $0xb8;
	[tilespmem:$0x18C68] =	vst v63  }
0x181: {  	_ =	swait.ge [sflag:s14], $0x1388  }
0x182: {  	[sflag:s14] =	ssyncset.done $0x0  }
0x183: {  	s30 =	sadd.s32 $0x2800, s30;
	[sflag:s14] =	ssyncadd.s32 $0xFFFFEC78  }
0x184: {  	[spmem:s2] =	stream.indirect.scatter.add.f32 [tilespmem:s23], [sflag:$0x2], $0x28, s30, s16, $0xb8;
	[tilespmem:$0x18C68] =	vst v63  }
0x185: {  	s28 =	sadd.s32 $0x1, s28;
	_ =	swait.ge [sflag:s14], $0x1388  }
0x186: {  	p0 =	sne.s32 s28, $0xA;
	[sflag:s14] =	ssyncset.done $0x0  }
.Ltmp8:
0x187: {  	s31 =	sadd.s32 $0x2800, s29;
	[sflag:s14] =	ssyncadd.s32 $0xFFFFEC78;
	(pc) =	sbr.rel @p0 .LBB2_2-.Ltmp8, $4  }
0x188: {  	[spmem:s2] =	stream.indirect.scatter.add.f32 [tilespmem:s24], [sflag:$0x2], $0x28, s31, s16, $0xb8;
	[tilespmem:$0x18C68] =	vst v63  }
0x189: {  	_ =	swait.ge [sflag:s14], $0x1388  }
0x18a: {  	[sflag:s14] =	ssyncset.done $0x0  }
0x18b: {  	[sflag:s14] =	ssyncadd.s32 $0xFFFFEC78  }
0x18c: {  	s26 =	sadd.s32 $0x1, s26  }
0x18d: {  	[bflag:$0x0] =	sbarrier.arrive $0xFFFF;
	p0 =	sne.s32 s26, s12  }
.Ltmp9:
0x18e: {  	s0 =	rddreg [dreg:$0x6];
	(pc) =	sbr.rel @p0 .LBB2_1-.Ltmp9, $4  }
0x18f: {  	[hbm:s0], [sflag:s7] =	dma.local [spmem:s13], $0xC35  }
0x190: {  	_ =	swait.ge [sflag:s14], $0xC35  }
0x191: {  	[sflag:s14] =	ssyncset.done $0x0  }
0x192: {  	[sflag:s14] =	ssyncadd.s32 $0xFFFFF3CB  }
0x193: {  	_ =	sfence.sel $0x180000  }
0x194: {  	[bflag:$0x0] =	sbarrier.arrive $0xFFFF  }
0x195: {  	_ =	strace $0x9000004D  }
0x196: {  	s0 =	stileid.u32;
	[bflag:$0x2] =	sbarrier.arrive $0xFFFF  }
0x197: {  	p0 =	sne.s32 s0, $0x0;
	s0 =	rddreg [dreg:$0x2]  }
0x198: {  	s0 =	sadd.s32 @!p0 $0x100000, s0  }
0x199: {  	[sflag:s0] =	ssyncadd.tile.s32 @!p0 $0x1;
	_ =	shalt  }
.Lfunc_end2:
_tile_overlayer_lowered:
.L_overlay_start_2:
0x19a: {  	(tag) =	ssettag $0x2  }
0x19b: {  	s0 =	rddreg [dreg:$0x0];
	s2 =	stileid.u32  }
0x19c: {  	s1 =	rddreg [dreg:$0x1];
	p0 =	sne.s32 s2, $0x0  }
0x19d: {  	s3 =	rddreg [dreg:$0x2];
	[bflag:$0x3] =	sbarrier.arrive $0xFFFF;
	s2 =	simm.s32 @!p0 $0x1C02  }
0x19e: {  	[timem:s3], [sflag:s2] =	dma.local @!p0 [hbm:s0], s1  }
0x19f: {  	s0 =	simm.s32 @!p0 $0x2  }
0x1a0: {  	_ =	swait.ge @!p0 [sflag:s0], s1  }
0x1a1: {  	s1 =	ssub.s32 @!p0 $0x0, s1;
	[sflag:s0] =	ssyncset.done @!p0 $0x0  }
0x1a2: {  	[sflag:s0] =	ssyncadd.s32 @!p0 s1  }
0x1a3: {  	[bflag:$0x3] =	sbarrier.arrive $0xFFFF  }
0x1a4: {  	_ =	shalt  }

// kernel: kernel.8.cloned.1.call-start
scs
__scs_entry_jumppad:
0x0: {  	(pc) =	sbr.rel $0x88, $3  }
0x1: {  	(tag) =	ssettag $0x0;
	lr =	simm.s32 $0x1  }
0x2: {  	[smem:$0x3F91] =	sst lr;
	_ =	strace $0xD0000000  }
0x3: {  	_ = 	snop  }
0x4: {  	_ = 	snop  }
0x5: {  	_ = 	snop  }
0x6: {  	_ = 	snop  }
0x7: {  	_ = 	snop  }
__scs_overlays_trampoline_lowered:
0x8: {  	[smem:$0x3FA0] =	sst s0  }
0x9: {  	[smem:$0x3FA1] =	sst s1  }
0xa: {  	[smem:$0x3FA2] =	sst s2  }
0xb: {  	[smem:$0x3FA3] =	sst s3  }
0xc: {  	[smem:$0x3FA4] =	sst s4  }
0xd: {  	[smem:$0x3FA5] =	sst s5  }
0xe: {  	[smem:$0x3FA6] =	sst s6  }
0xf: {  	[smem:$0x3FA7] =	sst s7  }
0x10: {  	[smem:$0x3FA8] =	sst s8  }
0x11: {  	[smem:$0x3FA9] =	sst s9;
	s0 =	simm.s32 @!p0 $0x0  }
0x12: {  	s1 =	sld [smem:$0x3F8F];
	s0 =	simm.s32 @p0 $0x1  }
0x13: {  	[smem:$0x3FAA] =	sst s0;
	s0 =	simm.s32 @!p1 $0x0  }
0x14: {  	s2 =	sld [smem:$0x3F8E];
	s0 =	simm.s32 @p1 $0x1  }
0x15: {  	[smem:$0x3FAB] =	sst s0;
	s0 =	simm.s32 @!p2 $0x0  }
0x16: {  	s3 =	sld [smem:$0x3FDB];
	s0 =	simm.s32 @p2 $0x1  }
0x17: {  	s4 =	simm.s32 $0x1BF5;
	[smem:$0x3FAD] =	sst s0  }
0x18: {  	s0 =	sld [smem:$0x3F90];
	_ =	swait.ge [sflag:s4], $0x0  }
0x19: {  	s7 =	sld [smem:$0x3F91]  }
0x1a: {  	s8 =	sadd.s32 $0xFFFFE003, lr  }
0x1b: {  	s9 =	sadd.s32 $0xFFFFFEF7, lr;
	s5 =	simm.s32 $0xFFFFFFFF;
	p2 =	slt.u32 s8, $0xFFFFF086  }
0x1c: {  	p1 =	slt.u32 s9, $0xF7A;
	s5 =	simm.s32 @!p2 $0x0  }
0x1d: {  	s5 =	simm.s32 @p1 $0x1;
	p0 =	seq.s32 s7, s2  }
0x1e: {  	s7 =	smul.u32 @!p0 $0xF7A, s2;
	p2 =	seq.s32 @!p0 s5, $0x0  }
0x1f: {  	s9 =	smul.u32 $0xF7A, s1;
	s8 =	simm.s32 @!p0 $0x1BF5;
	p2 =	por !p2, p0  }
0x20: {  	[sflag:s8] =	ssyncset.s32 @!p0 $0xFFFFF086;
	s6 =	sadd.s32 @!p0 s3, s7;
	s7 =	simm.s32 @!p0 $0x108  }
0x21: {  	s3 =	sadd.s32 s3, s9;
	s6 =	sadd.s32 @!p0 $0x88, s6;
	s7 =	simm.s32 @p2 $0x1082  }
0x22: {  	[simem:s7], [sflag:s8] =	dma.local @!p0 [hbm:s6], $0xF7A  }
0x23: {  	s9 =	sor.u32 $0xD0000000, s2;
	s6 =	simm.s32 $0x108;
	_ =	swait.ge @!p0 [sflag:s8], $0x0  }
0x24: {  	s3 =	sadd.s32 $0x88, s3;
	s6 =	simm.s32 @!p1 $0x1082;
	[sflag:s4] =	ssyncset.s32 $0xFFFFF086  }
0x25: {  	[simem:s6], [sflag:s4] =	dma.local [hbm:s3], $0xF7A  }
0x26: {  	[smem:$0x3F91] =	sst s1;
	(tag) =	ssettag s2;
	_ =	strace s9  }
0x27: {  	s1 =	sld [smem:$0x3FA1]  }
0x28: {  	s2 =	sld [smem:$0x3FA2]  }
0x29: {  	s4 =	sld [smem:$0x3FA4]  }
0x2a: {  	p0 =	seq.s32 s5, $0x0;
	s5 =	sld [smem:$0x3FA5]  }
0x2b: {  	s6 =	sld [smem:$0x3FA6]  }
0x2c: {  	s7 =	sld [smem:$0x3FA7]  }
0x2d: {  	s3 =	simm.s32 $0x108;
	s8 =	sld [smem:$0x3FA8]  }
0x2e: {  	s3 =	simm.s32 @!p0 $0x1082;
	s9 =	sld [smem:$0x3FA9]  }
0x2f: {  	lr =	sadd.s32 s0, s3;
	s0 =	sld [smem:$0x3FA0]  }
0x30: {  	s3 =	sld [smem:$0x3FA3]  }
0x31: {  	[smem:$0x3FAC] =	sst s10  }
0x32: {  	s10 =	sld [smem:$0x3FAA];
	_ =	sdelay $0x3  }
0x33: {  	p0 =	seq.s32 s10, $0x1;
	s10 =	sld [smem:$0x3FAC];
	_ =	sdelay $0x3  }
0x34: {  	[smem:$0x3FAC] =	sst s10  }
0x35: {  	s10 =	sld [smem:$0x3FAB];
	_ =	sdelay $0x3  }
0x36: {  	p1 =	seq.s32 s10, $0x1;
	s10 =	sld [smem:$0x3FAC];
	_ =	sdelay $0x3  }
0x37: {  	[smem:$0x3FAC] =	sst s10  }
0x38: {  	s10 =	sld [smem:$0x3FAD]  }
0x39: {  	_ = 	snop;
	(pc) =	sbr.ind lr, $3  }
0x3a: {  	_ = 	snop  }
0x3b: {  	_ = 	snop  }
0x3c: {  	p2 =	seq.s32 s10, $0x1;
	s10 =	sld [smem:$0x3FAC]  }
0x3d: {  	_ =	shalt  }
0x3e: {  	_ =	shalt  }
0x3f: {  	_ =	shalt  }
0x40: {  	_ =	shalt  }
0x41: {  	_ =	shalt  }
0x42: {  	_ =	shalt  }
0x43: {  	_ =	shalt  }
0x44: {  	_ =	shalt  }
0x45: {  	_ =	shalt  }
0x46: {  	_ =	shalt  }
0x47: {  	_ =	shalt  }
0x48: {  	_ =	shalt  }
0x49: {  	_ =	shalt  }
0x4a: {  	_ =	shalt  }
0x4b: {  	_ =	shalt  }
0x4c: {  	_ =	shalt  }
0x4d: {  	_ =	shalt  }
0x4e: {  	_ =	shalt  }
0x4f: {  	_ =	shalt  }
0x50: {  	_ =	shalt  }
0x51: {  	_ =	shalt  }
0x52: {  	_ =	shalt  }
0x53: {  	_ =	shalt  }
0x54: {  	_ =	shalt  }
0x55: {  	_ =	shalt  }
0x56: {  	_ =	shalt  }
0x57: {  	_ =	shalt  }
0x58: {  	_ =	shalt  }
0x59: {  	_ =	shalt  }
0x5a: {  	_ =	shalt  }
0x5b: {  	_ =	shalt  }
0x5c: {  	_ =	shalt  }
0x5d: {  	_ =	shalt  }
0x5e: {  	_ =	shalt  }
0x5f: {  	_ =	shalt  }
0x60: {  	_ =	shalt  }
0x61: {  	_ =	shalt  }
0x62: {  	_ =	shalt  }
0x63: {  	_ =	shalt  }
0x64: {  	_ =	shalt  }
0x65: {  	_ =	shalt  }
0x66: {  	_ =	shalt  }
0x67: {  	_ =	shalt  }
0x68: {  	_ =	shalt  }
0x69: {  	_ =	shalt  }
0x6a: {  	_ =	shalt  }
0x6b: {  	_ =	shalt  }
0x6c: {  	_ =	shalt  }
0x6d: {  	_ =	shalt  }
0x6e: {  	_ =	shalt  }
0x6f: {  	_ =	shalt  }
0x70: {  	_ =	shalt  }
0x71: {  	_ =	shalt  }
0x72: {  	_ =	shalt  }
0x73: {  	_ =	shalt  }
0x74: {  	_ =	shalt  }
0x75: {  	_ =	shalt  }
0x76: {  	_ =	shalt  }
0x77: {  	_ =	shalt  }
0x78: {  	_ =	shalt  }
0x79: {  	_ =	shalt  }
0x7a: {  	_ =	shalt  }
0x7b: {  	_ =	shalt  }
0x7c: {  	_ =	shalt  }
0x7d: {  	_ =	shalt  }
0x7e: {  	_ =	shalt  }
0x7f: {  	_ =	shalt  }
0x80: {  	_ =	shalt  }
0x81: {  	_ =	shalt  }
0x82: {  	_ =	shalt  }
0x83: {  	_ =	shalt  }
0x84: {  	_ =	shalt  }
0x85: {  	_ =	shalt  }
0x86: {  	_ =	shalt  }
0x87: {  	_ =	shalt  }
.Lfunc_end0:
.L_simem_size_0:
called_computation_lowered:
.L_overlay_start_0:
0x88: {  	s2 =	sld [smem:$0x3FD9]  }
0x89: {  	s3 =	sld [smem:$0x3FFE];
	_ =	sdelay $0x1  }
0x8a: {  	s1 =	srdreg.scid  }
0x8b: {  	s0 =	sand.u32 $0x1, s1  }
0x8c: {  	s17 =	sshll.u32 s0, $0xA;
	s2 =	sadd.s32 s3, s2  }
0x8d: {  	s2 =	sadd.s32 s2, s17  }
0x8e: {  	[smem:$0x3FB8] =	sst s2  }
0x8f: {  	_ = 	snop  }
0x90: {  	s2 =	sld [smem:$0x3FC9];
	(tm) =	ssettm $0x1  }
0x91: {  	s18 =	sld [smem:$0x3FFB];
	_ =	sdelay $0x3  }
0x92: {  	_ =	strace s18  }
0x93: {  	s3 =	sld [smem:$0x3FFC];
	_ =	sdelay $0x3  }
0x94: {  	_ =	strace s3  }
0x95: {  	s3 =	sld [smem:$0x3FFD];
	_ =	sdelay $0x3  }
0x96: {  	_ =	strace s3  }
0x97: {  	_ =	strace $0x8FFFFFFF  }
0x98: {  	s19 =	sld [smem:$0x3FDB];
	_ =	sdelay $0x1  }
0x99: {  	s4 =	simm.s32 $_scs_section_size  }
0x9a: {  	s5 =	simm.s32 $_size__tile_overlayer_lowered;
	s6 =	simm.s32 $_tile_overlayer_lowered  }
0x9b: {  	s22 =	simm.s32 $0x1BFF;
	s21 =	sshll.u32 s6, $0x1;
	s3 =	sadd.s32 s4, s19  }
0x9c: {  	s7 =	simm.s32 $0x0;
	s20 =	sshll.u32 s5, $0x1;
	s5 =	sadd.s32 s21, s3  }
0x9d: {  	[timem:s7], [sflag:s22] =	dma.local [hbm:s5], s20  }
0x9e: {  	_ =	swait.ge [sflag:s22], s20  }
0x9f: {  	s4 =	ssub.s32 $0x0, s20;
	[sflag:s22] =	ssyncset.done $0x0  }
0xa0: {  	[sflag:s22] =	ssyncadd.s32 s4;
	_ =	sdelay $0x1  }
0xa1: {  	s23 =	simm.s32 $0x1B8B  }
0xa2: {  	_ =	swait.ge [sflag:s23], $0x1  }
0xa3: {  	[sflag:s23] =	ssyncset.done $0x0  }
0xa4: {  	s25 =	simm.s32 $0x1B8E;
	s24 =	sld [smem:$0x3FFE];
	[sflag:s23] =	ssyncadd.s32 $0xFFFFFFFF  }
0xa5: {  	s26 =	simm.s32 $execute0_lowered;
	[smem:$0x3FD2] =	sst s25  }
0xa6: {  	s5 =	sshll.u32 s26, $0x1;
	_ =	strace $0x80000046;
	[dreg:$0x1] =	wrdreg $0xFFFFFFFF  }
0xa7: {  	s28 =	simm.s32 $_size_execute0_lowered;
	s3 =	sadd.s32 s3, s5;
	[dreg:$0x0] =	wrdreg $0x0  }
0xa8: {  	s5 =	sshll.u32 s28, $0x1;
	[dreg:$0x2] =	wrdreg s3  }
0xa9: {  	[dreg:$0x3] =	wrdreg s5  }
0xaa: {  	[dreg:$0x4] =	wrdreg $0xC0  }
0xab: {  	_ =	task [dreg:s7], $0x5FFFF  }
0xac: {  	[dreg:$0x1] =	wrdreg $0xFFFFFFFF  }
0xad: {  	[dreg:$0x0] =	wrdreg $0x60  }
0xae: {  	[dreg:$0x2] =	wrdreg s2  }
0xaf: {  	[dreg:$0x3] =	wrdreg s24  }
0xb0: {  	[dreg:$0x4] =	wrdreg $0x8EA00  }
0xb1: {  	[dreg:$0x5] =	wrdreg $0x9  }
0xb2: {  	_ =	task.clear_ibuf [dreg:s7], $0x6FFFF;
	_ =	strace $0x90000046  }
0xb3: {  	s29 =	simm.s32 $0x9;
	_ =	strace $0x80000048  }
0xb4: {  	_ =	swait.ge [sflag:s29], $0x1  }
0xb5: {  	[sflag:s29] =	ssyncadd.s32 $0xFFFFFFFF  }
0xb6: {  	_ =	strace $0x90000048  }
0xb7: {  	_ =	sfence  }
0xb8: {  	s30 =	sld [smem:$0x0];
	_ =	sdelay $0x2  }
0xb9: {  	s31 =	sshll.u32 s1, $0xD;
	s1 =	sshrl.u32 s1, $0x2  }
0xba: {  	s3 =	sand.u32 $0x4000, s31;
	s1 =	sadd.s32 s1, s30  }
0xbb: {  	s0 =	sor.u32 s3, s0;
	s1 =	sshll.u32 s1, $0x11  }
0xbc: {  	s0 =	sor.u32 s1, s0  }
0xbd: {  	s0 =	sadd.s32 $0x8F2B, s0  }
0xbe: {  	[sflag:s0] =	ssyncadd.remote.s32 $0x1  }
0xbf: {  	_ =	sfence.sel $0xFFFF  }
0xc0: {  	[dreg:$0x0] =	wrdreg $0xFFFFFFFF;
	(pc) =	sbr.abs _section_cstart, $3  }
0xc1: {  	[dreg:$0x1] =	wrdreg $0xFFFFFFFF  }
0xc2: {  	_ =	task.clear_ibuf [dreg:s7], $0x2FFFF;
	_ =	strace $0x9FFFFFFF  }
0xc3: {  	(tm) =	ssettm $0x7FFFFFFF  }
tec
execute0_lowered:
.L_overlay_start_1:
0x0: {  	(tag) =	ssettag $0x1  }
0x1: {  	s1 =	rddreg [dreg:$0x0]  }
0x2: {  	s8 =	rddreg [dreg:$0x1]  }
0x3: {  	s3 =	rddreg [dreg:$0x2]  }
0x4: {  	s0 =	rddreg [dreg:$0x3];
	s4 =	simm.s32 $0x0;
	s2 =	stileid.u32  }
0x5: {  	s5 =	srdreg.scid;
	s16 =	simm.s32 $0x100;
	s17 =	simm.s32 $0x7D  }
0x6: {  	s18 =	simm.s32 $0x11A0;
	s19 =	simm.s32 $0x80;
	s20 =	simm.s32 $0x5020  }
0x7: {  	s21 =	simm.s32 $0x1;
	s22 =	simm.s32 $0x180;
	[smem:$0x7FF] =	sst s4  }
0x8: {  	s9 =	smul.u32 $0x13880, s2;
	s10 =	sand.u32 $0x1, s5;
	s5 =	sadd.s32 $0xBA00, s8  }
0x9: {  	s6 =	sadd.s32 $0x1A00, s8;
	s7 =	sadd.s32 $0x4F7A00, s8;
	s31 =	sshll.u32 s2, $0x6  }
0xa: {  	_ =	strace $0x80000047;
	s11 =	smul.u32 $0x138800, s10;
	s13 =	ssub.s32 $0x2, s10  }
0xb: {  	s28 =	sshll.u32 s10, $0x4;
	s12 =	sshrl.u32 s9, $0x3;
	s14 =	sshrl.u32 s13, $0x1  }
0xc: {  	s29 =	sor.u32 s2, s28;
	s30 =	sadd.s32 s9, s3;
	s11 =	sadd.s32 s9, s11  }
0xd: {  	v0 =	vlaneseq.u32;
	s12 =	sadd.s32 s12, s8;
	s13 =	ssub.s32 s13, s14;
	s9 =	sor.u32 $0x1C02, s31  }
0xe: {  	v1 =	vor.u32 $0x10, v0;
	s10 =	smul.u32 $0x2710, s29;
	s14 =	sshrl.u32 s30, $0x3;
	s11 =	sshrl.u32 s11, $0x3  }
0xf: {  	v2 =	vor.u32 $0x20, v0;
	v3 =	vor.u32 $0x30, v0;
	v4 =	vor.u32 $0x40, v0;
	s13 =	smax.u32 s13, $0x1;
	s15 =	sadd.s32 s11, s8;
	s8 =	sadd.s32 $0x15A00, s12  }
0x10: {  	v5 =	vor.u32 $0x50, v0;
	v6 =	vor.u32 $0x60, v0;
	v7 =	vor.u32 $0x70, v0;
	s11 =	smul.u32 $0x2800, s29;
	s12 =	sadd.s32 $0x3CC00, s15;
	s15 =	simm.s32 $0x2  }
.LBB2_1:
0x11: {  	[spmem:s14], [sflag:s9] =	dma.local [hbm:s8], $0x2710  }
0x12: {  	_ =	swait.ge [sflag:s15], $0x2710  }
0x13: {  	[sflag:s15] =	ssyncset.done $0x0  }
0x14: {  	[sflag:s15] =	ssyncadd.s32 $0xFFFFD8F0  }
0x15: {  	s23 =	simm.s32 $0x0;
	[bflag:$0x0] =	sbarrier.arrive $0xFFFF  }
.LBB2_2:
0x16: {  	s24 =	smul.u32 $0xFA, s23;
	_ =	sdelay $0x1  }
0x17: {  	s24 =	sadd.s32 s10, s24  }
0x18: {  	s26 =	simm.s32 $0x0;
	s24 =	sshll.u32 s24, $0x1  }
0x19: {  	s30 =	sshll.u32 s23, $0x8;
	s25 =	sadd.s32 s7, s24;
	s24 =	simm.s32 $0x200  }
0x1a: {  	[tilespmem:s24], [sflag:$0x2] =	stream.linear.gather [hbm4b:s25+s26], $0xFA0, $0x38;
	[tilespmem:$0x1C720] =	vst v63  }
0x1b: {  	s25 =	sadd.s32 s11, s30;
	_ =	swait.ge [sflag:s15], $0xFA0  }
0x1c: {  	s25 =	sshrl.u32 s25, $0x3;
	[sflag:s15] =	ssyncset.done $0x0  }
0x1d: {  	s28 =	sadd.s32 s5, s25;
	[sflag:s15] =	ssyncadd.s32 $0xFFFFF060  }
0x1e: {  	[tilespmem:s26], [sflag:$0x2] =	stream.linear.gather [hbm4b:s28+s26], $0x100, $0x38;
	[tilespmem:$0x1C720] =	vst v63  }
0x1f: {  	_ =	swait.ge [sflag:s15], $0x100  }
0x20: {  	[sflag:s15] =	ssyncset.done $0x0  }
0x21: {  	s25 =	sadd.s32 s6, s25;
	[sflag:s15] =	ssyncadd.s32 $0xFFFFFF00  }
0x22: {  	[tilespmem:s16], [sflag:$0x2] =	stream.linear.gather [hbm4b:s25+s26], $0x100, $0x38;
	[tilespmem:$0x1C720] =	vst v63  }
0x23: {  	_ =	swait.ge [sflag:s15], $0x100  }
0x24: {  	[sflag:s15] =	ssyncset.done $0x0  }
0x25: {  	[sflag:s15] =	ssyncadd.s32 $0xFFFFFF00  }
0x26: {  	[tilespmem:s18], [sflag:$0x1] =	stream.indirect.gather [hbm4b:s1+s17], $0x80, s26, s17, $0xb8;
	[tilespmem:$0x1C720] =	vst v63  }
0x27: {  	_ = 	snop  }
0x28: {  	[tilespmem:s20], [sflag:$0x1] =	stream.indirect.gather [hbm4b:s1+s17], $0x80, s19, s17, $0xb8;
	[tilespmem:$0x1C720] =	vst v63  }
0x29: {  	s31 =	simm.s32 $0x0;
	_ =	swait.ge [sflag:s21], $0x3E80  }
0x2a: {  	v8 =	vor.u32 s31, v0;
	[sflag:s21] =	ssyncset.done $0x0  }
0x2b: {  	[sflag:s21] =	ssyncadd.s32 $0xFFFFC180  }
0x2c: {  	_ =	swait.ge [sflag:s21], $0x3E80  }
0x2d: {  	[sflag:s21] =	ssyncset.done $0x0  }
0x2e: {  	[sflag:s21] =	ssyncadd.s32 $0xFFFFC180  }
0x2f: {  	v9 =	vld.idx.msk [tilespmem:v8+s18+$0x0], $0xffff  }
0x30: {  	v10 =	vld [tilespmem:s24+$0x0];
	_ =	sdelay $0x2  }
0x31: {  	v11 =	vor.u32 s31, v1;
	_ =	sdelay $0x1  }
0x32: {  	v9 =	vmul.f32 v9, v10;
	_ =	sdelay $0x1  }
0x33: {  	[tilespmem:v8+s18+$0x0] =	vst.idx.msk $0xffff, v9  }
0x34: {  	v8 =	vld.idx.msk [tilespmem:v11+s18+$0x0], $0xffff;
	_ =	sdelay $0x2  }
0x35: {  	v9 =	vor.u32 s31, v2;
	_ =	sdelay $0x1  }
0x36: {  	v8 =	vmul.f32 v8, v10;
	_ =	sdelay $0x1  }
0x37: {  	[tilespmem:v11+s18+$0x0] =	vst.idx.msk $0xffff, v8  }
0x38: {  	v8 =	vld.idx.msk [tilespmem:v9+s18+$0x0], $0xffff;
	_ =	sdelay $0x2  }
0x39: {  	v11 =	vor.u32 s31, v3;
	_ =	sdelay $0x1  }
0x3a: {  	v8 =	vmul.f32 v8, v10;
	_ =	sdelay $0x1  }
0x3b: {  	[tilespmem:v9+s18+$0x0] =	vst.idx.msk $0xffff, v8  }
0x3c: {  	v8 =	vld.idx.msk [tilespmem:v11+s18+$0x0], $0xffff;
	_ =	sdelay $0x2  }
0x3d: {  	v9 =	vor.u32 s31, v4;
	_ =	sdelay $0x1  }
0x3e: {  	v8 =	vmul.f32 v8, v10;
	_ =	sdelay $0x1  }
0x3f: {  	[tilespmem:v11+s18+$0x0] =	vst.idx.msk $0xffff, v8  }
0x40: {  	v8 =	vld.idx.msk [tilespmem:v9+s18+$0x0], $0xffff;
	_ =	sdelay $0x2  }
0x41: {  	v11 =	vor.u32 s31, v5;
	_ =	sdelay $0x1  }
0x42: {  	v8 =	vmul.f32 v8, v10;
	_ =	sdelay $0x1  }
0x43: {  	[tilespmem:v9+s18+$0x0] =	vst.idx.msk $0xffff, v8  }
0x44: {  	v8 =	vld.idx.msk [tilespmem:v11+s18+$0x0], $0xffff;
	_ =	sdelay $0x2  }
0x45: {  	v12 =	vor.u32 s31, v6;
	_ =	sdelay $0x1  }
0x46: {  	v8 =	vmul.f32 v8, v10;
	_ =	sdelay $0x1  }
0x47: {  	[tilespmem:v11+s18+$0x0] =	vst.idx.msk $0xffff, v8  }
0x48: {  	v8 =	vld.idx.msk [tilespmem:v12+s18+$0x0], $0xffff;
	_ =	sdelay $0x2  }
0x49: {  	v9 =	vor.u32 s31, v7;
	_ =	sdelay $0x1  }
0x4a: {  	v8 =	vmul.f32 v8, v10;
	_ =	sdelay $0x1  }
0x4b: {  	[tilespmem:v12+s18+$0x0] =	vst.idx.msk $0xffff, v8  }
0x4c: {  	v11 =	vld.idx.msk [tilespmem:v9+s18+$0x0], $0xffff;
	_ =	sdelay $0x1  }
0x4d: {  	s25 =	simm.s32 $0x80  }
0x4e: {  	v8 =	vor.u32 s25, v0;
	_ =	sdelay $0x1  }
0x4f: {  	s26 =	simm.s32 $0x2;
	v10 =	vmul.f32 v11, v10  }
.LBB2_3:
0x50: {  	p0 =	sne.s32 s26, $0x7C  }
0x51: {  	s24 =	sadd.s32 $0x10, s24;
	s28 =	smov.u32 s26;
	s26 =	sadd.s32 $0x1, s26;
	[tilespmem:v9+s18+$0x0] =	vst.idx.msk $0xffff, v10  }
0x52: {  	v9 =	vld.idx.msk [tilespmem:v8+s18+$0x0], $0xffff  }
0x53: {  	v10 =	vld [tilespmem:s24+$0x0];
	_ =	sdelay $0x2  }
0x54: {  	v11 =	vor.u32 s25, v1;
	_ =	sdelay $0x1  }
0x55: {  	v9 =	vmul.f32 v9, v10;
	_ =	sdelay $0x1  }
0x56: {  	[tilespmem:v8+s18+$0x0] =	vst.idx.msk $0xffff, v9  }
0x57: {  	v8 =	vld.idx.msk [tilespmem:v11+s18+$0x0], $0xffff;
	_ =	sdelay $0x3  }
0x58: {  	v9 =	vor.u32 s25, v2;
	_ =	sdelay $0x1  }
0x59: {  	v8 =	vmul.f32 v8, v10;
	_ =	sdelay $0x1  }
0x5a: {  	[tilespmem:v11+s18+$0x0] =	vst.idx.msk $0xffff, v8  }
0x5b: {  	v8 =	vld.idx.msk [tilespmem:v9+s18+$0x0], $0xffff;
	_ =	sdelay $0x3  }
0x5c: {  	v11 =	vor.u32 s25, v3;
	_ =	sdelay $0x1  }
0x5d: {  	v8 =	vmul.f32 v8, v10;
	_ =	sdelay $0x1  }
0x5e: {  	[tilespmem:v9+s18+$0x0] =	vst.idx.msk $0xffff, v8  }
0x5f: {  	v8 =	vld.idx.msk [tilespmem:v11+s18+$0x0], $0xffff;
	_ =	sdelay $0x3  }
0x60: {  	v9 =	vor.u32 s25, v4;
	_ =	sdelay $0x1  }
0x61: {  	v8 =	vmul.f32 v8, v10;
	_ =	sdelay $0x1  }
0x62: {  	[tilespmem:v11+s18+$0x0] =	vst.idx.msk $0xffff, v8  }
0x63: {  	v8 =	vld.idx.msk [tilespmem:v9+s18+$0x0], $0xffff;
	_ =	sdelay $0x3  }
0x64: {  	v11 =	vor.u32 s25, v5;
	_ =	sdelay $0x1  }
0x65: {  	v8 =	vmul.f32 v8, v10;
	_ =	sdelay $0x1  }
0x66: {  	[tilespmem:v9+s18+$0x0] =	vst.idx.msk $0xffff, v8  }
0x67: {  	v8 =	vld.idx.msk [tilespmem:v11+s18+$0x0], $0xffff;
	_ =	sdelay $0x3  }
0x68: {  	v12 =	vor.u32 s25, v6;
	_ =	sdelay $0x1  }
0x69: {  	v8 =	vmul.f32 v8, v10;
	_ =	sdelay $0x1  }
0x6a: {  	[tilespmem:v11+s18+$0x0] =	vst.idx.msk $0xffff, v8  }
0x6b: {  	v8 =	vld.idx.msk [tilespmem:v12+s18+$0x0], $0xffff;
	_ =	sdelay $0x3  }
0x6c: {  	v9 =	vor.u32 s25, v7;
	_ =	sdelay $0x1  }
0x6d: {  	v8 =	vmul.f32 v8, v10;
	_ =	sdelay $0x1  }
0x6e: {  	[tilespmem:v12+s18+$0x0] =	vst.idx.msk $0xffff, v8  }
0x6f: {  	v11 =	vld.idx.msk [tilespmem:v9+s18+$0x0], $0xffff;
	_ =	sdelay $0x1  }
.Ltmp0:
0x70: {  	(pc) =	sbr.rel @p0 .LBB2_3-.Ltmp0, $3  }
0x71: {  	s25 =	sshll.u32 s28, $0x7  }
0x72: {  	v8 =	vor.u32 s25, v0;
	_ =	sdelay $0x1  }
0x73: {  	v10 =	vmul.f32 v11, v10  }
0x74: {  	_ =	sdelay $0x3  }
0x75: {  	[tilespmem:v9+s18+$0x0] =	vst.idx.msk $0xffff, v10  }
0x76: {  	s24 =	sadd.s32 $0x10, s24;
	v9 =	vld.idx.msk [tilespmem:v8+s18+$0x0], $0xffff  }
0x77: {  	v10 =	vld [tilespmem:s24+$0x0];
	_ =	sdelay $0x2  }
0x78: {  	v11 =	vor.u32 s25, v1;
	_ =	sdelay $0x1  }
0x79: {  	v9 =	vmul.f32 v9, v10;
	_ =	sdelay $0x1  }
0x7a: {  	[tilespmem:v8+s18+$0x0] =	vst.idx.msk $0xffff, v9  }
0x7b: {  	v8 =	vld.idx.msk [tilespmem:v11+s18+$0x0], $0xffff;
	_ =	sdelay $0x2  }
0x7c: {  	v9 =	vor.u32 s25, v2;
	_ =	sdelay $0x1  }
0x7d: {  	v8 =	vmul.f32 v8, v10;
	_ =	sdelay $0x1  }
0x7e: {  	[tilespmem:v11+s18+$0x0] =	vst.idx.msk $0xffff, v8  }
0x7f: {  	v8 =	vld.idx.msk [tilespmem:v9+s18+$0x0], $0xffff;
	_ =	sdelay $0x2  }
0x80: {  	v11 =	vor.u32 s25, v3;
	_ =	sdelay $0x1  }
0x81: {  	v8 =	vmul.f32 v8, v10;
	_ =	sdelay $0x1  }
0x82: {  	[tilespmem:v9+s18+$0x0] =	vst.idx.msk $0xffff, v8  }
0x83: {  	v8 =	vld.idx.msk [tilespmem:v11+s18+$0x0], $0xffff;
	_ =	sdelay $0x2  }
0x84: {  	v9 =	vor.u32 s25, v4;
	_ =	sdelay $0x1  }
0x85: {  	v8 =	vmul.f32 v8, v10;
	_ =	sdelay $0x1  }
0x86: {  	[tilespmem:v11+s18+$0x0] =	vst.idx.msk $0xffff, v8  }
0x87: {  	v8 =	vld.idx.msk [tilespmem:v9+s18+$0x0], $0xffff;
	_ =	sdelay $0x2  }
0x88: {  	v11 =	vor.u32 s25, v5;
	_ =	sdelay $0x1  }
0x89: {  	v8 =	vmul.f32 v8, v10;
	_ =	sdelay $0x1  }
0x8a: {  	[tilespmem:v9+s18+$0x0] =	vst.idx.msk $0xffff, v8  }
0x8b: {  	v8 =	vld.idx.msk [tilespmem:v11+s18+$0x0], $0xffff;
	_ =	sdelay $0x2  }
0x8c: {  	v9 =	vor.u32 s25, v6;
	_ =	sdelay $0x1  }
0x8d: {  	v8 =	vmul.f32 v8, v10;
	_ =	sdelay $0x1  }
0x8e: {  	[tilespmem:v11+s18+$0x0] =	vst.idx.msk $0xffff, v8  }
0x8f: {  	v8 =	vld.idx.msk [tilespmem:v9+s18+$0x0], $0xffff;
	_ =	sdelay $0x2  }
0x90: {  	v11 =	vor.u32 s25, v7;
	_ =	sdelay $0x1  }
0x91: {  	v8 =	vmul.f32 v8, v10;
	_ =	sdelay $0x1  }
0x92: {  	[tilespmem:v9+s18+$0x0] =	vst.idx.msk $0xffff, v8  }
0x93: {  	v8 =	vld.idx.msk [tilespmem:v11+s18+$0x0], $0xffff;
	_ =	sdelay $0x1  }
0x94: {  	s31 =	simm.s32 $0x3E80  }
0x95: {  	v9 =	vor.u32 s31, v0;
	_ =	sdelay $0x1  }
0x96: {  	v8 =	vmul.f32 v8, v10;
	_ =	sdelay $0x1  }
0x97: {  	[tilespmem:v11+s18+$0x0] =	vst.idx.msk $0xffff, v8  }
0x98: {  	s24 =	simm.s32 $0x9D0;
	v8 =	vld.idx.msk [tilespmem:v9+s18+$0x0], $0xffff  }
0x99: {  	v10 =	vld [tilespmem:s24+$0x0];
	_ =	sdelay $0x2  }
0x9a: {  	v11 =	vor.u32 s31, v1;
	_ =	sdelay $0x1  }
0x9b: {  	v8 =	vmul.f32 v8, v10;
	_ =	sdelay $0x1  }
0x9c: {  	[tilespmem:v9+s18+$0x0] =	vst.idx.msk $0xffff, v8  }
0x9d: {  	v8 =	vld.idx.msk [tilespmem:v11+s18+$0x0], $0xffff;
	_ =	sdelay $0x2  }
0x9e: {  	v9 =	vor.u32 s31, v2;
	_ =	sdelay $0x1  }
0x9f: {  	v8 =	vmul.f32 v8, v10;
	_ =	sdelay $0x1  }
0xa0: {  	[tilespmem:v11+s18+$0x0] =	vst.idx.msk $0xffff, v8  }
0xa1: {  	v8 =	vld.idx.msk [tilespmem:v9+s18+$0x0], $0xffff;
	_ =	sdelay $0x2  }
0xa2: {  	v11 =	vor.u32 s31, v3;
	_ =	sdelay $0x1  }
0xa3: {  	v8 =	vmul.f32 v8, v10;
	_ =	sdelay $0x1  }
0xa4: {  	[tilespmem:v9+s18+$0x0] =	vst.idx.msk $0xffff, v8  }
0xa5: {  	v8 =	vld.idx.msk [tilespmem:v11+s18+$0x0], $0xffff;
	_ =	sdelay $0x2  }
0xa6: {  	v9 =	vor.u32 s31, v4;
	_ =	sdelay $0x1  }
0xa7: {  	v8 =	vmul.f32 v8, v10;
	_ =	sdelay $0x1  }
0xa8: {  	[tilespmem:v11+s18+$0x0] =	vst.idx.msk $0xffff, v8  }
0xa9: {  	v8 =	vld.idx.msk [tilespmem:v9+s18+$0x0], $0xffff;
	_ =	sdelay $0x2  }
0xaa: {  	v11 =	vor.u32 s31, v5;
	_ =	sdelay $0x1  }
0xab: {  	v8 =	vmul.f32 v8, v10;
	_ =	sdelay $0x1  }
0xac: {  	[tilespmem:v9+s18+$0x0] =	vst.idx.msk $0xffff, v8  }
0xad: {  	v8 =	vld.idx.msk [tilespmem:v11+s18+$0x0], $0xffff;
	_ =	sdelay $0x2  }
0xae: {  	v12 =	vor.u32 s31, v6;
	_ =	sdelay $0x1  }
0xaf: {  	v8 =	vmul.f32 v8, v10;
	_ =	sdelay $0x1  }
0xb0: {  	[tilespmem:v11+s18+$0x0] =	vst.idx.msk $0xffff, v8  }
0xb1: {  	v8 =	vld.idx.msk [tilespmem:v12+s18+$0x0], $0xffff;
	_ =	sdelay $0x2  }
0xb2: {  	v9 =	vor.u32 s31, v7;
	_ =	sdelay $0x1  }
0xb3: {  	v8 =	vmul.f32 v8, v10;
	_ =	sdelay $0x1  }
0xb4: {  	[tilespmem:v12+s18+$0x0] =	vst.idx.msk $0xffff, v8  }
0xb5: {  	v11 =	vld.idx.msk [tilespmem:v9+s18+$0x0], $0xffff;
	_ =	sdelay $0x1  }
0xb6: {  	s25 =	simm.s32 $0x3F00  }
0xb7: {  	v8 =	vor.u32 s25, v0;
	_ =	sdelay $0x1  }
0xb8: {  	s26 =	simm.s32 $0x7F;
	v10 =	vmul.f32 v11, v10  }
.LBB2_5:
0xb9: {  	p0 =	sne.s32 s26, $0xF9  }
0xba: {  	s24 =	sadd.s32 $0x10, s24;
	s28 =	smov.u32 s26;
	s26 =	sadd.s32 $0x1, s26;
	[tilespmem:v9+s18+$0x0] =	vst.idx.msk $0xffff, v10  }
0xbb: {  	v9 =	vld.idx.msk [tilespmem:v8+s18+$0x0], $0xffff  }
0xbc: {  	v10 =	vld [tilespmem:s24+$0x0];
	_ =	sdelay $0x2  }
0xbd: {  	v11 =	vor.u32 s25, v1;
	_ =	sdelay $0x1  }
0xbe: {  	v9 =	vmul.f32 v9, v10;
	_ =	sdelay $0x1  }
0xbf: {  	[tilespmem:v8+s18+$0x0] =	vst.idx.msk $0xffff, v9  }
0xc0: {  	v8 =	vld.idx.msk [tilespmem:v11+s18+$0x0], $0xffff;
	_ =	sdelay $0x3  }
0xc1: {  	v9 =	vor.u32 s25, v2;
	_ =	sdelay $0x1  }
0xc2: {  	v8 =	vmul.f32 v8, v10;
	_ =	sdelay $0x1  }
0xc3: {  	[tilespmem:v11+s18+$0x0] =	vst.idx.msk $0xffff, v8  }
0xc4: {  	v8 =	vld.idx.msk [tilespmem:v9+s18+$0x0], $0xffff;
	_ =	sdelay $0x3  }
0xc5: {  	v11 =	vor.u32 s25, v3;
	_ =	sdelay $0x1  }
0xc6: {  	v8 =	vmul.f32 v8, v10;
	_ =	sdelay $0x1  }
0xc7: {  	[tilespmem:v9+s18+$0x0] =	vst.idx.msk $0xffff, v8  }
0xc8: {  	v8 =	vld.idx.msk [tilespmem:v11+s18+$0x0], $0xffff;
	_ =	sdelay $0x3  }
0xc9: {  	v9 =	vor.u32 s25, v4;
	_ =	sdelay $0x1  }
0xca: {  	v8 =	vmul.f32 v8, v10;
	_ =	sdelay $0x1  }
0xcb: {  	[tilespmem:v11+s18+$0x0] =	vst.idx.msk $0xffff, v8  }
0xcc: {  	v8 =	vld.idx.msk [tilespmem:v9+s18+$0x0], $0xffff;
	_ =	sdelay $0x3  }
0xcd: {  	v11 =	vor.u32 s25, v5;
	_ =	sdelay $0x1  }
0xce: {  	v8 =	vmul.f32 v8, v10;
	_ =	sdelay $0x1  }
0xcf: {  	[tilespmem:v9+s18+$0x0] =	vst.idx.msk $0xffff, v8  }
0xd0: {  	v8 =	vld.idx.msk [tilespmem:v11+s18+$0x0], $0xffff;
	_ =	sdelay $0x3  }
0xd1: {  	v12 =	vor.u32 s25, v6;
	_ =	sdelay $0x1  }
0xd2: {  	v8 =	vmul.f32 v8, v10;
	_ =	sdelay $0x1  }
0xd3: {  	[tilespmem:v11+s18+$0x0] =	vst.idx.msk $0xffff, v8  }
0xd4: {  	v8 =	vld.idx.msk [tilespmem:v12+s18+$0x0], $0xffff;
	_ =	sdelay $0x3  }
0xd5: {  	v9 =	vor.u32 s25, v7;
	_ =	sdelay $0x1  }
0xd6: {  	v8 =	vmul.f32 v8, v10;
	_ =	sdelay $0x1  }
0xd7: {  	[tilespmem:v12+s18+$0x0] =	vst.idx.msk $0xffff, v8  }
0xd8: {  	v11 =	vld.idx.msk [tilespmem:v9+s18+$0x0], $0xffff;
	_ =	sdelay $0x1  }
.Ltmp1:
0xd9: {  	(pc) =	sbr.rel @p0 .LBB2_5-.Ltmp1, $3  }
0xda: {  	s25 =	sshll.u32 s28, $0x7  }
0xdb: {  	v8 =	vor.u32 s25, v0;
	_ =	sdelay $0x1  }
0xdc: {  	v10 =	vmul.f32 v11, v10  }
0xdd: {  	_ =	sdelay $0x3  }
0xde: {  	[tilespmem:v9+s18+$0x0] =	vst.idx.msk $0xffff, v10  }
0xdf: {  	s24 =	sadd.s32 $0x10, s24;
	v9 =	vld.idx.msk [tilespmem:v8+s18+$0x0], $0xffff  }
0xe0: {  	v10 =	vld [tilespmem:s24+$0x0];
	_ =	sdelay $0x2  }
0xe1: {  	v11 =	vor.u32 s25, v1;
	_ =	sdelay $0x1  }
0xe2: {  	v9 =	vmul.f32 v9, v10;
	_ =	sdelay $0x1  }
0xe3: {  	[tilespmem:v8+s18+$0x0] =	vst.idx.msk $0xffff, v9  }
0xe4: {  	v8 =	vld.idx.msk [tilespmem:v11+s18+$0x0], $0xffff;
	_ =	sdelay $0x2  }
0xe5: {  	v58 =	vor.u32 s25, v2;
	_ =	sdelay $0x1  }
0xe6: {  	v8 =	vmul.f32 v8, v10;
	_ =	sdelay $0x1  }
0xe7: {  	[tilespmem:v11+s18+$0x0] =	vst.idx.msk $0xffff, v8  }
0xe8: {  	v8 =	vld.idx.msk [tilespmem:v58+s18+$0x0], $0xffff;
	_ =	sdelay $0x2  }
0xe9: {  	v59 =	vor.u32 s25, v3;
	_ =	sdelay $0x1  }
0xea: {  	v8 =	vmul.f32 v8, v10;
	_ =	sdelay $0x1  }
0xeb: {  	[tilespmem:v58+s18+$0x0] =	vst.idx.msk $0xffff, v8  }
0xec: {  	v8 =	vld.idx.msk [tilespmem:v59+s18+$0x0], $0xffff;
	_ =	sdelay $0x2  }
0xed: {  	v60 =	vor.u32 s25, v4;
	_ =	sdelay $0x1  }
0xee: {  	v8 =	vmul.f32 v8, v10;
	_ =	sdelay $0x1  }
0xef: {  	[tilespmem:v59+s18+$0x0] =	vst.idx.msk $0xffff, v8  }
0xf0: {  	v8 =	vld.idx.msk [tilespmem:v60+s18+$0x0], $0xffff;
	_ =	sdelay $0x2  }
0xf1: {  	v61 =	vor.u32 s25, v5;
	_ =	sdelay $0x1  }
0xf2: {  	v8 =	vmul.f32 v8, v10;
	_ =	sdelay $0x1  }
0xf3: {  	[tilespmem:v60+s18+$0x0] =	vst.idx.msk $0xffff, v8  }
0xf4: {  	v8 =	vld.idx.msk [tilespmem:v61+s18+$0x0], $0xffff;
	_ =	sdelay $0x2  }
0xf5: {  	v62 =	vor.u32 s25, v6;
	_ =	sdelay $0x1  }
0xf6: {  	v8 =	vmul.f32 v8, v10;
	_ =	sdelay $0x1  }
0xf7: {  	[tilespmem:v61+s18+$0x0] =	vst.idx.msk $0xffff, v8  }
0xf8: {  	v8 =	vld.idx.msk [tilespmem:v62+s18+$0x0], $0xffff;
	_ =	sdelay $0x2  }
0xf9: {  	v63 =	vor.u32 s25, v7;
	_ =	sdelay $0x1  }
0xfa: {  	v8 =	vmul.f32 v8, v10;
	_ =	sdelay $0x1  }
0xfb: {  	[tilespmem:v62+s18+$0x0] =	vst.idx.msk $0xffff, v8  }
0xfc: {  	v8 =	vld.idx.msk [tilespmem:v63+s18+$0x0], $0xffff;
	_ =	sdelay $0x4  }
0xfd: {  	v8 =	vmul.f32 v8, v10;
	_ =	sdelay $0x1  }
0xfe: {  	[tilespmem:v63+s18+$0x0] =	vst.idx.msk $0xffff, v8  }
0xff: {  	[spmem:s3] =	stream.indirect.scatter.add.f32 [tilespmem:s18], [sflag:$0x2], $0x80, s16, s17, $0xb8;
	[tilespmem:$0x1C720] =	vst v63  }
0x100: {  	s23 =	sadd.s32 $0x1, s23;
	_ =	swait.ge [sflag:s15], $0x3E80  }
0x101: {  	p0 =	sne.s32 s23, $0x28;
	[sflag:s15] =	ssyncset.done $0x0  }
.Ltmp2:
0x102: {  	[sflag:s15] =	ssyncadd.s32 $0xFFFFC180;
	(pc) =	sbr.rel @p0 .LBB2_2-.Ltmp2, $4  }
0x103: {  	[spmem:s3] =	stream.indirect.scatter.add.f32 [tilespmem:s20], [sflag:$0x2], $0x80, s22, s17, $0xb8;
	[tilespmem:$0x1C720] =	vst v63  }
0x104: {  	_ =	swait.ge [sflag:s15], $0x3E80  }
0x105: {  	[sflag:s15] =	ssyncset.done $0x0  }
0x106: {  	[sflag:s15] =	ssyncadd.s32 $0xFFFFC180  }
0x107: {  	s4 =	sadd.s32 $0x1, s4  }
0x108: {  	p0 =	sne.s32 s4, s13  }
.Ltmp3:
0x109: {  	[bflag:$0x0] =	sbarrier.arrive $0xFFFF;
	(pc) =	sbr.rel @p0 .LBB2_1-.Ltmp3, $4  }
0x10a: {  	[hbm:s12], [sflag:s9] =	dma.local [spmem:s14], $0x2710  }
0x10b: {  	_ =	swait.ge [sflag:s15], $0x2710  }
0x10c: {  	[sflag:s15] =	ssyncset.done $0x0  }
0x10d: {  	[sflag:s15] =	ssyncadd.s32 $0xFFFFD8F0  }
0x10e: {  	_ =	sfence.sel $0x180000  }
0x10f: {  	[bflag:$0x0] =	sbarrier.arrive $0xFFFF  }
0x110: {  	p0 =	sne.s32 s2, $0x0;
	_ =	strace $0x90000047  }
0x111: {  	s0 =	sadd.s32 @!p0 $0x100000, s0;
	[bflag:$0x2] =	sbarrier.arrive $0xFFFF  }
0x112: {  	[sflag:s0] =	ssyncadd.tile.s32 @!p0 $0x1;
	_ =	shalt  }
.Lfunc_end2:
_tile_overlayer_lowered:
.L_overlay_start_2:
0x113: {  	(tag) =	ssettag $0x2  }
0x114: {  	s0 =	rddreg [dreg:$0x0];
	s2 =	stileid.u32  }
0x115: {  	s1 =	rddreg [dreg:$0x1];
	p0 =	sne.s32 s2, $0x0  }
0x116: {  	s3 =	rddreg [dreg:$0x2];
	[bflag:$0x3] =	sbarrier.arrive $0xFFFF;
	s2 =	simm.s32 @!p0 $0x1C02  }
0x117: {  	[timem:s3], [sflag:s2] =	dma.local @!p0 [hbm:s0], s1  }
0x118: {  	s0 =	simm.s32 @!p0 $0x2  }
0x119: {  	_ =	swait.ge @!p0 [sflag:s0], s1  }
0x11a: {  	s1 =	ssub.s32 @!p0 $0x0, s1;
	[sflag:s0] =	ssyncset.done @!p0 $0x0  }
0x11b: {  	[sflag:s0] =	ssyncadd.s32 @!p0 s1  }
0x11c: {  	[bflag:$0x3] =	sbarrier.arrive $0xFFFF  }
0x11d: {  	_ =	shalt  }

</sc_bundles>
